<compile_context>
chip_gen: v7x
topology: tpu7x:2x2x1
jax: 0.10.2.dev20260603
libtpu: 0.0.44.dev20260713+nightly
codegen_flags: <defaults>
</compile_context>

<pallas_src>
import functools

import jax
import jax.numpy as jnp
from jax import lax
from jax.experimental import pallas as pl
from jax.experimental.pallas import tpu as pltpu
from jax.experimental.pallas import tpu_sc as plsc

_NC = 2
_NS = 16
_NW = _NC * _NS
_LANES = 16
_BC = 128


def _project_body(emb_ref, w_ref, b_ref, out_ref):
    out_ref[...] = (
        lax.dot_general(
            emb_ref[...], w_ref[...], (((1,), (1,)), ((), ())),
            preferred_element_type=jnp.float32,
        )
        + b_ref[...]
    )


def _project_table(embedding, W, b):
    return pl.pallas_call(
        _project_body,
        out_shape=jax.ShapeDtypeStruct(embedding.shape, jnp.float32),
    )(embedding, W, b.reshape(1, -1))


def _make_gather(bsz, seq, d, table_words):
    cols_per_w = bsz // _NW
    n_chunks = cols_per_w // _BC
    assert bsz % (_NW * _BC) == 0
    n_lblocks = (seq + _LANES - 1) // _LANES
    last_l0 = seq - _LANES

    mesh = plsc.VectorSubcoreMesh(
        core_axis_name="c", subcore_axis_name="s",
        num_cores=_NC, num_subcores=_NS,
    )

    n_blocks = n_chunks * n_lblocks
    assert n_blocks % 2 == 0

    @functools.partial(
        pl.kernel,
        mesh=mesh,
        out_type=jax.ShapeDtypeStruct((seq, d, bsz), jnp.float32),
        scratch_types=[
            pltpu.VMEM((table_words,), jnp.float32),
            pltpu.VMEM((2, _LANES, _BC), jnp.int32),
            pltpu.VMEM((2, _LANES, d, _BC), jnp.float32),
            pltpu.SemaphoreType.DMA,
            pltpu.SemaphoreType.DMA,
            pltpu.SemaphoreType.DMA,
            pltpu.SemaphoreType.DMA,
        ],
        compiler_params=pltpu.CompilerParams(needs_layout_passes=False),
    )
    def gather_kernel(table_hbm, idxt_hbm, out_hbm, table_v, idx_v, blk_v,
                      isem0, isem1, osem0, osem1):
        wid = lax.axis_index("s") * _NC + lax.axis_index("c")
        wb = wid * cols_per_w
        pltpu.sync_copy(table_hbm, table_v)
        isems = (isem0, isem1)
        osems = (osem0, osem1)

        def block_coords(t):
            t = lax.min(t, n_blocks - 1)
            l0 = lax.min(lax.rem(t, n_lblocks) * _LANES, last_l0)
            bb = wb + lax.div(t, n_lblocks) * _BC
            return l0, bb

        def idx_copy(t, buf):
            l0, bb = block_coords(t)
            return pltpu.make_async_copy(
                idxt_hbm.at[pl.ds(l0, _LANES), pl.ds(bb, _BC)],
                idx_v.at[buf],
                isems[buf],
            )

        def out_copy(t, buf):
            l0, bb = block_coords(t)
            return pltpu.make_async_copy(
                blk_v.at[buf],
                out_hbm.at[pl.ds(l0, _LANES), :, pl.ds(bb, _BC)],
                osems[buf],
            )

        def compute(buf):
            @plsc.parallel_loop(0, _LANES * (_BC // _LANES), unroll=3)
            def lrow(it):
                l2 = lax.div(it, _BC // _LANES)
                bg = lax.rem(it, _BC // _LANES)
                iv = idx_v[buf, l2, pl.ds(bg * _LANES, _LANES)]
                a = iv * d
                for o in range(d):
                    vals = plsc.load_gather(table_v, [a + o])
                    blk_v[buf, l2, o, pl.ds(bg * _LANES, _LANES)] = vals

        idx_copy(0, 0).start()
        idx_copy(1, 1).start()
        for b in (0, 1):
            idx_copy(b, b).wait()
            compute(b)
            out_copy(b, b).start()
            idx_copy(b + 2, b).start()

        def step(j, carry):
            for b in (0, 1):
                t = 2 * j + b
                idx_copy(t, b).wait()
                out_copy(t, b).wait()
                compute(b)
                out_copy(t, b).start()
                idx_copy(t + 2, b).start()
            return carry

        lax.fori_loop(1, n_blocks // 2, step, 0)

        for b in (0, 1):
            idx_copy(n_blocks - 2 + b, b).wait()
            out_copy(n_blocks - 2 + b, b).wait()

    return gather_kernel


def kernel(indices, embedding, W, b):
    bsz, seq = indices.shape
    d = embedding.shape[1]
    table = _project_table(embedding, W, b)
    flat = table.reshape(-1)
    table_words = (flat.shape[0] + 127) // 128 * 128
    flat = jnp.pad(flat, (0, table_words - flat.shape[0]))
    idx_t = jnp.transpose(indices.astype(jnp.int32))
    out_t = _make_gather(bsz, seq, d, table_words)(flat, idx_t)
    return jnp.transpose(out_t, (2, 0, 1))

# --- scband reference (transcript-rebuilt; emitter-appended) ---
"""Pipeline reference for scband-simple-model-41927470743765 (READ-ONLY COPY).

The authoritative reference and input builder live on the scoring server;
editing this copy changes nothing except your own understanding.
"""

import jax, jax.numpy as jnp
import numpy as np


def setup_inputs(seed: int = 0) -> dict:
    key = jax.random.key(seed)
    k_idx, k_emb, k_w, k_b = jax.random.split(key, 4)
    indices = jax.random.randint(k_idx, (16384, 200), 0, 100, dtype=jnp.int64 if jax.config.jax_enable_x64 else jnp.int32)
    embedding = jax.random.normal(k_emb, (100, 16), dtype=jnp.float32)
    W = jax.random.normal(k_w, (16, 16), dtype=jnp.float32) * (1.0 / np.sqrt(16.0))
    b = jax.random.normal(k_b, (16,), dtype=jnp.float32) * 0.01
    return {"indices": indices, "embedding": embedding, "W": W, "b": b}


def reference(indices, embedding, W, b):
    # nn.Embedding lookup: gather rows of the table
    emb = jnp.take(embedding, indices, axis=0)  # [B, L, 16]
    # nn.Linear: x @ W^T + b
    out = jnp.einsum('bld,od->blo', emb, W) + b
    return out

if __name__ == "__main__":
    import jax
    _d = setup_inputs()
    print(jax.jit(kernel)(*tuple(_d.values())))

</pallas_src>

<mosaic_0001>
#map = affine_map<(d0, d1) -> (0)>
#map1 = affine_map<(d0, d1) -> (0, 0)>
#map2 = affine_map<(d0, d1) -> (0, 0, 0)>
module attributes {stable_mosaic.version = 14 : i64} {
  func.func @gather_kernel(%arg0: i32, %arg1: i32, %arg2: memref<1664xf32, #tpu.memory_space<hbm>>, %arg3: memref<200x16384xi32, #tpu.memory_space<hbm>>, %arg4: memref<200x16x16384xf32, #tpu.memory_space<hbm>>, %arg5: memref<1664xf32, #tpu.memory_space<vmem>>, %arg6: memref<2x16x128xi32, #tpu.memory_space<vmem>>, %arg7: memref<2x16x16x128xf32, #tpu.memory_space<vmem>>, %arg8: memref<!tpu.dma_semaphore, #tpu.memory_space<semaphore_mem>>, %arg9: memref<!tpu.dma_semaphore, #tpu.memory_space<semaphore_mem>>, %arg10: memref<!tpu.dma_semaphore, #tpu.memory_space<semaphore_mem>>, %arg11: memref<!tpu.dma_semaphore, #tpu.memory_space<semaphore_mem>>) attributes {dimension_semantics = [#tpu.dimension_semantics<core_parallel>, #tpu.dimension_semantics<subcore_parallel>], iteration_bounds = array<i64: 2, 16>, scalar_prefetch = 0 : i64, scratch_operands = 7 : i64, tpu.core_type = #tpu.core_type<sc_vector_subcore>, window_params = [{transform_indices = #map}, {transform_indices = #map1}, {transform_indices = #map2}]} {
    %mul3A = arith.constant 2 : i32
    %mul3A_0 = arith.muli %arg1, %mul3A : i32
    %add3A = arith.addi %mul3A_0, %arg0 : i32
    %mul3A_1 = arith.constant 512 : i32
    %mul3A_2 = arith.muli %add3A, %mul3A_1 : i32
    "tpu.region"() ({
      %run_scoped3A = tpu.sem_alloc : memref<!tpu.dma_semaphore, #tpu.memory_space<semaphore_mem>>
      tpu.enqueue_dma source(%arg2 : memref<1664xf32, #tpu.memory_space<hbm>>) target(%arg5 : memref<1664xf32, #tpu.memory_space<vmem>>) target_semaphore(%run_scoped3A : memref<!tpu.dma_semaphore, #tpu.memory_space<semaphore_mem>>)
      tpu.wait_dma2 semaphore(%run_scoped3A : memref<!tpu.dma_semaphore, #tpu.memory_space<semaphore_mem>>) src(%arg2 : memref<1664xf32, #tpu.memory_space<hbm>>) dst(%arg5 : memref<1664xf32, #tpu.memory_space<vmem>>)
      tpu.yield
    }) : () -> ()
    %min3A = arith.constant 0 : i32
    %min3A_3 = arith.constant 51 : i32
    %min3A_4 = arith.minsi %min3A, %min3A_3 : i32
    %rem3A = arith.constant 13 : i32
    %rem3A_5 = arith.remsi %min3A_4, %rem3A : i32
    %mul3A_6 = arith.constant 16 : i32
    %mul3A_7 = arith.muli %rem3A_5, %mul3A_6 : i32
    %min3A_8 = arith.constant 184 : i32
    %min3A_9 = arith.minsi %mul3A_7, %min3A_8 : i32
    %div3A = arith.constant 13 : i32
    %div3A_10 = arith.divsi %min3A_4, %div3A : i32
    %mul3A_11 = arith.constant 128 : i32
    %mul3A_12 = arith.muli %div3A_10, %mul3A_11 : i32
    %add3A_13 = arith.addi %mul3A_2, %mul3A_12 : i32
    %dma_start3A = arith.constant 0 : i32
    %dma_start3A_14 = arith.constant 0 : i32
    %dma_start3A_15 = arith.constant 0 : i32
    %dma_start3A_16 = tpu.memref_slice %arg6[%dma_start3A, %dma_start3A_14, %dma_start3A_15] : memref<2x16x128xi32, #tpu.memory_space<vmem>> -> memref<1x16x128xi32, #tpu.memory_space<vmem>>
    %dma_start3A_17 = tpu.memref_squeeze %dma_start3A_16 : memref<1x16x128xi32, #tpu.memory_space<vmem>> -> memref<16x128xi32, #tpu.memory_space<vmem>>
    %dma_start3A_18 = tpu.memref_slice %arg3[%min3A_9, %add3A_13] : memref<200x16384xi32, #tpu.memory_space<hbm>> -> memref<16x128xi32, #tpu.memory_space<hbm>>
    %dma_start3A_19 = arith.constant 0 : i32
    %dma_start3A_20 = arith.constant 0 : i32
    %dma_start3A_21 = tpu.memref_slice %arg6[%dma_start3A, %dma_start3A_19, %dma_start3A_20] : memref<2x16x128xi32, #tpu.memory_space<vmem>> -> memref<1x16x128xi32, #tpu.memory_space<vmem>>
    %dma_start3A_22 = tpu.memref_squeeze %dma_start3A_21 : memref<1x16x128xi32, #tpu.memory_space<vmem>> -> memref<16x128xi32, #tpu.memory_space<vmem>>
    %dma_start3A_23 = tpu.memref_slice %arg3[%min3A_9, %add3A_13] : memref<200x16384xi32, #tpu.memory_space<hbm>> -> memref<16x128xi32, #tpu.memory_space<hbm>>
    tpu.enqueue_dma source(%dma_start3A_23 : memref<16x128xi32, #tpu.memory_space<hbm>>) target(%dma_start3A_22 : memref<16x128xi32, #tpu.memory_space<vmem>>) target_semaphore(%arg8 : memref<!tpu.dma_semaphore, #tpu.memory_space<semaphore_mem>>)
    %min3A_24 = arith.constant 1 : i32
    %min3A_25 = arith.constant 51 : i32
    %min3A_26 = arith.minsi %min3A_24, %min3A_25 : i32
    %rem3A_27 = arith.constant 13 : i32
    %rem3A_28 = arith.remsi %min3A_26, %rem3A_27 : i32
    %mul3A_29 = arith.constant 16 : i32
    %mul3A_30 = arith.muli %rem3A_28, %mul3A_29 : i32
    %min3A_31 = arith.constant 184 : i32
    %min3A_32 = arith.minsi %mul3A_30, %min3A_31 : i32
    %div3A_33 = arith.constant 13 : i32
    %div3A_34 = arith.divsi %min3A_26, %div3A_33 : i32
    %mul3A_35 = arith.constant 128 : i32
    %mul3A_36 = arith.muli %div3A_34, %mul3A_35 : i32
    %add3A_37 = arith.addi %mul3A_2, %mul3A_36 : i32
    %dma_start3A_38 = arith.constant 1 : i32
    %dma_start3A_39 = arith.constant 0 : i32
    %dma_start3A_40 = arith.constant 0 : i32
    %dma_start3A_41 = tpu.memref_slice %arg6[%dma_start3A_38, %dma_start3A_39, %dma_start3A_40] : memref<2x16x128xi32, #tpu.memory_space<vmem>> -> memref<1x16x128xi32, #tpu.memory_space<vmem>>
    %dma_start3A_42 = tpu.memref_squeeze %dma_start3A_41 : memref<1x16x128xi32, #tpu.memory_space<vmem>> -> memref<16x128xi32, #tpu.memory_space<vmem>>
    %dma_start3A_43 = tpu.memref_slice %arg3[%min3A_32, %add3A_37] : memref<200x16384xi32, #tpu.memory_space<hbm>> -> memref<16x128xi32, #tpu.memory_space<hbm>>
    %dma_start3A_44 = arith.constant 0 : i32
    %dma_start3A_45 = arith.constant 0 : i32
    %dma_start3A_46 = tpu.memref_slice %arg6[%dma_start3A_38, %dma_start3A_44, %dma_start3A_45] : memref<2x16x128xi32, #tpu.memory_space<vmem>> -> memref<1x16x128xi32, #tpu.memory_space<vmem>>
    %dma_start3A_47 = tpu.memref_squeeze %dma_start3A_46 : memref<1x16x128xi32, #tpu.memory_space<vmem>> -> memref<16x128xi32, #tpu.memory_space<vmem>>
    %dma_start3A_48 = tpu.memref_slice %arg3[%min3A_32, %add3A_37] : memref<200x16384xi32, #tpu.memory_space<hbm>> -> memref<16x128xi32, #tpu.memory_space<hbm>>
    tpu.enqueue_dma source(%dma_start3A_48 : memref<16x128xi32, #tpu.memory_space<hbm>>) target(%dma_start3A_47 : memref<16x128xi32, #tpu.memory_space<vmem>>) target_semaphore(%arg9 : memref<!tpu.dma_semaphore, #tpu.memory_space<semaphore_mem>>)
    %min3A_49 = arith.constant 0 : i32
    %min3A_50 = arith.constant 51 : i32
    %min3A_51 = arith.minsi %min3A_49, %min3A_50 : i32
    %rem3A_52 = arith.constant 13 : i32
    %rem3A_53 = arith.remsi %min3A_51, %rem3A_52 : i32
    %mul3A_54 = arith.constant 16 : i32
    %mul3A_55 = arith.muli %rem3A_53, %mul3A_54 : i32
    %min3A_56 = arith.constant 184 : i32
    %min3A_57 = arith.minsi %mul3A_55, %min3A_56 : i32
    %div3A_58 = arith.constant 13 : i32
    %div3A_59 = arith.divsi %min3A_51, %div3A_58 : i32
    %mul3A_60 = arith.constant 128 : i32
    %mul3A_61 = arith.muli %div3A_59, %mul3A_60 : i32
    %add3A_62 = arith.addi %mul3A_2, %mul3A_61 : i32
    %dma_wait3A = arith.constant 0 : i32
    %dma_wait3A_63 = arith.constant 0 : i32
    %dma_wait3A_64 = arith.constant 0 : i32
    %dma_wait3A_65 = tpu.memref_slice %arg6[%dma_wait3A, %dma_wait3A_63, %dma_wait3A_64] : memref<2x16x128xi32, #tpu.memory_space<vmem>> -> memref<1x16x128xi32, #tpu.memory_space<vmem>>
    %dma_wait3A_66 = tpu.memref_squeeze %dma_wait3A_65 : memref<1x16x128xi32, #tpu.memory_space<vmem>> -> memref<16x128xi32, #tpu.memory_space<vmem>>
    %dma_wait3A_67 = tpu.memref_slice %arg3[%min3A_57, %add3A_62] : memref<200x16384xi32, #tpu.memory_space<hbm>> -> memref<16x128xi32, #tpu.memory_space<hbm>>
    %dma_wait3A_68 = arith.constant 0 : i32
    %dma_wait3A_69 = arith.constant 0 : i32
    %dma_wait3A_70 = tpu.memref_slice %arg6[%dma_wait3A, %dma_wait3A_68, %dma_wait3A_69] : memref<2x16x128xi32, #tpu.memory_space<vmem>> -> memref<1x16x128xi32, #tpu.memory_space<vmem>>
    %dma_wait3A_71 = tpu.memref_squeeze %dma_wait3A_70 : memref<1x16x128xi32, #tpu.memory_space<vmem>> -> memref<16x128xi32, #tpu.memory_space<vmem>>
    %dma_wait3A_72 = tpu.memref_slice %arg3[%min3A_57, %add3A_62] : memref<200x16384xi32, #tpu.memory_space<hbm>> -> memref<16x128xi32, #tpu.memory_space<hbm>>
    tpu.wait_dma2 semaphore(%arg8 : memref<!tpu.dma_semaphore, #tpu.memory_space<semaphore_mem>>) src(%dma_wait3A_72 : memref<16x128xi32, #tpu.memory_space<hbm>>) dst(%dma_wait3A_71 : memref<16x128xi32, #tpu.memory_space<vmem>>)
    %parallel_loop3A = arith.constant 0 : i32
    %parallel_loop3A_73 = arith.constant 128 : i32
    %parallel_loop3A_74 = arith.constant 1 : i32
    scf.for %parallel_loop3A_324 = %parallel_loop3A to %parallel_loop3A_73 step %parallel_loop3A_74  : i32 {
      %parallel_loop3A_325 = arith.constant 8 : i32
      %parallel_loop3A_326 = arith.divsi %parallel_loop3A_324, %parallel_loop3A_325 : i32
      %parallel_loop3A_327 = arith.constant 8 : i32
      %parallel_loop3A_328 = arith.remsi %parallel_loop3A_324, %parallel_loop3A_327 : i32
      %parallel_loop3A_329 = arith.constant 16 : i32
      %parallel_loop3A_330 = arith.muli %parallel_loop3A_328, %parallel_loop3A_329 : i32
      %parallel_loop3A_331 = arith.constant 0 : i32
      %parallel_loop3A_332 = arith.index_cast %parallel_loop3A_331 : i32 to index
      %parallel_loop3A_333 = arith.index_cast %parallel_loop3A_326 : i32 to index
      %parallel_loop3A_334 = arith.index_cast %parallel_loop3A_330 : i32 to index
      %parallel_loop3A_335 = tpu.vector_load %arg6[%parallel_loop3A_332, %parallel_loop3A_333, %parallel_loop3A_334] {strides = array<i32>} : memref<2x16x128xi32, #tpu.memory_space<vmem>>, vector<16xi32>,
      %parallel_loop3A_336 = arith.constant 16 : i32
      %parallel_loop3A_337 = vector.broadcast %parallel_loop3A_336 : i32 to vector<16xi32>
      %parallel_loop3A_338 = arith.muli %parallel_loop3A_335, %parallel_loop3A_337 : vector<16xi32>
      %parallel_loop3A_339 = arith.constant 0 : i32
      %parallel_loop3A_340 = vector.broadcast %parallel_loop3A_339 : i32 to vector<16xi32>
      %parallel_loop3A_341 = arith.addi %parallel_loop3A_338, %parallel_loop3A_340 : vector<16xi32>
      %parallel_loop3A_342 = tpu.vector_load_idx %arg5[%parallel_loop3A_341] : memref<1664xf32, #tpu.memory_space<vmem>>[vector<16xi32>], vector<16xf32>,
      %parallel_loop3A_343 = arith.constant 16 : i32
      %parallel_loop3A_344 = arith.muli %parallel_loop3A_328, %parallel_loop3A_343 : i32
      %parallel_loop3A_345 = arith.constant 0 : i32
      %parallel_loop3A_346 = arith.constant 0 : i32
      %parallel_loop3A_347 = arith.index_cast %parallel_loop3A_345 : i32 to index
      %parallel_loop3A_348 = arith.index_cast %parallel_loop3A_326 : i32 to index
      %parallel_loop3A_349 = arith.index_cast %parallel_loop3A_346 : i32 to index
      %parallel_loop3A_350 = arith.index_cast %parallel_loop3A_344 : i32 to index
      %parallel_loop3A_351 = tpu.vector_load %arg7[%parallel_loop3A_347, %parallel_loop3A_348, %parallel_loop3A_349, %parallel_loop3A_350] {strides = array<i32>} : memref<2x16x16x128xf32, #tpu.memory_space<vmem>>, vector<16xf32>,
      tpu.vector_store %arg7[%parallel_loop3A_347, %parallel_loop3A_348, %parallel_loop3A_349, %parallel_loop3A_350], %parallel_loop3A_342 {strides = array<i32>} : memref<2x16x16x128xf32, #tpu.memory_space<vmem>>, vector<16xf32>,
      %parallel_loop3A_352 = arith.constant 1 : i32
      %parallel_loop3A_353 = vector.broadcast %parallel_loop3A_352 : i32 to vector<16xi32>
      %parallel_loop3A_354 = arith.addi %parallel_loop3A_338, %parallel_loop3A_353 : vector<16xi32>
      %parallel_loop3A_355 = tpu.vector_load_idx %arg5[%parallel_loop3A_354] : memref<1664xf32, #tpu.memory_space<vmem>>[vector<16xi32>], vector<16xf32>,
      %parallel_loop3A_356 = arith.constant 16 : i32
      %parallel_loop3A_357 = arith.muli %parallel_loop3A_328, %parallel_loop3A_356 : i32
      %parallel_loop3A_358 = arith.constant 0 : i32
      %parallel_loop3A_359 = arith.constant 1 : i32
      %parallel_loop3A_360 = arith.index_cast %parallel_loop3A_358 : i32 to index
      %parallel_loop3A_361 = arith.index_cast %parallel_loop3A_326 : i32 to index
      %parallel_loop3A_362 = arith.index_cast %parallel_loop3A_359 : i32 to index
      %parallel_loop3A_363 = arith.index_cast %parallel_loop3A_357 : i32 to index
      %parallel_loop3A_364 = tpu.vector_load %arg7[%parallel_loop3A_360, %parallel_loop3A_361, %parallel_loop3A_362, %parallel_loop3A_363] {strides = array<i32>} : memref<2x16x16x128xf32, #tpu.memory_space<vmem>>, vector<16xf32>,
      tpu.vector_store %arg7[%parallel_loop3A_360, %parallel_loop3A_361, %parallel_loop3A_362, %parallel_loop3A_363], %parallel_loop3A_355 {strides = array<i32>} : memref<2x16x16x128xf32, #tpu.memory_space<vmem>>, vector<16xf32>,
      %parallel_loop3A_365 = arith.constant 2 : i32
      %parallel_loop3A_366 = vector.broadcast %parallel_loop3A_365 : i32 to vector<16xi32>
      %parallel_loop3A_367 = arith.addi %parallel_loop3A_338, %parallel_loop3A_366 : vector<16xi32>
      %parallel_loop3A_368 = tpu.vector_load_idx %arg5[%parallel_loop3A_367] : memref<1664xf32, #tpu.memory_space<vmem>>[vector<16xi32>], vector<16xf32>,
      %parallel_loop3A_369 = arith.constant 16 : i32
      %parallel_loop3A_370 = arith.muli %parallel_loop3A_328, %parallel_loop3A_369 : i32
      %parallel_loop3A_371 = arith.constant 0 : i32
      %parallel_loop3A_372 = arith.constant 2 : i32
      %parallel_loop3A_373 = arith.index_cast %parallel_loop3A_371 : i32 to index
      %parallel_loop3A_374 = arith.index_cast %parallel_loop3A_326 : i32 to index
      %parallel_loop3A_375 = arith.index_cast %parallel_loop3A_372 : i32 to index
      %parallel_loop3A_376 = arith.index_cast %parallel_loop3A_370 : i32 to index
      %parallel_loop3A_377 = tpu.vector_load %arg7[%parallel_loop3A_373, %parallel_loop3A_374, %parallel_loop3A_375, %parallel_loop3A_376] {strides = array<i32>} : memref<2x16x16x128xf32, #tpu.memory_space<vmem>>, vector<16xf32>,
      tpu.vector_store %arg7[%parallel_loop3A_373, %parallel_loop3A_374, %parallel_loop3A_375, %parallel_loop3A_376], %parallel_loop3A_368 {strides = array<i32>} : memref<2x16x16x128xf32, #tpu.memory_space<vmem>>, vector<16xf32>,
      %parallel_loop3A_378 = arith.constant 3 : i32
      %parallel_loop3A_379 = vector.broadcast %parallel_loop3A_378 : i32 to vector<16xi32>
      %parallel_loop3A_380 = arith.addi %parallel_loop3A_338, %parallel_loop3A_379 : vector<16xi32>
      %parallel_loop3A_381 = tpu.vector_load_idx %arg5[%parallel_loop3A_380] : memref<1664xf32, #tpu.memory_space<vmem>>[vector<16xi32>], vector<16xf32>,
      %parallel_loop3A_382 = arith.constant 16 : i32
      %parallel_loop3A_383 = arith.muli %parallel_loop3A_328, %parallel_loop3A_382 : i32
      %parallel_loop3A_384 = arith.constant 0 : i32
      %parallel_loop3A_385 = arith.constant 3 : i32
      %parallel_loop3A_386 = arith.index_cast %parallel_loop3A_384 : i32 to index
      %parallel_loop3A_387 = arith.index_cast %parallel_loop3A_326 : i32 to index
      %parallel_loop3A_388 = arith.index_cast %parallel_loop3A_385 : i32 to index
      %parallel_loop3A_389 = arith.index_cast %parallel_loop3A_383 : i32 to index
      %parallel_loop3A_390 = tpu.vector_load %arg7[%parallel_loop3A_386, %parallel_loop3A_387, %parallel_loop3A_388, %parallel_loop3A_389] {strides = array<i32>} : memref<2x16x16x128xf32, #tpu.memory_space<vmem>>, vector<16xf32>,
      tpu.vector_store %arg7[%parallel_loop3A_386, %parallel_loop3A_387, %parallel_loop3A_388, %parallel_loop3A_389], %parallel_loop3A_381 {strides = array<i32>} : memref<2x16x16x128xf32, #tpu.memory_space<vmem>>, vector<16xf32>,
      %parallel_loop3A_391 = arith.constant 4 : i32
      %parallel_loop3A_392 = vector.broadcast %parallel_loop3A_391 : i32 to vector<16xi32>
      %parallel_loop3A_393 = arith.addi %parallel_loop3A_338, %parallel_loop3A_392 : vector<16xi32>
      %parallel_loop3A_394 = tpu.vector_load_idx %arg5[%parallel_loop3A_393] : memref<1664xf32, #tpu.memory_space<vmem>>[vector<16xi32>], vector<16xf32>,
      %parallel_loop3A_395 = arith.constant 16 : i32
      %parallel_loop3A_396 = arith.muli %parallel_loop3A_328, %parallel_loop3A_395 : i32
      %parallel_loop3A_397 = arith.constant 0 : i32
      %parallel_loop3A_398 = arith.constant 4 : i32
      %parallel_loop3A_399 = arith.index_cast %parallel_loop3A_397 : i32 to index
      %parallel_loop3A_400 = arith.index_cast %parallel_loop3A_326 : i32 to index
      %parallel_loop3A_401 = arith.index_cast %parallel_loop3A_398 : i32 to index
      %parallel_loop3A_402 = arith.index_cast %parallel_loop3A_396 : i32 to index
      %parallel_loop3A_403 = tpu.vector_load %arg7[%parallel_loop3A_399, %parallel_loop3A_400, %parallel_loop3A_401, %parallel_loop3A_402] {strides = array<i32>} : memref<2x16x16x128xf32, #tpu.memory_space<vmem>>, vector<16xf32>,
      tpu.vector_store %arg7[%parallel_loop3A_399, %parallel_loop3A_400, %parallel_loop3A_401, %parallel_loop3A_402], %parallel_loop3A_394 {strides = array<i32>} : memref<2x16x16x128xf32, #tpu.memory_space<vmem>>, vector<16xf32>,
      %parallel_loop3A_404 = arith.constant 5 : i32
      %parallel_loop3A_405 = vector.broadcast %parallel_loop3A_404 : i32 to vector<16xi32>
      %parallel_loop3A_406 = arith.addi %parallel_loop3A_338, %parallel_loop3A_405 : vector<16xi32>
      %parallel_loop3A_407 = tpu.vector_load_idx %arg5[%parallel_loop3A_406] : memref<1664xf32, #tpu.memory_space<vmem>>[vector<16xi32>], vector<16xf32>,
      %parallel_loop3A_408 = arith.constant 16 : i32
      %parallel_loop3A_409 = arith.muli %parallel_loop3A_328, %parallel_loop3A_408 : i32
      %parallel_loop3A_410 = arith.constant 0 : i32
      %parallel_loop3A_411 = arith.constant 5 : i32
      %parallel_loop3A_412 = arith.index_cast %parallel_loop3A_410 : i32 to index
      %parallel_loop3A_413 = arith.index_cast %parallel_loop3A_326 : i32 to index
      %parallel_loop3A_414 = arith.index_cast %parallel_loop3A_411 : i32 to index
      %parallel_loop3A_415 = arith.index_cast %parallel_loop3A_409 : i32 to index
      %parallel_loop3A_416 = tpu.vector_load %arg7[%parallel_loop3A_412, %parallel_loop3A_413, %parallel_loop3A_414, %parallel_loop3A_415] {strides = array<i32>} : memref<2x16x16x128xf32, #tpu.memory_space<vmem>>, vector<16xf32>,
      tpu.vector_store %arg7[%parallel_loop3A_412, %parallel_loop3A_413, %parallel_loop3A_414, %parallel_loop3A_415], %parallel_loop3A_407 {strides = array<i32>} : memref<2x16x16x128xf32, #tpu.memory_space<vmem>>, vector<16xf32>,
      %parallel_loop3A_417 = arith.constant 6 : i32
      %parallel_loop3A_418 = vector.broadcast %parallel_loop3A_417 : i32 to vector<16xi32>
      %parallel_loop3A_419 = arith.addi %parallel_loop3A_338, %parallel_loop3A_418 : vector<16xi32>
      %parallel_loop3A_420 = tpu.vector_load_idx %arg5[%parallel_loop3A_419] : memref<1664xf32, #tpu.memory_space<vmem>>[vector<16xi32>], vector<16xf32>,
      %parallel_loop3A_421 = arith.constant 16 : i32
      %parallel_loop3A_422 = arith.muli %parallel_loop3A_328, %parallel_loop3A_421 : i32
      %parallel_loop3A_423 = arith.constant 0 : i32
      %parallel_loop3A_424 = arith.constant 6 : i32
      %parallel_loop3A_425 = arith.index_cast %parallel_loop3A_423 : i32 to index
      %parallel_loop3A_426 = arith.index_cast %parallel_loop3A_326 : i32 to index
      %parallel_loop3A_427 = arith.index_cast %parallel_loop3A_424 : i32 to index
      %parallel_loop3A_428 = arith.index_cast %parallel_loop3A_422 : i32 to index
      %parallel_loop3A_429 = tpu.vector_load %arg7[%parallel_loop3A_425, %parallel_loop3A_426, %parallel_loop3A_427, %parallel_loop3A_428] {strides = array<i32>} : memref<2x16x16x128xf32, #tpu.memory_space<vmem>>, vector<16xf32>,
      tpu.vector_store %arg7[%parallel_loop3A_425, %parallel_loop3A_426, %parallel_loop3A_427, %parallel_loop3A_428], %parallel_loop3A_420 {strides = array<i32>} : memref<2x16x16x128xf32, #tpu.memory_space<vmem>>, vector<16xf32>,
      %parallel_loop3A_430 = arith.constant 7 : i32
      %parallel_loop3A_431 = vector.broadcast %parallel_loop3A_430 : i32 to vector<16xi32>
      %parallel_loop3A_432 = arith.addi %parallel_loop3A_338, %parallel_loop3A_431 : vector<16xi32>
      %parallel_loop3A_433 = tpu.vector_load_idx %arg5[%parallel_loop3A_432] : memref<1664xf32, #tpu.memory_space<vmem>>[vector<16xi32>], vector<16xf32>,
      %parallel_loop3A_434 = arith.constant 16 : i32
      %parallel_loop3A_435 = arith.muli %parallel_loop3A_328, %parallel_loop3A_434 : i32
      %parallel_loop3A_436 = arith.constant 0 : i32
      %parallel_loop3A_437 = arith.constant 7 : i32
      %parallel_loop3A_438 = arith.index_cast %parallel_loop3A_436 : i32 to index
      %parallel_loop3A_439 = arith.index_cast %parallel_loop3A_326 : i32 to index
      %parallel_loop3A_440 = arith.index_cast %parallel_loop3A_437 : i32 to index
      %parallel_loop3A_441 = arith.index_cast %parallel_loop3A_435 : i32 to index
      %parallel_loop3A_442 = tpu.vector_load %arg7[%parallel_loop3A_438, %parallel_loop3A_439, %parallel_loop3A_440, %parallel_loop3A_441] {strides = array<i32>} : memref<2x16x16x128xf32, #tpu.memory_space<vmem>>, vector<16xf32>,
      tpu.vector_store %arg7[%parallel_loop3A_438, %parallel_loop3A_439, %parallel_loop3A_440, %parallel_loop3A_441], %parallel_loop3A_433 {strides = array<i32>} : memref<2x16x16x128xf32, #tpu.memory_space<vmem>>, vector<16xf32>,
      %parallel_loop3A_443 = arith.constant 8 : i32
      %parallel_loop3A_444 = vector.broadcast %parallel_loop3A_443 : i32 to vector<16xi32>
      %parallel_loop3A_445 = arith.addi %parallel_loop3A_338, %parallel_loop3A_444 : vector<16xi32>
      %parallel_loop3A_446 = tpu.vector_load_idx %arg5[%parallel_loop3A_445] : memref<1664xf32, #tpu.memory_space<vmem>>[vector<16xi32>], vector<16xf32>,
      %parallel_loop3A_447 = arith.constant 16 : i32
      %parallel_loop3A_448 = arith.muli %parallel_loop3A_328, %parallel_loop3A_447 : i32
      %parallel_loop3A_449 = arith.constant 0 : i32
      %parallel_loop3A_450 = arith.constant 8 : i32
      %parallel_loop3A_451 = arith.index_cast %parallel_loop3A_449 : i32 to index
      %parallel_loop3A_452 = arith.index_cast %parallel_loop3A_326 : i32 to index
      %parallel_loop3A_453 = arith.index_cast %parallel_loop3A_450 : i32 to index
      %parallel_loop3A_454 = arith.index_cast %parallel_loop3A_448 : i32 to index
      %parallel_loop3A_455 = tpu.vector_load %arg7[%parallel_loop3A_451, %parallel_loop3A_452, %parallel_loop3A_453, %parallel_loop3A_454] {strides = array<i32>} : memref<2x16x16x128xf32, #tpu.memory_space<vmem>>, vector<16xf32>,
      tpu.vector_store %arg7[%parallel_loop3A_451, %parallel_loop3A_452, %parallel_loop3A_453, %parallel_loop3A_454], %parallel_loop3A_446 {strides = array<i32>} : memref<2x16x16x128xf32, #tpu.memory_space<vmem>>, vector<16xf32>,
      %parallel_loop3A_456 = arith.constant 9 : i32
      %parallel_loop3A_457 = vector.broadcast %parallel_loop3A_456 : i32 to vector<16xi32>
      %parallel_loop3A_458 = arith.addi %parallel_loop3A_338, %parallel_loop3A_457 : vector<16xi32>
      %parallel_loop3A_459 = tpu.vector_load_idx %arg5[%parallel_loop3A_458] : memref<1664xf32, #tpu.memory_space<vmem>>[vector<16xi32>], vector<16xf32>,
      %parallel_loop3A_460 = arith.constant 16 : i32
      %parallel_loop3A_461 = arith.muli %parallel_loop3A_328, %parallel_loop3A_460 : i32
      %parallel_loop3A_462 = arith.constant 0 : i32
      %parallel_loop3A_463 = arith.constant 9 : i32
      %parallel_loop3A_464 = arith.index_cast %parallel_loop3A_462 : i32 to index
      %parallel_loop3A_465 = arith.index_cast %parallel_loop3A_326 : i32 to index
      %parallel_loop3A_466 = arith.index_cast %parallel_loop3A_463 : i32 to index
      %parallel_loop3A_467 = arith.index_cast %parallel_loop3A_461 : i32 to index
      %parallel_loop3A_468 = tpu.vector_load %arg7[%parallel_loop3A_464, %parallel_loop3A_465, %parallel_loop3A_466, %parallel_loop3A_467] {strides = array<i32>} : memref<2x16x16x128xf32, #tpu.memory_space<vmem>>, vector<16xf32>,
      tpu.vector_store %arg7[%parallel_loop3A_464, %parallel_loop3A_465, %parallel_loop3A_466, %parallel_loop3A_467], %parallel_loop3A_459 {strides = array<i32>} : memref<2x16x16x128xf32, #tpu.memory_space<vmem>>, vector<16xf32>,
      %parallel_loop3A_469 = arith.constant 10 : i32
      %parallel_loop3A_470 = vector.broadcast %parallel_loop3A_469 : i32 to vector<16xi32>
      %parallel_loop3A_471 = arith.addi %parallel_loop3A_338, %parallel_loop3A_470 : vector<16xi32>
      %parallel_loop3A_472 = tpu.vector_load_idx %arg5[%parallel_loop3A_471] : memref<1664xf32, #tpu.memory_space<vmem>>[vector<16xi32>], vector<16xf32>,
      %parallel_loop3A_473 = arith.constant 16 : i32
      %parallel_loop3A_474 = arith.muli %parallel_loop3A_328, %parallel_loop3A_473 : i32
      %parallel_loop3A_475 = arith.constant 0 : i32
      %parallel_loop3A_476 = arith.constant 10 : i32
      %parallel_loop3A_477 = arith.index_cast %parallel_loop3A_475 : i32 to index
      %parallel_loop3A_478 = arith.index_cast %parallel_loop3A_326 : i32 to index
      %parallel_loop3A_479 = arith.index_cast %parallel_loop3A_476 : i32 to index
      %parallel_loop3A_480 = arith.index_cast %parallel_loop3A_474 : i32 to index
      %parallel_loop3A_481 = tpu.vector_load %arg7[%parallel_loop3A_477, %parallel_loop3A_478, %parallel_loop3A_479, %parallel_loop3A_480] {strides = array<i32>} : memref<2x16x16x128xf32, #tpu.memory_space<vmem>>, vector<16xf32>,
      tpu.vector_store %arg7[%parallel_loop3A_477, %parallel_loop3A_478, %parallel_loop3A_479, %parallel_loop3A_480], %parallel_loop3A_472 {strides = array<i32>} : memref<2x16x16x128xf32, #tpu.memory_space<vmem>>, vector<16xf32>,
      %parallel_loop3A_482 = arith.constant 11 : i32
      %parallel_loop3A_483 = vector.broadcast %parallel_loop3A_482 : i32 to vector<16xi32>
      %parallel_loop3A_484 = arith.addi %parallel_loop3A_338, %parallel_loop3A_483 : vector<16xi32>
      %parallel_loop3A_485 = tpu.vector_load_idx %arg5[%parallel_loop3A_484] : memref<1664xf32, #tpu.memory_space<vmem>>[vector<16xi32>], vector<16xf32>,
      %parallel_loop3A_486 = arith.constant 16 : i32
      %parallel_loop3A_487 = arith.muli %parallel_loop3A_328, %parallel_loop3A_486 : i32
      %parallel_loop3A_488 = arith.constant 0 : i32
      %parallel_loop3A_489 = arith.constant 11 : i32
      %parallel_loop3A_490 = arith.index_cast %parallel_loop3A_488 : i32 to index
      %parallel_loop3A_491 = arith.index_cast %parallel_loop3A_326 : i32 to index
      %parallel_loop3A_492 = arith.index_cast %parallel_loop3A_489 : i32 to index
      %parallel_loop3A_493 = arith.index_cast %parallel_loop3A_487 : i32 to index
      %parallel_loop3A_494 = tpu.vector_load %arg7[%parallel_loop3A_490, %parallel_loop3A_491, %parallel_loop3A_492, %parallel_loop3A_493] {strides = array<i32>} : memref<2x16x16x128xf32, #tpu.memory_space<vmem>>, vector<16xf32>,
      tpu.vector_store %arg7[%parallel_loop3A_490, %parallel_loop3A_491, %parallel_loop3A_492, %parallel_loop3A_493], %parallel_loop3A_485 {strides = array<i32>} : memref<2x16x16x128xf32, #tpu.memory_space<vmem>>, vector<16xf32>,
      %parallel_loop3A_495 = arith.constant 12 : i32
      %parallel_loop3A_496 = vector.broadcast %parallel_loop3A_495 : i32 to vector<16xi32>
      %parallel_loop3A_497 = arith.addi %parallel_loop3A_338, %parallel_loop3A_496 : vector<16xi32>
      %parallel_loop3A_498 = tpu.vector_load_idx %arg5[%parallel_loop3A_497] : memref<1664xf32, #tpu.memory_space<vmem>>[vector<16xi32>], vector<16xf32>,
      %parallel_loop3A_499 = arith.constant 16 : i32
      %parallel_loop3A_500 = arith.muli %parallel_loop3A_328, %parallel_loop3A_499 : i32
      %parallel_loop3A_501 = arith.constant 0 : i32
      %parallel_loop3A_502 = arith.constant 12 : i32
      %parallel_loop3A_503 = arith.index_cast %parallel_loop3A_501 : i32 to index
      %parallel_loop3A_504 = arith.index_cast %parallel_loop3A_326 : i32 to index
      %parallel_loop3A_505 = arith.index_cast %parallel_loop3A_502 : i32 to index
      %parallel_loop3A_506 = arith.index_cast %parallel_loop3A_500 : i32 to index
      %parallel_loop3A_507 = tpu.vector_load %arg7[%parallel_loop3A_503, %parallel_loop3A_504, %parallel_loop3A_505, %parallel_loop3A_506] {strides = array<i32>} : memref<2x16x16x128xf32, #tpu.memory_space<vmem>>, vector<16xf32>,
      tpu.vector_store %arg7[%parallel_loop3A_503, %parallel_loop3A_504, %parallel_loop3A_505, %parallel_loop3A_506], %parallel_loop3A_498 {strides = array<i32>} : memref<2x16x16x128xf32, #tpu.memory_space<vmem>>, vector<16xf32>,
      %parallel_loop3A_508 = arith.constant 13 : i32
      %parallel_loop3A_509 = vector.broadcast %parallel_loop3A_508 : i32 to vector<16xi32>
      %parallel_loop3A_510 = arith.addi %parallel_loop3A_338, %parallel_loop3A_509 : vector<16xi32>
      %parallel_loop3A_511 = tpu.vector_load_idx %arg5[%parallel_loop3A_510] : memref<1664xf32, #tpu.memory_space<vmem>>[vector<16xi32>], vector<16xf32>,
      %parallel_loop3A_512 = arith.constant 16 : i32
      %parallel_loop3A_513 = arith.muli %parallel_loop3A_328, %parallel_loop3A_512 : i32
      %parallel_loop3A_514 = arith.constant 0 : i32
      %parallel_loop3A_515 = arith.constant 13 : i32
      %parallel_loop3A_516 = arith.index_cast %parallel_loop3A_514 : i32 to index
      %parallel_loop3A_517 = arith.index_cast %parallel_loop3A_326 : i32 to index
      %parallel_loop3A_518 = arith.index_cast %parallel_loop3A_515 : i32 to index
      %parallel_loop3A_519 = arith.index_cast %parallel_loop3A_513 : i32 to index
      %parallel_loop3A_520 = tpu.vector_load %arg7[%parallel_loop3A_516, %parallel_loop3A_517, %parallel_loop3A_518, %parallel_loop3A_519] {strides = array<i32>} : memref<2x16x16x128xf32, #tpu.memory_space<vmem>>, vector<16xf32>,
      tpu.vector_store %arg7[%parallel_loop3A_516, %parallel_loop3A_517, %parallel_loop3A_518, %parallel_loop3A_519], %parallel_loop3A_511 {strides = array<i32>} : memref<2x16x16x128xf32, #tpu.memory_space<vmem>>, vector<16xf32>,
      %parallel_loop3A_521 = arith.constant 14 : i32
      %parallel_loop3A_522 = vector.broadcast %parallel_loop3A_521 : i32 to vector<16xi32>
      %parallel_loop3A_523 = arith.addi %parallel_loop3A_338, %parallel_loop3A_522 : vector<16xi32>
      %parallel_loop3A_524 = tpu.vector_load_idx %arg5[%parallel_loop3A_523] : memref<1664xf32, #tpu.memory_space<vmem>>[vector<16xi32>], vector<16xf32>,
      %parallel_loop3A_525 = arith.constant 16 : i32
      %parallel_loop3A_526 = arith.muli %parallel_loop3A_328, %parallel_loop3A_525 : i32
      %parallel_loop3A_527 = arith.constant 0 : i32
      %parallel_loop3A_528 = arith.constant 14 : i32
      %parallel_loop3A_529 = arith.index_cast %parallel_loop3A_527 : i32 to index
      %parallel_loop3A_530 = arith.index_cast %parallel_loop3A_326 : i32 to index
      %parallel_loop3A_531 = arith.index_cast %parallel_loop3A_528 : i32 to index
      %parallel_loop3A_532 = arith.index_cast %parallel_loop3A_526 : i32 to index
      %parallel_loop3A_533 = tpu.vector_load %arg7[%parallel_loop3A_529, %parallel_loop3A_530, %parallel_loop3A_531, %parallel_loop3A_532] {strides = array<i32>} : memref<2x16x16x128xf32, #tpu.memory_space<vmem>>, vector<16xf32>,
      tpu.vector_store %arg7[%parallel_loop3A_529, %parallel_loop3A_530, %parallel_loop3A_531, %parallel_loop3A_532], %parallel_loop3A_524 {strides = array<i32>} : memref<2x16x16x128xf32, #tpu.memory_space<vmem>>, vector<16xf32>,
      %parallel_loop3A_534 = arith.constant 15 : i32
      %parallel_loop3A_535 = vector.broadcast %parallel_loop3A_534 : i32 to vector<16xi32>
      %parallel_loop3A_536 = arith.addi %parallel_loop3A_338, %parallel_loop3A_535 : vector<16xi32>
      %parallel_loop3A_537 = tpu.vector_load_idx %arg5[%parallel_loop3A_536] : memref<1664xf32, #tpu.memory_space<vmem>>[vector<16xi32>], vector<16xf32>,
      %parallel_loop3A_538 = arith.constant 16 : i32
      %parallel_loop3A_539 = arith.muli %parallel_loop3A_328, %parallel_loop3A_538 : i32
      %parallel_loop3A_540 = arith.constant 0 : i32
      %parallel_loop3A_541 = arith.constant 15 : i32
      %parallel_loop3A_542 = arith.index_cast %parallel_loop3A_540 : i32 to index
      %parallel_loop3A_543 = arith.index_cast %parallel_loop3A_326 : i32 to index
      %parallel_loop3A_544 = arith.index_cast %parallel_loop3A_541 : i32 to index
      %parallel_loop3A_545 = arith.index_cast %parallel_loop3A_539 : i32 to index
      %parallel_loop3A_546 = tpu.vector_load %arg7[%parallel_loop3A_542, %parallel_loop3A_543, %parallel_loop3A_544, %parallel_loop3A_545] {strides = array<i32>} : memref<2x16x16x128xf32, #tpu.memory_space<vmem>>, vector<16xf32>,
      tpu.vector_store %arg7[%parallel_loop3A_542, %parallel_loop3A_543, %parallel_loop3A_544, %parallel_loop3A_545], %parallel_loop3A_537 {strides = array<i32>} : memref<2x16x16x128xf32, #tpu.memory_space<vmem>>, vector<16xf32>,
    } {sc.loop_unroll_factor = 3 : i64, sc.parallel_access}
    %min3A_75 = arith.constant 0 : i32
    %min3A_76 = arith.constant 51 : i32
    %min3A_77 = arith.minsi %min3A_75, %min3A_76 : i32
    %rem3A_78 = arith.constant 13 : i32
    %rem3A_79 = arith.remsi %min3A_77, %rem3A_78 : i32
    %mul3A_80 = arith.constant 16 : i32
    %mul3A_81 = arith.muli %rem3A_79, %mul3A_80 : i32
    %min3A_82 = arith.constant 184 : i32
    %min3A_83 = arith.minsi %mul3A_81, %min3A_82 : i32
    %div3A_84 = arith.constant 13 : i32
    %div3A_85 = arith.divsi %min3A_77, %div3A_84 : i32
    %mul3A_86 = arith.constant 128 : i32
    %mul3A_87 = arith.muli %div3A_85, %mul3A_86 : i32
    %add3A_88 = arith.addi %mul3A_2, %mul3A_87 : i32
    %dma_start3A_89 = arith.constant 0 : i32
    %dma_start3A_90 = arith.constant 0 : i32
    %dma_start3A_91 = arith.constant 0 : i32
    %dma_start3A_92 = arith.constant 0 : i32
    %dma_start3A_93 = tpu.memref_slice %arg7[%dma_start3A_89, %dma_start3A_90, %dma_start3A_91, %dma_start3A_92] : memref<2x16x16x128xf32, #tpu.memory_space<vmem>> -> memref<1x16x16x128xf32, #tpu.memory_space<vmem>>
    %dma_start3A_94 = tpu.memref_squeeze %dma_start3A_93 : memref<1x16x16x128xf32, #tpu.memory_space<vmem>> -> memref<16x16x128xf32, #tpu.memory_space<vmem>>
    %dma_start3A_95 = arith.constant 0 : i32
    %dma_start3A_96 = tpu.memref_slice %arg4[%min3A_83, %dma_start3A_95, %add3A_88] : memref<200x16x16384xf32, #tpu.memory_space<hbm>> -> memref<16x16x128xf32, #tpu.memory_space<hbm>>
    %dma_start3A_97 = arith.constant 0 : i32
    %dma_start3A_98 = tpu.memref_slice %arg4[%min3A_83, %dma_start3A_97, %add3A_88] : memref<200x16x16384xf32, #tpu.memory_space<hbm>> -> memref<16x16x128xf32, #tpu.memory_space<hbm>>
    %dma_start3A_99 = arith.constant 0 : i32
    %dma_start3A_100 = arith.constant 0 : i32
    %dma_start3A_101 = arith.constant 0 : i32
    %dma_start3A_102 = tpu.memref_slice %arg7[%dma_start3A_89, %dma_start3A_99, %dma_start3A_100, %dma_start3A_101] : memref<2x16x16x128xf32, #tpu.memory_space<vmem>> -> memref<1x16x16x128xf32, #tpu.memory_space<vmem>>
    %dma_start3A_103 = tpu.memref_squeeze %dma_start3A_102 : memref<1x16x16x128xf32, #tpu.memory_space<vmem>> -> memref<16x16x128xf32, #tpu.memory_space<vmem>>
    tpu.enqueue_dma source(%dma_start3A_103 : memref<16x16x128xf32, #tpu.memory_space<vmem>>) target(%dma_start3A_98 : memref<16x16x128xf32, #tpu.memory_space<hbm>>) target_semaphore(%arg10 : memref<!tpu.dma_semaphore, #tpu.memory_space<semaphore_mem>>)
    %min3A_104 = arith.constant 2 : i32
    %min3A_105 = arith.constant 51 : i32
    %min3A_106 = arith.minsi %min3A_104, %min3A_105 : i32
    %rem3A_107 = arith.constant 13 : i32
    %rem3A_108 = arith.remsi %min3A_106, %rem3A_107 : i32
    %mul3A_109 = arith.constant 16 : i32
    %mul3A_110 = arith.muli %rem3A_108, %mul3A_109 : i32
    %min3A_111 = arith.constant 184 : i32
    %min3A_112 = arith.minsi %mul3A_110, %min3A_111 : i32
    %div3A_113 = arith.constant 13 : i32
    %div3A_114 = arith.divsi %min3A_106, %div3A_113 : i32
    %mul3A_115 = arith.constant 128 : i32
    %mul3A_116 = arith.muli %div3A_114, %mul3A_115 : i32
    %add3A_117 = arith.addi %mul3A_2, %mul3A_116 : i32
    %dma_start3A_118 = arith.constant 0 : i32
    %dma_start3A_119 = arith.constant 0 : i32
    %dma_start3A_120 = arith.constant 0 : i32
    %dma_start3A_121 = tpu.memref_slice %arg6[%dma_start3A_118, %dma_start3A_119, %dma_start3A_120] : memref<2x16x128xi32, #tpu.memory_space<vmem>> -> memref<1x16x128xi32, #tpu.memory_space<vmem>>
    %dma_start3A_122 = tpu.memref_squeeze %dma_start3A_121 : memref<1x16x128xi32, #tpu.memory_space<vmem>> -> memref<16x128xi32, #tpu.memory_space<vmem>>
    %dma_start3A_123 = tpu.memref_slice %arg3[%min3A_112, %add3A_117] : memref<200x16384xi32, #tpu.memory_space<hbm>> -> memref<16x128xi32, #tpu.memory_space<hbm>>
    %dma_start3A_124 = arith.constant 0 : i32
    %dma_start3A_125 = arith.constant 0 : i32
    %dma_start3A_126 = tpu.memref_slice %arg6[%dma_start3A_118, %dma_start3A_124, %dma_start3A_125] : memref<2x16x128xi32, #tpu.memory_space<vmem>> -> memref<1x16x128xi32, #tpu.memory_space<vmem>>
    %dma_start3A_127 = tpu.memref_squeeze %dma_start3A_126 : memref<1x16x128xi32, #tpu.memory_space<vmem>> -> memref<16x128xi32, #tpu.memory_space<vmem>>
    %dma_start3A_128 = tpu.memref_slice %arg3[%min3A_112, %add3A_117] : memref<200x16384xi32, #tpu.memory_space<hbm>> -> memref<16x128xi32, #tpu.memory_space<hbm>>
    tpu.enqueue_dma source(%dma_start3A_128 : memref<16x128xi32, #tpu.memory_space<hbm>>) target(%dma_start3A_127 : memref<16x128xi32, #tpu.memory_space<vmem>>) target_semaphore(%arg8 : memref<!tpu.dma_semaphore, #tpu.memory_space<semaphore_mem>>)
    %min3A_129 = arith.constant 1 : i32
    %min3A_130 = arith.constant 51 : i32
    %min3A_131 = arith.minsi %min3A_129, %min3A_130 : i32
    %rem3A_132 = arith.constant 13 : i32
    %rem3A_133 = arith.remsi %min3A_131, %rem3A_132 : i32
    %mul3A_134 = arith.constant 16 : i32
    %mul3A_135 = arith.muli %rem3A_133, %mul3A_134 : i32
    %min3A_136 = arith.constant 184 : i32
    %min3A_137 = arith.minsi %mul3A_135, %min3A_136 : i32
    %div3A_138 = arith.constant 13 : i32
    %div3A_139 = arith.divsi %min3A_131, %div3A_138 : i32
    %mul3A_140 = arith.constant 128 : i32
    %mul3A_141 = arith.muli %div3A_139, %mul3A_140 : i32
    %add3A_142 = arith.addi %mul3A_2, %mul3A_141 : i32
    %dma_wait3A_143 = arith.constant 1 : i32
    %dma_wait3A_144 = arith.constant 0 : i32
    %dma_wait3A_145 = arith.constant 0 : i32
    %dma_wait3A_146 = tpu.memref_slice %arg6[%dma_wait3A_143, %dma_wait3A_144, %dma_wait3A_145] : memref<2x16x128xi32, #tpu.memory_space<vmem>> -> memref<1x16x128xi32, #tpu.memory_space<vmem>>
    %dma_wait3A_147 = tpu.memref_squeeze %dma_wait3A_146 : memref<1x16x128xi32, #tpu.memory_space<vmem>> -> memref<16x128xi32, #tpu.memory_space<vmem>>
    %dma_wait3A_148 = tpu.memref_slice %arg3[%min3A_137, %add3A_142] : memref<200x16384xi32, #tpu.memory_space<hbm>> -> memref<16x128xi32, #tpu.memory_space<hbm>>
    %dma_wait3A_149 = arith.constant 0 : i32
    %dma_wait3A_150 = arith.constant 0 : i32
    %dma_wait3A_151 = tpu.memref_slice %arg6[%dma_wait3A_143, %dma_wait3A_149, %dma_wait3A_150] : memref<2x16x128xi32, #tpu.memory_space<vmem>> -> memref<1x16x128xi32, #tpu.memory_space<vmem>>
    %dma_wait3A_152 = tpu.memref_squeeze %dma_wait3A_151 : memref<1x16x128xi32, #tpu.memory_space<vmem>> -> memref<16x128xi32, #tpu.memory_space<vmem>>
    %dma_wait3A_153 = tpu.memref_slice %arg3[%min3A_137, %add3A_142] : memref<200x16384xi32, #tpu.memory_space<hbm>> -> memref<16x128xi32, #tpu.memory_space<hbm>>
    tpu.wait_dma2 semaphore(%arg9 : memref<!tpu.dma_semaphore, #tpu.memory_space<semaphore_mem>>) src(%dma_wait3A_153 : memref<16x128xi32, #tpu.memory_space<hbm>>) dst(%dma_wait3A_152 : memref<16x128xi32, #tpu.memory_space<vmem>>)
    %parallel_loop3A_154 = arith.constant 0 : i32
    %parallel_loop3A_155 = arith.constant 128 : i32
    %parallel_loop3A_156 = arith.constant 1 : i32
    scf.for %parallel_loop3A_324 = %parallel_loop3A_154 to %parallel_loop3A_155 step %parallel_loop3A_156  : i32 {
      %parallel_loop3A_325 = arith.constant 8 : i32
      %parallel_loop3A_326 = arith.divsi %parallel_loop3A_324, %parallel_loop3A_325 : i32
      %parallel_loop3A_327 = arith.constant 8 : i32
      %parallel_loop3A_328 = arith.remsi %parallel_loop3A_324, %parallel_loop3A_327 : i32
      %parallel_loop3A_329 = arith.constant 16 : i32
      %parallel_loop3A_330 = arith.muli %parallel_loop3A_328, %parallel_loop3A_329 : i32
      %parallel_loop3A_331 = arith.constant 1 : i32
      %parallel_loop3A_332 = arith.index_cast %parallel_loop3A_331 : i32 to index
      %parallel_loop3A_333 = arith.index_cast %parallel_loop3A_326 : i32 to index
      %parallel_loop3A_334 = arith.index_cast %parallel_loop3A_330 : i32 to index
      %parallel_loop3A_335 = tpu.vector_load %arg6[%parallel_loop3A_332, %parallel_loop3A_333, %parallel_loop3A_334] {strides = array<i32>} : memref<2x16x128xi32, #tpu.memory_space<vmem>>, vector<16xi32>,
      %parallel_loop3A_336 = arith.constant 16 : i32
      %parallel_loop3A_337 = vector.broadcast %parallel_loop3A_336 : i32 to vector<16xi32>
      %parallel_loop3A_338 = arith.muli %parallel_loop3A_335, %parallel_loop3A_337 : vector<16xi32>
      %parallel_loop3A_339 = arith.constant 0 : i32
      %parallel_loop3A_340 = vector.broadcast %parallel_loop3A_339 : i32 to vector<16xi32>
      %parallel_loop3A_341 = arith.addi %parallel_loop3A_338, %parallel_loop3A_340 : vector<16xi32>
      %parallel_loop3A_342 = tpu.vector_load_idx %arg5[%parallel_loop3A_341] : memref<1664xf32, #tpu.memory_space<vmem>>[vector<16xi32>], vector<16xf32>,
      %parallel_loop3A_343 = arith.constant 16 : i32
      %parallel_loop3A_344 = arith.muli %parallel_loop3A_328, %parallel_loop3A_343 : i32
      %parallel_loop3A_345 = arith.constant 1 : i32
      %parallel_loop3A_346 = arith.constant 0 : i32
      %parallel_loop3A_347 = arith.index_cast %parallel_loop3A_345 : i32 to index
      %parallel_loop3A_348 = arith.index_cast %parallel_loop3A_326 : i32 to index
      %parallel_loop3A_349 = arith.index_cast %parallel_loop3A_346 : i32 to index
      %parallel_loop3A_350 = arith.index_cast %parallel_loop3A_344 : i32 to index
      %parallel_loop3A_351 = tpu.vector_load %arg7[%parallel_loop3A_347, %parallel_loop3A_348, %parallel_loop3A_349, %parallel_loop3A_350] {strides = array<i32>} : memref<2x16x16x128xf32, #tpu.memory_space<vmem>>, vector<16xf32>,
      tpu.vector_store %arg7[%parallel_loop3A_347, %parallel_loop3A_348, %parallel_loop3A_349, %parallel_loop3A_350], %parallel_loop3A_342 {strides = array<i32>} : memref<2x16x16x128xf32, #tpu.memory_space<vmem>>, vector<16xf32>,
      %parallel_loop3A_352 = arith.constant 1 : i32
      %parallel_loop3A_353 = vector.broadcast %parallel_loop3A_352 : i32 to vector<16xi32>
      %parallel_loop3A_354 = arith.addi %parallel_loop3A_338, %parallel_loop3A_353 : vector<16xi32>
      %parallel_loop3A_355 = tpu.vector_load_idx %arg5[%parallel_loop3A_354] : memref<1664xf32, #tpu.memory_space<vmem>>[vector<16xi32>], vector<16xf32>,
      %parallel_loop3A_356 = arith.constant 16 : i32
      %parallel_loop3A_357 = arith.muli %parallel_loop3A_328, %parallel_loop3A_356 : i32
      %parallel_loop3A_358 = arith.constant 1 : i32
      %parallel_loop3A_359 = arith.constant 1 : i32
      %parallel_loop3A_360 = arith.index_cast %parallel_loop3A_358 : i32 to index
      %parallel_loop3A_361 = arith.index_cast %parallel_loop3A_326 : i32 to index
      %parallel_loop3A_362 = arith.index_cast %parallel_loop3A_359 : i32 to index
      %parallel_loop3A_363 = arith.index_cast %parallel_loop3A_357 : i32 to index
      %parallel_loop3A_364 = tpu.vector_load %arg7[%parallel_loop3A_360, %parallel_loop3A_361, %parallel_loop3A_362, %parallel_loop3A_363] {strides = array<i32>} : memref<2x16x16x128xf32, #tpu.memory_space<vmem>>, vector<16xf32>,
      tpu.vector_store %arg7[%parallel_loop3A_360, %parallel_loop3A_361, %parallel_loop3A_362, %parallel_loop3A_363], %parallel_loop3A_355 {strides = array<i32>} : memref<2x16x16x128xf32, #tpu.memory_space<vmem>>, vector<16xf32>,
      %parallel_loop3A_365 = arith.constant 2 : i32
      %parallel_loop3A_366 = vector.broadcast %parallel_loop3A_365 : i32 to vector<16xi32>
      %parallel_loop3A_367 = arith.addi %parallel_loop3A_338, %parallel_loop3A_366 : vector<16xi32>
      %parallel_loop3A_368 = tpu.vector_load_idx %arg5[%parallel_loop3A_367] : memref<1664xf32, #tpu.memory_space<vmem>>[vector<16xi32>], vector<16xf32>,
      %parallel_loop3A_369 = arith.constant 16 : i32
      %parallel_loop3A_370 = arith.muli %parallel_loop3A_328, %parallel_loop3A_369 : i32
      %parallel_loop3A_371 = arith.constant 1 : i32
      %parallel_loop3A_372 = arith.constant 2 : i32
      %parallel_loop3A_373 = arith.index_cast %parallel_loop3A_371 : i32 to index
      %parallel_loop3A_374 = arith.index_cast %parallel_loop3A_326 : i32 to index
      %parallel_loop3A_375 = arith.index_cast %parallel_loop3A_372 : i32 to index
      %parallel_loop3A_376 = arith.index_cast %parallel_loop3A_370 : i32 to index
      %parallel_loop3A_377 = tpu.vector_load %arg7[%parallel_loop3A_373, %parallel_loop3A_374, %parallel_loop3A_375, %parallel_loop3A_376] {strides = array<i32>} : memref<2x16x16x128xf32, #tpu.memory_space<vmem>>, vector<16xf32>,
      tpu.vector_store %arg7[%parallel_loop3A_373, %parallel_loop3A_374, %parallel_loop3A_375, %parallel_loop3A_376], %parallel_loop3A_368 {strides = array<i32>} : memref<2x16x16x128xf32, #tpu.memory_space<vmem>>, vector<16xf32>,
      %parallel_loop3A_378 = arith.constant 3 : i32
      %parallel_loop3A_379 = vector.broadcast %parallel_loop3A_378 : i32 to vector<16xi32>
      %parallel_loop3A_380 = arith.addi %parallel_loop3A_338, %parallel_loop3A_379 : vector<16xi32>
      %parallel_loop3A_381 = tpu.vector_load_idx %arg5[%parallel_loop3A_380] : memref<1664xf32, #tpu.memory_space<vmem>>[vector<16xi32>], vector<16xf32>,
      %parallel_loop3A_382 = arith.constant 16 : i32
      %parallel_loop3A_383 = arith.muli %parallel_loop3A_328, %parallel_loop3A_382 : i32
      %parallel_loop3A_384 = arith.constant 1 : i32
      %parallel_loop3A_385 = arith.constant 3 : i32
      %parallel_loop3A_386 = arith.index_cast %parallel_loop3A_384 : i32 to index
      %parallel_loop3A_387 = arith.index_cast %parallel_loop3A_326 : i32 to index
      %parallel_loop3A_388 = arith.index_cast %parallel_loop3A_385 : i32 to index
      %parallel_loop3A_389 = arith.index_cast %parallel_loop3A_383 : i32 to index
      %parallel_loop3A_390 = tpu.vector_load %arg7[%parallel_loop3A_386, %parallel_loop3A_387, %parallel_loop3A_388, %parallel_loop3A_389] {strides = array<i32>} : memref<2x16x16x128xf32, #tpu.memory_space<vmem>>, vector<16xf32>,
      tpu.vector_store %arg7[%parallel_loop3A_386, %parallel_loop3A_387, %parallel_loop3A_388, %parallel_loop3A_389], %parallel_loop3A_381 {strides = array<i32>} : memref<2x16x16x128xf32, #tpu.memory_space<vmem>>, vector<16xf32>,
      %parallel_loop3A_391 = arith.constant 4 : i32
      %parallel_loop3A_392 = vector.broadcast %parallel_loop3A_391 : i32 to vector<16xi32>
      %parallel_loop3A_393 = arith.addi %parallel_loop3A_338, %parallel_loop3A_392 : vector<16xi32>
      %parallel_loop3A_394 = tpu.vector_load_idx %arg5[%parallel_loop3A_393] : memref<1664xf32, #tpu.memory_space<vmem>>[vector<16xi32>], vector<16xf32>,
      %parallel_loop3A_395 = arith.constant 16 : i32
      %parallel_loop3A_396 = arith.muli %parallel_loop3A_328, %parallel_loop3A_395 : i32
      %parallel_loop3A_397 = arith.constant 1 : i32
      %parallel_loop3A_398 = arith.constant 4 : i32
      %parallel_loop3A_399 = arith.index_cast %parallel_loop3A_397 : i32 to index
      %parallel_loop3A_400 = arith.index_cast %parallel_loop3A_326 : i32 to index
      %parallel_loop3A_401 = arith.index_cast %parallel_loop3A_398 : i32 to index
      %parallel_loop3A_402 = arith.index_cast %parallel_loop3A_396 : i32 to index
      %parallel_loop3A_403 = tpu.vector_load %arg7[%parallel_loop3A_399, %parallel_loop3A_400, %parallel_loop3A_401, %parallel_loop3A_402] {strides = array<i32>} : memref<2x16x16x128xf32, #tpu.memory_space<vmem>>, vector<16xf32>,
      tpu.vector_store %arg7[%parallel_loop3A_399, %parallel_loop3A_400, %parallel_loop3A_401, %parallel_loop3A_402], %parallel_loop3A_394 {strides = array<i32>} : memref<2x16x16x128xf32, #tpu.memory_space<vmem>>, vector<16xf32>,
      %parallel_loop3A_404 = arith.constant 5 : i32
      %parallel_loop3A_405 = vector.broadcast %parallel_loop3A_404 : i32 to vector<16xi32>
      %parallel_loop3A_406 = arith.addi %parallel_loop3A_338, %parallel_loop3A_405 : vector<16xi32>
      %parallel_loop3A_407 = tpu.vector_load_idx %arg5[%parallel_loop3A_406] : memref<1664xf32, #tpu.memory_space<vmem>>[vector<16xi32>], vector<16xf32>,
      %parallel_loop3A_408 = arith.constant 16 : i32
      %parallel_loop3A_409 = arith.muli %parallel_loop3A_328, %parallel_loop3A_408 : i32
      %parallel_loop3A_410 = arith.constant 1 : i32
      %parallel_loop3A_411 = arith.constant 5 : i32
      %parallel_loop3A_412 = arith.index_cast %parallel_loop3A_410 : i32 to index
      %parallel_loop3A_413 = arith.index_cast %parallel_loop3A_326 : i32 to index
      %parallel_loop3A_414 = arith.index_cast %parallel_loop3A_411 : i32 to index
      %parallel_loop3A_415 = arith.index_cast %parallel_loop3A_409 : i32 to index
      %parallel_loop3A_416 = tpu.vector_load %arg7[%parallel_loop3A_412, %parallel_loop3A_413, %parallel_loop3A_414, %parallel_loop3A_415] {strides = array<i32>} : memref<2x16x16x128xf32, #tpu.memory_space<vmem>>, vector<16xf32>,
      tpu.vector_store %arg7[%parallel_loop3A_412, %parallel_loop3A_413, %parallel_loop3A_414, %parallel_loop3A_415], %parallel_loop3A_407 {strides = array<i32>} : memref<2x16x16x128xf32, #tpu.memory_space<vmem>>, vector<16xf32>,
      %parallel_loop3A_417 = arith.constant 6 : i32
      %parallel_loop3A_418 = vector.broadcast %parallel_loop3A_417 : i32 to vector<16xi32>
      %parallel_loop3A_419 = arith.addi %parallel_loop3A_338, %parallel_loop3A_418 : vector<16xi32>
      %parallel_loop3A_420 = tpu.vector_load_idx %arg5[%parallel_loop3A_419] : memref<1664xf32, #tpu.memory_space<vmem>>[vector<16xi32>], vector<16xf32>,
      %parallel_loop3A_421 = arith.constant 16 : i32
      %parallel_loop3A_422 = arith.muli %parallel_loop3A_328, %parallel_loop3A_421 : i32
      %parallel_loop3A_423 = arith.constant 1 : i32
      %parallel_loop3A_424 = arith.constant 6 : i32
      %parallel_loop3A_425 = arith.index_cast %parallel_loop3A_423 : i32 to index
      %parallel_loop3A_426 = arith.index_cast %parallel_loop3A_326 : i32 to index
      %parallel_loop3A_427 = arith.index_cast %parallel_loop3A_424 : i32 to index
      %parallel_loop3A_428 = arith.index_cast %parallel_loop3A_422 : i32 to index
      %parallel_loop3A_429 = tpu.vector_load %arg7[%parallel_loop3A_425, %parallel_loop3A_426, %parallel_loop3A_427, %parallel_loop3A_428] {strides = array<i32>} : memref<2x16x16x128xf32, #tpu.memory_space<vmem>>, vector<16xf32>,
      tpu.vector_store %arg7[%parallel_loop3A_425, %parallel_loop3A_426, %parallel_loop3A_427, %parallel_loop3A_428], %parallel_loop3A_420 {strides = array<i32>} : memref<2x16x16x128xf32, #tpu.memory_space<vmem>>, vector<16xf32>,
      %parallel_loop3A_430 = arith.constant 7 : i32
      %parallel_loop3A_431 = vector.broadcast %parallel_loop3A_430 : i32 to vector<16xi32>
      %parallel_loop3A_432 = arith.addi %parallel_loop3A_338, %parallel_loop3A_431 : vector<16xi32>
      %parallel_loop3A_433 = tpu.vector_load_idx %arg5[%parallel_loop3A_432] : memref<1664xf32, #tpu.memory_space<vmem>>[vector<16xi32>], vector<16xf32>,
      %parallel_loop3A_434 = arith.constant 16 : i32
      %parallel_loop3A_435 = arith.muli %parallel_loop3A_328, %parallel_loop3A_434 : i32
      %parallel_loop3A_436 = arith.constant 1 : i32
      %parallel_loop3A_437 = arith.constant 7 : i32
      %parallel_loop3A_438 = arith.index_cast %parallel_loop3A_436 : i32 to index
      %parallel_loop3A_439 = arith.index_cast %parallel_loop3A_326 : i32 to index
      %parallel_loop3A_440 = arith.index_cast %parallel_loop3A_437 : i32 to index
      %parallel_loop3A_441 = arith.index_cast %parallel_loop3A_435 : i32 to index
      %parallel_loop3A_442 = tpu.vector_load %arg7[%parallel_loop3A_438, %parallel_loop3A_439, %parallel_loop3A_440, %parallel_loop3A_441] {strides = array<i32>} : memref<2x16x16x128xf32, #tpu.memory_space<vmem>>, vector<16xf32>,
      tpu.vector_store %arg7[%parallel_loop3A_438, %parallel_loop3A_439, %parallel_loop3A_440, %parallel_loop3A_441], %parallel_loop3A_433 {strides = array<i32>} : memref<2x16x16x128xf32, #tpu.memory_space<vmem>>, vector<16xf32>,
      %parallel_loop3A_443 = arith.constant 8 : i32
      %parallel_loop3A_444 = vector.broadcast %parallel_loop3A_443 : i32 to vector<16xi32>
      %parallel_loop3A_445 = arith.addi %parallel_loop3A_338, %parallel_loop3A_444 : vector<16xi32>
      %parallel_loop3A_446 = tpu.vector_load_idx %arg5[%parallel_loop3A_445] : memref<1664xf32, #tpu.memory_space<vmem>>[vector<16xi32>], vector<16xf32>,
      %parallel_loop3A_447 = arith.constant 16 : i32
      %parallel_loop3A_448 = arith.muli %parallel_loop3A_328, %parallel_loop3A_447 : i32
      %parallel_loop3A_449 = arith.constant 1 : i32
      %parallel_loop3A_450 = arith.constant 8 : i32
      %parallel_loop3A_451 = arith.index_cast %parallel_loop3A_449 : i32 to index
      %parallel_loop3A_452 = arith.index_cast %parallel_loop3A_326 : i32 to index
      %parallel_loop3A_453 = arith.index_cast %parallel_loop3A_450 : i32 to index
      %parallel_loop3A_454 = arith.index_cast %parallel_loop3A_448 : i32 to index
      %parallel_loop3A_455 = tpu.vector_load %arg7[%parallel_loop3A_451, %parallel_loop3A_452, %parallel_loop3A_453, %parallel_loop3A_454] {strides = array<i32>} : memref<2x16x16x128xf32, #tpu.memory_space<vmem>>, vector<16xf32>,
      tpu.vector_store %arg7[%parallel_loop3A_451, %parallel_loop3A_452, %parallel_loop3A_453, %parallel_loop3A_454], %parallel_loop3A_446 {strides = array<i32>} : memref<2x16x16x128xf32, #tpu.memory_space<vmem>>, vector<16xf32>,
      %parallel_loop3A_456 = arith.constant 9 : i32
      %parallel_loop3A_457 = vector.broadcast %parallel_loop3A_456 : i32 to vector<16xi32>
      %parallel_loop3A_458 = arith.addi %parallel_loop3A_338, %parallel_loop3A_457 : vector<16xi32>
      %parallel_loop3A_459 = tpu.vector_load_idx %arg5[%parallel_loop3A_458] : memref<1664xf32, #tpu.memory_space<vmem>>[vector<16xi32>], vector<16xf32>,
      %parallel_loop3A_460 = arith.constant 16 : i32
      %parallel_loop3A_461 = arith.muli %parallel_loop3A_328, %parallel_loop3A_460 : i32
      %parallel_loop3A_462 = arith.constant 1 : i32
      %parallel_loop3A_463 = arith.constant 9 : i32
      %parallel_loop3A_464 = arith.index_cast %parallel_loop3A_462 : i32 to index
      %parallel_loop3A_465 = arith.index_cast %parallel_loop3A_326 : i32 to index
      %parallel_loop3A_466 = arith.index_cast %parallel_loop3A_463 : i32 to index
      %parallel_loop3A_467 = arith.index_cast %parallel_loop3A_461 : i32 to index
      %parallel_loop3A_468 = tpu.vector_load %arg7[%parallel_loop3A_464, %parallel_loop3A_465, %parallel_loop3A_466, %parallel_loop3A_467] {strides = array<i32>} : memref<2x16x16x128xf32, #tpu.memory_space<vmem>>, vector<16xf32>,
      tpu.vector_store %arg7[%parallel_loop3A_464, %parallel_loop3A_465, %parallel_loop3A_466, %parallel_loop3A_467], %parallel_loop3A_459 {strides = array<i32>} : memref<2x16x16x128xf32, #tpu.memory_space<vmem>>, vector<16xf32>,
      %parallel_loop3A_469 = arith.constant 10 : i32
      %parallel_loop3A_470 = vector.broadcast %parallel_loop3A_469 : i32 to vector<16xi32>
      %parallel_loop3A_471 = arith.addi %parallel_loop3A_338, %parallel_loop3A_470 : vector<16xi32>
      %parallel_loop3A_472 = tpu.vector_load_idx %arg5[%parallel_loop3A_471] : memref<1664xf32, #tpu.memory_space<vmem>>[vector<16xi32>], vector<16xf32>,
      %parallel_loop3A_473 = arith.constant 16 : i32
      %parallel_loop3A_474 = arith.muli %parallel_loop3A_328, %parallel_loop3A_473 : i32
      %parallel_loop3A_475 = arith.constant 1 : i32
      %parallel_loop3A_476 = arith.constant 10 : i32
      %parallel_loop3A_477 = arith.index_cast %parallel_loop3A_475 : i32 to index
      %parallel_loop3A_478 = arith.index_cast %parallel_loop3A_326 : i32 to index
      %parallel_loop3A_479 = arith.index_cast %parallel_loop3A_476 : i32 to index
      %parallel_loop3A_480 = arith.index_cast %parallel_loop3A_474 : i32 to index
      %parallel_loop3A_481 = tpu.vector_load %arg7[%parallel_loop3A_477, %parallel_loop3A_478, %parallel_loop3A_479, %parallel_loop3A_480] {strides = array<i32>} : memref<2x16x16x128xf32, #tpu.memory_space<vmem>>, vector<16xf32>,
      tpu.vector_store %arg7[%parallel_loop3A_477, %parallel_loop3A_478, %parallel_loop3A_479, %parallel_loop3A_480], %parallel_loop3A_472 {strides = array<i32>} : memref<2x16x16x128xf32, #tpu.memory_space<vmem>>, vector<16xf32>,
      %parallel_loop3A_482 = arith.constant 11 : i32
      %parallel_loop3A_483 = vector.broadcast %parallel_loop3A_482 : i32 to vector<16xi32>
      %parallel_loop3A_484 = arith.addi %parallel_loop3A_338, %parallel_loop3A_483 : vector<16xi32>
      %parallel_loop3A_485 = tpu.vector_load_idx %arg5[%parallel_loop3A_484] : memref<1664xf32, #tpu.memory_space<vmem>>[vector<16xi32>], vector<16xf32>,
      %parallel_loop3A_486 = arith.constant 16 : i32
      %parallel_loop3A_487 = arith.muli %parallel_loop3A_328, %parallel_loop3A_486 : i32
      %parallel_loop3A_488 = arith.constant 1 : i32
      %parallel_loop3A_489 = arith.constant 11 : i32
      %parallel_loop3A_490 = arith.index_cast %parallel_loop3A_488 : i32 to index
      %parallel_loop3A_491 = arith.index_cast %parallel_loop3A_326 : i32 to index
      %parallel_loop3A_492 = arith.index_cast %parallel_loop3A_489 : i32 to index
      %parallel_loop3A_493 = arith.index_cast %parallel_loop3A_487 : i32 to index
      %parallel_loop3A_494 = tpu.vector_load %arg7[%parallel_loop3A_490, %parallel_loop3A_491, %parallel_loop3A_492, %parallel_loop3A_493] {strides = array<i32>} : memref<2x16x16x128xf32, #tpu.memory_space<vmem>>, vector<16xf32>,
      tpu.vector_store %arg7[%parallel_loop3A_490, %parallel_loop3A_491, %parallel_loop3A_492, %parallel_loop3A_493], %parallel_loop3A_485 {strides = array<i32>} : memref<2x16x16x128xf32, #tpu.memory_space<vmem>>, vector<16xf32>,
      %parallel_loop3A_495 = arith.constant 12 : i32
      %parallel_loop3A_496 = vector.broadcast %parallel_loop3A_495 : i32 to vector<16xi32>
      %parallel_loop3A_497 = arith.addi %parallel_loop3A_338, %parallel_loop3A_496 : vector<16xi32>
      %parallel_loop3A_498 = tpu.vector_load_idx %arg5[%parallel_loop3A_497] : memref<1664xf32, #tpu.memory_space<vmem>>[vector<16xi32>], vector<16xf32>,
      %parallel_loop3A_499 = arith.constant 16 : i32
      %parallel_loop3A_500 = arith.muli %parallel_loop3A_328, %parallel_loop3A_499 : i32
      %parallel_loop3A_501 = arith.constant 1 : i32
      %parallel_loop3A_502 = arith.constant 12 : i32
      %parallel_loop3A_503 = arith.index_cast %parallel_loop3A_501 : i32 to index
      %parallel_loop3A_504 = arith.index_cast %parallel_loop3A_326 : i32 to index
      %parallel_loop3A_505 = arith.index_cast %parallel_loop3A_502 : i32 to index
      %parallel_loop3A_506 = arith.index_cast %parallel_loop3A_500 : i32 to index
      %parallel_loop3A_507 = tpu.vector_load %arg7[%parallel_loop3A_503, %parallel_loop3A_504, %parallel_loop3A_505, %parallel_loop3A_506] {strides = array<i32>} : memref<2x16x16x128xf32, #tpu.memory_space<vmem>>, vector<16xf32>,
      tpu.vector_store %arg7[%parallel_loop3A_503, %parallel_loop3A_504, %parallel_loop3A_505, %parallel_loop3A_506], %parallel_loop3A_498 {strides = array<i32>} : memref<2x16x16x128xf32, #tpu.memory_space<vmem>>, vector<16xf32>,
      %parallel_loop3A_508 = arith.constant 13 : i32
      %parallel_loop3A_509 = vector.broadcast %parallel_loop3A_508 : i32 to vector<16xi32>
      %parallel_loop3A_510 = arith.addi %parallel_loop3A_338, %parallel_loop3A_509 : vector<16xi32>
      %parallel_loop3A_511 = tpu.vector_load_idx %arg5[%parallel_loop3A_510] : memref<1664xf32, #tpu.memory_space<vmem>>[vector<16xi32>], vector<16xf32>,
      %parallel_loop3A_512 = arith.constant 16 : i32
      %parallel_loop3A_513 = arith.muli %parallel_loop3A_328, %parallel_loop3A_512 : i32
      %parallel_loop3A_514 = arith.constant 1 : i32
      %parallel_loop3A_515 = arith.constant 13 : i32
      %parallel_loop3A_516 = arith.index_cast %parallel_loop3A_514 : i32 to index
      %parallel_loop3A_517 = arith.index_cast %parallel_loop3A_326 : i32 to index
      %parallel_loop3A_518 = arith.index_cast %parallel_loop3A_515 : i32 to index
      %parallel_loop3A_519 = arith.index_cast %parallel_loop3A_513 : i32 to index
      %parallel_loop3A_520 = tpu.vector_load %arg7[%parallel_loop3A_516, %parallel_loop3A_517, %parallel_loop3A_518, %parallel_loop3A_519] {strides = array<i32>} : memref<2x16x16x128xf32, #tpu.memory_space<vmem>>, vector<16xf32>,
      tpu.vector_store %arg7[%parallel_loop3A_516, %parallel_loop3A_517, %parallel_loop3A_518, %parallel_loop3A_519], %parallel_loop3A_511 {strides = array<i32>} : memref<2x16x16x128xf32, #tpu.memory_space<vmem>>, vector<16xf32>,
      %parallel_loop3A_521 = arith.constant 14 : i32
      %parallel_loop3A_522 = vector.broadcast %parallel_loop3A_521 : i32 to vector<16xi32>
      %parallel_loop3A_523 = arith.addi %parallel_loop3A_338, %parallel_loop3A_522 : vector<16xi32>
      %parallel_loop3A_524 = tpu.vector_load_idx %arg5[%parallel_loop3A_523] : memref<1664xf32, #tpu.memory_space<vmem>>[vector<16xi32>], vector<16xf32>,
      %parallel_loop3A_525 = arith.constant 16 : i32
      %parallel_loop3A_526 = arith.muli %parallel_loop3A_328, %parallel_loop3A_525 : i32
      %parallel_loop3A_527 = arith.constant 1 : i32
      %parallel_loop3A_528 = arith.constant 14 : i32
      %parallel_loop3A_529 = arith.index_cast %parallel_loop3A_527 : i32 to index
      %parallel_loop3A_530 = arith.index_cast %parallel_loop3A_326 : i32 to index
      %parallel_loop3A_531 = arith.index_cast %parallel_loop3A_528 : i32 to index
      %parallel_loop3A_532 = arith.index_cast %parallel_loop3A_526 : i32 to index
      %parallel_loop3A_533 = tpu.vector_load %arg7[%parallel_loop3A_529, %parallel_loop3A_530, %parallel_loop3A_531, %parallel_loop3A_532] {strides = array<i32>} : memref<2x16x16x128xf32, #tpu.memory_space<vmem>>, vector<16xf32>,
      tpu.vector_store %arg7[%parallel_loop3A_529, %parallel_loop3A_530, %parallel_loop3A_531, %parallel_loop3A_532], %parallel_loop3A_524 {strides = array<i32>} : memref<2x16x16x128xf32, #tpu.memory_space<vmem>>, vector<16xf32>,
      %parallel_loop3A_534 = arith.constant 15 : i32
      %parallel_loop3A_535 = vector.broadcast %parallel_loop3A_534 : i32 to vector<16xi32>
      %parallel_loop3A_536 = arith.addi %parallel_loop3A_338, %parallel_loop3A_535 : vector<16xi32>
      %parallel_loop3A_537 = tpu.vector_load_idx %arg5[%parallel_loop3A_536] : memref<1664xf32, #tpu.memory_space<vmem>>[vector<16xi32>], vector<16xf32>,
      %parallel_loop3A_538 = arith.constant 16 : i32
      %parallel_loop3A_539 = arith.muli %parallel_loop3A_328, %parallel_loop3A_538 : i32
      %parallel_loop3A_540 = arith.constant 1 : i32
      %parallel_loop3A_541 = arith.constant 15 : i32
      %parallel_loop3A_542 = arith.index_cast %parallel_loop3A_540 : i32 to index
      %parallel_loop3A_543 = arith.index_cast %parallel_loop3A_326 : i32 to index
      %parallel_loop3A_544 = arith.index_cast %parallel_loop3A_541 : i32 to index
      %parallel_loop3A_545 = arith.index_cast %parallel_loop3A_539 : i32 to index
      %parallel_loop3A_546 = tpu.vector_load %arg7[%parallel_loop3A_542, %parallel_loop3A_543, %parallel_loop3A_544, %parallel_loop3A_545] {strides = array<i32>} : memref<2x16x16x128xf32, #tpu.memory_space<vmem>>, vector<16xf32>,
      tpu.vector_store %arg7[%parallel_loop3A_542, %parallel_loop3A_543, %parallel_loop3A_544, %parallel_loop3A_545], %parallel_loop3A_537 {strides = array<i32>} : memref<2x16x16x128xf32, #tpu.memory_space<vmem>>, vector<16xf32>,
    } {sc.loop_unroll_factor = 3 : i64, sc.parallel_access}
    %min3A_157 = arith.constant 1 : i32
    %min3A_158 = arith.constant 51 : i32
    %min3A_159 = arith.minsi %min3A_157, %min3A_158 : i32
    %rem3A_160 = arith.constant 13 : i32
    %rem3A_161 = arith.remsi %min3A_159, %rem3A_160 : i32
    %mul3A_162 = arith.constant 16 : i32
    %mul3A_163 = arith.muli %rem3A_161, %mul3A_162 : i32
    %min3A_164 = arith.constant 184 : i32
    %min3A_165 = arith.minsi %mul3A_163, %min3A_164 : i32
    %div3A_166 = arith.constant 13 : i32
    %div3A_167 = arith.divsi %min3A_159, %div3A_166 : i32
    %mul3A_168 = arith.constant 128 : i32
    %mul3A_169 = arith.muli %div3A_167, %mul3A_168 : i32
    %add3A_170 = arith.addi %mul3A_2, %mul3A_169 : i32
    %dma_start3A_171 = arith.constant 1 : i32
    %dma_start3A_172 = arith.constant 0 : i32
    %dma_start3A_173 = arith.constant 0 : i32
    %dma_start3A_174 = arith.constant 0 : i32
    %dma_start3A_175 = tpu.memref_slice %arg7[%dma_start3A_171, %dma_start3A_172, %dma_start3A_173, %dma_start3A_174] : memref<2x16x16x128xf32, #tpu.memory_space<vmem>> -> memref<1x16x16x128xf32, #tpu.memory_space<vmem>>
    %dma_start3A_176 = tpu.memref_squeeze %dma_start3A_175 : memref<1x16x16x128xf32, #tpu.memory_space<vmem>> -> memref<16x16x128xf32, #tpu.memory_space<vmem>>
    %dma_start3A_177 = arith.constant 0 : i32
    %dma_start3A_178 = tpu.memref_slice %arg4[%min3A_165, %dma_start3A_177, %add3A_170] : memref<200x16x16384xf32, #tpu.memory_space<hbm>> -> memref<16x16x128xf32, #tpu.memory_space<hbm>>
    %dma_start3A_179 = arith.constant 0 : i32
    %dma_start3A_180 = tpu.memref_slice %arg4[%min3A_165, %dma_start3A_179, %add3A_170] : memref<200x16x16384xf32, #tpu.memory_space<hbm>> -> memref<16x16x128xf32, #tpu.memory_space<hbm>>
    %dma_start3A_181 = arith.constant 0 : i32
    %dma_start3A_182 = arith.constant 0 : i32
    %dma_start3A_183 = arith.constant 0 : i32
    %dma_start3A_184 = tpu.memref_slice %arg7[%dma_start3A_171, %dma_start3A_181, %dma_start3A_182, %dma_start3A_183] : memref<2x16x16x128xf32, #tpu.memory_space<vmem>> -> memref<1x16x16x128xf32, #tpu.memory_space<vmem>>
    %dma_start3A_185 = tpu.memref_squeeze %dma_start3A_184 : memref<1x16x16x128xf32, #tpu.memory_space<vmem>> -> memref<16x16x128xf32, #tpu.memory_space<vmem>>
    tpu.enqueue_dma source(%dma_start3A_185 : memref<16x16x128xf32, #tpu.memory_space<vmem>>) target(%dma_start3A_180 : memref<16x16x128xf32, #tpu.memory_space<hbm>>) target_semaphore(%arg11 : memref<!tpu.dma_semaphore, #tpu.memory_space<semaphore_mem>>)
    %min3A_186 = arith.constant 3 : i32
    %min3A_187 = arith.constant 51 : i32
    %min3A_188 = arith.minsi %min3A_186, %min3A_187 : i32
    %rem3A_189 = arith.constant 13 : i32
    %rem3A_190 = arith.remsi %min3A_188, %rem3A_189 : i32
    %mul3A_191 = arith.constant 16 : i32
    %mul3A_192 = arith.muli %rem3A_190, %mul3A_191 : i32
    %min3A_193 = arith.constant 184 : i32
    %min3A_194 = arith.minsi %mul3A_192, %min3A_193 : i32
    %div3A_195 = arith.constant 13 : i32
    %div3A_196 = arith.divsi %min3A_188, %div3A_195 : i32
    %mul3A_197 = arith.constant 128 : i32
    %mul3A_198 = arith.muli %div3A_196, %mul3A_197 : i32
    %add3A_199 = arith.addi %mul3A_2, %mul3A_198 : i32
    %dma_start3A_200 = arith.constant 1 : i32
    %dma_start3A_201 = arith.constant 0 : i32
    %dma_start3A_202 = arith.constant 0 : i32
    %dma_start3A_203 = tpu.memref_slice %arg6[%dma_start3A_200, %dma_start3A_201, %dma_start3A_202] : memref<2x16x128xi32, #tpu.memory_space<vmem>> -> memref<1x16x128xi32, #tpu.memory_space<vmem>>
    %dma_start3A_204 = tpu.memref_squeeze %dma_start3A_203 : memref<1x16x128xi32, #tpu.memory_space<vmem>> -> memref<16x128xi32, #tpu.memory_space<vmem>>
    %dma_start3A_205 = tpu.memref_slice %arg3[%min3A_194, %add3A_199] : memref<200x16384xi32, #tpu.memory_space<hbm>> -> memref<16x128xi32, #tpu.memory_space<hbm>>
    %dma_start3A_206 = arith.constant 0 : i32
    %dma_start3A_207 = arith.constant 0 : i32
    %dma_start3A_208 = tpu.memref_slice %arg6[%dma_start3A_200, %dma_start3A_206, %dma_start3A_207] : memref<2x16x128xi32, #tpu.memory_space<vmem>> -> memref<1x16x128xi32, #tpu.memory_space<vmem>>
    %dma_start3A_209 = tpu.memref_squeeze %dma_start3A_208 : memref<1x16x128xi32, #tpu.memory_space<vmem>> -> memref<16x128xi32, #tpu.memory_space<vmem>>
    %dma_start3A_210 = tpu.memref_slice %arg3[%min3A_194, %add3A_199] : memref<200x16384xi32, #tpu.memory_space<hbm>> -> memref<16x128xi32, #tpu.memory_space<hbm>>
    tpu.enqueue_dma source(%dma_start3A_210 : memref<16x128xi32, #tpu.memory_space<hbm>>) target(%dma_start3A_209 : memref<16x128xi32, #tpu.memory_space<vmem>>) target_semaphore(%arg9 : memref<!tpu.dma_semaphore, #tpu.memory_space<semaphore_mem>>)
    %scan3A = arith.constant 0 : i32
    %scan3A_211 = arith.constant 1 : i32
    %scan3A_212 = arith.constant 25 : i32
    %scan3A_213 = arith.addi %scan3A_211, %scan3A_212 : i32
    %scan3A_214 = arith.constant 1 : i32
    scf.for %scan3A_324 = %scan3A_211 to %scan3A_213 step %scan3A_214  : i32 {
      %mul3A_325 = arith.constant 2 : i32
      %mul3A_326 = arith.muli %mul3A_325, %scan3A_324 : i32
      %add3A_327 = arith.constant 0 : i32
      %add3A_328 = arith.addi %mul3A_326, %add3A_327 : i32
      %min3A_329 = arith.constant 51 : i32
      %min3A_330 = arith.minsi %add3A_328, %min3A_329 : i32
      %rem3A_331 = arith.constant 13 : i32
      %rem3A_332 = arith.remsi %min3A_330, %rem3A_331 : i32
      %mul3A_333 = arith.constant 16 : i32
      %mul3A_334 = arith.muli %rem3A_332, %mul3A_333 : i32
      %min3A_335 = arith.constant 184 : i32
      %min3A_336 = arith.minsi %mul3A_334, %min3A_335 : i32
      %div3A_337 = arith.constant 13 : i32
      %div3A_338 = arith.divsi %min3A_330, %div3A_337 : i32
      %mul3A_339 = arith.constant 128 : i32
      %mul3A_340 = arith.muli %div3A_338, %mul3A_339 : i32
      %add3A_341 = arith.addi %mul3A_2, %mul3A_340 : i32
      %dma_wait3A_342 = arith.constant 0 : i32
      %dma_wait3A_343 = arith.constant 0 : i32
      %dma_wait3A_344 = arith.constant 0 : i32
      %dma_wait3A_345 = tpu.memref_slice %arg6[%dma_wait3A_342, %dma_wait3A_343, %dma_wait3A_344] : memref<2x16x128xi32, #tpu.memory_space<vmem>> -> memref<1x16x128xi32, #tpu.memory_space<vmem>>
      %dma_wait3A_346 = tpu.memref_squeeze %dma_wait3A_345 : memref<1x16x128xi32, #tpu.memory_space<vmem>> -> memref<16x128xi32, #tpu.memory_space<vmem>>
      %dma_wait3A_347 = tpu.memref_slice %arg3[%min3A_336, %add3A_341] : memref<200x16384xi32, #tpu.memory_space<hbm>> -> memref<16x128xi32, #tpu.memory_space<hbm>>
      %dma_wait3A_348 = arith.constant 0 : i32
      %dma_wait3A_349 = arith.constant 0 : i32
      %dma_wait3A_350 = tpu.memref_slice %arg6[%dma_wait3A_342, %dma_wait3A_348, %dma_wait3A_349] : memref<2x16x128xi32, #tpu.memory_space<vmem>> -> memref<1x16x128xi32, #tpu.memory_space<vmem>>
      %dma_wait3A_351 = tpu.memref_squeeze %dma_wait3A_350 : memref<1x16x128xi32, #tpu.memory_space<vmem>> -> memref<16x128xi32, #tpu.memory_space<vmem>>
      %dma_wait3A_352 = tpu.memref_slice %arg3[%min3A_336, %add3A_341] : memref<200x16384xi32, #tpu.memory_space<hbm>> -> memref<16x128xi32, #tpu.memory_space<hbm>>
      tpu.wait_dma2 semaphore(%arg8 : memref<!tpu.dma_semaphore, #tpu.memory_space<semaphore_mem>>) src(%dma_wait3A_352 : memref<16x128xi32, #tpu.memory_space<hbm>>) dst(%dma_wait3A_351 : memref<16x128xi32, #tpu.memory_space<vmem>>)
      %min3A_353 = arith.constant 51 : i32
      %min3A_354 = arith.minsi %add3A_328, %min3A_353 : i32
      %rem3A_355 = arith.constant 13 : i32
      %rem3A_356 = arith.remsi %min3A_354, %rem3A_355 : i32
      %mul3A_357 = arith.constant 16 : i32
      %mul3A_358 = arith.muli %rem3A_356, %mul3A_357 : i32
      %min3A_359 = arith.constant 184 : i32
      %min3A_360 = arith.minsi %mul3A_358, %min3A_359 : i32
      %div3A_361 = arith.constant 13 : i32
      %div3A_362 = arith.divsi %min3A_354, %div3A_361 : i32
      %mul3A_363 = arith.constant 128 : i32
      %mul3A_364 = arith.muli %div3A_362, %mul3A_363 : i32
      %add3A_365 = arith.addi %mul3A_2, %mul3A_364 : i32
      %dma_wait3A_366 = arith.constant 0 : i32
      %dma_wait3A_367 = arith.constant 0 : i32
      %dma_wait3A_368 = arith.constant 0 : i32
      %dma_wait3A_369 = arith.constant 0 : i32
      %dma_wait3A_370 = tpu.memref_slice %arg7[%dma_wait3A_366, %dma_wait3A_367, %dma_wait3A_368, %dma_wait3A_369] : memref<2x16x16x128xf32, #tpu.memory_space<vmem>> -> memref<1x16x16x128xf32, #tpu.memory_space<vmem>>
      %dma_wait3A_371 = tpu.memref_squeeze %dma_wait3A_370 : memref<1x16x16x128xf32, #tpu.memory_space<vmem>> -> memref<16x16x128xf32, #tpu.memory_space<vmem>>
      %dma_wait3A_372 = arith.constant 0 : i32
      %dma_wait3A_373 = tpu.memref_slice %arg4[%min3A_360, %dma_wait3A_372, %add3A_365] : memref<200x16x16384xf32, #tpu.memory_space<hbm>> -> memref<16x16x128xf32, #tpu.memory_space<hbm>>
      %dma_wait3A_374 = arith.constant 0 : i32
      %dma_wait3A_375 = tpu.memref_slice %arg4[%min3A_360, %dma_wait3A_374, %add3A_365] : memref<200x16x16384xf32, #tpu.memory_space<hbm>> -> memref<16x16x128xf32, #tpu.memory_space<hbm>>
      %dma_wait3A_376 = arith.constant 0 : i32
      %dma_wait3A_377 = arith.constant 0 : i32
      %dma_wait3A_378 = arith.constant 0 : i32
      %dma_wait3A_379 = tpu.memref_slice %arg7[%dma_wait3A_366, %dma_wait3A_376, %dma_wait3A_377, %dma_wait3A_378] : memref<2x16x16x128xf32, #tpu.memory_space<vmem>> -> memref<1x16x16x128xf32, #tpu.memory_space<vmem>>
      %dma_wait3A_380 = tpu.memref_squeeze %dma_wait3A_379 : memref<1x16x16x128xf32, #tpu.memory_space<vmem>> -> memref<16x16x128xf32, #tpu.memory_space<vmem>>
      tpu.wait_dma2 semaphore(%arg10 : memref<!tpu.dma_semaphore, #tpu.memory_space<semaphore_mem>>) src(%dma_wait3A_380 : memref<16x16x128xf32, #tpu.memory_space<vmem>>) dst(%dma_wait3A_375 : memref<16x16x128xf32, #tpu.memory_space<hbm>>)
      %parallel_loop3A_381 = arith.constant 0 : i32
      %parallel_loop3A_382 = arith.constant 128 : i32
      %parallel_loop3A_383 = arith.constant 1 : i32
      scf.for %parallel_loop3A_551 = %parallel_loop3A_381 to %parallel_loop3A_382 step %parallel_loop3A_383  : i32 {
        %parallel_loop3A_552 = arith.constant 8 : i32
        %parallel_loop3A_553 = arith.divsi %parallel_loop3A_551, %parallel_loop3A_552 : i32
        %parallel_loop3A_554 = arith.constant 8 : i32
        %parallel_loop3A_555 = arith.remsi %parallel_loop3A_551, %parallel_loop3A_554 : i32
        %parallel_loop3A_556 = arith.constant 16 : i32
        %parallel_loop3A_557 = arith.muli %parallel_loop3A_555, %parallel_loop3A_556 : i32
        %parallel_loop3A_558 = arith.constant 0 : i32
        %parallel_loop3A_559 = arith.index_cast %parallel_loop3A_558 : i32 to index
        %parallel_loop3A_560 = arith.index_cast %parallel_loop3A_553 : i32 to index
        %parallel_loop3A_561 = arith.index_cast %parallel_loop3A_557 : i32 to index
        %parallel_loop3A_562 = tpu.vector_load %arg6[%parallel_loop3A_559, %parallel_loop3A_560, %parallel_loop3A_561] {strides = array<i32>} : memref<2x16x128xi32, #tpu.memory_space<vmem>>, vector<16xi32>,
        %parallel_loop3A_563 = arith.constant 16 : i32
        %parallel_loop3A_564 = vector.broadcast %parallel_loop3A_563 : i32 to vector<16xi32>
        %parallel_loop3A_565 = arith.muli %parallel_loop3A_562, %parallel_loop3A_564 : vector<16xi32>
        %parallel_loop3A_566 = arith.constant 0 : i32
        %parallel_loop3A_567 = vector.broadcast %parallel_loop3A_566 : i32 to vector<16xi32>
        %parallel_loop3A_568 = arith.addi %parallel_loop3A_565, %parallel_loop3A_567 : vector<16xi32>
        %parallel_loop3A_569 = tpu.vector_load_idx %arg5[%parallel_loop3A_568] : memref<1664xf32, #tpu.memory_space<vmem>>[vector<16xi32>], vector<16xf32>,
        %parallel_loop3A_570 = arith.constant 16 : i32
        %parallel_loop3A_571 = arith.muli %parallel_loop3A_555, %parallel_loop3A_570 : i32
        %parallel_loop3A_572 = arith.constant 0 : i32
        %parallel_loop3A_573 = arith.constant 0 : i32
        %parallel_loop3A_574 = arith.index_cast %parallel_loop3A_572 : i32 to index
        %parallel_loop3A_575 = arith.index_cast %parallel_loop3A_553 : i32 to index
        %parallel_loop3A_576 = arith.index_cast %parallel_loop3A_573 : i32 to index
        %parallel_loop3A_577 = arith.index_cast %parallel_loop3A_571 : i32 to index
        %parallel_loop3A_578 = tpu.vector_load %arg7[%parallel_loop3A_574, %parallel_loop3A_575, %parallel_loop3A_576, %parallel_loop3A_577] {strides = array<i32>} : memref<2x16x16x128xf32, #tpu.memory_space<vmem>>, vector<16xf32>,
        tpu.vector_store %arg7[%parallel_loop3A_574, %parallel_loop3A_575, %parallel_loop3A_576, %parallel_loop3A_577], %parallel_loop3A_569 {strides = array<i32>} : memref<2x16x16x128xf32, #tpu.memory_space<vmem>>, vector<16xf32>,
        %parallel_loop3A_579 = arith.constant 1 : i32
        %parallel_loop3A_580 = vector.broadcast %parallel_loop3A_579 : i32 to vector<16xi32>
        %parallel_loop3A_581 = arith.addi %parallel_loop3A_565, %parallel_loop3A_580 : vector<16xi32>
        %parallel_loop3A_582 = tpu.vector_load_idx %arg5[%parallel_loop3A_581] : memref<1664xf32, #tpu.memory_space<vmem>>[vector<16xi32>], vector<16xf32>,
        %parallel_loop3A_583 = arith.constant 16 : i32
        %parallel_loop3A_584 = arith.muli %parallel_loop3A_555, %parallel_loop3A_583 : i32
        %parallel_loop3A_585 = arith.constant 0 : i32
        %parallel_loop3A_586 = arith.constant 1 : i32
        %parallel_loop3A_587 = arith.index_cast %parallel_loop3A_585 : i32 to index
        %parallel_loop3A_588 = arith.index_cast %parallel_loop3A_553 : i32 to index
        %parallel_loop3A_589 = arith.index_cast %parallel_loop3A_586 : i32 to index
        %parallel_loop3A_590 = arith.index_cast %parallel_loop3A_584 : i32 to index
        %parallel_loop3A_591 = tpu.vector_load %arg7[%parallel_loop3A_587, %parallel_loop3A_588, %parallel_loop3A_589, %parallel_loop3A_590] {strides = array<i32>} : memref<2x16x16x128xf32, #tpu.memory_space<vmem>>, vector<16xf32>,
        tpu.vector_store %arg7[%parallel_loop3A_587, %parallel_loop3A_588, %parallel_loop3A_589, %parallel_loop3A_590], %parallel_loop3A_582 {strides = array<i32>} : memref<2x16x16x128xf32, #tpu.memory_space<vmem>>, vector<16xf32>,
        %parallel_loop3A_592 = arith.constant 2 : i32
        %parallel_loop3A_593 = vector.broadcast %parallel_loop3A_592 : i32 to vector<16xi32>
        %parallel_loop3A_594 = arith.addi %parallel_loop3A_565, %parallel_loop3A_593 : vector<16xi32>
        %parallel_loop3A_595 = tpu.vector_load_idx %arg5[%parallel_loop3A_594] : memref<1664xf32, #tpu.memory_space<vmem>>[vector<16xi32>], vector<16xf32>,
        %parallel_loop3A_596 = arith.constant 16 : i32
        %parallel_loop3A_597 = arith.muli %parallel_loop3A_555, %parallel_loop3A_596 : i32
        %parallel_loop3A_598 = arith.constant 0 : i32
        %parallel_loop3A_599 = arith.constant 2 : i32
        %parallel_loop3A_600 = arith.index_cast %parallel_loop3A_598 : i32 to index
        %parallel_loop3A_601 = arith.index_cast %parallel_loop3A_553 : i32 to index
        %parallel_loop3A_602 = arith.index_cast %parallel_loop3A_599 : i32 to index
        %parallel_loop3A_603 = arith.index_cast %parallel_loop3A_597 : i32 to index
        %parallel_loop3A_604 = tpu.vector_load %arg7[%parallel_loop3A_600, %parallel_loop3A_601, %parallel_loop3A_602, %parallel_loop3A_603] {strides = array<i32>} : memref<2x16x16x128xf32, #tpu.memory_space<vmem>>, vector<16xf32>,
        tpu.vector_store %arg7[%parallel_loop3A_600, %parallel_loop3A_601, %parallel_loop3A_602, %parallel_loop3A_603], %parallel_loop3A_595 {strides = array<i32>} : memref<2x16x16x128xf32, #tpu.memory_space<vmem>>, vector<16xf32>,
        %parallel_loop3A_605 = arith.constant 3 : i32
        %parallel_loop3A_606 = vector.broadcast %parallel_loop3A_605 : i32 to vector<16xi32>
        %parallel_loop3A_607 = arith.addi %parallel_loop3A_565, %parallel_loop3A_606 : vector<16xi32>
        %parallel_loop3A_608 = tpu.vector_load_idx %arg5[%parallel_loop3A_607] : memref<1664xf32, #tpu.memory_space<vmem>>[vector<16xi32>], vector<16xf32>,
        %parallel_loop3A_609 = arith.constant 16 : i32
        %parallel_loop3A_610 = arith.muli %parallel_loop3A_555, %parallel_loop3A_609 : i32
        %parallel_loop3A_611 = arith.constant 0 : i32
        %parallel_loop3A_612 = arith.constant 3 : i32
        %parallel_loop3A_613 = arith.index_cast %parallel_loop3A_611 : i32 to index
        %parallel_loop3A_614 = arith.index_cast %parallel_loop3A_553 : i32 to index
        %parallel_loop3A_615 = arith.index_cast %parallel_loop3A_612 : i32 to index
        %parallel_loop3A_616 = arith.index_cast %parallel_loop3A_610 : i32 to index
        %parallel_loop3A_617 = tpu.vector_load %arg7[%parallel_loop3A_613, %parallel_loop3A_614, %parallel_loop3A_615, %parallel_loop3A_616] {strides = array<i32>} : memref<2x16x16x128xf32, #tpu.memory_space<vmem>>, vector<16xf32>,
        tpu.vector_store %arg7[%parallel_loop3A_613, %parallel_loop3A_614, %parallel_loop3A_615, %parallel_loop3A_616], %parallel_loop3A_608 {strides = array<i32>} : memref<2x16x16x128xf32, #tpu.memory_space<vmem>>, vector<16xf32>,
        %parallel_loop3A_618 = arith.constant 4 : i32
        %parallel_loop3A_619 = vector.broadcast %parallel_loop3A_618 : i32 to vector<16xi32>
        %parallel_loop3A_620 = arith.addi %parallel_loop3A_565, %parallel_loop3A_619 : vector<16xi32>
        %parallel_loop3A_621 = tpu.vector_load_idx %arg5[%parallel_loop3A_620] : memref<1664xf32, #tpu.memory_space<vmem>>[vector<16xi32>], vector<16xf32>,
        %parallel_loop3A_622 = arith.constant 16 : i32
        %parallel_loop3A_623 = arith.muli %parallel_loop3A_555, %parallel_loop3A_622 : i32
        %parallel_loop3A_624 = arith.constant 0 : i32
        %parallel_loop3A_625 = arith.constant 4 : i32
        %parallel_loop3A_626 = arith.index_cast %parallel_loop3A_624 : i32 to index
        %parallel_loop3A_627 = arith.index_cast %parallel_loop3A_553 : i32 to index
        %parallel_loop3A_628 = arith.index_cast %parallel_loop3A_625 : i32 to index
        %parallel_loop3A_629 = arith.index_cast %parallel_loop3A_623 : i32 to index
        %parallel_loop3A_630 = tpu.vector_load %arg7[%parallel_loop3A_626, %parallel_loop3A_627, %parallel_loop3A_628, %parallel_loop3A_629] {strides = array<i32>} : memref<2x16x16x128xf32, #tpu.memory_space<vmem>>, vector<16xf32>,
        tpu.vector_store %arg7[%parallel_loop3A_626, %parallel_loop3A_627, %parallel_loop3A_628, %parallel_loop3A_629], %parallel_loop3A_621 {strides = array<i32>} : memref<2x16x16x128xf32, #tpu.memory_space<vmem>>, vector<16xf32>,
        %parallel_loop3A_631 = arith.constant 5 : i32
        %parallel_loop3A_632 = vector.broadcast %parallel_loop3A_631 : i32 to vector<16xi32>
        %parallel_loop3A_633 = arith.addi %parallel_loop3A_565, %parallel_loop3A_632 : vector<16xi32>
        %parallel_loop3A_634 = tpu.vector_load_idx %arg5[%parallel_loop3A_633] : memref<1664xf32, #tpu.memory_space<vmem>>[vector<16xi32>], vector<16xf32>,
        %parallel_loop3A_635 = arith.constant 16 : i32
        %parallel_loop3A_636 = arith.muli %parallel_loop3A_555, %parallel_loop3A_635 : i32
        %parallel_loop3A_637 = arith.constant 0 : i32
        %parallel_loop3A_638 = arith.constant 5 : i32
        %parallel_loop3A_639 = arith.index_cast %parallel_loop3A_637 : i32 to index
        %parallel_loop3A_640 = arith.index_cast %parallel_loop3A_553 : i32 to index
        %parallel_loop3A_641 = arith.index_cast %parallel_loop3A_638 : i32 to index
        %parallel_loop3A_642 = arith.index_cast %parallel_loop3A_636 : i32 to index
        %parallel_loop3A_643 = tpu.vector_load %arg7[%parallel_loop3A_639, %parallel_loop3A_640, %parallel_loop3A_641, %parallel_loop3A_642] {strides = array<i32>} : memref<2x16x16x128xf32, #tpu.memory_space<vmem>>, vector<16xf32>,
        tpu.vector_store %arg7[%parallel_loop3A_639, %parallel_loop3A_640, %parallel_loop3A_641, %parallel_loop3A_642], %parallel_loop3A_634 {strides = array<i32>} : memref<2x16x16x128xf32, #tpu.memory_space<vmem>>, vector<16xf32>,
        %parallel_loop3A_644 = arith.constant 6 : i32
        %parallel_loop3A_645 = vector.broadcast %parallel_loop3A_644 : i32 to vector<16xi32>
        %parallel_loop3A_646 = arith.addi %parallel_loop3A_565, %parallel_loop3A_645 : vector<16xi32>
        %parallel_loop3A_647 = tpu.vector_load_idx %arg5[%parallel_loop3A_646] : memref<1664xf32, #tpu.memory_space<vmem>>[vector<16xi32>], vector<16xf32>,
        %parallel_loop3A_648 = arith.constant 16 : i32
        %parallel_loop3A_649 = arith.muli %parallel_loop3A_555, %parallel_loop3A_648 : i32
        %parallel_loop3A_650 = arith.constant 0 : i32
        %parallel_loop3A_651 = arith.constant 6 : i32
        %parallel_loop3A_652 = arith.index_cast %parallel_loop3A_650 : i32 to index
        %parallel_loop3A_653 = arith.index_cast %parallel_loop3A_553 : i32 to index
        %parallel_loop3A_654 = arith.index_cast %parallel_loop3A_651 : i32 to index
        %parallel_loop3A_655 = arith.index_cast %parallel_loop3A_649 : i32 to index
        %parallel_loop3A_656 = tpu.vector_load %arg7[%parallel_loop3A_652, %parallel_loop3A_653, %parallel_loop3A_654, %parallel_loop3A_655] {strides = array<i32>} : memref<2x16x16x128xf32, #tpu.memory_space<vmem>>, vector<16xf32>,
        tpu.vector_store %arg7[%parallel_loop3A_652, %parallel_loop3A_653, %parallel_loop3A_654, %parallel_loop3A_655], %parallel_loop3A_647 {strides = array<i32>} : memref<2x16x16x128xf32, #tpu.memory_space<vmem>>, vector<16xf32>,
        %parallel_loop3A_657 = arith.constant 7 : i32
        %parallel_loop3A_658 = vector.broadcast %parallel_loop3A_657 : i32 to vector<16xi32>
        %parallel_loop3A_659 = arith.addi %parallel_loop3A_565, %parallel_loop3A_658 : vector<16xi32>
        %parallel_loop3A_660 = tpu.vector_load_idx %arg5[%parallel_loop3A_659] : memref<1664xf32, #tpu.memory_space<vmem>>[vector<16xi32>], vector<16xf32>,
        %parallel_loop3A_661 = arith.constant 16 : i32
        %parallel_loop3A_662 = arith.muli %parallel_loop3A_555, %parallel_loop3A_661 : i32
        %parallel_loop3A_663 = arith.constant 0 : i32
        %parallel_loop3A_664 = arith.constant 7 : i32
        %parallel_loop3A_665 = arith.index_cast %parallel_loop3A_663 : i32 to index
        %parallel_loop3A_666 = arith.index_cast %parallel_loop3A_553 : i32 to index
        %parallel_loop3A_667 = arith.index_cast %parallel_loop3A_664 : i32 to index
        %parallel_loop3A_668 = arith.index_cast %parallel_loop3A_662 : i32 to index
        %parallel_loop3A_669 = tpu.vector_load %arg7[%parallel_loop3A_665, %parallel_loop3A_666, %parallel_loop3A_667, %parallel_loop3A_668] {strides = array<i32>} : memref<2x16x16x128xf32, #tpu.memory_space<vmem>>, vector<16xf32>,
        tpu.vector_store %arg7[%parallel_loop3A_665, %parallel_loop3A_666, %parallel_loop3A_667, %parallel_loop3A_668], %parallel_loop3A_660 {strides = array<i32>} : memref<2x16x16x128xf32, #tpu.memory_space<vmem>>, vector<16xf32>,
        %parallel_loop3A_670 = arith.constant 8 : i32
        %parallel_loop3A_671 = vector.broadcast %parallel_loop3A_670 : i32 to vector<16xi32>
        %parallel_loop3A_672 = arith.addi %parallel_loop3A_565, %parallel_loop3A_671 : vector<16xi32>
        %parallel_loop3A_673 = tpu.vector_load_idx %arg5[%parallel_loop3A_672] : memref<1664xf32, #tpu.memory_space<vmem>>[vector<16xi32>], vector<16xf32>,
        %parallel_loop3A_674 = arith.constant 16 : i32
        %parallel_loop3A_675 = arith.muli %parallel_loop3A_555, %parallel_loop3A_674 : i32
        %parallel_loop3A_676 = arith.constant 0 : i32
        %parallel_loop3A_677 = arith.constant 8 : i32
        %parallel_loop3A_678 = arith.index_cast %parallel_loop3A_676 : i32 to index
        %parallel_loop3A_679 = arith.index_cast %parallel_loop3A_553 : i32 to index
        %parallel_loop3A_680 = arith.index_cast %parallel_loop3A_677 : i32 to index
        %parallel_loop3A_681 = arith.index_cast %parallel_loop3A_675 : i32 to index
        %parallel_loop3A_682 = tpu.vector_load %arg7[%parallel_loop3A_678, %parallel_loop3A_679, %parallel_loop3A_680, %parallel_loop3A_681] {strides = array<i32>} : memref<2x16x16x128xf32, #tpu.memory_space<vmem>>, vector<16xf32>,
        tpu.vector_store %arg7[%parallel_loop3A_678, %parallel_loop3A_679, %parallel_loop3A_680, %parallel_loop3A_681], %parallel_loop3A_673 {strides = array<i32>} : memref<2x16x16x128xf32, #tpu.memory_space<vmem>>, vector<16xf32>,
        %parallel_loop3A_683 = arith.constant 9 : i32
        %parallel_loop3A_684 = vector.broadcast %parallel_loop3A_683 : i32 to vector<16xi32>
        %parallel_loop3A_685 = arith.addi %parallel_loop3A_565, %parallel_loop3A_684 : vector<16xi32>
        %parallel_loop3A_686 = tpu.vector_load_idx %arg5[%parallel_loop3A_685] : memref<1664xf32, #tpu.memory_space<vmem>>[vector<16xi32>], vector<16xf32>,
        %parallel_loop3A_687 = arith.constant 16 : i32
        %parallel_loop3A_688 = arith.muli %parallel_loop3A_555, %parallel_loop3A_687 : i32
        %parallel_loop3A_689 = arith.constant 0 : i32
        %parallel_loop3A_690 = arith.constant 9 : i32
        %parallel_loop3A_691 = arith.index_cast %parallel_loop3A_689 : i32 to index
        %parallel_loop3A_692 = arith.index_cast %parallel_loop3A_553 : i32 to index
        %parallel_loop3A_693 = arith.index_cast %parallel_loop3A_690 : i32 to index
        %parallel_loop3A_694 = arith.index_cast %parallel_loop3A_688 : i32 to index
        %parallel_loop3A_695 = tpu.vector_load %arg7[%parallel_loop3A_691, %parallel_loop3A_692, %parallel_loop3A_693, %parallel_loop3A_694] {strides = array<i32>} : memref<2x16x16x128xf32, #tpu.memory_space<vmem>>, vector<16xf32>,
        tpu.vector_store %arg7[%parallel_loop3A_691, %parallel_loop3A_692, %parallel_loop3A_693, %parallel_loop3A_694], %parallel_loop3A_686 {strides = array<i32>} : memref<2x16x16x128xf32, #tpu.memory_space<vmem>>, vector<16xf32>,
        %parallel_loop3A_696 = arith.constant 10 : i32
        %parallel_loop3A_697 = vector.broadcast %parallel_loop3A_696 : i32 to vector<16xi32>
        %parallel_loop3A_698 = arith.addi %parallel_loop3A_565, %parallel_loop3A_697 : vector<16xi32>
        %parallel_loop3A_699 = tpu.vector_load_idx %arg5[%parallel_loop3A_698] : memref<1664xf32, #tpu.memory_space<vmem>>[vector<16xi32>], vector<16xf32>,
        %parallel_loop3A_700 = arith.constant 16 : i32
        %parallel_loop3A_701 = arith.muli %parallel_loop3A_555, %parallel_loop3A_700 : i32
        %parallel_loop3A_702 = arith.constant 0 : i32
        %parallel_loop3A_703 = arith.constant 10 : i32
        %parallel_loop3A_704 = arith.index_cast %parallel_loop3A_702 : i32 to index
        %parallel_loop3A_705 = arith.index_cast %parallel_loop3A_553 : i32 to index
        %parallel_loop3A_706 = arith.index_cast %parallel_loop3A_703 : i32 to index
        %parallel_loop3A_707 = arith.index_cast %parallel_loop3A_701 : i32 to index
        %parallel_loop3A_708 = tpu.vector_load %arg7[%parallel_loop3A_704, %parallel_loop3A_705, %parallel_loop3A_706, %parallel_loop3A_707] {strides = array<i32>} : memref<2x16x16x128xf32, #tpu.memory_space<vmem>>, vector<16xf32>,
        tpu.vector_store %arg7[%parallel_loop3A_704, %parallel_loop3A_705, %parallel_loop3A_706, %parallel_loop3A_707], %parallel_loop3A_699 {strides = array<i32>} : memref<2x16x16x128xf32, #tpu.memory_space<vmem>>, vector<16xf32>,
        %parallel_loop3A_709 = arith.constant 11 : i32
        %parallel_loop3A_710 = vector.broadcast %parallel_loop3A_709 : i32 to vector<16xi32>
        %parallel_loop3A_711 = arith.addi %parallel_loop3A_565, %parallel_loop3A_710 : vector<16xi32>
        %parallel_loop3A_712 = tpu.vector_load_idx %arg5[%parallel_loop3A_711] : memref<1664xf32, #tpu.memory_space<vmem>>[vector<16xi32>], vector<16xf32>,
        %parallel_loop3A_713 = arith.constant 16 : i32
        %parallel_loop3A_714 = arith.muli %parallel_loop3A_555, %parallel_loop3A_713 : i32
        %parallel_loop3A_715 = arith.constant 0 : i32
        %parallel_loop3A_716 = arith.constant 11 : i32
        %parallel_loop3A_717 = arith.index_cast %parallel_loop3A_715 : i32 to index
        %parallel_loop3A_718 = arith.index_cast %parallel_loop3A_553 : i32 to index
        %parallel_loop3A_719 = arith.index_cast %parallel_loop3A_716 : i32 to index
        %parallel_loop3A_720 = arith.index_cast %parallel_loop3A_714 : i32 to index
        %parallel_loop3A_721 = tpu.vector_load %arg7[%parallel_loop3A_717, %parallel_loop3A_718, %parallel_loop3A_719, %parallel_loop3A_720] {strides = array<i32>} : memref<2x16x16x128xf32, #tpu.memory_space<vmem>>, vector<16xf32>,
        tpu.vector_store %arg7[%parallel_loop3A_717, %parallel_loop3A_718, %parallel_loop3A_719, %parallel_loop3A_720], %parallel_loop3A_712 {strides = array<i32>} : memref<2x16x16x128xf32, #tpu.memory_space<vmem>>, vector<16xf32>,
        %parallel_loop3A_722 = arith.constant 12 : i32
        %parallel_loop3A_723 = vector.broadcast %parallel_loop3A_722 : i32 to vector<16xi32>
        %parallel_loop3A_724 = arith.addi %parallel_loop3A_565, %parallel_loop3A_723 : vector<16xi32>
        %parallel_loop3A_725 = tpu.vector_load_idx %arg5[%parallel_loop3A_724] : memref<1664xf32, #tpu.memory_space<vmem>>[vector<16xi32>], vector<16xf32>,
        %parallel_loop3A_726 = arith.constant 16 : i32
        %parallel_loop3A_727 = arith.muli %parallel_loop3A_555, %parallel_loop3A_726 : i32
        %parallel_loop3A_728 = arith.constant 0 : i32
        %parallel_loop3A_729 = arith.constant 12 : i32
        %parallel_loop3A_730 = arith.index_cast %parallel_loop3A_728 : i32 to index
        %parallel_loop3A_731 = arith.index_cast %parallel_loop3A_553 : i32 to index
        %parallel_loop3A_732 = arith.index_cast %parallel_loop3A_729 : i32 to index
        %parallel_loop3A_733 = arith.index_cast %parallel_loop3A_727 : i32 to index
        %parallel_loop3A_734 = tpu.vector_load %arg7[%parallel_loop3A_730, %parallel_loop3A_731, %parallel_loop3A_732, %parallel_loop3A_733] {strides = array<i32>} : memref<2x16x16x128xf32, #tpu.memory_space<vmem>>, vector<16xf32>,
        tpu.vector_store %arg7[%parallel_loop3A_730, %parallel_loop3A_731, %parallel_loop3A_732, %parallel_loop3A_733], %parallel_loop3A_725 {strides = array<i32>} : memref<2x16x16x128xf32, #tpu.memory_space<vmem>>, vector<16xf32>,
        %parallel_loop3A_735 = arith.constant 13 : i32
        %parallel_loop3A_736 = vector.broadcast %parallel_loop3A_735 : i32 to vector<16xi32>
        %parallel_loop3A_737 = arith.addi %parallel_loop3A_565, %parallel_loop3A_736 : vector<16xi32>
        %parallel_loop3A_738 = tpu.vector_load_idx %arg5[%parallel_loop3A_737] : memref<1664xf32, #tpu.memory_space<vmem>>[vector<16xi32>], vector<16xf32>,
        %parallel_loop3A_739 = arith.constant 16 : i32
        %parallel_loop3A_740 = arith.muli %parallel_loop3A_555, %parallel_loop3A_739 : i32
        %parallel_loop3A_741 = arith.constant 0 : i32
        %parallel_loop3A_742 = arith.constant 13 : i32
        %parallel_loop3A_743 = arith.index_cast %parallel_loop3A_741 : i32 to index
        %parallel_loop3A_744 = arith.index_cast %parallel_loop3A_553 : i32 to index
        %parallel_loop3A_745 = arith.index_cast %parallel_loop3A_742 : i32 to index
        %parallel_loop3A_746 = arith.index_cast %parallel_loop3A_740 : i32 to index
        %parallel_loop3A_747 = tpu.vector_load %arg7[%parallel_loop3A_743, %parallel_loop3A_744, %parallel_loop3A_745, %parallel_loop3A_746] {strides = array<i32>} : memref<2x16x16x128xf32, #tpu.memory_space<vmem>>, vector<16xf32>,
        tpu.vector_store %arg7[%parallel_loop3A_743, %parallel_loop3A_744, %parallel_loop3A_745, %parallel_loop3A_746], %parallel_loop3A_738 {strides = array<i32>} : memref<2x16x16x128xf32, #tpu.memory_space<vmem>>, vector<16xf32>,
        %parallel_loop3A_748 = arith.constant 14 : i32
        %parallel_loop3A_749 = vector.broadcast %parallel_loop3A_748 : i32 to vector<16xi32>
        %parallel_loop3A_750 = arith.addi %parallel_loop3A_565, %parallel_loop3A_749 : vector<16xi32>
        %parallel_loop3A_751 = tpu.vector_load_idx %arg5[%parallel_loop3A_750] : memref<1664xf32, #tpu.memory_space<vmem>>[vector<16xi32>], vector<16xf32>,
        %parallel_loop3A_752 = arith.constant 16 : i32
        %parallel_loop3A_753 = arith.muli %parallel_loop3A_555, %parallel_loop3A_752 : i32
        %parallel_loop3A_754 = arith.constant 0 : i32
        %parallel_loop3A_755 = arith.constant 14 : i32
        %parallel_loop3A_756 = arith.index_cast %parallel_loop3A_754 : i32 to index
        %parallel_loop3A_757 = arith.index_cast %parallel_loop3A_553 : i32 to index
        %parallel_loop3A_758 = arith.index_cast %parallel_loop3A_755 : i32 to index
        %parallel_loop3A_759 = arith.index_cast %parallel_loop3A_753 : i32 to index
        %parallel_loop3A_760 = tpu.vector_load %arg7[%parallel_loop3A_756, %parallel_loop3A_757, %parallel_loop3A_758, %parallel_loop3A_759] {strides = array<i32>} : memref<2x16x16x128xf32, #tpu.memory_space<vmem>>, vector<16xf32>,
        tpu.vector_store %arg7[%parallel_loop3A_756, %parallel_loop3A_757, %parallel_loop3A_758, %parallel_loop3A_759], %parallel_loop3A_751 {strides = array<i32>} : memref<2x16x16x128xf32, #tpu.memory_space<vmem>>, vector<16xf32>,
        %parallel_loop3A_761 = arith.constant 15 : i32
        %parallel_loop3A_762 = vector.broadcast %parallel_loop3A_761 : i32 to vector<16xi32>
        %parallel_loop3A_763 = arith.addi %parallel_loop3A_565, %parallel_loop3A_762 : vector<16xi32>
        %parallel_loop3A_764 = tpu.vector_load_idx %arg5[%parallel_loop3A_763] : memref<1664xf32, #tpu.memory_space<vmem>>[vector<16xi32>], vector<16xf32>,
        %parallel_loop3A_765 = arith.constant 16 : i32
        %parallel_loop3A_766 = arith.muli %parallel_loop3A_555, %parallel_loop3A_765 : i32
        %parallel_loop3A_767 = arith.constant 0 : i32
        %parallel_loop3A_768 = arith.constant 15 : i32
        %parallel_loop3A_769 = arith.index_cast %parallel_loop3A_767 : i32 to index
        %parallel_loop3A_770 = arith.index_cast %parallel_loop3A_553 : i32 to index
        %parallel_loop3A_771 = arith.index_cast %parallel_loop3A_768 : i32 to index
        %parallel_loop3A_772 = arith.index_cast %parallel_loop3A_766 : i32 to index
        %parallel_loop3A_773 = tpu.vector_load %arg7[%parallel_loop3A_769, %parallel_loop3A_770, %parallel_loop3A_771, %parallel_loop3A_772] {strides = array<i32>} : memref<2x16x16x128xf32, #tpu.memory_space<vmem>>, vector<16xf32>,
        tpu.vector_store %arg7[%parallel_loop3A_769, %parallel_loop3A_770, %parallel_loop3A_771, %parallel_loop3A_772], %parallel_loop3A_764 {strides = array<i32>} : memref<2x16x16x128xf32, #tpu.memory_space<vmem>>, vector<16xf32>,
      } {sc.loop_unroll_factor = 3 : i64, sc.parallel_access}
      %min3A_384 = arith.constant 51 : i32
      %min3A_385 = arith.minsi %add3A_328, %min3A_384 : i32
      %rem3A_386 = arith.constant 13 : i32
      %rem3A_387 = arith.remsi %min3A_385, %rem3A_386 : i32
      %mul3A_388 = arith.constant 16 : i32
      %mul3A_389 = arith.muli %rem3A_387, %mul3A_388 : i32
      %min3A_390 = arith.constant 184 : i32
      %min3A_391 = arith.minsi %mul3A_389, %min3A_390 : i32
      %div3A_392 = arith.constant 13 : i32
      %div3A_393 = arith.divsi %min3A_385, %div3A_392 : i32
      %mul3A_394 = arith.constant 128 : i32
      %mul3A_395 = arith.muli %div3A_393, %mul3A_394 : i32
      %add3A_396 = arith.addi %mul3A_2, %mul3A_395 : i32
      %dma_start3A_397 = arith.constant 0 : i32
      %dma_start3A_398 = arith.constant 0 : i32
      %dma_start3A_399 = arith.constant 0 : i32
      %dma_start3A_400 = arith.constant 0 : i32
      %dma_start3A_401 = tpu.memref_slice %arg7[%dma_start3A_397, %dma_start3A_398, %dma_start3A_399, %dma_start3A_400] : memref<2x16x16x128xf32, #tpu.memory_space<vmem>> -> memref<1x16x16x128xf32, #tpu.memory_space<vmem>>
      %dma_start3A_402 = tpu.memref_squeeze %dma_start3A_401 : memref<1x16x16x128xf32, #tpu.memory_space<vmem>> -> memref<16x16x128xf32, #tpu.memory_space<vmem>>
      %dma_start3A_403 = arith.constant 0 : i32
      %dma_start3A_404 = tpu.memref_slice %arg4[%min3A_391, %dma_start3A_403, %add3A_396] : memref<200x16x16384xf32, #tpu.memory_space<hbm>> -> memref<16x16x128xf32, #tpu.memory_space<hbm>>
      %dma_start3A_405 = arith.constant 0 : i32
      %dma_start3A_406 = tpu.memref_slice %arg4[%min3A_391, %dma_start3A_405, %add3A_396] : memref<200x16x16384xf32, #tpu.memory_space<hbm>> -> memref<16x16x128xf32, #tpu.memory_space<hbm>>
      %dma_start3A_407 = arith.constant 0 : i32
      %dma_start3A_408 = arith.constant 0 : i32
      %dma_start3A_409 = arith.constant 0 : i32
      %dma_start3A_410 = tpu.memref_slice %arg7[%dma_start3A_397, %dma_start3A_407, %dma_start3A_408, %dma_start3A_409] : memref<2x16x16x128xf32, #tpu.memory_space<vmem>> -> memref<1x16x16x128xf32, #tpu.memory_space<vmem>>
      %dma_start3A_411 = tpu.memref_squeeze %dma_start3A_410 : memref<1x16x16x128xf32, #tpu.memory_space<vmem>> -> memref<16x16x128xf32, #tpu.memory_space<vmem>>
      tpu.enqueue_dma source(%dma_start3A_411 : memref<16x16x128xf32, #tpu.memory_space<vmem>>) target(%dma_start3A_406 : memref<16x16x128xf32, #tpu.memory_space<hbm>>) target_semaphore(%arg10 : memref<!tpu.dma_semaphore, #tpu.memory_space<semaphore_mem>>)
      %add3A_412 = arith.constant 2 : i32
      %add3A_413 = arith.addi %add3A_328, %add3A_412 : i32
      %min3A_414 = arith.constant 51 : i32
      %min3A_415 = arith.minsi %add3A_413, %min3A_414 : i32
      %rem3A_416 = arith.constant 13 : i32
      %rem3A_417 = arith.remsi %min3A_415, %rem3A_416 : i32
      %mul3A_418 = arith.constant 16 : i32
      %mul3A_419 = arith.muli %rem3A_417, %mul3A_418 : i32
      %min3A_420 = arith.constant 184 : i32
      %min3A_421 = arith.minsi %mul3A_419, %min3A_420 : i32
      %div3A_422 = arith.constant 13 : i32
      %div3A_423 = arith.divsi %min3A_415, %div3A_422 : i32
      %mul3A_424 = arith.constant 128 : i32
      %mul3A_425 = arith.muli %div3A_423, %mul3A_424 : i32
      %add3A_426 = arith.addi %mul3A_2, %mul3A_425 : i32
      %dma_start3A_427 = arith.constant 0 : i32
      %dma_start3A_428 = arith.constant 0 : i32
      %dma_start3A_429 = arith.constant 0 : i32
      %dma_start3A_430 = tpu.memref_slice %arg6[%dma_start3A_427, %dma_start3A_428, %dma_start3A_429] : memref<2x16x128xi32, #tpu.memory_space<vmem>> -> memref<1x16x128xi32, #tpu.memory_space<vmem>>
      %dma_start3A_431 = tpu.memref_squeeze %dma_start3A_430 : memref<1x16x128xi32, #tpu.memory_space<vmem>> -> memref<16x128xi32, #tpu.memory_space<vmem>>
      %dma_start3A_432 = tpu.memref_slice %arg3[%min3A_421, %add3A_426] : memref<200x16384xi32, #tpu.memory_space<hbm>> -> memref<16x128xi32, #tpu.memory_space<hbm>>
      %dma_start3A_433 = arith.constant 0 : i32
      %dma_start3A_434 = arith.constant 0 : i32
      %dma_start3A_435 = tpu.memref_slice %arg6[%dma_start3A_427, %dma_start3A_433, %dma_start3A_434] : memref<2x16x128xi32, #tpu.memory_space<vmem>> -> memref<1x16x128xi32, #tpu.memory_space<vmem>>
      %dma_start3A_436 = tpu.memref_squeeze %dma_start3A_435 : memref<1x16x128xi32, #tpu.memory_space<vmem>> -> memref<16x128xi32, #tpu.memory_space<vmem>>
      %dma_start3A_437 = tpu.memref_slice %arg3[%min3A_421, %add3A_426] : memref<200x16384xi32, #tpu.memory_space<hbm>> -> memref<16x128xi32, #tpu.memory_space<hbm>>
      tpu.enqueue_dma source(%dma_start3A_437 : memref<16x128xi32, #tpu.memory_space<hbm>>) target(%dma_start3A_436 : memref<16x128xi32, #tpu.memory_space<vmem>>) target_semaphore(%arg8 : memref<!tpu.dma_semaphore, #tpu.memory_space<semaphore_mem>>)
      %mul3A_438 = arith.constant 2 : i32
      %mul3A_439 = arith.muli %mul3A_438, %scan3A_324 : i32
      %add3A_440 = arith.constant 1 : i32
      %add3A_441 = arith.addi %mul3A_439, %add3A_440 : i32
      %min3A_442 = arith.constant 51 : i32
      %min3A_443 = arith.minsi %add3A_441, %min3A_442 : i32
      %rem3A_444 = arith.constant 13 : i32
      %rem3A_445 = arith.remsi %min3A_443, %rem3A_444 : i32
      %mul3A_446 = arith.constant 16 : i32
      %mul3A_447 = arith.muli %rem3A_445, %mul3A_446 : i32
      %min3A_448 = arith.constant 184 : i32
      %min3A_449 = arith.minsi %mul3A_447, %min3A_448 : i32
      %div3A_450 = arith.constant 13 : i32
      %div3A_451 = arith.divsi %min3A_443, %div3A_450 : i32
      %mul3A_452 = arith.constant 128 : i32
      %mul3A_453 = arith.muli %div3A_451, %mul3A_452 : i32
      %add3A_454 = arith.addi %mul3A_2, %mul3A_453 : i32
      %dma_wait3A_455 = arith.constant 1 : i32
      %dma_wait3A_456 = arith.constant 0 : i32
      %dma_wait3A_457 = arith.constant 0 : i32
      %dma_wait3A_458 = tpu.memref_slice %arg6[%dma_wait3A_455, %dma_wait3A_456, %dma_wait3A_457] : memref<2x16x128xi32, #tpu.memory_space<vmem>> -> memref<1x16x128xi32, #tpu.memory_space<vmem>>
      %dma_wait3A_459 = tpu.memref_squeeze %dma_wait3A_458 : memref<1x16x128xi32, #tpu.memory_space<vmem>> -> memref<16x128xi32, #tpu.memory_space<vmem>>
      %dma_wait3A_460 = tpu.memref_slice %arg3[%min3A_449, %add3A_454] : memref<200x16384xi32, #tpu.memory_space<hbm>> -> memref<16x128xi32, #tpu.memory_space<hbm>>
      %dma_wait3A_461 = arith.constant 0 : i32
      %dma_wait3A_462 = arith.constant 0 : i32
      %dma_wait3A_463 = tpu.memref_slice %arg6[%dma_wait3A_455, %dma_wait3A_461, %dma_wait3A_462] : memref<2x16x128xi32, #tpu.memory_space<vmem>> -> memref<1x16x128xi32, #tpu.memory_space<vmem>>
      %dma_wait3A_464 = tpu.memref_squeeze %dma_wait3A_463 : memref<1x16x128xi32, #tpu.memory_space<vmem>> -> memref<16x128xi32, #tpu.memory_space<vmem>>
      %dma_wait3A_465 = tpu.memref_slice %arg3[%min3A_449, %add3A_454] : memref<200x16384xi32, #tpu.memory_space<hbm>> -> memref<16x128xi32, #tpu.memory_space<hbm>>
      tpu.wait_dma2 semaphore(%arg9 : memref<!tpu.dma_semaphore, #tpu.memory_space<semaphore_mem>>) src(%dma_wait3A_465 : memref<16x128xi32, #tpu.memory_space<hbm>>) dst(%dma_wait3A_464 : memref<16x128xi32, #tpu.memory_space<vmem>>)
      %min3A_466 = arith.constant 51 : i32
      %min3A_467 = arith.minsi %add3A_441, %min3A_466 : i32
      %rem3A_468 = arith.constant 13 : i32
      %rem3A_469 = arith.remsi %min3A_467, %rem3A_468 : i32
      %mul3A_470 = arith.constant 16 : i32
      %mul3A_471 = arith.muli %rem3A_469, %mul3A_470 : i32
      %min3A_472 = arith.constant 184 : i32
      %min3A_473 = arith.minsi %mul3A_471, %min3A_472 : i32
      %div3A_474 = arith.constant 13 : i32
      %div3A_475 = arith.divsi %min3A_467, %div3A_474 : i32
      %mul3A_476 = arith.constant 128 : i32
      %mul3A_477 = arith.muli %div3A_475, %mul3A_476 : i32
      %add3A_478 = arith.addi %mul3A_2, %mul3A_477 : i32
      %dma_wait3A_479 = arith.constant 1 : i32
      %dma_wait3A_480 = arith.constant 0 : i32
      %dma_wait3A_481 = arith.constant 0 : i32
      %dma_wait3A_482 = arith.constant 0 : i32
      %dma_wait3A_483 = tpu.memref_slice %arg7[%dma_wait3A_479, %dma_wait3A_480, %dma_wait3A_481, %dma_wait3A_482] : memref<2x16x16x128xf32, #tpu.memory_space<vmem>> -> memref<1x16x16x128xf32, #tpu.memory_space<vmem>>
      %dma_wait3A_484 = tpu.memref_squeeze %dma_wait3A_483 : memref<1x16x16x128xf32, #tpu.memory_space<vmem>> -> memref<16x16x128xf32, #tpu.memory_space<vmem>>
      %dma_wait3A_485 = arith.constant 0 : i32
      %dma_wait3A_486 = tpu.memref_slice %arg4[%min3A_473, %dma_wait3A_485, %add3A_478] : memref<200x16x16384xf32, #tpu.memory_space<hbm>> -> memref<16x16x128xf32, #tpu.memory_space<hbm>>
      %dma_wait3A_487 = arith.constant 0 : i32
      %dma_wait3A_488 = tpu.memref_slice %arg4[%min3A_473, %dma_wait3A_487, %add3A_478] : memref<200x16x16384xf32, #tpu.memory_space<hbm>> -> memref<16x16x128xf32, #tpu.memory_space<hbm>>
      %dma_wait3A_489 = arith.constant 0 : i32
      %dma_wait3A_490 = arith.constant 0 : i32
      %dma_wait3A_491 = arith.constant 0 : i32
      %dma_wait3A_492 = tpu.memref_slice %arg7[%dma_wait3A_479, %dma_wait3A_489, %dma_wait3A_490, %dma_wait3A_491] : memref<2x16x16x128xf32, #tpu.memory_space<vmem>> -> memref<1x16x16x128xf32, #tpu.memory_space<vmem>>
      %dma_wait3A_493 = tpu.memref_squeeze %dma_wait3A_492 : memref<1x16x16x128xf32, #tpu.memory_space<vmem>> -> memref<16x16x128xf32, #tpu.memory_space<vmem>>
      tpu.wait_dma2 semaphore(%arg11 : memref<!tpu.dma_semaphore, #tpu.memory_space<semaphore_mem>>) src(%dma_wait3A_493 : memref<16x16x128xf32, #tpu.memory_space<vmem>>) dst(%dma_wait3A_488 : memref<16x16x128xf32, #tpu.memory_space<hbm>>)
      %parallel_loop3A_494 = arith.constant 0 : i32
      %parallel_loop3A_495 = arith.constant 128 : i32
      %parallel_loop3A_496 = arith.constant 1 : i32
      scf.for %parallel_loop3A_551 = %parallel_loop3A_494 to %parallel_loop3A_495 step %parallel_loop3A_496  : i32 {
        %parallel_loop3A_552 = arith.constant 8 : i32
        %parallel_loop3A_553 = arith.divsi %parallel_loop3A_551, %parallel_loop3A_552 : i32
        %parallel_loop3A_554 = arith.constant 8 : i32
        %parallel_loop3A_555 = arith.remsi %parallel_loop3A_551, %parallel_loop3A_554 : i32
        %parallel_loop3A_556 = arith.constant 16 : i32
        %parallel_loop3A_557 = arith.muli %parallel_loop3A_555, %parallel_loop3A_556 : i32
        %parallel_loop3A_558 = arith.constant 1 : i32
        %parallel_loop3A_559 = arith.index_cast %parallel_loop3A_558 : i32 to index
        %parallel_loop3A_560 = arith.index_cast %parallel_loop3A_553 : i32 to index
        %parallel_loop3A_561 = arith.index_cast %parallel_loop3A_557 : i32 to index
        %parallel_loop3A_562 = tpu.vector_load %arg6[%parallel_loop3A_559, %parallel_loop3A_560, %parallel_loop3A_561] {strides = array<i32>} : memref<2x16x128xi32, #tpu.memory_space<vmem>>, vector<16xi32>,
        %parallel_loop3A_563 = arith.constant 16 : i32
        %parallel_loop3A_564 = vector.broadcast %parallel_loop3A_563 : i32 to vector<16xi32>
        %parallel_loop3A_565 = arith.muli %parallel_loop3A_562, %parallel_loop3A_564 : vector<16xi32>
        %parallel_loop3A_566 = arith.constant 0 : i32
        %parallel_loop3A_567 = vector.broadcast %parallel_loop3A_566 : i32 to vector<16xi32>
        %parallel_loop3A_568 = arith.addi %parallel_loop3A_565, %parallel_loop3A_567 : vector<16xi32>
        %parallel_loop3A_569 = tpu.vector_load_idx %arg5[%parallel_loop3A_568] : memref<1664xf32, #tpu.memory_space<vmem>>[vector<16xi32>], vector<16xf32>,
        %parallel_loop3A_570 = arith.constant 16 : i32
        %parallel_loop3A_571 = arith.muli %parallel_loop3A_555, %parallel_loop3A_570 : i32
        %parallel_loop3A_572 = arith.constant 1 : i32
        %parallel_loop3A_573 = arith.constant 0 : i32
        %parallel_loop3A_574 = arith.index_cast %parallel_loop3A_572 : i32 to index
        %parallel_loop3A_575 = arith.index_cast %parallel_loop3A_553 : i32 to index
        %parallel_loop3A_576 = arith.index_cast %parallel_loop3A_573 : i32 to index
        %parallel_loop3A_577 = arith.index_cast %parallel_loop3A_571 : i32 to index
        %parallel_loop3A_578 = tpu.vector_load %arg7[%parallel_loop3A_574, %parallel_loop3A_575, %parallel_loop3A_576, %parallel_loop3A_577] {strides = array<i32>} : memref<2x16x16x128xf32, #tpu.memory_space<vmem>>, vector<16xf32>,
        tpu.vector_store %arg7[%parallel_loop3A_574, %parallel_loop3A_575, %parallel_loop3A_576, %parallel_loop3A_577], %parallel_loop3A_569 {strides = array<i32>} : memref<2x16x16x128xf32, #tpu.memory_space<vmem>>, vector<16xf32>,
        %parallel_loop3A_579 = arith.constant 1 : i32
        %parallel_loop3A_580 = vector.broadcast %parallel_loop3A_579 : i32 to vector<16xi32>
        %parallel_loop3A_581 = arith.addi %parallel_loop3A_565, %parallel_loop3A_580 : vector<16xi32>
        %parallel_loop3A_582 = tpu.vector_load_idx %arg5[%parallel_loop3A_581] : memref<1664xf32, #tpu.memory_space<vmem>>[vector<16xi32>], vector<16xf32>,
        %parallel_loop3A_583 = arith.constant 16 : i32
        %parallel_loop3A_584 = arith.muli %parallel_loop3A_555, %parallel_loop3A_583 : i32
        %parallel_loop3A_585 = arith.constant 1 : i32
        %parallel_loop3A_586 = arith.constant 1 : i32
        %parallel_loop3A_587 = arith.index_cast %parallel_loop3A_585 : i32 to index
        %parallel_loop3A_588 = arith.index_cast %parallel_loop3A_553 : i32 to index
        %parallel_loop3A_589 = arith.index_cast %parallel_loop3A_586 : i32 to index
        %parallel_loop3A_590 = arith.index_cast %parallel_loop3A_584 : i32 to index
        %parallel_loop3A_591 = tpu.vector_load %arg7[%parallel_loop3A_587, %parallel_loop3A_588, %parallel_loop3A_589, %parallel_loop3A_590] {strides = array<i32>} : memref<2x16x16x128xf32, #tpu.memory_space<vmem>>, vector<16xf32>,
        tpu.vector_store %arg7[%parallel_loop3A_587, %parallel_loop3A_588, %parallel_loop3A_589, %parallel_loop3A_590], %parallel_loop3A_582 {strides = array<i32>} : memref<2x16x16x128xf32, #tpu.memory_space<vmem>>, vector<16xf32>,
        %parallel_loop3A_592 = arith.constant 2 : i32
        %parallel_loop3A_593 = vector.broadcast %parallel_loop3A_592 : i32 to vector<16xi32>
        %parallel_loop3A_594 = arith.addi %parallel_loop3A_565, %parallel_loop3A_593 : vector<16xi32>
        %parallel_loop3A_595 = tpu.vector_load_idx %arg5[%parallel_loop3A_594] : memref<1664xf32, #tpu.memory_space<vmem>>[vector<16xi32>], vector<16xf32>,
        %parallel_loop3A_596 = arith.constant 16 : i32
        %parallel_loop3A_597 = arith.muli %parallel_loop3A_555, %parallel_loop3A_596 : i32
        %parallel_loop3A_598 = arith.constant 1 : i32
        %parallel_loop3A_599 = arith.constant 2 : i32
        %parallel_loop3A_600 = arith.index_cast %parallel_loop3A_598 : i32 to index
        %parallel_loop3A_601 = arith.index_cast %parallel_loop3A_553 : i32 to index
        %parallel_loop3A_602 = arith.index_cast %parallel_loop3A_599 : i32 to index
        %parallel_loop3A_603 = arith.index_cast %parallel_loop3A_597 : i32 to index
        %parallel_loop3A_604 = tpu.vector_load %arg7[%parallel_loop3A_600, %parallel_loop3A_601, %parallel_loop3A_602, %parallel_loop3A_603] {strides = array<i32>} : memref<2x16x16x128xf32, #tpu.memory_space<vmem>>, vector<16xf32>,
        tpu.vector_store %arg7[%parallel_loop3A_600, %parallel_loop3A_601, %parallel_loop3A_602, %parallel_loop3A_603], %parallel_loop3A_595 {strides = array<i32>} : memref<2x16x16x128xf32, #tpu.memory_space<vmem>>, vector<16xf32>,
        %parallel_loop3A_605 = arith.constant 3 : i32
        %parallel_loop3A_606 = vector.broadcast %parallel_loop3A_605 : i32 to vector<16xi32>
        %parallel_loop3A_607 = arith.addi %parallel_loop3A_565, %parallel_loop3A_606 : vector<16xi32>
        %parallel_loop3A_608 = tpu.vector_load_idx %arg5[%parallel_loop3A_607] : memref<1664xf32, #tpu.memory_space<vmem>>[vector<16xi32>], vector<16xf32>,
        %parallel_loop3A_609 = arith.constant 16 : i32
        %parallel_loop3A_610 = arith.muli %parallel_loop3A_555, %parallel_loop3A_609 : i32
        %parallel_loop3A_611 = arith.constant 1 : i32
        %parallel_loop3A_612 = arith.constant 3 : i32
        %parallel_loop3A_613 = arith.index_cast %parallel_loop3A_611 : i32 to index
        %parallel_loop3A_614 = arith.index_cast %parallel_loop3A_553 : i32 to index
        %parallel_loop3A_615 = arith.index_cast %parallel_loop3A_612 : i32 to index
        %parallel_loop3A_616 = arith.index_cast %parallel_loop3A_610 : i32 to index
        %parallel_loop3A_617 = tpu.vector_load %arg7[%parallel_loop3A_613, %parallel_loop3A_614, %parallel_loop3A_615, %parallel_loop3A_616] {strides = array<i32>} : memref<2x16x16x128xf32, #tpu.memory_space<vmem>>, vector<16xf32>,
        tpu.vector_store %arg7[%parallel_loop3A_613, %parallel_loop3A_614, %parallel_loop3A_615, %parallel_loop3A_616], %parallel_loop3A_608 {strides = array<i32>} : memref<2x16x16x128xf32, #tpu.memory_space<vmem>>, vector<16xf32>,
        %parallel_loop3A_618 = arith.constant 4 : i32
        %parallel_loop3A_619 = vector.broadcast %parallel_loop3A_618 : i32 to vector<16xi32>
        %parallel_loop3A_620 = arith.addi %parallel_loop3A_565, %parallel_loop3A_619 : vector<16xi32>
        %parallel_loop3A_621 = tpu.vector_load_idx %arg5[%parallel_loop3A_620] : memref<1664xf32, #tpu.memory_space<vmem>>[vector<16xi32>], vector<16xf32>,
        %parallel_loop3A_622 = arith.constant 16 : i32
        %parallel_loop3A_623 = arith.muli %parallel_loop3A_555, %parallel_loop3A_622 : i32
        %parallel_loop3A_624 = arith.constant 1 : i32
        %parallel_loop3A_625 = arith.constant 4 : i32
        %parallel_loop3A_626 = arith.index_cast %parallel_loop3A_624 : i32 to index
        %parallel_loop3A_627 = arith.index_cast %parallel_loop3A_553 : i32 to index
        %parallel_loop3A_628 = arith.index_cast %parallel_loop3A_625 : i32 to index
        %parallel_loop3A_629 = arith.index_cast %parallel_loop3A_623 : i32 to index
        %parallel_loop3A_630 = tpu.vector_load %arg7[%parallel_loop3A_626, %parallel_loop3A_627, %parallel_loop3A_628, %parallel_loop3A_629] {strides = array<i32>} : memref<2x16x16x128xf32, #tpu.memory_space<vmem>>, vector<16xf32>,
        tpu.vector_store %arg7[%parallel_loop3A_626, %parallel_loop3A_627, %parallel_loop3A_628, %parallel_loop3A_629], %parallel_loop3A_621 {strides = array<i32>} : memref<2x16x16x128xf32, #tpu.memory_space<vmem>>, vector<16xf32>,
        %parallel_loop3A_631 = arith.constant 5 : i32
        %parallel_loop3A_632 = vector.broadcast %parallel_loop3A_631 : i32 to vector<16xi32>
        %parallel_loop3A_633 = arith.addi %parallel_loop3A_565, %parallel_loop3A_632 : vector<16xi32>
        %parallel_loop3A_634 = tpu.vector_load_idx %arg5[%parallel_loop3A_633] : memref<1664xf32, #tpu.memory_space<vmem>>[vector<16xi32>], vector<16xf32>,
        %parallel_loop3A_635 = arith.constant 16 : i32
        %parallel_loop3A_636 = arith.muli %parallel_loop3A_555, %parallel_loop3A_635 : i32
        %parallel_loop3A_637 = arith.constant 1 : i32
        %parallel_loop3A_638 = arith.constant 5 : i32
        %parallel_loop3A_639 = arith.index_cast %parallel_loop3A_637 : i32 to index
        %parallel_loop3A_640 = arith.index_cast %parallel_loop3A_553 : i32 to index
        %parallel_loop3A_641 = arith.index_cast %parallel_loop3A_638 : i32 to index
        %parallel_loop3A_642 = arith.index_cast %parallel_loop3A_636 : i32 to index
        %parallel_loop3A_643 = tpu.vector_load %arg7[%parallel_loop3A_639, %parallel_loop3A_640, %parallel_loop3A_641, %parallel_loop3A_642] {strides = array<i32>} : memref<2x16x16x128xf32, #tpu.memory_space<vmem>>, vector<16xf32>,
        tpu.vector_store %arg7[%parallel_loop3A_639, %parallel_loop3A_640, %parallel_loop3A_641, %parallel_loop3A_642], %parallel_loop3A_634 {strides = array<i32>} : memref<2x16x16x128xf32, #tpu.memory_space<vmem>>, vector<16xf32>,
        %parallel_loop3A_644 = arith.constant 6 : i32
        %parallel_loop3A_645 = vector.broadcast %parallel_loop3A_644 : i32 to vector<16xi32>
        %parallel_loop3A_646 = arith.addi %parallel_loop3A_565, %parallel_loop3A_645 : vector<16xi32>
        %parallel_loop3A_647 = tpu.vector_load_idx %arg5[%parallel_loop3A_646] : memref<1664xf32, #tpu.memory_space<vmem>>[vector<16xi32>], vector<16xf32>,
        %parallel_loop3A_648 = arith.constant 16 : i32
        %parallel_loop3A_649 = arith.muli %parallel_loop3A_555, %parallel_loop3A_648 : i32
        %parallel_loop3A_650 = arith.constant 1 : i32
        %parallel_loop3A_651 = arith.constant 6 : i32
        %parallel_loop3A_652 = arith.index_cast %parallel_loop3A_650 : i32 to index
        %parallel_loop3A_653 = arith.index_cast %parallel_loop3A_553 : i32 to index
        %parallel_loop3A_654 = arith.index_cast %parallel_loop3A_651 : i32 to index
        %parallel_loop3A_655 = arith.index_cast %parallel_loop3A_649 : i32 to index
        %parallel_loop3A_656 = tpu.vector_load %arg7[%parallel_loop3A_652, %parallel_loop3A_653, %parallel_loop3A_654, %parallel_loop3A_655] {strides = array<i32>} : memref<2x16x16x128xf32, #tpu.memory_space<vmem>>, vector<16xf32>,
        tpu.vector_store %arg7[%parallel_loop3A_652, %parallel_loop3A_653, %parallel_loop3A_654, %parallel_loop3A_655], %parallel_loop3A_647 {strides = array<i32>} : memref<2x16x16x128xf32, #tpu.memory_space<vmem>>, vector<16xf32>,
        %parallel_loop3A_657 = arith.constant 7 : i32
        %parallel_loop3A_658 = vector.broadcast %parallel_loop3A_657 : i32 to vector<16xi32>
        %parallel_loop3A_659 = arith.addi %parallel_loop3A_565, %parallel_loop3A_658 : vector<16xi32>
        %parallel_loop3A_660 = tpu.vector_load_idx %arg5[%parallel_loop3A_659] : memref<1664xf32, #tpu.memory_space<vmem>>[vector<16xi32>], vector<16xf32>,
        %parallel_loop3A_661 = arith.constant 16 : i32
        %parallel_loop3A_662 = arith.muli %parallel_loop3A_555, %parallel_loop3A_661 : i32
        %parallel_loop3A_663 = arith.constant 1 : i32
        %parallel_loop3A_664 = arith.constant 7 : i32
        %parallel_loop3A_665 = arith.index_cast %parallel_loop3A_663 : i32 to index
        %parallel_loop3A_666 = arith.index_cast %parallel_loop3A_553 : i32 to index
        %parallel_loop3A_667 = arith.index_cast %parallel_loop3A_664 : i32 to index
        %parallel_loop3A_668 = arith.index_cast %parallel_loop3A_662 : i32 to index
        %parallel_loop3A_669 = tpu.vector_load %arg7[%parallel_loop3A_665, %parallel_loop3A_666, %parallel_loop3A_667, %parallel_loop3A_668] {strides = array<i32>} : memref<2x16x16x128xf32, #tpu.memory_space<vmem>>, vector<16xf32>,
        tpu.vector_store %arg7[%parallel_loop3A_665, %parallel_loop3A_666, %parallel_loop3A_667, %parallel_loop3A_668], %parallel_loop3A_660 {strides = array<i32>} : memref<2x16x16x128xf32, #tpu.memory_space<vmem>>, vector<16xf32>,
        %parallel_loop3A_670 = arith.constant 8 : i32
        %parallel_loop3A_671 = vector.broadcast %parallel_loop3A_670 : i32 to vector<16xi32>
        %parallel_loop3A_672 = arith.addi %parallel_loop3A_565, %parallel_loop3A_671 : vector<16xi32>
        %parallel_loop3A_673 = tpu.vector_load_idx %arg5[%parallel_loop3A_672] : memref<1664xf32, #tpu.memory_space<vmem>>[vector<16xi32>], vector<16xf32>,
        %parallel_loop3A_674 = arith.constant 16 : i32
        %parallel_loop3A_675 = arith.muli %parallel_loop3A_555, %parallel_loop3A_674 : i32
        %parallel_loop3A_676 = arith.constant 1 : i32
        %parallel_loop3A_677 = arith.constant 8 : i32
        %parallel_loop3A_678 = arith.index_cast %parallel_loop3A_676 : i32 to index
        %parallel_loop3A_679 = arith.index_cast %parallel_loop3A_553 : i32 to index
        %parallel_loop3A_680 = arith.index_cast %parallel_loop3A_677 : i32 to index
        %parallel_loop3A_681 = arith.index_cast %parallel_loop3A_675 : i32 to index
        %parallel_loop3A_682 = tpu.vector_load %arg7[%parallel_loop3A_678, %parallel_loop3A_679, %parallel_loop3A_680, %parallel_loop3A_681] {strides = array<i32>} : memref<2x16x16x128xf32, #tpu.memory_space<vmem>>, vector<16xf32>,
        tpu.vector_store %arg7[%parallel_loop3A_678, %parallel_loop3A_679, %parallel_loop3A_680, %parallel_loop3A_681], %parallel_loop3A_673 {strides = array<i32>} : memref<2x16x16x128xf32, #tpu.memory_space<vmem>>, vector<16xf32>,
        %parallel_loop3A_683 = arith.constant 9 : i32
        %parallel_loop3A_684 = vector.broadcast %parallel_loop3A_683 : i32 to vector<16xi32>
        %parallel_loop3A_685 = arith.addi %parallel_loop3A_565, %parallel_loop3A_684 : vector<16xi32>
        %parallel_loop3A_686 = tpu.vector_load_idx %arg5[%parallel_loop3A_685] : memref<1664xf32, #tpu.memory_space<vmem>>[vector<16xi32>], vector<16xf32>,
        %parallel_loop3A_687 = arith.constant 16 : i32
        %parallel_loop3A_688 = arith.muli %parallel_loop3A_555, %parallel_loop3A_687 : i32
        %parallel_loop3A_689 = arith.constant 1 : i32
        %parallel_loop3A_690 = arith.constant 9 : i32
        %parallel_loop3A_691 = arith.index_cast %parallel_loop3A_689 : i32 to index
        %parallel_loop3A_692 = arith.index_cast %parallel_loop3A_553 : i32 to index
        %parallel_loop3A_693 = arith.index_cast %parallel_loop3A_690 : i32 to index
        %parallel_loop3A_694 = arith.index_cast %parallel_loop3A_688 : i32 to index
        %parallel_loop3A_695 = tpu.vector_load %arg7[%parallel_loop3A_691, %parallel_loop3A_692, %parallel_loop3A_693, %parallel_loop3A_694] {strides = array<i32>} : memref<2x16x16x128xf32, #tpu.memory_space<vmem>>, vector<16xf32>,
        tpu.vector_store %arg7[%parallel_loop3A_691, %parallel_loop3A_692, %parallel_loop3A_693, %parallel_loop3A_694], %parallel_loop3A_686 {strides = array<i32>} : memref<2x16x16x128xf32, #tpu.memory_space<vmem>>, vector<16xf32>,
        %parallel_loop3A_696 = arith.constant 10 : i32
        %parallel_loop3A_697 = vector.broadcast %parallel_loop3A_696 : i32 to vector<16xi32>
        %parallel_loop3A_698 = arith.addi %parallel_loop3A_565, %parallel_loop3A_697 : vector<16xi32>
        %parallel_loop3A_699 = tpu.vector_load_idx %arg5[%parallel_loop3A_698] : memref<1664xf32, #tpu.memory_space<vmem>>[vector<16xi32>], vector<16xf32>,
        %parallel_loop3A_700 = arith.constant 16 : i32
        %parallel_loop3A_701 = arith.muli %parallel_loop3A_555, %parallel_loop3A_700 : i32
        %parallel_loop3A_702 = arith.constant 1 : i32
        %parallel_loop3A_703 = arith.constant 10 : i32
        %parallel_loop3A_704 = arith.index_cast %parallel_loop3A_702 : i32 to index
        %parallel_loop3A_705 = arith.index_cast %parallel_loop3A_553 : i32 to index
        %parallel_loop3A_706 = arith.index_cast %parallel_loop3A_703 : i32 to index
        %parallel_loop3A_707 = arith.index_cast %parallel_loop3A_701 : i32 to index
        %parallel_loop3A_708 = tpu.vector_load %arg7[%parallel_loop3A_704, %parallel_loop3A_705, %parallel_loop3A_706, %parallel_loop3A_707] {strides = array<i32>} : memref<2x16x16x128xf32, #tpu.memory_space<vmem>>, vector<16xf32>,
        tpu.vector_store %arg7[%parallel_loop3A_704, %parallel_loop3A_705, %parallel_loop3A_706, %parallel_loop3A_707], %parallel_loop3A_699 {strides = array<i32>} : memref<2x16x16x128xf32, #tpu.memory_space<vmem>>, vector<16xf32>,
        %parallel_loop3A_709 = arith.constant 11 : i32
        %parallel_loop3A_710 = vector.broadcast %parallel_loop3A_709 : i32 to vector<16xi32>
        %parallel_loop3A_711 = arith.addi %parallel_loop3A_565, %parallel_loop3A_710 : vector<16xi32>
        %parallel_loop3A_712 = tpu.vector_load_idx %arg5[%parallel_loop3A_711] : memref<1664xf32, #tpu.memory_space<vmem>>[vector<16xi32>], vector<16xf32>,
        %parallel_loop3A_713 = arith.constant 16 : i32
        %parallel_loop3A_714 = arith.muli %parallel_loop3A_555, %parallel_loop3A_713 : i32
        %parallel_loop3A_715 = arith.constant 1 : i32
        %parallel_loop3A_716 = arith.constant 11 : i32
        %parallel_loop3A_717 = arith.index_cast %parallel_loop3A_715 : i32 to index
        %parallel_loop3A_718 = arith.index_cast %parallel_loop3A_553 : i32 to index
        %parallel_loop3A_719 = arith.index_cast %parallel_loop3A_716 : i32 to index
        %parallel_loop3A_720 = arith.index_cast %parallel_loop3A_714 : i32 to index
        %parallel_loop3A_721 = tpu.vector_load %arg7[%parallel_loop3A_717, %parallel_loop3A_718, %parallel_loop3A_719, %parallel_loop3A_720] {strides = array<i32>} : memref<2x16x16x128xf32, #tpu.memory_space<vmem>>, vector<16xf32>,
        tpu.vector_store %arg7[%parallel_loop3A_717, %parallel_loop3A_718, %parallel_loop3A_719, %parallel_loop3A_720], %parallel_loop3A_712 {strides = array<i32>} : memref<2x16x16x128xf32, #tpu.memory_space<vmem>>, vector<16xf32>,
        %parallel_loop3A_722 = arith.constant 12 : i32
        %parallel_loop3A_723 = vector.broadcast %parallel_loop3A_722 : i32 to vector<16xi32>
        %parallel_loop3A_724 = arith.addi %parallel_loop3A_565, %parallel_loop3A_723 : vector<16xi32>
        %parallel_loop3A_725 = tpu.vector_load_idx %arg5[%parallel_loop3A_724] : memref<1664xf32, #tpu.memory_space<vmem>>[vector<16xi32>], vector<16xf32>,
        %parallel_loop3A_726 = arith.constant 16 : i32
        %parallel_loop3A_727 = arith.muli %parallel_loop3A_555, %parallel_loop3A_726 : i32
        %parallel_loop3A_728 = arith.constant 1 : i32
        %parallel_loop3A_729 = arith.constant 12 : i32
        %parallel_loop3A_730 = arith.index_cast %parallel_loop3A_728 : i32 to index
        %parallel_loop3A_731 = arith.index_cast %parallel_loop3A_553 : i32 to index
        %parallel_loop3A_732 = arith.index_cast %parallel_loop3A_729 : i32 to index
        %parallel_loop3A_733 = arith.index_cast %parallel_loop3A_727 : i32 to index
        %parallel_loop3A_734 = tpu.vector_load %arg7[%parallel_loop3A_730, %parallel_loop3A_731, %parallel_loop3A_732, %parallel_loop3A_733] {strides = array<i32>} : memref<2x16x16x128xf32, #tpu.memory_space<vmem>>, vector<16xf32>,
        tpu.vector_store %arg7[%parallel_loop3A_730, %parallel_loop3A_731, %parallel_loop3A_732, %parallel_loop3A_733], %parallel_loop3A_725 {strides = array<i32>} : memref<2x16x16x128xf32, #tpu.memory_space<vmem>>, vector<16xf32>,
        %parallel_loop3A_735 = arith.constant 13 : i32
        %parallel_loop3A_736 = vector.broadcast %parallel_loop3A_735 : i32 to vector<16xi32>
        %parallel_loop3A_737 = arith.addi %parallel_loop3A_565, %parallel_loop3A_736 : vector<16xi32>
        %parallel_loop3A_738 = tpu.vector_load_idx %arg5[%parallel_loop3A_737] : memref<1664xf32, #tpu.memory_space<vmem>>[vector<16xi32>], vector<16xf32>,
        %parallel_loop3A_739 = arith.constant 16 : i32
        %parallel_loop3A_740 = arith.muli %parallel_loop3A_555, %parallel_loop3A_739 : i32
        %parallel_loop3A_741 = arith.constant 1 : i32
        %parallel_loop3A_742 = arith.constant 13 : i32
        %parallel_loop3A_743 = arith.index_cast %parallel_loop3A_741 : i32 to index
        %parallel_loop3A_744 = arith.index_cast %parallel_loop3A_553 : i32 to index
        %parallel_loop3A_745 = arith.index_cast %parallel_loop3A_742 : i32 to index
        %parallel_loop3A_746 = arith.index_cast %parallel_loop3A_740 : i32 to index
        %parallel_loop3A_747 = tpu.vector_load %arg7[%parallel_loop3A_743, %parallel_loop3A_744, %parallel_loop3A_745, %parallel_loop3A_746] {strides = array<i32>} : memref<2x16x16x128xf32, #tpu.memory_space<vmem>>, vector<16xf32>,
        tpu.vector_store %arg7[%parallel_loop3A_743, %parallel_loop3A_744, %parallel_loop3A_745, %parallel_loop3A_746], %parallel_loop3A_738 {strides = array<i32>} : memref<2x16x16x128xf32, #tpu.memory_space<vmem>>, vector<16xf32>,
        %parallel_loop3A_748 = arith.constant 14 : i32
        %parallel_loop3A_749 = vector.broadcast %parallel_loop3A_748 : i32 to vector<16xi32>
        %parallel_loop3A_750 = arith.addi %parallel_loop3A_565, %parallel_loop3A_749 : vector<16xi32>
        %parallel_loop3A_751 = tpu.vector_load_idx %arg5[%parallel_loop3A_750] : memref<1664xf32, #tpu.memory_space<vmem>>[vector<16xi32>], vector<16xf32>,
        %parallel_loop3A_752 = arith.constant 16 : i32
        %parallel_loop3A_753 = arith.muli %parallel_loop3A_555, %parallel_loop3A_752 : i32
        %parallel_loop3A_754 = arith.constant 1 : i32
        %parallel_loop3A_755 = arith.constant 14 : i32
        %parallel_loop3A_756 = arith.index_cast %parallel_loop3A_754 : i32 to index
        %parallel_loop3A_757 = arith.index_cast %parallel_loop3A_553 : i32 to index
        %parallel_loop3A_758 = arith.index_cast %parallel_loop3A_755 : i32 to index
        %parallel_loop3A_759 = arith.index_cast %parallel_loop3A_753 : i32 to index
        %parallel_loop3A_760 = tpu.vector_load %arg7[%parallel_loop3A_756, %parallel_loop3A_757, %parallel_loop3A_758, %parallel_loop3A_759] {strides = array<i32>} : memref<2x16x16x128xf32, #tpu.memory_space<vmem>>, vector<16xf32>,
        tpu.vector_store %arg7[%parallel_loop3A_756, %parallel_loop3A_757, %parallel_loop3A_758, %parallel_loop3A_759], %parallel_loop3A_751 {strides = array<i32>} : memref<2x16x16x128xf32, #tpu.memory_space<vmem>>, vector<16xf32>,
        %parallel_loop3A_761 = arith.constant 15 : i32
        %parallel_loop3A_762 = vector.broadcast %parallel_loop3A_761 : i32 to vector<16xi32>
        %parallel_loop3A_763 = arith.addi %parallel_loop3A_565, %parallel_loop3A_762 : vector<16xi32>
        %parallel_loop3A_764 = tpu.vector_load_idx %arg5[%parallel_loop3A_763] : memref<1664xf32, #tpu.memory_space<vmem>>[vector<16xi32>], vector<16xf32>,
        %parallel_loop3A_765 = arith.constant 16 : i32
        %parallel_loop3A_766 = arith.muli %parallel_loop3A_555, %parallel_loop3A_765 : i32
        %parallel_loop3A_767 = arith.constant 1 : i32
        %parallel_loop3A_768 = arith.constant 15 : i32
        %parallel_loop3A_769 = arith.index_cast %parallel_loop3A_767 : i32 to index
        %parallel_loop3A_770 = arith.index_cast %parallel_loop3A_553 : i32 to index
        %parallel_loop3A_771 = arith.index_cast %parallel_loop3A_768 : i32 to index
        %parallel_loop3A_772 = arith.index_cast %parallel_loop3A_766 : i32 to index
        %parallel_loop3A_773 = tpu.vector_load %arg7[%parallel_loop3A_769, %parallel_loop3A_770, %parallel_loop3A_771, %parallel_loop3A_772] {strides = array<i32>} : memref<2x16x16x128xf32, #tpu.memory_space<vmem>>, vector<16xf32>,
        tpu.vector_store %arg7[%parallel_loop3A_769, %parallel_loop3A_770, %parallel_loop3A_771, %parallel_loop3A_772], %parallel_loop3A_764 {strides = array<i32>} : memref<2x16x16x128xf32, #tpu.memory_space<vmem>>, vector<16xf32>,
      } {sc.loop_unroll_factor = 3 : i64, sc.parallel_access}
      %min3A_497 = arith.constant 51 : i32
      %min3A_498 = arith.minsi %add3A_441, %min3A_497 : i32
      %rem3A_499 = arith.constant 13 : i32
      %rem3A_500 = arith.remsi %min3A_498, %rem3A_499 : i32
      %mul3A_501 = arith.constant 16 : i32
      %mul3A_502 = arith.muli %rem3A_500, %mul3A_501 : i32
      %min3A_503 = arith.constant 184 : i32
      %min3A_504 = arith.minsi %mul3A_502, %min3A_503 : i32
      %div3A_505 = arith.constant 13 : i32
      %div3A_506 = arith.divsi %min3A_498, %div3A_505 : i32
      %mul3A_507 = arith.constant 128 : i32
      %mul3A_508 = arith.muli %div3A_506, %mul3A_507 : i32
      %add3A_509 = arith.addi %mul3A_2, %mul3A_508 : i32
      %dma_start3A_510 = arith.constant 1 : i32
      %dma_start3A_511 = arith.constant 0 : i32
      %dma_start3A_512 = arith.constant 0 : i32
      %dma_start3A_513 = arith.constant 0 : i32
      %dma_start3A_514 = tpu.memref_slice %arg7[%dma_start3A_510, %dma_start3A_511, %dma_start3A_512, %dma_start3A_513] : memref<2x16x16x128xf32, #tpu.memory_space<vmem>> -> memref<1x16x16x128xf32, #tpu.memory_space<vmem>>
      %dma_start3A_515 = tpu.memref_squeeze %dma_start3A_514 : memref<1x16x16x128xf32, #tpu.memory_space<vmem>> -> memref<16x16x128xf32, #tpu.memory_space<vmem>>
      %dma_start3A_516 = arith.constant 0 : i32
      %dma_start3A_517 = tpu.memref_slice %arg4[%min3A_504, %dma_start3A_516, %add3A_509] : memref<200x16x16384xf32, #tpu.memory_space<hbm>> -> memref<16x16x128xf32, #tpu.memory_space<hbm>>
      %dma_start3A_518 = arith.constant 0 : i32
      %dma_start3A_519 = tpu.memref_slice %arg4[%min3A_504, %dma_start3A_518, %add3A_509] : memref<200x16x16384xf32, #tpu.memory_space<hbm>> -> memref<16x16x128xf32, #tpu.memory_space<hbm>>
      %dma_start3A_520 = arith.constant 0 : i32
      %dma_start3A_521 = arith.constant 0 : i32
      %dma_start3A_522 = arith.constant 0 : i32
      %dma_start3A_523 = tpu.memref_slice %arg7[%dma_start3A_510, %dma_start3A_520, %dma_start3A_521, %dma_start3A_522] : memref<2x16x16x128xf32, #tpu.memory_space<vmem>> -> memref<1x16x16x128xf32, #tpu.memory_space<vmem>>
      %dma_start3A_524 = tpu.memref_squeeze %dma_start3A_523 : memref<1x16x16x128xf32, #tpu.memory_space<vmem>> -> memref<16x16x128xf32, #tpu.memory_space<vmem>>
      tpu.enqueue_dma source(%dma_start3A_524 : memref<16x16x128xf32, #tpu.memory_space<vmem>>) target(%dma_start3A_519 : memref<16x16x128xf32, #tpu.memory_space<hbm>>) target_semaphore(%arg11 : memref<!tpu.dma_semaphore, #tpu.memory_space<semaphore_mem>>)
      %add3A_525 = arith.constant 2 : i32
      %add3A_526 = arith.addi %add3A_441, %add3A_525 : i32
      %min3A_527 = arith.constant 51 : i32
      %min3A_528 = arith.minsi %add3A_526, %min3A_527 : i32
      %rem3A_529 = arith.constant 13 : i32
      %rem3A_530 = arith.remsi %min3A_528, %rem3A_529 : i32
      %mul3A_531 = arith.constant 16 : i32
      %mul3A_532 = arith.muli %rem3A_530, %mul3A_531 : i32
      %min3A_533 = arith.constant 184 : i32
      %min3A_534 = arith.minsi %mul3A_532, %min3A_533 : i32
      %div3A_535 = arith.constant 13 : i32
      %div3A_536 = arith.divsi %min3A_528, %div3A_535 : i32
      %mul3A_537 = arith.constant 128 : i32
      %mul3A_538 = arith.muli %div3A_536, %mul3A_537 : i32
      %add3A_539 = arith.addi %mul3A_2, %mul3A_538 : i32
      %dma_start3A_540 = arith.constant 1 : i32
      %dma_start3A_541 = arith.constant 0 : i32
      %dma_start3A_542 = arith.constant 0 : i32
      %dma_start3A_543 = tpu.memref_slice %arg6[%dma_start3A_540, %dma_start3A_541, %dma_start3A_542] : memref<2x16x128xi32, #tpu.memory_space<vmem>> -> memref<1x16x128xi32, #tpu.memory_space<vmem>>
      %dma_start3A_544 = tpu.memref_squeeze %dma_start3A_543 : memref<1x16x128xi32, #tpu.memory_space<vmem>> -> memref<16x128xi32, #tpu.memory_space<vmem>>
      %dma_start3A_545 = tpu.memref_slice %arg3[%min3A_534, %add3A_539] : memref<200x16384xi32, #tpu.memory_space<hbm>> -> memref<16x128xi32, #tpu.memory_space<hbm>>
      %dma_start3A_546 = arith.constant 0 : i32
      %dma_start3A_547 = arith.constant 0 : i32
      %dma_start3A_548 = tpu.memref_slice %arg6[%dma_start3A_540, %dma_start3A_546, %dma_start3A_547] : memref<2x16x128xi32, #tpu.memory_space<vmem>> -> memref<1x16x128xi32, #tpu.memory_space<vmem>>
      %dma_start3A_549 = tpu.memref_squeeze %dma_start3A_548 : memref<1x16x128xi32, #tpu.memory_space<vmem>> -> memref<16x128xi32, #tpu.memory_space<vmem>>
      %dma_start3A_550 = tpu.memref_slice %arg3[%min3A_534, %add3A_539] : memref<200x16384xi32, #tpu.memory_space<hbm>> -> memref<16x128xi32, #tpu.memory_space<hbm>>
      tpu.enqueue_dma source(%dma_start3A_550 : memref<16x128xi32, #tpu.memory_space<hbm>>) target(%dma_start3A_549 : memref<16x128xi32, #tpu.memory_space<vmem>>) target_semaphore(%arg9 : memref<!tpu.dma_semaphore, #tpu.memory_space<semaphore_mem>>)
    }
    %scan3A_215 = arith.constant 25 : i32
    %min3A_216 = arith.constant 50 : i32
    %min3A_217 = arith.constant 51 : i32
    %min3A_218 = arith.minsi %min3A_216, %min3A_217 : i32
    %rem3A_219 = arith.constant 13 : i32
    %rem3A_220 = arith.remsi %min3A_218, %rem3A_219 : i32
    %mul3A_221 = arith.constant 16 : i32
    %mul3A_222 = arith.muli %rem3A_220, %mul3A_221 : i32
    %min3A_223 = arith.constant 184 : i32
    %min3A_224 = arith.minsi %mul3A_222, %min3A_223 : i32
    %div3A_225 = arith.constant 13 : i32
    %div3A_226 = arith.divsi %min3A_218, %div3A_225 : i32
    %mul3A_227 = arith.constant 128 : i32
    %mul3A_228 = arith.muli %div3A_226, %mul3A_227 : i32
    %add3A_229 = arith.addi %mul3A_2, %mul3A_228 : i32
    %dma_wait3A_230 = arith.constant 0 : i32
    %dma_wait3A_231 = arith.constant 0 : i32
    %dma_wait3A_232 = arith.constant 0 : i32
    %dma_wait3A_233 = tpu.memref_slice %arg6[%dma_wait3A_230, %dma_wait3A_231, %dma_wait3A_232] : memref<2x16x128xi32, #tpu.memory_space<vmem>> -> memref<1x16x128xi32, #tpu.memory_space<vmem>>
    %dma_wait3A_234 = tpu.memref_squeeze %dma_wait3A_233 : memref<1x16x128xi32, #tpu.memory_space<vmem>> -> memref<16x128xi32, #tpu.memory_space<vmem>>
    %dma_wait3A_235 = tpu.memref_slice %arg3[%min3A_224, %add3A_229] : memref<200x16384xi32, #tpu.memory_space<hbm>> -> memref<16x128xi32, #tpu.memory_space<hbm>>
    %dma_wait3A_236 = arith.constant 0 : i32
    %dma_wait3A_237 = arith.constant 0 : i32
    %dma_wait3A_238 = tpu.memref_slice %arg6[%dma_wait3A_230, %dma_wait3A_236, %dma_wait3A_237] : memref<2x16x128xi32, #tpu.memory_space<vmem>> -> memref<1x16x128xi32, #tpu.memory_space<vmem>>
    %dma_wait3A_239 = tpu.memref_squeeze %dma_wait3A_238 : memref<1x16x128xi32, #tpu.memory_space<vmem>> -> memref<16x128xi32, #tpu.memory_space<vmem>>
    %dma_wait3A_240 = tpu.memref_slice %arg3[%min3A_224, %add3A_229] : memref<200x16384xi32, #tpu.memory_space<hbm>> -> memref<16x128xi32, #tpu.memory_space<hbm>>
    tpu.wait_dma2 semaphore(%arg8 : memref<!tpu.dma_semaphore, #tpu.memory_space<semaphore_mem>>) src(%dma_wait3A_240 : memref<16x128xi32, #tpu.memory_space<hbm>>) dst(%dma_wait3A_239 : memref<16x128xi32, #tpu.memory_space<vmem>>)
    %min3A_241 = arith.constant 50 : i32
    %min3A_242 = arith.constant 51 : i32
    %min3A_243 = arith.minsi %min3A_241, %min3A_242 : i32
    %rem3A_244 = arith.constant 13 : i32
    %rem3A_245 = arith.remsi %min3A_243, %rem3A_244 : i32
    %mul3A_246 = arith.constant 16 : i32
    %mul3A_247 = arith.muli %rem3A_245, %mul3A_246 : i32
    %min3A_248 = arith.constant 184 : i32
    %min3A_249 = arith.minsi %mul3A_247, %min3A_248 : i32
    %div3A_250 = arith.constant 13 : i32
    %div3A_251 = arith.divsi %min3A_243, %div3A_250 : i32
    %mul3A_252 = arith.constant 128 : i32
    %mul3A_253 = arith.muli %div3A_251, %mul3A_252 : i32
    %add3A_254 = arith.addi %mul3A_2, %mul3A_253 : i32
    %dma_wait3A_255 = arith.constant 0 : i32
    %dma_wait3A_256 = arith.constant 0 : i32
    %dma_wait3A_257 = arith.constant 0 : i32
    %dma_wait3A_258 = arith.constant 0 : i32
    %dma_wait3A_259 = tpu.memref_slice %arg7[%dma_wait3A_255, %dma_wait3A_256, %dma_wait3A_257, %dma_wait3A_258] : memref<2x16x16x128xf32, #tpu.memory_space<vmem>> -> memref<1x16x16x128xf32, #tpu.memory_space<vmem>>
    %dma_wait3A_260 = tpu.memref_squeeze %dma_wait3A_259 : memref<1x16x16x128xf32, #tpu.memory_space<vmem>> -> memref<16x16x128xf32, #tpu.memory_space<vmem>>
    %dma_wait3A_261 = arith.constant 0 : i32
    %dma_wait3A_262 = tpu.memref_slice %arg4[%min3A_249, %dma_wait3A_261, %add3A_254] : memref<200x16x16384xf32, #tpu.memory_space<hbm>> -> memref<16x16x128xf32, #tpu.memory_space<hbm>>
    %dma_wait3A_263 = arith.constant 0 : i32
    %dma_wait3A_264 = tpu.memref_slice %arg4[%min3A_249, %dma_wait3A_263, %add3A_254] : memref<200x16x16384xf32, #tpu.memory_space<hbm>> -> memref<16x16x128xf32, #tpu.memory_space<hbm>>
    %dma_wait3A_265 = arith.constant 0 : i32
    %dma_wait3A_266 = arith.constant 0 : i32
    %dma_wait3A_267 = arith.constant 0 : i32
    %dma_wait3A_268 = tpu.memref_slice %arg7[%dma_wait3A_255, %dma_wait3A_265, %dma_wait3A_266, %dma_wait3A_267] : memref<2x16x16x128xf32, #tpu.memory_space<vmem>> -> memref<1x16x16x128xf32, #tpu.memory_space<vmem>>
    %dma_wait3A_269 = tpu.memref_squeeze %dma_wait3A_268 : memref<1x16x16x128xf32, #tpu.memory_space<vmem>> -> memref<16x16x128xf32, #tpu.memory_space<vmem>>
    tpu.wait_dma2 semaphore(%arg10 : memref<!tpu.dma_semaphore, #tpu.memory_space<semaphore_mem>>) src(%dma_wait3A_269 : memref<16x16x128xf32, #tpu.memory_space<vmem>>) dst(%dma_wait3A_264 : memref<16x16x128xf32, #tpu.memory_space<hbm>>)
    %min3A_270 = arith.constant 51 : i32
    %min3A_271 = arith.constant 51 : i32
    %min3A_272 = arith.minsi %min3A_270, %min3A_271 : i32
    %rem3A_273 = arith.constant 13 : i32
    %rem3A_274 = arith.remsi %min3A_272, %rem3A_273 : i32
    %mul3A_275 = arith.constant 16 : i32
    %mul3A_276 = arith.muli %rem3A_274, %mul3A_275 : i32
    %min3A_277 = arith.constant 184 : i32
    %min3A_278 = arith.minsi %mul3A_276, %min3A_277 : i32
    %div3A_279 = arith.constant 13 : i32
    %div3A_280 = arith.divsi %min3A_272, %div3A_279 : i32
    %mul3A_281 = arith.constant 128 : i32
    %mul3A_282 = arith.muli %div3A_280, %mul3A_281 : i32
    %add3A_283 = arith.addi %mul3A_2, %mul3A_282 : i32
    %dma_wait3A_284 = arith.constant 1 : i32
    %dma_wait3A_285 = arith.constant 0 : i32
    %dma_wait3A_286 = arith.constant 0 : i32
    %dma_wait3A_287 = tpu.memref_slice %arg6[%dma_wait3A_284, %dma_wait3A_285, %dma_wait3A_286] : memref<2x16x128xi32, #tpu.memory_space<vmem>> -> memref<1x16x128xi32, #tpu.memory_space<vmem>>
    %dma_wait3A_288 = tpu.memref_squeeze %dma_wait3A_287 : memref<1x16x128xi32, #tpu.memory_space<vmem>> -> memref<16x128xi32, #tpu.memory_space<vmem>>
    %dma_wait3A_289 = tpu.memref_slice %arg3[%min3A_278, %add3A_283] : memref<200x16384xi32, #tpu.memory_space<hbm>> -> memref<16x128xi32, #tpu.memory_space<hbm>>
    %dma_wait3A_290 = arith.constant 0 : i32
    %dma_wait3A_291 = arith.constant 0 : i32
    %dma_wait3A_292 = tpu.memref_slice %arg6[%dma_wait3A_284, %dma_wait3A_290, %dma_wait3A_291] : memref<2x16x128xi32, #tpu.memory_space<vmem>> -> memref<1x16x128xi32, #tpu.memory_space<vmem>>
    %dma_wait3A_293 = tpu.memref_squeeze %dma_wait3A_292 : memref<1x16x128xi32, #tpu.memory_space<vmem>> -> memref<16x128xi32, #tpu.memory_space<vmem>>
    %dma_wait3A_294 = tpu.memref_slice %arg3[%min3A_278, %add3A_283] : memref<200x16384xi32, #tpu.memory_space<hbm>> -> memref<16x128xi32, #tpu.memory_space<hbm>>
    tpu.wait_dma2 semaphore(%arg9 : memref<!tpu.dma_semaphore, #tpu.memory_space<semaphore_mem>>) src(%dma_wait3A_294 : memref<16x128xi32, #tpu.memory_space<hbm>>) dst(%dma_wait3A_293 : memref<16x128xi32, #tpu.memory_space<vmem>>)
    %min3A_295 = arith.constant 51 : i32
    %min3A_296 = arith.constant 51 : i32
    %min3A_297 = arith.minsi %min3A_295, %min3A_296 : i32
    %rem3A_298 = arith.constant 13 : i32
    %rem3A_299 = arith.remsi %min3A_297, %rem3A_298 : i32
    %mul3A_300 = arith.constant 16 : i32
    %mul3A_301 = arith.muli %rem3A_299, %mul3A_300 : i32
    %min3A_302 = arith.constant 184 : i32
    %min3A_303 = arith.minsi %mul3A_301, %min3A_302 : i32
    %div3A_304 = arith.constant 13 : i32
    %div3A_305 = arith.divsi %min3A_297, %div3A_304 : i32
    %mul3A_306 = arith.constant 128 : i32
    %mul3A_307 = arith.muli %div3A_305, %mul3A_306 : i32
    %add3A_308 = arith.addi %mul3A_2, %mul3A_307 : i32
    %dma_wait3A_309 = arith.constant 1 : i32
    %dma_wait3A_310 = arith.constant 0 : i32
    %dma_wait3A_311 = arith.constant 0 : i32
    %dma_wait3A_312 = arith.constant 0 : i32
    %dma_wait3A_313 = tpu.memref_slice %arg7[%dma_wait3A_309, %dma_wait3A_310, %dma_wait3A_311, %dma_wait3A_312] : memref<2x16x16x128xf32, #tpu.memory_space<vmem>> -> memref<1x16x16x128xf32, #tpu.memory_space<vmem>>
    %dma_wait3A_314 = tpu.memref_squeeze %dma_wait3A_313 : memref<1x16x16x128xf32, #tpu.memory_space<vmem>> -> memref<16x16x128xf32, #tpu.memory_space<vmem>>
    %dma_wait3A_315 = arith.constant 0 : i32
    %dma_wait3A_316 = tpu.memref_slice %arg4[%min3A_303, %dma_wait3A_315, %add3A_308] : memref<200x16x16384xf32, #tpu.memory_space<hbm>> -> memref<16x16x128xf32, #tpu.memory_space<hbm>>
    %dma_wait3A_317 = arith.constant 0 : i32
    %dma_wait3A_318 = tpu.memref_slice %arg4[%min3A_303, %dma_wait3A_317, %add3A_308] : memref<200x16x16384xf32, #tpu.memory_space<hbm>> -> memref<16x16x128xf32, #tpu.memory_space<hbm>>
    %dma_wait3A_319 = arith.constant 0 : i32
    %dma_wait3A_320 = arith.constant 0 : i32
    %dma_wait3A_321 = arith.constant 0 : i32
    %dma_wait3A_322 = tpu.memref_slice %arg7[%dma_wait3A_309, %dma_wait3A_319, %dma_wait3A_320, %dma_wait3A_321] : memref<2x16x16x128xf32, #tpu.memory_space<vmem>> -> memref<1x16x16x128xf32, #tpu.memory_space<vmem>>
    %dma_wait3A_323 = tpu.memref_squeeze %dma_wait3A_322 : memref<1x16x16x128xf32, #tpu.memory_space<vmem>> -> memref<16x16x128xf32, #tpu.memory_space<vmem>>
    tpu.wait_dma2 semaphore(%arg11 : memref<!tpu.dma_semaphore, #tpu.memory_space<semaphore_mem>>) src(%dma_wait3A_323 : memref<16x16x128xf32, #tpu.memory_space<vmem>>) dst(%dma_wait3A_318 : memref<16x16x128xf32, #tpu.memory_space<hbm>>)
    return
  }
}

module attributes {stable_mosaic.version = 14 : i64} {
  func.func @_project_body(%arg0: memref<100x16xf32, #tpu.memory_space<vmem>>, %arg1: memref<16x16xf32, #tpu.memory_space<vmem>>, %arg2: memref<1x16xf32, #tpu.memory_space<vmem>>, %arg3: memref<100x16xf32, #tpu.memory_space<vmem>>) attributes {dimension_semantics = [], scalar_prefetch = 0 : i64, scratch_operands = 0 : i64, tpu.core_type = #tpu.core_type<tc>} {
    %get3A = arith.constant 0 : index
    %get3A_0 = arith.constant 0 : index
    %get3A_1 = vector.load %arg0[%get3A, %get3A_0] : memref<100x16xf32, #tpu.memory_space<vmem>>, vector<100x16xf32>
    %get3A_2 = arith.constant 0 : index
    %get3A_3 = arith.constant 0 : index
    %get3A_4 = vector.load %arg1[%get3A_2, %get3A_3] : memref<16x16xf32, #tpu.memory_space<vmem>>, vector<16x16xf32>
    %dot_general3A = arith.constant dense<0.000000e+00> : vector<100x16xf32>
    %dot_general3A_5 = tpu.matmul %get3A_1, %get3A_4, %dot_general3A {dimension_numbers = #tpu.dot_dimension_numbers<[1], [1], [0], [0], [0, 0, 1, 0], [], []>, transpose_lhs_hint = false} : vector<100x16xf32>, vector<16x16xf32>, vector<100x16xf32> -> vector<100x16xf32>
    %get3A_6 = arith.constant 0 : index
    %get3A_7 = arith.constant 0 : index
    %get3A_8 = vector.load %arg2[%get3A_6, %get3A_7] : memref<1x16xf32, #tpu.memory_space<vmem>>, vector<1x16xf32>
    %add3A = vector.broadcast %get3A_8 : vector<1x16xf32> to vector<100x16xf32>
    %add3A_9 = arith.addf %dot_general3A_5, %add3A : vector<100x16xf32>
    %swap3A = arith.constant 0 : index
    %swap3A_10 = arith.constant 0 : index
    %swap3A_11 = vector.load %arg3[%swap3A, %swap3A_10] : memref<100x16xf32, #tpu.memory_space<vmem>>, vector<100x16xf32>
    tpu.vector_store %arg3[%swap3A, %swap3A_10], %add3A_9 {strides = array<i32>} : memref<100x16xf32, #tpu.memory_space<vmem>>, vector<100x16xf32>,
    return
  }
}

</mosaic_0001>

<sc_bundles>
// kernel: kernel.4.cloned.1.call-start
scs
__scs_entry_jumppad:
0x0: {  	(pc) =	sbr.rel $0x88, $3  }
0x1: {  	(tag) =	ssettag $0x0;
	lr =	simm.s32 $0x1  }
0x2: {  	[smem:$0x3F9D] =	sst lr;
	_ =	strace $0xD0000000  }
0x3: {  	_ = 	snop  }
0x4: {  	_ = 	snop  }
0x5: {  	_ = 	snop  }
0x6: {  	_ = 	snop  }
0x7: {  	_ = 	snop  }
__scs_overlays_trampoline_lowered:
0x8: {  	[smem:$0x3FAC] =	sst s0  }
0x9: {  	[smem:$0x3FAD] =	sst s1  }
0xa: {  	[smem:$0x3FAE] =	sst s2  }
0xb: {  	[smem:$0x3FAF] =	sst s3  }
0xc: {  	[smem:$0x3FB0] =	sst s4  }
0xd: {  	[smem:$0x3FB1] =	sst s5  }
0xe: {  	[smem:$0x3FB2] =	sst s6  }
0xf: {  	[smem:$0x3FB3] =	sst s7  }
0x10: {  	[smem:$0x3FB4] =	sst s8  }
0x11: {  	[smem:$0x3FB5] =	sst s9;
	s0 =	simm.s32 @!p0 $0x0  }
0x12: {  	s1 =	sld [smem:$0x3F9B];
	s0 =	simm.s32 @p0 $0x1  }
0x13: {  	[smem:$0x3FB6] =	sst s0;
	s0 =	simm.s32 @!p1 $0x0  }
0x14: {  	s2 =	sld [smem:$0x3F9A];
	s0 =	simm.s32 @p1 $0x1  }
0x15: {  	[smem:$0x3FB7] =	sst s0;
	s0 =	simm.s32 @!p2 $0x0  }
0x16: {  	s3 =	sld [smem:$0x3FDB];
	s0 =	simm.s32 @p2 $0x1  }
0x17: {  	s4 =	simm.s32 $0x1BF5;
	[smem:$0x3FB9] =	sst s0  }
0x18: {  	s0 =	sld [smem:$0x3F9C];
	_ =	swait.ge [sflag:s4], $0x0  }
0x19: {  	s7 =	sld [smem:$0x3F9D]  }
0x1a: {  	s8 =	sadd.s32 $0xFFFFE003, lr  }
0x1b: {  	s9 =	sadd.s32 $0xFFFFFEF7, lr;
	s5 =	simm.s32 $0xFFFFFFFF;
	p2 =	slt.u32 s8, $0xFFFFF086  }
0x1c: {  	p1 =	slt.u32 s9, $0xF7A;
	s5 =	simm.s32 @!p2 $0x0  }
0x1d: {  	s5 =	simm.s32 @p1 $0x1;
	p0 =	seq.s32 s7, s2  }
0x1e: {  	s7 =	smul.u32 @!p0 $0xF7A, s2;
	p2 =	seq.s32 @!p0 s5, $0x0  }
0x1f: {  	s9 =	smul.u32 $0xF7A, s1;
	s8 =	simm.s32 @!p0 $0x1BF5;
	p2 =	por !p2, p0  }
0x20: {  	[sflag:s8] =	ssyncset.s32 @!p0 $0xFFFFF086;
	s6 =	sadd.s32 @!p0 s3, s7;
	s7 =	simm.s32 @!p0 $0x108  }
0x21: {  	s3 =	sadd.s32 s3, s9;
	s6 =	sadd.s32 @!p0 $0x88, s6;
	s7 =	simm.s32 @p2 $0x1082  }
0x22: {  	[simem:s7], [sflag:s8] =	dma.local @!p0 [hbm:s6], $0xF7A  }
0x23: {  	s9 =	sor.u32 $0xD0000000, s2;
	s6 =	simm.s32 $0x108;
	_ =	swait.ge @!p0 [sflag:s8], $0x0  }
0x24: {  	s3 =	sadd.s32 $0x88, s3;
	s6 =	simm.s32 @!p1 $0x1082;
	[sflag:s4] =	ssyncset.s32 $0xFFFFF086  }
0x25: {  	[simem:s6], [sflag:s4] =	dma.local [hbm:s3], $0xF7A  }
0x26: {  	[smem:$0x3F9D] =	sst s1;
	(tag) =	ssettag s2;
	_ =	strace s9  }
0x27: {  	s1 =	sld [smem:$0x3FAD]  }
0x28: {  	s2 =	sld [smem:$0x3FAE]  }
0x29: {  	s4 =	sld [smem:$0x3FB0]  }
0x2a: {  	p0 =	seq.s32 s5, $0x0;
	s5 =	sld [smem:$0x3FB1]  }
0x2b: {  	s6 =	sld [smem:$0x3FB2]  }
0x2c: {  	s7 =	sld [smem:$0x3FB3]  }
0x2d: {  	s3 =	simm.s32 $0x108;
	s8 =	sld [smem:$0x3FB4]  }
0x2e: {  	s3 =	simm.s32 @!p0 $0x1082;
	s9 =	sld [smem:$0x3FB5]  }
0x2f: {  	lr =	sadd.s32 s0, s3;
	s0 =	sld [smem:$0x3FAC]  }
0x30: {  	s3 =	sld [smem:$0x3FAF]  }
0x31: {  	[smem:$0x3FB8] =	sst s10  }
0x32: {  	s10 =	sld [smem:$0x3FB6];
	_ =	sdelay $0x3  }
0x33: {  	p0 =	seq.s32 s10, $0x1;
	s10 =	sld [smem:$0x3FB8];
	_ =	sdelay $0x3  }
0x34: {  	[smem:$0x3FB8] =	sst s10  }
0x35: {  	s10 =	sld [smem:$0x3FB7];
	_ =	sdelay $0x3  }
0x36: {  	p1 =	seq.s32 s10, $0x1;
	s10 =	sld [smem:$0x3FB8];
	_ =	sdelay $0x3  }
0x37: {  	[smem:$0x3FB8] =	sst s10  }
0x38: {  	s10 =	sld [smem:$0x3FB9]  }
0x39: {  	_ = 	snop;
	(pc) =	sbr.ind lr, $3  }
0x3a: {  	_ = 	snop  }
0x3b: {  	_ = 	snop  }
0x3c: {  	p2 =	seq.s32 s10, $0x1;
	s10 =	sld [smem:$0x3FB8]  }
0x3d: {  	_ =	shalt  }
0x3e: {  	_ =	shalt  }
0x3f: {  	_ =	shalt  }
0x40: {  	_ =	shalt  }
0x41: {  	_ =	shalt  }
0x42: {  	_ =	shalt  }
0x43: {  	_ =	shalt  }
0x44: {  	_ =	shalt  }
0x45: {  	_ =	shalt  }
0x46: {  	_ =	shalt  }
0x47: {  	_ =	shalt  }
0x48: {  	_ =	shalt  }
0x49: {  	_ =	shalt  }
0x4a: {  	_ =	shalt  }
0x4b: {  	_ =	shalt  }
0x4c: {  	_ =	shalt  }
0x4d: {  	_ =	shalt  }
0x4e: {  	_ =	shalt  }
0x4f: {  	_ =	shalt  }
0x50: {  	_ =	shalt  }
0x51: {  	_ =	shalt  }
0x52: {  	_ =	shalt  }
0x53: {  	_ =	shalt  }
0x54: {  	_ =	shalt  }
0x55: {  	_ =	shalt  }
0x56: {  	_ =	shalt  }
0x57: {  	_ =	shalt  }
0x58: {  	_ =	shalt  }
0x59: {  	_ =	shalt  }
0x5a: {  	_ =	shalt  }
0x5b: {  	_ =	shalt  }
0x5c: {  	_ =	shalt  }
0x5d: {  	_ =	shalt  }
0x5e: {  	_ =	shalt  }
0x5f: {  	_ =	shalt  }
0x60: {  	_ =	shalt  }
0x61: {  	_ =	shalt  }
0x62: {  	_ =	shalt  }
0x63: {  	_ =	shalt  }
0x64: {  	_ =	shalt  }
0x65: {  	_ =	shalt  }
0x66: {  	_ =	shalt  }
0x67: {  	_ =	shalt  }
0x68: {  	_ =	shalt  }
0x69: {  	_ =	shalt  }
0x6a: {  	_ =	shalt  }
0x6b: {  	_ =	shalt  }
0x6c: {  	_ =	shalt  }
0x6d: {  	_ =	shalt  }
0x6e: {  	_ =	shalt  }
0x6f: {  	_ =	shalt  }
0x70: {  	_ =	shalt  }
0x71: {  	_ =	shalt  }
0x72: {  	_ =	shalt  }
0x73: {  	_ =	shalt  }
0x74: {  	_ =	shalt  }
0x75: {  	_ =	shalt  }
0x76: {  	_ =	shalt  }
0x77: {  	_ =	shalt  }
0x78: {  	_ =	shalt  }
0x79: {  	_ =	shalt  }
0x7a: {  	_ =	shalt  }
0x7b: {  	_ =	shalt  }
0x7c: {  	_ =	shalt  }
0x7d: {  	_ =	shalt  }
0x7e: {  	_ =	shalt  }
0x7f: {  	_ =	shalt  }
0x80: {  	_ =	shalt  }
0x81: {  	_ =	shalt  }
0x82: {  	_ =	shalt  }
0x83: {  	_ =	shalt  }
0x84: {  	_ =	shalt  }
0x85: {  	_ =	shalt  }
0x86: {  	_ =	shalt  }
0x87: {  	_ =	shalt  }
.Lfunc_end0:
.L_simem_size_0:
called_computation_lowered:
.L_overlay_start_0:
0x88: {  	s2 =	sld [smem:$0x3FD9]  }
0x89: {  	s3 =	sld [smem:$0x3FFE];
	_ =	sdelay $0x1  }
0x8a: {  	s1 =	srdreg.scid  }
0x8b: {  	s0 =	sand.u32 $0x1, s1  }
0x8c: {  	s17 =	sshll.u32 s0, $0xA;
	s2 =	sadd.s32 s3, s2  }
0x8d: {  	s2 =	sadd.s32 s2, s17  }
0x8e: {  	[smem:$0x3FC4] =	sst s2  }
0x8f: {  	_ = 	snop  }
0x90: {  	s2 =	sld [smem:$0x3FC9]  }
0x91: {  	s18 =	sld [smem:$0x3FD0];
	(tm) =	ssettm $0x1  }
0x92: {  	s4 =	sld [smem:$0x3FFB];
	_ =	sdelay $0x3  }
0x93: {  	_ =	strace s4  }
0x94: {  	s4 =	sld [smem:$0x3FFC];
	_ =	sdelay $0x3  }
0x95: {  	_ =	strace s4  }
0x96: {  	s4 =	sld [smem:$0x3FFD];
	_ =	sdelay $0x3  }
0x97: {  	_ =	strace s4  }
0x98: {  	_ =	strace $0x8FFFFFFF  }
0x99: {  	s19 =	sld [smem:$0x3FDB];
	_ =	sdelay $0x1  }
0x9a: {  	s5 =	simm.s32 $_scs_section_size  }
0x9b: {  	s6 =	simm.s32 $_size__tile_overlayer_lowered;
	s7 =	simm.s32 $_tile_overlayer_lowered  }
0x9c: {  	s22 =	simm.s32 $0x1BFF;
	s21 =	sshll.u32 s7, $0x1;
	s4 =	sadd.s32 s5, s19  }
0x9d: {  	s8 =	simm.s32 $0x0;
	s20 =	sshll.u32 s6, $0x1;
	s6 =	sadd.s32 s21, s4  }
0x9e: {  	[timem:s8], [sflag:s22] =	dma.local [hbm:s6], s20  }
0x9f: {  	_ =	swait.ge [sflag:s22], s20  }
0xa0: {  	s5 =	ssub.s32 $0x0, s20;
	[sflag:s22] =	ssyncset.done $0x0  }
0xa1: {  	[sflag:s22] =	ssyncadd.s32 s5;
	_ =	sdelay $0x1  }
0xa2: {  	s23 =	simm.s32 $0x1B8B  }
0xa3: {  	_ =	swait.ge [sflag:s23], $0x1  }
0xa4: {  	[sflag:s23] =	ssyncset.done $0x0  }
0xa5: {  	s25 =	simm.s32 $0x1B8E;
	s24 =	sld [smem:$0x3FFE];
	[sflag:s23] =	ssyncadd.s32 $0xFFFFFFFF  }
0xa6: {  	s26 =	simm.s32 $execute0_lowered;
	[smem:$0x3FD2] =	sst s25  }
0xa7: {  	s6 =	sshll.u32 s26, $0x1;
	_ =	strace $0x80000046;
	[dreg:$0x1] =	wrdreg $0xFFFFFFFF  }
0xa8: {  	s28 =	simm.s32 $_size_execute0_lowered;
	s4 =	sadd.s32 s4, s6;
	[dreg:$0x0] =	wrdreg $0x0  }
0xa9: {  	s6 =	sshll.u32 s28, $0x1;
	[dreg:$0x2] =	wrdreg s4  }
0xaa: {  	[dreg:$0x3] =	wrdreg s6  }
0xab: {  	[dreg:$0x4] =	wrdreg $0xC0  }
0xac: {  	_ =	task [dreg:s8], $0x5FFFF  }
0xad: {  	[dreg:$0x1] =	wrdreg $0xFFFFFFFF  }
0xae: {  	[dreg:$0x0] =	wrdreg $0x60  }
0xaf: {  	[dreg:$0x2] =	wrdreg s24  }
0xb0: {  	[dreg:$0x3] =	wrdreg s2  }
0xb1: {  	[dreg:$0x4] =	wrdreg s18  }
0xb2: {  	[dreg:$0x5] =	wrdreg $0x9  }
0xb3: {  	_ =	task.clear_ibuf [dreg:s8], $0x6FFFF;
	_ =	strace $0x90000046  }
0xb4: {  	s29 =	simm.s32 $0x9;
	_ =	strace $0x80000048  }
0xb5: {  	_ =	swait.ge [sflag:s29], $0x1  }
0xb6: {  	[sflag:s29] =	ssyncadd.s32 $0xFFFFFFFF  }
0xb7: {  	_ =	strace $0x90000048  }
0xb8: {  	_ =	sfence  }
0xb9: {  	s30 =	sld [smem:$0x0];
	_ =	sdelay $0x2  }
0xba: {  	s31 =	sshll.u32 s1, $0xD;
	s1 =	sshrl.u32 s1, $0x2  }
0xbb: {  	s3 =	sand.u32 $0x4000, s31;
	s1 =	sadd.s32 s1, s30  }
0xbc: {  	s0 =	sor.u32 s3, s0;
	s1 =	sshll.u32 s1, $0x11  }
0xbd: {  	s0 =	sor.u32 s1, s0  }
0xbe: {  	s0 =	sadd.s32 $0x8F2B, s0  }
0xbf: {  	[sflag:s0] =	ssyncadd.remote.s32 $0x1  }
0xc0: {  	_ =	sfence.sel $0xFFFF  }
0xc1: {  	[dreg:$0x0] =	wrdreg $0xFFFFFFFF;
	(pc) =	sbr.abs _section_cstart, $3  }
0xc2: {  	[dreg:$0x1] =	wrdreg $0xFFFFFFFF  }
0xc3: {  	_ =	task.clear_ibuf [dreg:s8], $0x2FFFF;
	_ =	strace $0x9FFFFFFF  }
0xc4: {  	(tm) =	ssettm $0x7FFFFFFF  }
0xc5: {  	_ =	shalt  }
tec
execute0_lowered:
.L_overlay_start_1:
0x0: {  	(tag) =	ssettag $0x1  }
0x1: {  	s0 =	rddreg [dreg:$0x0]  }
0x2: {  	s1 =	rddreg [dreg:$0x1]  }
0x3: {  	s3 =	rddreg [dreg:$0x2]  }
0x4: {  	s2 =	simm.s32 $0x0;
	s4 =	srdreg.scid;
	s6 =	stileid.u32  }
0x5: {  	s12 =	simm.s32 $0x400;
	s13 =	simm.s32 $0x20000;
	s4 =	sand.u32 $0x1, s4  }
0x6: {  	s6 =	sshll.u32 s6, $0xA;
	s5 =	ssub.s32 $0x2, s4;
	s4 =	sshll.u32 s4, $0x9  }
0x7: {  	s16 =	simm.s32 $0x1;
	s18 =	simm.s32 $0x2;
	s6 =	sor.u32 s4, s6  }
0x8: {  	[smem:$0x7FF] =	sst s2;
	s0 =	sadd.s32 $0x800, s0;
	s4 =	sadd.s32 s1, s6  }
0x9: {  	_ =	strace $0x80000047;
	[dreg:$0x4] =	wrdreg s0;
	s1 =	sadd.s32 $0x8000, s4  }
0xa: {  	s6 =	sadd.s32 s3, s6;
	s29 =	sadd.s32 $0x10000, s4;
	[dreg:$0x5] =	wrdreg s1  }
0xb: {  	s7 =	sshrl.u32 s5, $0x1;
	s30 =	sadd.s32 $0x80000, s6;
	[dreg:$0x6] =	wrdreg s29  }
0xc: {  	s28 =	ssub.s32 s5, s7;
	s31 =	sadd.s32 $0x18000, s4;
	[dreg:$0x7] =	wrdreg s30  }
0xd: {  	s20 =	simm.s32 $0x3;
	s0 =	smax.u32 s28, $0x1;
	[dreg:$0x8] =	wrdreg s31  }
0xe: {  	s21 =	simm.s32 $0x4;
	[dreg:$0x9] =	wrdreg s0;
	s1 =	simm.s32 $0x0  }
.LBB2_1:
0xf: {  	[dreg:$0xa] =	wrdreg s1  }
0x10: {  	s0 =	rddreg [dreg:$0x4];
	s14 =	simm.s32 $0x5  }
0x11: {  	[tilespmem:s2], [sflag:$0x5] =	stream.linear.gather [hbm4b:s0+s2], $0x680, $0x38;
	[tilespmem:$0x11680] =	vst v63  }
0x12: {  	_ =	swait.ge [sflag:s14], $0x680  }
0x13: {  	[sflag:s14] =	ssyncset.done $0x0  }
0x14: {  	s15 =	simm.s32 $0x680;
	s19 =	simm.s32 $0xE80;
	[sflag:s14] =	ssyncadd.s32 $0xFFFFF980  }
0x15: {  	[tilespmem:s15], [sflag:$0x1] =	stream.strided.gather [hbm4b:s4+s12], $0x800, s13, s12, $0x38;
	[tilespmem:$0x11680] =	vst v63  }
0x16: {  	s22 =	simm.s32 $0x20;
	s23 =	simm.s32 $0x20;
	s17 =	rddreg [dreg:$0x5]  }
0x17: {  	[tilespmem:s19], [sflag:$0x2] =	stream.strided.gather [hbm4b:s17+s12], $0x800, s13, s12, $0x38;
	[tilespmem:$0x11680] =	vst v63  }
0x18: {  	s3 =	simm.s32 $0x0;
	s5 =	simm.s32 $0x10;
	_ =	swait.ge [sflag:s16], $0x800  }
0x19: {  	s0 =	sand.u32 $0x70, s22;
	s1 =	sand.u32 $0x3FFFFF80, s23;
	[sflag:s16] =	ssyncset.done $0x0  }
0x1a: {  	s7 =	simm.s32 $0x0;
	s1 =	sor.u32 s0, s1;
	[sflag:s16] =	ssyncadd.s32 $0xFFFFF800  }
0x1b: {  	s26 =	simm.s32 $0x10;
	s24 =	sand.u32 $0x3FFFFF80, s3;
	s25 =	sand.u32 $0x70, s7;
	v0 =	vld [tilespmem:s1+$0x680]  }
0x1c: {  	s5 =	sand.u32 $0x3FFFFF80, s5;
	s7 =	sand.u32 $0x70, s26;
	s1 =	sor.u32 s25, s24  }
0x1d: {  	s5 =	sor.u32 s7, s5;
	v1 =	vld [tilespmem:s1+$0x680]  }
0x1e: {  	v3 =	vld [tilespmem:s5+$0x680];
	_ =	sdelay $0x1  }
0x1f: {  	v4 =	vshll.u32 v0, $0x4;
	_ =	sdelay $0x1  }
0x20: {  	v2 =	vshll.u32 v1, $0x4  }
0x21: {  	v3 =	vshll.u32 v3, $0x4;
	_ =	sdelay $0x1  }
0x22: {  	v0 =	vld.idx.msk [tilespmem:v4+s2+$0x0], $0xffff  }
0x23: {  	v1 =	vor.u32 $0x1, v4  }
0x24: {  	s8 =	simm.s32 $0x200;
	v5 =	vld.idx.msk [tilespmem:v2+s2+$0x0], $0xffff  }
0x25: {  	s1 =	sand.u32 $0x3FFFF800, s8;
	v6 =	vor.u32 $0x1, v2;
	v7 =	vld.idx.msk [tilespmem:v3+s2+$0x0], $0xffff  }
0x26: {  	s9 =	simm.s32 $0x0;
	s5 =	sor.u32 s0, s1;
	v8 =	vor.u32 $0x1, v3  }
0x27: {  	s10 =	simm.s32 $0x100;
	s0 =	sand.u32 $0x3FFFF800, s9;
	[tilespmem:s5+$0x1680] =	vst v0  }
0x28: {  	s1 =	sand.u32 $0x3FFFF800, s10;
	s24 =	sor.u32 s25, s0;
	v0 =	vld.idx.msk [tilespmem:v1+s2+$0x0], $0xffff  }
0x29: {  	s23 =	sor.u32 s7, s1;
	v1 =	vor.u32 $0x2, v4;
	[tilespmem:s24+$0x1680] =	vst v5  }
0x2a: {  	[tilespmem:s23+$0x1680] =	vst v7;
	v5 =	vld.idx.msk [tilespmem:v6+s2+$0x0], $0xffff  }
0x2b: {  	v7 =	vld.idx.msk [tilespmem:v8+s2+$0x0], $0xffff;
	v6 =	vor.u32 $0x2, v2  }
0x2c: {  	v8 =	vor.u32 $0x2, v3  }
0x2d: {  	[tilespmem:s5+$0x1700] =	vst v0  }
0x2e: {  	v0 =	vld.idx.msk [tilespmem:v1+s2+$0x0], $0xffff  }
0x2f: {  	v1 =	vor.u32 $0x3, v4;
	[tilespmem:s24+$0x1700] =	vst v5  }
0x30: {  	[tilespmem:s23+$0x1700] =	vst v7;
	v5 =	vld.idx.msk [tilespmem:v6+s2+$0x0], $0xffff  }
0x31: {  	v7 =	vld.idx.msk [tilespmem:v8+s2+$0x0], $0xffff;
	v6 =	vor.u32 $0x3, v2  }
0x32: {  	v8 =	vor.u32 $0x3, v3  }
0x33: {  	[tilespmem:s5+$0x1780] =	vst v0  }
0x34: {  	v0 =	vld.idx.msk [tilespmem:v1+s2+$0x0], $0xffff  }
0x35: {  	v1 =	vor.u32 $0x4, v4;
	[tilespmem:s24+$0x1780] =	vst v5  }
0x36: {  	[tilespmem:s23+$0x1780] =	vst v7;
	v5 =	vld.idx.msk [tilespmem:v6+s2+$0x0], $0xffff  }
0x37: {  	v7 =	vld.idx.msk [tilespmem:v8+s2+$0x0], $0xffff;
	v6 =	vor.u32 $0x4, v2  }
0x38: {  	v8 =	vor.u32 $0x4, v3  }
0x39: {  	[tilespmem:s5+$0x1800] =	vst v0  }
0x3a: {  	v0 =	vld.idx.msk [tilespmem:v1+s2+$0x0], $0xffff  }
0x3b: {  	v1 =	vor.u32 $0x5, v4;
	[tilespmem:s24+$0x1800] =	vst v5  }
0x3c: {  	[tilespmem:s23+$0x1800] =	vst v7;
	v5 =	vld.idx.msk [tilespmem:v6+s2+$0x0], $0xffff  }
0x3d: {  	v7 =	vld.idx.msk [tilespmem:v8+s2+$0x0], $0xffff;
	v6 =	vor.u32 $0x5, v2  }
0x3e: {  	v8 =	vor.u32 $0x5, v3  }
0x3f: {  	[tilespmem:s5+$0x1880] =	vst v0  }
0x40: {  	v0 =	vld.idx.msk [tilespmem:v1+s2+$0x0], $0xffff  }
0x41: {  	s11 =	simm.s32 $0x50;
	s14 =	simm.s32 $0x50;
	s15 =	simm.s32 $0x30;
	v1 =	vor.u32 $0x6, v4;
	[tilespmem:s24+$0x1880] =	vst v5  }
0x42: {  	s8 =	simm.s32 $0x30;
	s1 =	sand.u32 $0x70, s14;
	s0 =	sand.u32 $0x3FFFFF80, s11;
	[tilespmem:s23+$0x1880] =	vst v7;
	v5 =	vld.idx.msk [tilespmem:v6+s2+$0x0], $0xffff  }
0x43: {  	s3 =	sand.u32 $0x3FFFFF80, s15;
	s8 =	sand.u32 $0x70, s8;
	s0 =	sor.u32 s1, s0;
	v6 =	vld.idx.msk [tilespmem:v8+s2+$0x0], $0xffff  }
0x44: {  	s17 =	simm.s32 $0x40;
	s9 =	simm.s32 $0x40;
	s3 =	sor.u32 s8, s3;
	v7 =	vor.u32 $0x6, v2;
	v8 =	vld [tilespmem:s0+$0x680]  }
0x45: {  	s19 =	sand.u32 $0x3FFFFF80, s17;
	s22 =	sand.u32 $0x70, s9;
	v9 =	vld [tilespmem:s3+$0x680];
	[tilespmem:s5+$0x1900] =	vst v0  }
0x46: {  	s0 =	sor.u32 s22, s19;
	v1 =	vld.idx.msk [tilespmem:v1+s2+$0x0], $0xffff  }
0x47: {  	v12 =	vor.u32 $0x7, v4;
	v10 =	vld [tilespmem:s0+$0x680]  }
0x48: {  	v14 =	vor.u32 $0x6, v3;
	[tilespmem:s24+$0x1900] =	vst v5  }
0x49: {  	v0 =	vshll.u32 v8, $0x4;
	v5 =	vld.idx.msk [tilespmem:v7+s2+$0x0], $0xffff  }
0x4a: {  	v7 =	vor.u32 $0x7, v2  }
0x4b: {  	v11 =	vshll.u32 v9, $0x4;
	[tilespmem:s5+$0x1980] =	vst v1  }
0x4c: {  	[tilespmem:s23+$0x1900] =	vst v6;
	v13 =	vshll.u32 v10, $0x4;
	v1 =	vld.idx.msk [tilespmem:v12+s2+$0x0], $0xffff  }
0x4d: {  	v8 =	vor.u32 $0x8, v4;
	v6 =	vld.idx.msk [tilespmem:v14+s2+$0x0], $0xffff  }
0x4e: {  	v9 =	vor.u32 $0x7, v3;
	v10 =	vld.idx.msk [tilespmem:v0+s2+$0x0], $0xffff;
	[tilespmem:s24+$0x1980] =	vst v5  }
0x4f: {  	v5 =	vld.idx.msk [tilespmem:v7+s2+$0x0], $0xffff;
	v7 =	vor.u32 $0x1, v0  }
0x50: {  	s9 =	simm.s32 $0x500;
	v14 =	vld.idx.msk [tilespmem:v11+s2+$0x0], $0xffff;
	v12 =	vor.u32 $0x8, v2  }
0x51: {  	v15 =	vor.u32 $0x1, v11;
	s0 =	sand.u32 $0x3FFFF800, s9;
	v16 =	vld.idx.msk [tilespmem:v13+s2+$0x0], $0xffff;
	[tilespmem:s5+$0x1A00] =	vst v1  }
0x52: {  	s10 =	simm.s32 $0x300;
	s25 =	sor.u32 s1, s0;
	[tilespmem:s23+$0x1980] =	vst v6;
	v1 =	vor.u32 $0x1, v13;
	v6 =	vld.idx.msk [tilespmem:v8+s2+$0x0], $0xffff  }
0x53: {  	s11 =	simm.s32 $0x400;
	s14 =	sand.u32 $0x3FFFF800, s10;
	[tilespmem:s25+$0x1680] =	vst v10;
	v8 =	vld.idx.msk [tilespmem:v9+s2+$0x0], $0xffff;
	v9 =	vor.u32 $0x9, v4  }
0x54: {  	s26 =	sor.u32 s8, s14;
	s0 =	sand.u32 $0x3FFFF800, s11;
	v10 =	vor.u32 $0x8, v3;
	v7 =	vld.idx.msk [tilespmem:v7+s2+$0x0], $0xffff;
	[tilespmem:s24+$0x1A00] =	vst v5  }
0x55: {  	s28 =	sor.u32 s22, s0;
	[tilespmem:s26+$0x1680] =	vst v14;
	v5 =	vld.idx.msk [tilespmem:v12+s2+$0x0], $0xffff;
	v12 =	vor.u32 $0x2, v0  }
0x56: {  	v14 =	vor.u32 $0x9, v2;
	v15 =	vld.idx.msk [tilespmem:v15+s2+$0x0], $0xffff;
	[tilespmem:s28+$0x1680] =	vst v16  }
0x57: {  	v16 =	vor.u32 $0x2, v11;
	v1 =	vld.idx.msk [tilespmem:v1+s2+$0x0], $0xffff;
	[tilespmem:s5+$0x1A80] =	vst v6  }
0x58: {  	v6 =	vor.u32 $0x2, v13;
	[tilespmem:s23+$0x1A00] =	vst v8;
	v8 =	vld.idx.msk [tilespmem:v9+s2+$0x0], $0xffff  }
0x59: {  	[tilespmem:s25+$0x1700] =	vst v7;
	v7 =	vld.idx.msk [tilespmem:v10+s2+$0x0], $0xffff;
	v9 =	vor.u32 $0xA, v4  }
0x5a: {  	v10 =	vor.u32 $0x9, v3;
	v12 =	vld.idx.msk [tilespmem:v12+s2+$0x0], $0xffff;
	[tilespmem:s24+$0x1A80] =	vst v5  }
0x5b: {  	[tilespmem:s26+$0x1700] =	vst v15;
	v5 =	vld.idx.msk [tilespmem:v14+s2+$0x0], $0xffff;
	v14 =	vor.u32 $0x3, v0  }
0x5c: {  	v15 =	vor.u32 $0xA, v2;
	v16 =	vld.idx.msk [tilespmem:v16+s2+$0x0], $0xffff;
	[tilespmem:s28+$0x1700] =	vst v1  }
0x5d: {  	v1 =	vor.u32 $0x3, v11;
	v6 =	vld.idx.msk [tilespmem:v6+s2+$0x0], $0xffff;
	[tilespmem:s5+$0x1B00] =	vst v8  }
0x5e: {  	v8 =	vor.u32 $0x3, v13;
	[tilespmem:s23+$0x1A80] =	vst v7;
	v7 =	vld.idx.msk [tilespmem:v9+s2+$0x0], $0xffff  }
0x5f: {  	[tilespmem:s25+$0x1780] =	vst v12;
	v9 =	vld.idx.msk [tilespmem:v10+s2+$0x0], $0xffff;
	v10 =	vor.u32 $0xB, v4  }
0x60: {  	v12 =	vor.u32 $0xA, v3;
	v14 =	vld.idx.msk [tilespmem:v14+s2+$0x0], $0xffff;
	[tilespmem:s24+$0x1B00] =	vst v5  }
0x61: {  	[tilespmem:s26+$0x1780] =	vst v16;
	v5 =	vld.idx.msk [tilespmem:v15+s2+$0x0], $0xffff;
	v15 =	vor.u32 $0x4, v0  }
0x62: {  	v16 =	vor.u32 $0xB, v2;
	v1 =	vld.idx.msk [tilespmem:v1+s2+$0x0], $0xffff;
	[tilespmem:s28+$0x1780] =	vst v6  }
0x63: {  	v6 =	vor.u32 $0x4, v11;
	v8 =	vld.idx.msk [tilespmem:v8+s2+$0x0], $0xffff;
	[tilespmem:s5+$0x1B80] =	vst v7  }
0x64: {  	v7 =	vor.u32 $0x4, v13;
	[tilespmem:s23+$0x1B00] =	vst v9;
	v9 =	vld.idx.msk [tilespmem:v10+s2+$0x0], $0xffff  }
0x65: {  	[tilespmem:s25+$0x1800] =	vst v14;
	v10 =	vld.idx.msk [tilespmem:v12+s2+$0x0], $0xffff;
	v12 =	vor.u32 $0xC, v4  }
0x66: {  	v14 =	vor.u32 $0xB, v3;
	v15 =	vld.idx.msk [tilespmem:v15+s2+$0x0], $0xffff;
	[tilespmem:s24+$0x1B80] =	vst v5  }
0x67: {  	v5 =	vor.u32 $0x5, v0;
	[tilespmem:s26+$0x1800] =	vst v1;
	v1 =	vld.idx.msk [tilespmem:v16+s2+$0x0], $0xffff  }
0x68: {  	v6 =	vld.idx.msk [tilespmem:v6+s2+$0x0], $0xffff;
	[tilespmem:s28+$0x1800] =	vst v8  }
0x69: {  	v7 =	vld.idx.msk [tilespmem:v7+s2+$0x0], $0xffff;
	[tilespmem:s5+$0x1C00] =	vst v9  }
0x6a: {  	s15 =	simm.s32 $0x80;
	s17 =	simm.s32 $0x60;
	s10 =	simm.s32 $0x60;
	v8 =	vor.u32 $0x5, v11;
	[tilespmem:s23+$0x1B80] =	vst v10;
	v10 =	vld.idx.msk [tilespmem:v12+s2+$0x0], $0xffff  }
0x6b: {  	s3 =	simm.s32 $0x80;
	s9 =	sand.u32 $0x70, s10;
	s1 =	sand.u32 $0x3FFFFF80, s17;
	v9 =	vor.u32 $0x5, v13;
	[tilespmem:s25+$0x1880] =	vst v15;
	v12 =	vld.idx.msk [tilespmem:v14+s2+$0x0], $0xffff  }
0x6c: {  	s19 =	sand.u32 $0x70, s3;
	s0 =	sand.u32 $0x3FFFFF80, s15;
	s1 =	sor.u32 s9, s1;
	v14 =	vor.u32 $0xD, v4;
	v5 =	vld.idx.msk [tilespmem:v5+s2+$0x0], $0xffff  }
0x6d: {  	s0 =	sor.u32 s19, s0;
	v18 =	vld [tilespmem:s1+$0x680];
	[tilespmem:s24+$0x1C00] =	vst v1;
	v1 =	vor.u32 $0x6, v0  }
0x6e: {  	v16 =	vor.u32 $0xC, v2;
	v15 =	vld [tilespmem:s0+$0x680];
	[tilespmem:s26+$0x1880] =	vst v6  }
0x6f: {  	v8 =	vld.idx.msk [tilespmem:v8+s2+$0x0], $0xffff;
	[tilespmem:s28+$0x1880] =	vst v7  }
0x70: {  	v7 =	vld.idx.msk [tilespmem:v9+s2+$0x0], $0xffff;
	v9 =	vor.u32 $0x6, v11;
	[tilespmem:s5+$0x1C80] =	vst v10  }
0x71: {  	s10 =	simm.s32 $0x70;
	s22 =	simm.s32 $0x70;
	[tilespmem:s25+$0x1900] =	vst v5;
	v10 =	vld.idx.msk [tilespmem:v14+s2+$0x0], $0xffff;
	v14 =	vor.u32 $0x6, v13  }
0x72: {  	v17 =	vor.u32 $0xC, v3;
	s14 =	sand.u32 $0x70, s10;
	s11 =	sand.u32 $0x3FFFFF80, s22;
	v5 =	vld.idx.msk [tilespmem:v1+s2+$0x0], $0xffff  }
0x73: {  	s0 =	sor.u32 s14, s11;
	v6 =	vld.idx.msk [tilespmem:v16+s2+$0x0], $0xffff;
	[tilespmem:s23+$0x1C00] =	vst v12;
	v1 =	vshll.u32 v15, $0x4  }
0x74: {  	v16 =	vor.u32 $0xE, v4;
	[tilespmem:s26+$0x1900] =	vst v8;
	v8 =	vld [tilespmem:s0+$0x680]  }
0x75: {  	v19 =	vor.u32 $0x7, v0;
	v9 =	vld.idx.msk [tilespmem:v9+s2+$0x0], $0xffff;
	[tilespmem:s28+$0x1900] =	vst v7  }
0x76: {  	v20 =	vor.u32 $0xD, v2;
	v7 =	vld.idx.msk [tilespmem:v14+s2+$0x0], $0xffff;
	[tilespmem:s5+$0x1D00] =	vst v10  }
0x77: {  	v10 =	vor.u32 $0x7, v11;
	[tilespmem:s25+$0x1980] =	vst v5;
	v5 =	vld.idx.msk [tilespmem:v17+s2+$0x0], $0xffff  }
0x78: {  	v29 =	vshll.u32 v18, $0x4;
	v14 =	vld.idx.msk [tilespmem:v1+s2+$0x0], $0xffff  }
0x79: {  	[tilespmem:s24+$0x1C80] =	vst v6;
	v12 =	vld.idx.msk [tilespmem:v16+s2+$0x0], $0xffff;
	v34 =	vshll.u32 v8, $0x4  }
0x7a: {  	s15 =	simm.s32 $0x800;
	v15 =	vor.u32 $0x7, v13;
	v6 =	vld.idx.msk [tilespmem:v19+s2+$0x0], $0xffff;
	[tilespmem:s26+$0x1980] =	vst v9  }
0x7b: {  	v4 =	vor.u32 $0xF, v4;
	s0 =	sand.u32 $0x3FFFF800, s15;
	v8 =	vld.idx.msk [tilespmem:v20+s2+$0x0], $0xffff;
	[tilespmem:s28+$0x1980] =	vst v7  }
0x7c: {  	s29 =	sor.u32 s19, s0;
	v16 =	vor.u32 $0x1, v1;
	v10 =	vld.idx.msk [tilespmem:v10+s2+$0x0], $0xffff;
	[tilespmem:s23+$0x1C80] =	vst v5  }
0x7d: {  	v9 =	vor.u32 $0x8, v0;
	v7 =	vld.idx.msk [tilespmem:v29+s2+$0x0], $0xffff;
	[tilespmem:s29+$0x1680] =	vst v14  }
0x7e: {  	[tilespmem:s5+$0x1D80] =	vst v12;
	v12 =	vor.u32 $0x8, v11;
	v17 =	vld.idx.msk [tilespmem:v34+s2+$0x0], $0xffff  }
0x7f: {  	s17 =	simm.s32 $0x600;
	v5 =	vor.u32 $0x1, v29;
	[tilespmem:s25+$0x1A00] =	vst v6;
	v14 =	vld.idx.msk [tilespmem:v15+s2+$0x0], $0xffff  }
0x80: {  	s22 =	simm.s32 $0x700;
	s19 =	sand.u32 $0x3FFFF800, s17;
	v6 =	vor.u32 $0xD, v3;
	[tilespmem:s24+$0x1D00] =	vst v8;
	v4 =	vld.idx.msk [tilespmem:v4+s2+$0x0], $0xffff  }
0x81: {  	s1 =	sand.u32 $0x3FFFF800, s22;
	s0 =	sor.u32 s9, s19;
	v8 =	vor.u32 $0x1, v34;
	v15 =	vld.idx.msk [tilespmem:v16+s2+$0x0], $0xffff;
	[tilespmem:s26+$0x1A00] =	vst v10  }
0x82: {  	s1 =	sor.u32 s14, s1;
	v16 =	vor.u32 $0x8, v13;
	v9 =	vld.idx.msk [tilespmem:v9+s2+$0x0], $0xffff;
	[tilespmem:s0+$0x1680] =	vst v7  }
0x83: {  	v10 =	vor.u32 $0x9, v0;
	v7 =	vld.idx.msk [tilespmem:v12+s2+$0x0], $0xffff;
	[tilespmem:s1+$0x1680] =	vst v17  }
0x84: {  	v5 =	vld.idx.msk [tilespmem:v5+s2+$0x0], $0xffff;
	v12 =	vor.u32 $0x2, v1;
	[tilespmem:s28+$0x1A00] =	vst v14  }
0x85: {  	v6 =	vld.idx.msk [tilespmem:v6+s2+$0x0], $0xffff;
	[tilespmem:s5+$0x1E00] =	vst v4;
	v4 =	vor.u32 $0x9, v11  }
0x86: {  	v17 =	vor.u32 $0x2, v29;
	[tilespmem:s29+$0x1700] =	vst v15;
	v8 =	vld.idx.msk [tilespmem:v8+s2+$0x0], $0xffff  }
0x87: {  	v15 =	vld.idx.msk [tilespmem:v16+s2+$0x0], $0xffff;
	[tilespmem:s25+$0x1A80] =	vst v9;
	v9 =	vor.u32 $0xE, v2  }
0x88: {  	v14 =	vor.u32 $0x2, v34;
	v10 =	vld.idx.msk [tilespmem:v10+s2+$0x0], $0xffff;
	[tilespmem:s26+$0x1A80] =	vst v7  }
0x89: {  	v12 =	vld.idx.msk [tilespmem:v12+s2+$0x0], $0xffff;
	v7 =	vor.u32 $0xA, v0;
	[tilespmem:s0+$0x1700] =	vst v5  }
0x8a: {  	v16 =	vor.u32 $0x9, v13;
	[tilespmem:s23+$0x1D00] =	vst v6;
	v4 =	vld.idx.msk [tilespmem:v4+s2+$0x0], $0xffff  }
0x8b: {  	v5 =	vld.idx.msk [tilespmem:v17+s2+$0x0], $0xffff;
	v17 =	vor.u32 $0x3, v1;
	[tilespmem:s1+$0x1700] =	vst v8  }
0x8c: {  	v20 =	vor.u32 $0xE, v3;
	[tilespmem:s28+$0x1A80] =	vst v15;
	v8 =	vld.idx.msk [tilespmem:v9+s2+$0x0], $0xffff  }
0x8d: {  	v18 =	vor.u32 $0xA, v11;
	v14 =	vld.idx.msk [tilespmem:v14+s2+$0x0], $0xffff;
	[tilespmem:s25+$0x1B00] =	vst v10  }
0x8e: {  	v19 =	vor.u32 $0x3, v29;
	v15 =	vld.idx.msk [tilespmem:v7+s2+$0x0], $0xffff;
	[tilespmem:s29+$0x1780] =	vst v12  }
0x8f: {  	v35 =	vor.u32 $0xF, v2;
	v25 =	vor.u32 $0xB, v11;
	v22 =	vor.u32 $0xB, v0;
	v16 =	vld.idx.msk [tilespmem:v16+s2+$0x0], $0xffff;
	[tilespmem:s26+$0x1B00] =	vst v4  }
0x90: {  	v23 =	vor.u32 $0xA, v13;
	v21 =	vor.u32 $0x3, v34;
	v2 =	vor.u32 $0xF, v11;
	v17 =	vld.idx.msk [tilespmem:v17+s2+$0x0], $0xffff;
	[tilespmem:s0+$0x1780] =	vst v5  }
0x91: {  	v6 =	vor.u32 $0xD, v11;
	v9 =	vor.u32 $0xC, v11;
	v4 =	vor.u32 $0xE, v11;
	v11 =	vld.idx.msk [tilespmem:v20+s2+$0x0], $0xffff;
	[tilespmem:s24+$0x1D80] =	vst v8  }
0x92: {  	v42 =	vor.u32 $0xC, v0;
	v31 =	vor.u32 $0x5, v29;
	v27 =	vor.u32 $0x6, v29;
	v26 =	vld.idx.msk [tilespmem:v18+s2+$0x0], $0xffff;
	[tilespmem:s1+$0x1780] =	vst v14  }
0x93: {  	v24 =	vor.u32 $0x7, v29;
	v32 =	vor.u32 $0x4, v1;
	v10 =	vor.u32 $0xC, v13;
	v19 =	vld.idx.msk [tilespmem:v19+s2+$0x0], $0xffff;
	[tilespmem:s25+$0x1B80] =	vst v15  }
0x94: {  	v7 =	vor.u32 $0xF, v3;
	v12 =	vor.u32 $0xB, v13;
	v3 =	vor.u32 $0xF, v13;
	[tilespmem:s28+$0x1B00] =	vst v16;
	v40 =	vld.idx.msk [tilespmem:v22+s2+$0x0], $0xffff  }
0x95: {  	v5 =	vor.u32 $0xE, v13;
	v8 =	vor.u32 $0xD, v13;
	v13 =	vor.u32 $0x4, v29;
	v14 =	vld.idx.msk [tilespmem:v21+s2+$0x0], $0xffff;
	[tilespmem:s29+$0x1800] =	vst v17  }
0x96: {  	v39 =	vor.u32 $0x4, v34;
	v30 =	vor.u32 $0x5, v34;
	v28 =	vor.u32 $0x6, v34;
	v41 =	vld.idx.msk [tilespmem:v23+s2+$0x0], $0xffff;
	[tilespmem:s23+$0x1D80] =	vst v11  }
0x97: {  	v33 =	vor.u32 $0xB, v34;
	v20 =	vor.u32 $0x9, v34;
	v18 =	vor.u32 $0x9, v29;
	v35 =	vld.idx.msk [tilespmem:v35+s2+$0x0], $0xffff;
	[tilespmem:s26+$0x1B80] =	vst v26  }
0x98: {  	v16 =	vor.u32 $0xB, v29;
	v21 =	vor.u32 $0x8, v29;
	v23 =	vor.u32 $0x8, v34;
	v37 =	vld.idx.msk [tilespmem:v32+s2+$0x0], $0xffff;
	[tilespmem:s0+$0x1800] =	vst v19  }
0x99: {  	v15 =	vor.u32 $0xD, v34;
	v22 =	vor.u32 $0x7, v34;
	v36 =	vld.idx.msk [tilespmem:v25+s2+$0x0], $0xffff;
	[tilespmem:s25+$0x1C00] =	vst v40;
	v40 =	vor.u32 $0x5, v1  }
0x9a: {  	v17 =	vor.u32 $0xA, v29;
	v11 =	vor.u32 $0xF, v29;
	v19 =	vor.u32 $0xA, v34;
	v38 =	vld.idx.msk [tilespmem:v13+s2+$0x0], $0xffff;
	[tilespmem:s1+$0x1800] =	vst v14  }
0x9b: {  	s30 =	simm.s32 $0x0;
	v32 =	vor.u32 $0xC, v29;
	v26 =	vor.u32 $0xC, v34;
	v25 =	vor.u32 $0xD, v29;
	v39 =	vld.idx.msk [tilespmem:v39+s2+$0x0], $0xffff  }
0x9c: {  	s31 =	simm.s32 $0x0;
	s7 =	simm.s32 $0x6;
	s5 =	simm.s32 $0x0;
	v13 =	vor.u32 $0xE, v29;
	v14 =	vor.u32 $0xE, v34;
	v29 =	vor.u32 $0xF, v34;
	[tilespmem:s28+$0x1B80] =	vst v41;
	v34 =	vld.idx.msk [tilespmem:v42+s2+$0x0], $0xffff  }
.LBB2_2:
0x9d: {  	s8 =	sadd.s32 $0x4, s7;
	[tilespmem:s29+$0x1880] =	vst v37;
	v37 =	vld.idx.msk [tilespmem:v12+s30+$0x0], $0xffff;
	v12 =	vmov v33;
	s9 =	smov.u32 s7;
	s7 =	sadd.s32 $0x3, s7  }
0x9e: {  	s10 =	sshll.u32 s7, $0x8;
	s11 =	sshll.u32 s8, $0x8;
	v33 =	vld.idx.msk [tilespmem:v40+s5+$0x0], $0xffff;
	[tilespmem:s26+$0x1C00] =	vst v36;
	v36 =	vor.u32 $0xD, v0  }
0x9f: {  	s22 =	sshll.u32 s7, $0x4;
	s17 =	sshll.u32 s8, $0x4;
	s10 =	sand.u32 $0x3FFFF800, s10;
	[tilespmem:s0+$0x1880] =	vst v38;
	v38 =	vld.idx.msk [tilespmem:v9+s30+$0x0], $0xffff;
	v9 =	vmov v32  }
0xa0: {  	s8 =	sadd.s32 $0x5, s9;
	s22 =	sand.u32 $0x3FFFFF80, s22;
	s11 =	sand.u32 $0x3FFFF800, s11;
	v32 =	vor.u32 $0x6, v1;
	v31 =	vld.idx.msk [tilespmem:v31+s5+$0x0], $0xffff;
	[tilespmem:s24+$0x1E00] =	vst v35  }
0xa1: {  	s3 =	sadd.s32 $0x30, s3;
	s17 =	sand.u32 $0x3FFFFF80, s17;
	s24 =	sshll.u32 s8, $0x4;
	[tilespmem:s1+$0x1880] =	vst v39;
	v35 =	vld.idx.msk [tilespmem:v7+s31+$0x0], $0xffff;
	v7 =	vmov v3;
	v3 =	vmov v29  }
0xa2: {  	s9 =	sand.u32 $0x70, s3;
	s31 =	sadd.s32 $0xFFFFFFE0, s3;
	s24 =	sand.u32 $0x3FFFFF80, s24;
	v29 =	vld.idx.msk [tilespmem:v30+s5+$0x0], $0xffff;
	[tilespmem:s25+$0x1C80] =	vst v34  }
0xa3: {  	s19 =	sadd.s32 $0xFFFFFFF0, s3;
	s31 =	sand.u32 $0x70, s31;
	s24 =	sor.u32 s9, s24;
	[tilespmem:s28+$0x1C00] =	vst v37;
	v30 =	vld.idx.msk [tilespmem:v36+s30+$0x0], $0xffff  }
0xa4: {  	s19 =	sand.u32 $0x70, s19;
	s22 =	sor.u32 s31, s22;
	s10 =	sor.u32 s31, s10;
	v34 =	vld [tilespmem:s24+$0x680];
	[tilespmem:s29+$0x1900] =	vst v33  }
0xa5: {  	p0 =	slt.u32 s7, $0x7B;
	s17 =	sor.u32 s19, s17;
	s11 =	sor.u32 s19, s11;
	v33 =	vor.u32 $0xE, v0;
	v32 =	vld.idx.msk [tilespmem:v32+s5+$0x0], $0xffff;
	[tilespmem:s26+$0x1C80] =	vst v38  }
0xa6: {  	s24 =	smov.u32 s26;
	s26 =	smov.u32 s0;
	v36 =	vld [tilespmem:s22+$0x680];
	[tilespmem:s0+$0x1900] =	vst v31;
	s0 =	smov.u32 s10  }
0xa7: {  	v37 =	vor.u32 $0x7, v1;
	v31 =	vld [tilespmem:s17+$0x680];
	[tilespmem:s23+$0x1E00] =	vst v35;
	s23 =	smov.u32 s28;
	s28 =	smov.u32 s1;
	s1 =	smov.u32 s11  }
0xa8: {  	s31 =	smov.u32 s30;
	s30 =	smov.u32 s5;
	v27 =	vld.idx.msk [tilespmem:v27+s5+$0x0], $0xffff;
	[tilespmem:s28+$0x1900] =	vst v29  }
0xa9: {  	v29 =	vshll.u32 v34, $0x4;
	v28 =	vld.idx.msk [tilespmem:v28+s30+$0x0], $0xffff;
	[tilespmem:s25+$0x1D00] =	vst v30  }
0xaa: {  	v33 =	vld.idx.msk [tilespmem:v33+s31+$0x0], $0xffff  }
0xab: {  	v36 =	vshll.u32 v36, $0x4;
	[tilespmem:s29+$0x1980] =	vst v32;
	v32 =	vld.idx.msk [tilespmem:v10+s31+$0x0], $0xffff;
	v10 =	vmov v26  }
0xac: {  	v38 =	vor.u32 $0x1, v36;
	v39 =	vshll.u32 v31, $0x4;
	v26 =	vld.idx.msk [tilespmem:v37+s30+$0x0], $0xffff;
	v37 =	vor.u32 $0xF, v0;
	v0 =	vmovc v1;
	v1 =	vmovc v29  }
0xad: {  	s5 =	simm.s32 $0x0;
	v40 =	vor.u32 $0x2, v36;
	v41 =	vor.u32 $0x1, v39;
	v42 =	vor.u32 $0x2, v39;
	v43 =	vld.idx.msk [tilespmem:v6+s31+$0x0], $0xffff;
	v6 =	vmovc v25  }
0xae: {  	v44 =	vor.u32 $0x3, v36;
	v45 =	vor.u32 $0x3, v39;
	v25 =	vld.idx.msk [tilespmem:v29+s5+$0x0], $0xffff;
	[tilespmem:s26+$0x1980] =	vst v27;
	v29 =	vor.u32 $0x8, v0  }
0xaf: {  	v35 =	vor.u32 $0x4, v36;
	v31 =	vor.u32 $0x5, v36;
	v34 =	vor.u32 $0x4, v39;
	v46 =	vld.idx.msk [tilespmem:v24+s30+$0x0], $0xffff;
	[tilespmem:s28+$0x1980] =	vst v28  }
0xb0: {  	v30 =	vor.u32 $0x5, v39;
	v48 =	vor.u32 $0x1, v1;
	v27 =	vor.u32 $0x6, v36;
	v47 =	vld.idx.msk [tilespmem:v36+s5+$0x0], $0xffff;
	[tilespmem:s25+$0x1D80] =	vst v33  }
0xb1: {  	s8 =	sshll.u32 s8, $0x8;
	v49 =	vor.u32 $0x7, v39;
	v24 =	vor.u32 $0x7, v36;
	v28 =	vor.u32 $0x6, v39;
	[tilespmem:s23+$0x1C80] =	vst v32;
	v37 =	vld.idx.msk [tilespmem:v37+s31+$0x0], $0xffff  }
0xb2: {  	s8 =	sand.u32 $0x3FFFF800, s8;
	v50 =	vor.u32 $0x8, v36;
	v51 =	vor.u32 $0x9, v36;
	v53 =	vor.u32 $0x8, v39;
	v52 =	vld.idx.msk [tilespmem:v39+s5+$0x0], $0xffff;
	[tilespmem:s29+$0x1A00] =	vst v26  }
0xb3: {  	s8 =	sor.u32 s9, s8;
	v54 =	vor.u32 $0xA, v36;
	v55 =	vor.u32 $0x9, v39;
	v56 =	vor.u32 $0xA, v39;
	v57 =	vld.idx.msk [tilespmem:v29+s30+$0x0], $0xffff;
	[tilespmem:s24+$0x1D00] =	vst v43  }
0xb4: {  	v33 =	vor.u32 $0xB, v39;
	v32 =	vor.u32 $0xC, v36;
	v43 =	vor.u32 $0xB, v36;
	[tilespmem:s8+$0x1680] =	vst v25;
	v58 =	vld.idx.msk [tilespmem:v22+s30+$0x0], $0xffff;
	v22 =	vmovc v49  }
0xb5: {  	v26 =	vor.u32 $0xC, v39;
	v25 =	vor.u32 $0xD, v36;
	v48 =	vld.idx.msk [tilespmem:v48+s5+$0x0], $0xffff;
	[tilespmem:s26+$0x1A00] =	vst v46;
	v46 =	vor.u32 $0x9, v0  }
0xb6: {  	v59 =	vor.u32 $0xE, v39;
	v49 =	vor.u32 $0xD, v39;
	[tilespmem:s0+$0x1680] =	vst v47;
	v47 =	vor.u32 $0xE, v36;
	v60 =	vld.idx.msk [tilespmem:v21+s30+$0x0], $0xffff;
	v21 =	vmovc v50  }
0xb7: {  	v29 =	vor.u32 $0xF, v39;
	v50 =	vor.u32 $0xF, v36;
	v36 =	vor.u32 $0x2, v1;
	v38 =	vld.idx.msk [tilespmem:v38+s5+$0x0], $0xffff;
	[tilespmem:s25+$0x1E00] =	vst v37;
	s25 =	smov.u32 s29;
	s29 =	smov.u32 s8  }
0xb8: {  	[tilespmem:s1+$0x1680] =	vst v52;
	v37 =	vld.idx.msk [tilespmem:v8+s31+$0x0], $0xffff;
	v8 =	vmov v15;
	v15 =	vmov v49  }
0xb9: {  	v39 =	vld.idx.msk [tilespmem:v41+s5+$0x0], $0xffff;
	[tilespmem:s25+$0x1A80] =	vst v57  }
0xba: {  	[tilespmem:s28+$0x1A00] =	vst v58;
	v41 =	vld.idx.msk [tilespmem:v46+s30+$0x0], $0xffff  }
0xbb: {  	[tilespmem:s29+$0x1700] =	vst v48;
	v46 =	vld.idx.msk [tilespmem:v23+s30+$0x0], $0xffff;
	v23 =	vmov v53  }
0xbc: {  	v48 =	vor.u32 $0xA, v0;
	v36 =	vld.idx.msk [tilespmem:v36+s5+$0x0], $0xffff;
	[tilespmem:s26+$0x1A80] =	vst v60  }
0xbd: {  	[tilespmem:s0+$0x1700] =	vst v38;
	v38 =	vld.idx.msk [tilespmem:v18+s30+$0x0], $0xffff;
	v18 =	vmov v51  }
0xbe: {  	v49 =	vor.u32 $0x3, v1;
	v40 =	vld.idx.msk [tilespmem:v40+s5+$0x0], $0xffff;
	[tilespmem:s23+$0x1D00] =	vst v37  }
0xbf: {  	[tilespmem:s1+$0x1700] =	vst v39;
	v37 =	vld.idx.msk [tilespmem:v4+s31+$0x0], $0xffff;
	v4 =	vmov v13;
	v13 =	vmov v47  }
0xc0: {  	v39 =	vld.idx.msk [tilespmem:v42+s5+$0x0], $0xffff;
	[tilespmem:s25+$0x1B00] =	vst v41  }
0xc1: {  	[tilespmem:s28+$0x1A80] =	vst v46;
	v41 =	vld.idx.msk [tilespmem:v48+s30+$0x0], $0xffff  }
0xc2: {  	[tilespmem:s29+$0x1780] =	vst v36;
	v36 =	vld.idx.msk [tilespmem:v20+s30+$0x0], $0xffff;
	v20 =	vmov v55  }
0xc3: {  	v42 =	vld.idx.msk [tilespmem:v49+s5+$0x0], $0xffff;
	[tilespmem:s26+$0x1B00] =	vst v38;
	v38 =	vor.u32 $0xB, v0  }
0xc4: {  	[tilespmem:s0+$0x1780] =	vst v40;
	v40 =	vld.idx.msk [tilespmem:v17+s30+$0x0], $0xffff;
	v17 =	vmov v54  }
0xc5: {  	v46 =	vor.u32 $0x4, v1;
	v44 =	vld.idx.msk [tilespmem:v44+s5+$0x0], $0xffff;
	[tilespmem:s24+$0x1D80] =	vst v37  }
0xc6: {  	[tilespmem:s1+$0x1780] =	vst v39;
	v39 =	vld.idx.msk [tilespmem:v5+s31+$0x0], $0xffff;
	v5 =	vmov v14;
	v14 =	vmov v59  }
0xc7: {  	v45 =	vld.idx.msk [tilespmem:v45+s5+$0x0], $0xffff;
	[tilespmem:s25+$0x1B80] =	vst v41  }
0xc8: {  	[tilespmem:s28+$0x1B00] =	vst v36;
	v41 =	vld.idx.msk [tilespmem:v38+s30+$0x0], $0xffff  }
0xc9: {  	[tilespmem:s29+$0x1800] =	vst v42;
	v42 =	vld.idx.msk [tilespmem:v19+s30+$0x0], $0xffff;
	v19 =	vmov v56  }
0xca: {  	v37 =	vld.idx.msk [tilespmem:v46+s5+$0x0], $0xffff;
	[tilespmem:s26+$0x1B80] =	vst v40;
	v46 =	vor.u32 $0xC, v0  }
.Ltmp0:
0xcb: {  	[tilespmem:s0+$0x1800] =	vst v44;
	v36 =	vld.idx.msk [tilespmem:v16+s30+$0x0], $0xffff;
	v16 =	vmov v43;
	(pc) =	sbr.rel @p0 .LBB2_2-.Ltmp0, $4  }
0xcc: {  	v40 =	vor.u32 $0x5, v1;
	v38 =	vld.idx.msk [tilespmem:v35+s5+$0x0], $0xffff;
	[tilespmem:s23+$0x1D80] =	vst v39  }
0xcd: {  	[tilespmem:s1+$0x1800] =	vst v45;
	v35 =	vld.idx.msk [tilespmem:v2+s31+$0x0], $0xffff;
	v2 =	vmov v11;
	v11 =	vmov v50  }
0xce: {  	v39 =	vld.idx.msk [tilespmem:v34+s5+$0x0], $0xffff;
	[tilespmem:s25+$0x1C00] =	vst v41  }
0xcf: {  	[tilespmem:s28+$0x1B80] =	vst v42;
	v34 =	vld.idx.msk [tilespmem:v46+s30+$0x0], $0xffff  }
0xd0: {  	_ =	sdelay $0x2  }
0xd1: {  	[tilespmem:s29+$0x1880] =	vst v37  }
0xd2: {  	v37 =	vld.idx.msk [tilespmem:v40+s5+$0x0], $0xffff;
	[tilespmem:s0+$0x1880] =	vst v38  }
0xd3: {  	v63 =	vor.u32 $0x6, v1;
	v31 =	vld.idx.msk [tilespmem:v31+s5+$0x0], $0xffff;
	[tilespmem:s1+$0x1880] =	vst v39  }
0xd4: {  	v30 =	vld.idx.msk [tilespmem:v30+s5+$0x0], $0xffff;
	_ =	sdelay $0x2  }
0xd5: {  	[tilespmem:s29+$0x1900] =	vst v37  }
0xd6: {  	v37 =	vld.idx.msk [tilespmem:v63+s5+$0x0], $0xffff;
	[tilespmem:s0+$0x1900] =	vst v31  }
0xd7: {  	v39 =	vor.u32 $0x7, v1;
	v27 =	vld.idx.msk [tilespmem:v27+s5+$0x0], $0xffff;
	[tilespmem:s1+$0x1900] =	vst v30  }
0xd8: {  	v28 =	vld.idx.msk [tilespmem:v28+s5+$0x0], $0xffff;
	_ =	sdelay $0x2  }
0xd9: {  	[tilespmem:s29+$0x1980] =	vst v37  }
0xda: {  	v40 =	vld.idx.msk [tilespmem:v39+s5+$0x0], $0xffff;
	[tilespmem:s0+$0x1980] =	vst v27  }
0xdb: {  	v41 =	vor.u32 $0x8, v1;
	v24 =	vld.idx.msk [tilespmem:v24+s5+$0x0], $0xffff;
	[tilespmem:s1+$0x1980] =	vst v28  }
0xdc: {  	v22 =	vld.idx.msk [tilespmem:v22+s5+$0x0], $0xffff;
	_ =	sdelay $0x2  }
0xdd: {  	[tilespmem:s29+$0x1A00] =	vst v40  }
0xde: {  	v27 =	vld.idx.msk [tilespmem:v41+s5+$0x0], $0xffff;
	[tilespmem:s0+$0x1A00] =	vst v24  }
0xdf: {  	v42 =	vor.u32 $0x9, v1;
	v21 =	vld.idx.msk [tilespmem:v21+s5+$0x0], $0xffff;
	[tilespmem:s1+$0x1A00] =	vst v22  }
0xe0: {  	v22 =	vld.idx.msk [tilespmem:v23+s5+$0x0], $0xffff;
	_ =	sdelay $0x2  }
0xe1: {  	[tilespmem:s29+$0x1A80] =	vst v27  }
0xe2: {  	v43 =	vld.idx.msk [tilespmem:v42+s5+$0x0], $0xffff;
	[tilespmem:s0+$0x1A80] =	vst v21  }
0xe3: {  	v44 =	vor.u32 $0xA, v1;
	v18 =	vld.idx.msk [tilespmem:v18+s5+$0x0], $0xffff;
	[tilespmem:s1+$0x1A80] =	vst v22  }
0xe4: {  	v20 =	vld.idx.msk [tilespmem:v20+s5+$0x0], $0xffff;
	_ =	sdelay $0x2  }
0xe5: {  	[tilespmem:s29+$0x1B00] =	vst v43  }
0xe6: {  	v21 =	vld.idx.msk [tilespmem:v44+s5+$0x0], $0xffff;
	[tilespmem:s0+$0x1B00] =	vst v18  }
0xe7: {  	v45 =	vor.u32 $0xB, v1;
	v17 =	vld.idx.msk [tilespmem:v17+s5+$0x0], $0xffff;
	[tilespmem:s1+$0x1B00] =	vst v20  }
0xe8: {  	v19 =	vld.idx.msk [tilespmem:v19+s5+$0x0], $0xffff;
	_ =	sdelay $0x1  }
0xe9: {  	[tilespmem:s26+$0x1C00] =	vst v36  }
0xea: {  	v12 =	vld.idx.msk [tilespmem:v12+s30+$0x0], $0xffff;
	[tilespmem:s29+$0x1B80] =	vst v21  }
0xeb: {  	v18 =	vld.idx.msk [tilespmem:v45+s5+$0x0], $0xffff;
	[tilespmem:s0+$0x1B80] =	vst v17  }
0xec: {  	v46 =	vor.u32 $0xC, v1;
	v16 =	vld.idx.msk [tilespmem:v16+s5+$0x0], $0xffff;
	[tilespmem:s1+$0x1B80] =	vst v19  }
0xed: {  	[tilespmem:s24+$0x1E00] =	vst v35;
	v19 =	vld.idx.msk [tilespmem:v33+s5+$0x0], $0xffff  }
0xee: {  	v7 =	vld.idx.msk [tilespmem:v7+s31+$0x0], $0xffff;
	[tilespmem:s25+$0x1C80] =	vst v34  }
0xef: {  	v47 =	vor.u32 $0xD, v0;
	v9 =	vld.idx.msk [tilespmem:v9+s30+$0x0], $0xffff;
	[tilespmem:s28+$0x1C00] =	vst v12  }
0xf0: {  	v10 =	vld.idx.msk [tilespmem:v10+s30+$0x0], $0xffff;
	[tilespmem:s29+$0x1C00] =	vst v18  }
0xf1: {  	v48 =	vld.idx.msk [tilespmem:v46+s5+$0x0], $0xffff;
	[tilespmem:s0+$0x1C00] =	vst v16  }
0xf2: {  	v49 =	vor.u32 $0xD, v1;
	v50 =	vld.idx.msk [tilespmem:v32+s5+$0x0], $0xffff;
	[tilespmem:s1+$0x1C00] =	vst v19  }
0xf3: {  	[tilespmem:s23+$0x1E00] =	vst v7;
	v51 =	vld.idx.msk [tilespmem:v26+s5+$0x0], $0xffff  }
0xf4: {  	v52 =	vld.idx.msk [tilespmem:v47+s30+$0x0], $0xffff;
	[tilespmem:s26+$0x1C80] =	vst v9  }
0xf5: {  	v53 =	vor.u32 $0xE, v0;
	v6 =	vld.idx.msk [tilespmem:v6+s30+$0x0], $0xffff;
	[tilespmem:s28+$0x1C80] =	vst v10  }
0xf6: {  	v8 =	vld.idx.msk [tilespmem:v8+s30+$0x0], $0xffff;
	[tilespmem:s29+$0x1C80] =	vst v48  }
0xf7: {  	v54 =	vld.idx.msk [tilespmem:v49+s5+$0x0], $0xffff;
	[tilespmem:s0+$0x1C80] =	vst v50  }
0xf8: {  	v55 =	vor.u32 $0xE, v1;
	v56 =	vld.idx.msk [tilespmem:v25+s5+$0x0], $0xffff;
	[tilespmem:s1+$0x1C80] =	vst v51  }
0xf9: {  	[tilespmem:s25+$0x1D00] =	vst v52;
	v9 =	vld.idx.msk [tilespmem:v15+s5+$0x0], $0xffff  }
0xfa: {  	v7 =	vld.idx.msk [tilespmem:v53+s30+$0x0], $0xffff;
	[tilespmem:s26+$0x1D00] =	vst v6  }
0xfb: {  	v57 =	vor.u32 $0xF, v0;
	v4 =	vld.idx.msk [tilespmem:v4+s30+$0x0], $0xffff;
	[tilespmem:s28+$0x1D00] =	vst v8  }
0xfc: {  	v5 =	vld.idx.msk [tilespmem:v5+s30+$0x0], $0xffff;
	[tilespmem:s29+$0x1D00] =	vst v54  }
0xfd: {  	v58 =	vld.idx.msk [tilespmem:v55+s5+$0x0], $0xffff;
	[tilespmem:s0+$0x1D00] =	vst v56  }
0xfe: {  	v59 =	vor.u32 $0xF, v1;
	v60 =	vld.idx.msk [tilespmem:v13+s5+$0x0], $0xffff;
	[tilespmem:s1+$0x1D00] =	vst v9  }
0xff: {  	[tilespmem:s25+$0x1D80] =	vst v7;
	v61 =	vld.idx.msk [tilespmem:v14+s5+$0x0], $0xffff  }
0x100: {  	v0 =	vld.idx.msk [tilespmem:v57+s30+$0x0], $0xffff;
	[tilespmem:s26+$0x1D80] =	vst v4  }
0x101: {  	v2 =	vld.idx.msk [tilespmem:v2+s30+$0x0], $0xffff;
	[tilespmem:s28+$0x1D80] =	vst v5  }
0x102: {  	v3 =	vld.idx.msk [tilespmem:v3+s30+$0x0], $0xffff;
	[tilespmem:s29+$0x1D80] =	vst v58  }
0x103: {  	v1 =	vld.idx.msk [tilespmem:v59+s5+$0x0], $0xffff;
	[tilespmem:s0+$0x1D80] =	vst v60  }
0x104: {  	v62 =	vld.idx.msk [tilespmem:v11+s5+$0x0], $0xffff;
	[tilespmem:s1+$0x1D80] =	vst v61  }
0x105: {  	[tilespmem:s25+$0x1E00] =	vst v0;
	v63 =	vld.idx.msk [tilespmem:v29+s5+$0x0], $0xffff  }
0x106: {  	[tilespmem:s26+$0x1E00] =	vst v2  }
0x107: {  	[tilespmem:s28+$0x1E00] =	vst v3  }
0x108: {  	[tilespmem:s29+$0x1E00] =	vst v1  }
0x109: {  	[tilespmem:s0+$0x1E00] =	vst v62  }
0x10a: {  	[tilespmem:s1+$0x1E00] =	vst v63  }
.LBB2_4:
0x10b: {  	s0 =	sshra.s32 s5, $0x2  }
0x10c: {  	v0 =	vld [tilespmem:s0+$0xE60];
	_ =	sdelay $0x4  }
0x10d: {  	v0 =	vshll.u32 v0, $0x4;
	_ =	sdelay $0x4  }
0x10e: {  	v1 =	vld.idx.msk [tilespmem:v0+s2+$0x0], $0xffff  }
0x10f: {  	v2 =	vor.u32 $0x1, v0;
	_ =	sdelay $0x3  }
0x110: {  	[tilespmem:s0+$0x8EE0] =	vst v1  }
0x111: {  	v1 =	vld.idx.msk [tilespmem:v2+s2+$0x0], $0xffff  }
0x112: {  	v51 =	vor.u32 $0x2, v0;
	_ =	sdelay $0x3  }
0x113: {  	[tilespmem:s0+$0x8F60] =	vst v1  }
0x114: {  	v1 =	vld.idx.msk [tilespmem:v51+s2+$0x0], $0xffff  }
0x115: {  	v52 =	vor.u32 $0x3, v0;
	_ =	sdelay $0x3  }
0x116: {  	[tilespmem:s0+$0x8FE0] =	vst v1  }
0x117: {  	v1 =	vld.idx.msk [tilespmem:v52+s2+$0x0], $0xffff  }
0x118: {  	v53 =	vor.u32 $0x4, v0;
	_ =	sdelay $0x3  }
0x119: {  	[tilespmem:s0+$0x9060] =	vst v1  }
0x11a: {  	v1 =	vld.idx.msk [tilespmem:v53+s2+$0x0], $0xffff  }
0x11b: {  	v54 =	vor.u32 $0x5, v0;
	_ =	sdelay $0x3  }
0x11c: {  	[tilespmem:s0+$0x90E0] =	vst v1  }
0x11d: {  	v1 =	vld.idx.msk [tilespmem:v54+s2+$0x0], $0xffff  }
0x11e: {  	v55 =	vor.u32 $0x6, v0;
	_ =	sdelay $0x3  }
0x11f: {  	[tilespmem:s0+$0x9160] =	vst v1  }
0x120: {  	v1 =	vld.idx.msk [tilespmem:v55+s2+$0x0], $0xffff  }
0x121: {  	v56 =	vor.u32 $0x7, v0;
	_ =	sdelay $0x3  }
0x122: {  	[tilespmem:s0+$0x91E0] =	vst v1  }
0x123: {  	v1 =	vld.idx.msk [tilespmem:v56+s2+$0x0], $0xffff  }
0x124: {  	v57 =	vor.u32 $0x8, v0;
	_ =	sdelay $0x3  }
0x125: {  	[tilespmem:s0+$0x9260] =	vst v1  }
0x126: {  	v1 =	vld.idx.msk [tilespmem:v57+s2+$0x0], $0xffff  }
0x127: {  	v58 =	vor.u32 $0x9, v0;
	_ =	sdelay $0x3  }
0x128: {  	[tilespmem:s0+$0x92E0] =	vst v1  }
0x129: {  	v1 =	vld.idx.msk [tilespmem:v58+s2+$0x0], $0xffff  }
0x12a: {  	v59 =	vor.u32 $0xA, v0;
	_ =	sdelay $0x3  }
0x12b: {  	[tilespmem:s0+$0x9360] =	vst v1  }
0x12c: {  	v1 =	vld.idx.msk [tilespmem:v59+s2+$0x0], $0xffff  }
0x12d: {  	v60 =	vor.u32 $0xB, v0;
	_ =	sdelay $0x3  }
0x12e: {  	[tilespmem:s0+$0x93E0] =	vst v1  }
0x12f: {  	v1 =	vld.idx.msk [tilespmem:v60+s2+$0x0], $0xffff  }
0x130: {  	v61 =	vor.u32 $0xC, v0;
	_ =	sdelay $0x3  }
0x131: {  	[tilespmem:s0+$0x9460] =	vst v1  }
0x132: {  	v1 =	vld.idx.msk [tilespmem:v61+s2+$0x0], $0xffff  }
0x133: {  	v62 =	vor.u32 $0xD, v0;
	_ =	sdelay $0x3  }
0x134: {  	[tilespmem:s0+$0x94E0] =	vst v1  }
0x135: {  	v1 =	vld.idx.msk [tilespmem:v62+s2+$0x0], $0xffff  }
0x136: {  	v63 =	vor.u32 $0xE, v0;
	_ =	sdelay $0x3  }
0x137: {  	[tilespmem:s0+$0x9560] =	vst v1  }
0x138: {  	v1 =	vld.idx.msk [tilespmem:v63+s2+$0x0], $0xffff  }
0x139: {  	v0 =	vor.u32 $0xF, v0;
	_ =	sdelay $0x3  }
0x13a: {  	[tilespmem:s0+$0x95E0] =	vst v1  }
0x13b: {  	p0 =	sne.s32 s5, $0x40;
	v0 =	vld.idx.msk [tilespmem:v0+s2+$0x0], $0xffff  }
.Ltmp1:
0x13c: {  	_ = 	snop;
	(pc) =	sbr.rel @p0 .LBB2_4-.Ltmp1, $2  }
0x13d: {  	_ =	sdelay $0x2  }
0x13e: {  	s5 =	sadd.s32 $0x40, s5;
	[tilespmem:s0+$0x9660] =	vst v0  }
0x13f: {  	s0 =	simm.s32 $0x1680;
	s5 =	rddreg [dreg:$0x6]  }
0x140: {  	[hbm4b:s6+s12] =	stream.strided.scatter [tilespmem:s0], [sflag:$0x3], $0x8000, s13, s12, $0x38;
	[tilespmem:$0x11680] =	vst v63  }
0x141: {  	s1 =	simm.s32 $0x680;
	s7 =	simm.s32 $0x20;
	s8 =	simm.s32 $0x20  }
0x142: {  	[tilespmem:s1], [sflag:$0x1] =	stream.strided.gather [hbm4b:s5+s12], $0x800, s13, s12, $0x38;
	[tilespmem:$0x11680] =	vst v63  }
0x143: {  	s3 =	simm.s32 $0x0;
	s11 =	simm.s32 $0x10;
	_ =	swait.ge [sflag:s18], $0x800  }
0x144: {  	s0 =	sand.u32 $0x70, s7;
	s1 =	sand.u32 $0x3FFFFF80, s8;
	[sflag:s18] =	ssyncset.done $0x0  }
0x145: {  	s7 =	simm.s32 $0x0;
	s1 =	sor.u32 s0, s1;
	[sflag:s18] =	ssyncadd.s32 $0xFFFFF800  }
0x146: {  	s9 =	sand.u32 $0x3FFFFF80, s3;
	s10 =	sand.u32 $0x70, s7;
	s5 =	simm.s32 $0x10;
	v0 =	vld [tilespmem:s1+$0xE80]  }
0x147: {  	s7 =	sand.u32 $0x70, s11;
	s5 =	sand.u32 $0x3FFFFF80, s5;
	s1 =	sor.u32 s10, s9  }
0x148: {  	s5 =	sor.u32 s7, s5;
	v1 =	vld [tilespmem:s1+$0xE80]  }
0x149: {  	v3 =	vld [tilespmem:s5+$0xE80];
	_ =	sdelay $0x1  }
0x14a: {  	v4 =	vshll.u32 v0, $0x4;
	_ =	sdelay $0x1  }
0x14b: {  	v2 =	vshll.u32 v1, $0x4  }
0x14c: {  	v3 =	vshll.u32 v3, $0x4  }
0x14d: {  	s23 =	simm.s32 $0x0  }
0x14e: {  	v0 =	vld.idx.msk [tilespmem:v4+s23+$0x0], $0xffff  }
0x14f: {  	v1 =	vor.u32 $0x1, v4  }
0x150: {  	s14 =	simm.s32 $0x200;
	v5 =	vld.idx.msk [tilespmem:v2+s23+$0x0], $0xffff  }
0x151: {  	s1 =	sand.u32 $0x3FFFF800, s14;
	v6 =	vor.u32 $0x1, v2;
	v7 =	vld.idx.msk [tilespmem:v3+s23+$0x0], $0xffff  }
0x152: {  	s15 =	simm.s32 $0x0;
	s5 =	sor.u32 s0, s1;
	v8 =	vor.u32 $0x1, v3  }
0x153: {  	s17 =	simm.s32 $0x100;
	s0 =	sand.u32 $0x3FFFF800, s15;
	[tilespmem:s5+$0x9680] =	vst v0  }
0x154: {  	s1 =	sand.u32 $0x3FFFF800, s17;
	s25 =	sor.u32 s10, s0;
	v0 =	vld.idx.msk [tilespmem:v1+s23+$0x0], $0xffff  }
0x155: {  	s24 =	sor.u32 s7, s1;
	v1 =	vor.u32 $0x2, v4;
	[tilespmem:s25+$0x9680] =	vst v5  }
0x156: {  	[tilespmem:s24+$0x9680] =	vst v7;
	v5 =	vld.idx.msk [tilespmem:v6+s23+$0x0], $0xffff  }
0x157: {  	v7 =	vld.idx.msk [tilespmem:v8+s23+$0x0], $0xffff;
	v6 =	vor.u32 $0x2, v2  }
0x158: {  	v8 =	vor.u32 $0x2, v3  }
0x159: {  	[tilespmem:s5+$0x9700] =	vst v0  }
0x15a: {  	v0 =	vld.idx.msk [tilespmem:v1+s23+$0x0], $0xffff  }
0x15b: {  	v1 =	vor.u32 $0x3, v4;
	[tilespmem:s25+$0x9700] =	vst v5  }
0x15c: {  	[tilespmem:s24+$0x9700] =	vst v7;
	v5 =	vld.idx.msk [tilespmem:v6+s23+$0x0], $0xffff  }
0x15d: {  	v7 =	vld.idx.msk [tilespmem:v8+s23+$0x0], $0xffff;
	v6 =	vor.u32 $0x3, v2  }
0x15e: {  	v8 =	vor.u32 $0x3, v3  }
0x15f: {  	[tilespmem:s5+$0x9780] =	vst v0  }
0x160: {  	v0 =	vld.idx.msk [tilespmem:v1+s23+$0x0], $0xffff  }
0x161: {  	v1 =	vor.u32 $0x4, v4;
	[tilespmem:s25+$0x9780] =	vst v5  }
0x162: {  	[tilespmem:s24+$0x9780] =	vst v7;
	v5 =	vld.idx.msk [tilespmem:v6+s23+$0x0], $0xffff  }
0x163: {  	v7 =	vld.idx.msk [tilespmem:v8+s23+$0x0], $0xffff;
	v6 =	vor.u32 $0x4, v2  }
0x164: {  	v8 =	vor.u32 $0x4, v3  }
0x165: {  	[tilespmem:s5+$0x9800] =	vst v0  }
0x166: {  	v0 =	vld.idx.msk [tilespmem:v1+s23+$0x0], $0xffff  }
0x167: {  	v1 =	vor.u32 $0x5, v4;
	[tilespmem:s25+$0x9800] =	vst v5  }
0x168: {  	[tilespmem:s24+$0x9800] =	vst v7;
	v5 =	vld.idx.msk [tilespmem:v6+s23+$0x0], $0xffff  }
0x169: {  	v7 =	vld.idx.msk [tilespmem:v8+s23+$0x0], $0xffff;
	v6 =	vor.u32 $0x5, v2  }
0x16a: {  	v8 =	vor.u32 $0x5, v3  }
0x16b: {  	[tilespmem:s5+$0x9880] =	vst v0  }
0x16c: {  	v0 =	vld.idx.msk [tilespmem:v1+s23+$0x0], $0xffff  }
0x16d: {  	s19 =	simm.s32 $0x50;
	s22 =	simm.s32 $0x50;
	s26 =	simm.s32 $0x30;
	v1 =	vor.u32 $0x6, v4;
	[tilespmem:s25+$0x9880] =	vst v5  }
0x16e: {  	s8 =	simm.s32 $0x30;
	s1 =	sand.u32 $0x70, s22;
	s0 =	sand.u32 $0x3FFFFF80, s19;
	[tilespmem:s24+$0x9880] =	vst v7;
	v5 =	vld.idx.msk [tilespmem:v6+s23+$0x0], $0xffff  }
0x16f: {  	s3 =	sand.u32 $0x3FFFFF80, s26;
	s8 =	sand.u32 $0x70, s8;
	s0 =	sor.u32 s1, s0;
	v6 =	vld.idx.msk [tilespmem:v8+s23+$0x0], $0xffff  }
0x170: {  	s31 =	simm.s32 $0x40;
	s3 =	sor.u32 s8, s3;
	s9 =	simm.s32 $0x40;
	v7 =	vor.u32 $0x6, v2;
	v8 =	vld [tilespmem:s0+$0xE80]  }
0x171: {  	v9 =	vld [tilespmem:s3+$0xE80];
	s9 =	sand.u32 $0x70, s9;
	s7 =	sand.u32 $0x3FFFFF80, s31;
	[tilespmem:s5+$0x9900] =	vst v0  }
0x172: {  	s0 =	sor.u32 s9, s7;
	v1 =	vld.idx.msk [tilespmem:v1+s23+$0x0], $0xffff  }
0x173: {  	v12 =	vor.u32 $0x7, v4;
	v10 =	vld [tilespmem:s0+$0xE80]  }
0x174: {  	v14 =	vor.u32 $0x6, v3;
	[tilespmem:s25+$0x9900] =	vst v5  }
0x175: {  	v0 =	vshll.u32 v8, $0x4;
	v5 =	vld.idx.msk [tilespmem:v7+s23+$0x0], $0xffff  }
0x176: {  	v7 =	vor.u32 $0x7, v2  }
0x177: {  	v11 =	vshll.u32 v9, $0x4;
	[tilespmem:s5+$0x9980] =	vst v1  }
0x178: {  	[tilespmem:s24+$0x9900] =	vst v6;
	v13 =	vshll.u32 v10, $0x4;
	v1 =	vld.idx.msk [tilespmem:v12+s23+$0x0], $0xffff  }
0x179: {  	v8 =	vor.u32 $0x8, v4;
	v6 =	vld.idx.msk [tilespmem:v14+s23+$0x0], $0xffff  }
0x17a: {  	v9 =	vor.u32 $0x7, v3;
	v10 =	vld.idx.msk [tilespmem:v0+s23+$0x0], $0xffff;
	[tilespmem:s25+$0x9980] =	vst v5  }
0x17b: {  	v5 =	vld.idx.msk [tilespmem:v7+s23+$0x0], $0xffff;
	v7 =	vor.u32 $0x1, v0  }
0x17c: {  	s10 =	simm.s32 $0x500;
	v14 =	vld.idx.msk [tilespmem:v11+s23+$0x0], $0xffff;
	v12 =	vor.u32 $0x8, v2  }
0x17d: {  	v15 =	vor.u32 $0x1, v11;
	s0 =	sand.u32 $0x3FFFF800, s10;
	v16 =	vld.idx.msk [tilespmem:v13+s23+$0x0], $0xffff;
	[tilespmem:s5+$0x9A00] =	vst v1  }
0x17e: {  	s11 =	simm.s32 $0x300;
	s26 =	sor.u32 s1, s0;
	[tilespmem:s24+$0x9980] =	vst v6;
	v1 =	vor.u32 $0x1, v13;
	v6 =	vld.idx.msk [tilespmem:v8+s23+$0x0], $0xffff  }
0x17f: {  	s14 =	simm.s32 $0x400;
	s15 =	sand.u32 $0x3FFFF800, s11;
	[tilespmem:s26+$0x9680] =	vst v10;
	v8 =	vld.idx.msk [tilespmem:v9+s23+$0x0], $0xffff;
	v9 =	vor.u32 $0x9, v4  }
0x180: {  	s28 =	sor.u32 s8, s15;
	s0 =	sand.u32 $0x3FFFF800, s14;
	v10 =	vor.u32 $0x8, v3;
	v7 =	vld.idx.msk [tilespmem:v7+s23+$0x0], $0xffff;
	[tilespmem:s25+$0x9A00] =	vst v5  }
0x181: {  	s29 =	sor.u32 s9, s0;
	[tilespmem:s28+$0x9680] =	vst v14;
	v5 =	vld.idx.msk [tilespmem:v12+s23+$0x0], $0xffff;
	v12 =	vor.u32 $0x2, v0  }
0x182: {  	v14 =	vor.u32 $0x9, v2;
	v15 =	vld.idx.msk [tilespmem:v15+s23+$0x0], $0xffff;
	[tilespmem:s29+$0x9680] =	vst v16  }
0x183: {  	v16 =	vor.u32 $0x2, v11;
	v1 =	vld.idx.msk [tilespmem:v1+s23+$0x0], $0xffff;
	[tilespmem:s5+$0x9A80] =	vst v6  }
0x184: {  	v6 =	vor.u32 $0x2, v13;
	[tilespmem:s24+$0x9A00] =	vst v8;
	v8 =	vld.idx.msk [tilespmem:v9+s23+$0x0], $0xffff  }
0x185: {  	[tilespmem:s26+$0x9700] =	vst v7;
	v7 =	vld.idx.msk [tilespmem:v10+s23+$0x0], $0xffff;
	v9 =	vor.u32 $0xA, v4  }
0x186: {  	v10 =	vor.u32 $0x9, v3;
	v12 =	vld.idx.msk [tilespmem:v12+s23+$0x0], $0xffff;
	[tilespmem:s25+$0x9A80] =	vst v5  }
0x187: {  	[tilespmem:s28+$0x9700] =	vst v15;
	v5 =	vld.idx.msk [tilespmem:v14+s23+$0x0], $0xffff;
	v14 =	vor.u32 $0x3, v0  }
0x188: {  	v15 =	vor.u32 $0xA, v2;
	v16 =	vld.idx.msk [tilespmem:v16+s23+$0x0], $0xffff;
	[tilespmem:s29+$0x9700] =	vst v1  }
0x189: {  	v1 =	vor.u32 $0x3, v11;
	v6 =	vld.idx.msk [tilespmem:v6+s23+$0x0], $0xffff;
	[tilespmem:s5+$0x9B00] =	vst v8  }
0x18a: {  	v8 =	vor.u32 $0x3, v13;
	[tilespmem:s24+$0x9A80] =	vst v7;
	v7 =	vld.idx.msk [tilespmem:v9+s23+$0x0], $0xffff  }
0x18b: {  	[tilespmem:s26+$0x9780] =	vst v12;
	v9 =	vld.idx.msk [tilespmem:v10+s23+$0x0], $0xffff;
	v10 =	vor.u32 $0xB, v4  }
0x18c: {  	v12 =	vor.u32 $0xA, v3;
	v14 =	vld.idx.msk [tilespmem:v14+s23+$0x0], $0xffff;
	[tilespmem:s25+$0x9B00] =	vst v5  }
0x18d: {  	[tilespmem:s28+$0x9780] =	vst v16;
	v5 =	vld.idx.msk [tilespmem:v15+s23+$0x0], $0xffff;
	v15 =	vor.u32 $0x4, v0  }
0x18e: {  	v16 =	vor.u32 $0xB, v2;
	v1 =	vld.idx.msk [tilespmem:v1+s23+$0x0], $0xffff;
	[tilespmem:s29+$0x9780] =	vst v6  }
0x18f: {  	v6 =	vor.u32 $0x4, v11;
	v8 =	vld.idx.msk [tilespmem:v8+s23+$0x0], $0xffff;
	[tilespmem:s5+$0x9B80] =	vst v7  }
0x190: {  	v7 =	vor.u32 $0x4, v13;
	[tilespmem:s24+$0x9B00] =	vst v9;
	v9 =	vld.idx.msk [tilespmem:v10+s23+$0x0], $0xffff  }
0x191: {  	[tilespmem:s26+$0x9800] =	vst v14;
	v10 =	vld.idx.msk [tilespmem:v12+s23+$0x0], $0xffff;
	v12 =	vor.u32 $0xC, v4  }
0x192: {  	v14 =	vor.u32 $0xB, v3;
	v15 =	vld.idx.msk [tilespmem:v15+s23+$0x0], $0xffff;
	[tilespmem:s25+$0x9B80] =	vst v5  }
0x193: {  	v5 =	vor.u32 $0x5, v0;
	[tilespmem:s28+$0x9800] =	vst v1;
	v1 =	vld.idx.msk [tilespmem:v16+s23+$0x0], $0xffff  }
0x194: {  	v6 =	vld.idx.msk [tilespmem:v6+s23+$0x0], $0xffff;
	[tilespmem:s29+$0x9800] =	vst v8  }
0x195: {  	v7 =	vld.idx.msk [tilespmem:v7+s23+$0x0], $0xffff;
	[tilespmem:s5+$0x9C00] =	vst v9  }
0x196: {  	s3 =	simm.s32 $0x80;
	s11 =	simm.s32 $0x60;
	s19 =	simm.s32 $0x60;
	v8 =	vor.u32 $0x5, v11;
	[tilespmem:s24+$0x9B80] =	vst v10;
	v10 =	vld.idx.msk [tilespmem:v12+s23+$0x0], $0xffff  }
0x197: {  	s17 =	simm.s32 $0x80;
	s1 =	sand.u32 $0x3FFFFF80, s19;
	s9 =	sand.u32 $0x70, s11;
	v9 =	vor.u32 $0x5, v13;
	[tilespmem:s26+$0x9880] =	vst v15;
	v12 =	vld.idx.msk [tilespmem:v14+s23+$0x0], $0xffff  }
0x198: {  	s22 =	sand.u32 $0x70, s3;
	s0 =	sand.u32 $0x3FFFFF80, s17;
	s1 =	sor.u32 s9, s1;
	v14 =	vor.u32 $0xD, v4;
	v5 =	vld.idx.msk [tilespmem:v5+s23+$0x0], $0xffff  }
0x199: {  	s0 =	sor.u32 s22, s0;
	v18 =	vld [tilespmem:s1+$0xE80];
	[tilespmem:s25+$0x9C00] =	vst v1;
	v1 =	vor.u32 $0x6, v0  }
0x19a: {  	v16 =	vor.u32 $0xC, v2;
	v15 =	vld [tilespmem:s0+$0xE80];
	[tilespmem:s28+$0x9880] =	vst v6  }
0x19b: {  	v8 =	vld.idx.msk [tilespmem:v8+s23+$0x0], $0xffff;
	[tilespmem:s29+$0x9880] =	vst v7  }
0x19c: {  	v7 =	vld.idx.msk [tilespmem:v9+s23+$0x0], $0xffff;
	v9 =	vor.u32 $0x6, v11;
	[tilespmem:s5+$0x9C80] =	vst v10  }
0x19d: {  	s31 =	simm.s32 $0x70;
	s10 =	simm.s32 $0x70;
	[tilespmem:s26+$0x9900] =	vst v5;
	v10 =	vld.idx.msk [tilespmem:v14+s23+$0x0], $0xffff;
	v14 =	vor.u32 $0x6, v13  }
0x19e: {  	v17 =	vor.u32 $0xC, v3;
	s14 =	sand.u32 $0x3FFFFF80, s31;
	s15 =	sand.u32 $0x70, s10;
	v5 =	vld.idx.msk [tilespmem:v1+s23+$0x0], $0xffff  }
0x19f: {  	s0 =	sor.u32 s15, s14;
	v6 =	vld.idx.msk [tilespmem:v16+s23+$0x0], $0xffff;
	[tilespmem:s24+$0x9C00] =	vst v12;
	v1 =	vshll.u32 v15, $0x4  }
0x1a0: {  	v16 =	vor.u32 $0xE, v4;
	[tilespmem:s28+$0x9900] =	vst v8;
	v8 =	vld [tilespmem:s0+$0xE80]  }
0x1a1: {  	v19 =	vor.u32 $0x7, v0;
	v9 =	vld.idx.msk [tilespmem:v9+s23+$0x0], $0xffff;
	[tilespmem:s29+$0x9900] =	vst v7  }
0x1a2: {  	v20 =	vor.u32 $0xD, v2;
	v7 =	vld.idx.msk [tilespmem:v14+s23+$0x0], $0xffff;
	[tilespmem:s5+$0x9D00] =	vst v10  }
0x1a3: {  	v10 =	vor.u32 $0x7, v11;
	[tilespmem:s26+$0x9980] =	vst v5;
	v5 =	vld.idx.msk [tilespmem:v17+s23+$0x0], $0xffff  }
0x1a4: {  	v29 =	vshll.u32 v18, $0x4;
	v14 =	vld.idx.msk [tilespmem:v1+s23+$0x0], $0xffff  }
0x1a5: {  	[tilespmem:s25+$0x9C80] =	vst v6;
	v12 =	vld.idx.msk [tilespmem:v16+s23+$0x0], $0xffff;
	v34 =	vshll.u32 v8, $0x4  }
0x1a6: {  	s17 =	simm.s32 $0x800;
	v15 =	vor.u32 $0x7, v13;
	v6 =	vld.idx.msk [tilespmem:v19+s23+$0x0], $0xffff;
	[tilespmem:s28+$0x9980] =	vst v9  }
0x1a7: {  	v4 =	vor.u32 $0xF, v4;
	s0 =	sand.u32 $0x3FFFF800, s17;
	v8 =	vld.idx.msk [tilespmem:v20+s23+$0x0], $0xffff;
	[tilespmem:s29+$0x9980] =	vst v7  }
0x1a8: {  	s30 =	sor.u32 s22, s0;
	v16 =	vor.u32 $0x1, v1;
	v10 =	vld.idx.msk [tilespmem:v10+s23+$0x0], $0xffff;
	[tilespmem:s24+$0x9C80] =	vst v5  }
0x1a9: {  	v9 =	vor.u32 $0x8, v0;
	v7 =	vld.idx.msk [tilespmem:v29+s23+$0x0], $0xffff;
	[tilespmem:s30+$0x9680] =	vst v14  }
0x1aa: {  	[tilespmem:s5+$0x9D80] =	vst v12;
	v12 =	vor.u32 $0x8, v11;
	v17 =	vld.idx.msk [tilespmem:v34+s23+$0x0], $0xffff  }
0x1ab: {  	s19 =	simm.s32 $0x600;
	v5 =	vor.u32 $0x1, v29;
	[tilespmem:s26+$0x9A00] =	vst v6;
	v14 =	vld.idx.msk [tilespmem:v15+s23+$0x0], $0xffff  }
0x1ac: {  	s31 =	simm.s32 $0x700;
	s22 =	sand.u32 $0x3FFFF800, s19;
	v6 =	vor.u32 $0xD, v3;
	[tilespmem:s25+$0x9D00] =	vst v8;
	v4 =	vld.idx.msk [tilespmem:v4+s23+$0x0], $0xffff  }
0x1ad: {  	s1 =	sand.u32 $0x3FFFF800, s31;
	s0 =	sor.u32 s9, s22;
	v8 =	vor.u32 $0x1, v34;
	v15 =	vld.idx.msk [tilespmem:v16+s23+$0x0], $0xffff;
	[tilespmem:s28+$0x9A00] =	vst v10  }
0x1ae: {  	s1 =	sor.u32 s15, s1;
	v16 =	vor.u32 $0x8, v13;
	v9 =	vld.idx.msk [tilespmem:v9+s23+$0x0], $0xffff;
	[tilespmem:s0+$0x9680] =	vst v7  }
0x1af: {  	v10 =	vor.u32 $0x9, v0;
	v7 =	vld.idx.msk [tilespmem:v12+s23+$0x0], $0xffff;
	[tilespmem:s1+$0x9680] =	vst v17  }
0x1b0: {  	v5 =	vld.idx.msk [tilespmem:v5+s23+$0x0], $0xffff;
	v12 =	vor.u32 $0x2, v1;
	[tilespmem:s29+$0x9A00] =	vst v14  }
0x1b1: {  	v6 =	vld.idx.msk [tilespmem:v6+s23+$0x0], $0xffff;
	[tilespmem:s5+$0x9E00] =	vst v4;
	v4 =	vor.u32 $0x9, v11  }
0x1b2: {  	v17 =	vor.u32 $0x2, v29;
	[tilespmem:s30+$0x9700] =	vst v15;
	v8 =	vld.idx.msk [tilespmem:v8+s23+$0x0], $0xffff  }
0x1b3: {  	v15 =	vld.idx.msk [tilespmem:v16+s23+$0x0], $0xffff;
	[tilespmem:s26+$0x9A80] =	vst v9;
	v9 =	vor.u32 $0xE, v2  }
0x1b4: {  	v14 =	vor.u32 $0x2, v34;
	v10 =	vld.idx.msk [tilespmem:v10+s23+$0x0], $0xffff;
	[tilespmem:s28+$0x9A80] =	vst v7  }
0x1b5: {  	v12 =	vld.idx.msk [tilespmem:v12+s23+$0x0], $0xffff;
	v7 =	vor.u32 $0xA, v0;
	[tilespmem:s0+$0x9700] =	vst v5  }
0x1b6: {  	v16 =	vor.u32 $0x9, v13;
	[tilespmem:s24+$0x9D00] =	vst v6;
	v4 =	vld.idx.msk [tilespmem:v4+s23+$0x0], $0xffff  }
0x1b7: {  	v5 =	vld.idx.msk [tilespmem:v17+s23+$0x0], $0xffff;
	v17 =	vor.u32 $0x3, v1;
	[tilespmem:s1+$0x9700] =	vst v8  }
0x1b8: {  	v20 =	vor.u32 $0xE, v3;
	[tilespmem:s29+$0x9A80] =	vst v15;
	v8 =	vld.idx.msk [tilespmem:v9+s23+$0x0], $0xffff  }
0x1b9: {  	v18 =	vor.u32 $0xA, v11;
	v14 =	vld.idx.msk [tilespmem:v14+s23+$0x0], $0xffff;
	[tilespmem:s26+$0x9B00] =	vst v10  }
0x1ba: {  	v19 =	vor.u32 $0x3, v29;
	v15 =	vld.idx.msk [tilespmem:v7+s23+$0x0], $0xffff;
	[tilespmem:s30+$0x9780] =	vst v12  }
0x1bb: {  	v25 =	vor.u32 $0xB, v11;
	v35 =	vor.u32 $0xF, v2;
	v22 =	vor.u32 $0xB, v0;
	v16 =	vld.idx.msk [tilespmem:v16+s23+$0x0], $0xffff;
	[tilespmem:s28+$0x9B00] =	vst v4  }
0x1bc: {  	v23 =	vor.u32 $0xA, v13;
	v21 =	vor.u32 $0x3, v34;
	v2 =	vor.u32 $0xF, v11;
	v17 =	vld.idx.msk [tilespmem:v17+s23+$0x0], $0xffff;
	[tilespmem:s0+$0x9780] =	vst v5  }
0x1bd: {  	v6 =	vor.u32 $0xD, v11;
	v9 =	vor.u32 $0xC, v11;
	v4 =	vor.u32 $0xE, v11;
	v11 =	vld.idx.msk [tilespmem:v20+s23+$0x0], $0xffff;
	[tilespmem:s25+$0x9D80] =	vst v8  }
0x1be: {  	v42 =	vor.u32 $0xC, v0;
	v31 =	vor.u32 $0x5, v29;
	v27 =	vor.u32 $0x6, v29;
	v26 =	vld.idx.msk [tilespmem:v18+s23+$0x0], $0xffff;
	[tilespmem:s1+$0x9780] =	vst v14  }
0x1bf: {  	v24 =	vor.u32 $0x7, v29;
	v32 =	vor.u32 $0x4, v1;
	v10 =	vor.u32 $0xC, v13;
	v19 =	vld.idx.msk [tilespmem:v19+s23+$0x0], $0xffff;
	[tilespmem:s26+$0x9B80] =	vst v15  }
0x1c0: {  	v7 =	vor.u32 $0xF, v3;
	v12 =	vor.u32 $0xB, v13;
	v3 =	vor.u32 $0xF, v13;
	[tilespmem:s29+$0x9B00] =	vst v16;
	v40 =	vld.idx.msk [tilespmem:v22+s23+$0x0], $0xffff  }
0x1c1: {  	v5 =	vor.u32 $0xE, v13;
	v8 =	vor.u32 $0xD, v13;
	v13 =	vor.u32 $0x4, v29;
	v14 =	vld.idx.msk [tilespmem:v21+s23+$0x0], $0xffff;
	[tilespmem:s30+$0x9800] =	vst v17  }
0x1c2: {  	v39 =	vor.u32 $0x4, v34;
	v30 =	vor.u32 $0x5, v34;
	v28 =	vor.u32 $0x6, v34;
	v41 =	vld.idx.msk [tilespmem:v23+s23+$0x0], $0xffff;
	[tilespmem:s24+$0x9D80] =	vst v11  }
0x1c3: {  	v33 =	vor.u32 $0xB, v34;
	v20 =	vor.u32 $0x9, v34;
	v18 =	vor.u32 $0x9, v29;
	v35 =	vld.idx.msk [tilespmem:v35+s23+$0x0], $0xffff;
	[tilespmem:s28+$0x9B80] =	vst v26  }
0x1c4: {  	v16 =	vor.u32 $0xB, v29;
	v21 =	vor.u32 $0x8, v29;
	v23 =	vor.u32 $0x8, v34;
	v37 =	vld.idx.msk [tilespmem:v32+s23+$0x0], $0xffff;
	[tilespmem:s0+$0x9800] =	vst v19  }
0x1c5: {  	v15 =	vor.u32 $0xD, v34;
	v22 =	vor.u32 $0x7, v34;
	v36 =	vld.idx.msk [tilespmem:v25+s23+$0x0], $0xffff;
	[tilespmem:s26+$0x9C00] =	vst v40;
	v40 =	vor.u32 $0x5, v1  }
0x1c6: {  	v17 =	vor.u32 $0xA, v29;
	v11 =	vor.u32 $0xF, v29;
	v19 =	vor.u32 $0xA, v34;
	v38 =	vld.idx.msk [tilespmem:v13+s23+$0x0], $0xffff;
	[tilespmem:s1+$0x9800] =	vst v14  }
0x1c7: {  	v32 =	vor.u32 $0xC, v29;
	v26 =	vor.u32 $0xC, v34;
	v25 =	vor.u32 $0xD, v29;
	v39 =	vld.idx.msk [tilespmem:v39+s23+$0x0], $0xffff  }
0x1c8: {  	s8 =	simm.s32 $0x6;
	s7 =	simm.s32 $0x0;
	s5 =	simm.s32 $0x0;
	v13 =	vor.u32 $0xE, v29;
	v14 =	vor.u32 $0xE, v34;
	v29 =	vor.u32 $0xF, v34;
	[tilespmem:s29+$0x9B80] =	vst v41;
	v34 =	vld.idx.msk [tilespmem:v42+s23+$0x0], $0xffff  }
.LBB2_6:
0x1c9: {  	s9 =	sadd.s32 $0x4, s8;
	[tilespmem:s30+$0x9880] =	vst v37;
	v37 =	vld.idx.msk [tilespmem:v12+s5+$0x0], $0xffff;
	v12 =	vmov v33;
	s10 =	smov.u32 s8;
	s8 =	sadd.s32 $0x3, s8  }
0x1ca: {  	s11 =	sshll.u32 s8, $0x8;
	s17 =	sshll.u32 s9, $0x8;
	v33 =	vld.idx.msk [tilespmem:v40+s23+$0x0], $0xffff;
	[tilespmem:s28+$0x9C00] =	vst v36;
	v36 =	vor.u32 $0xD, v0  }
0x1cb: {  	s19 =	sshll.u32 s8, $0x4;
	s22 =	sshll.u32 s9, $0x4;
	s11 =	sand.u32 $0x3FFFF800, s11;
	[tilespmem:s0+$0x9880] =	vst v38;
	v38 =	vld.idx.msk [tilespmem:v9+s5+$0x0], $0xffff;
	v9 =	vmov v32  }
0x1cc: {  	s9 =	sadd.s32 $0x5, s10;
	s19 =	sand.u32 $0x3FFFFF80, s19;
	s17 =	sand.u32 $0x3FFFF800, s17;
	v32 =	vor.u32 $0x6, v1;
	v31 =	vld.idx.msk [tilespmem:v31+s23+$0x0], $0xffff;
	[tilespmem:s25+$0x9E00] =	vst v35  }
0x1cd: {  	s3 =	sadd.s32 $0x30, s3;
	s10 =	sand.u32 $0x3FFFFF80, s22;
	s22 =	sshll.u32 s9, $0x4;
	[tilespmem:s1+$0x9880] =	vst v39;
	v35 =	vld.idx.msk [tilespmem:v7+s7+$0x0], $0xffff;
	v7 =	vmov v3;
	v3 =	vmov v29  }
0x1ce: {  	s31 =	sand.u32 $0x70, s3;
	s22 =	sand.u32 $0x3FFFFF80, s22;
	s7 =	sadd.s32 $0xFFFFFFE0, s3;
	v29 =	vld.idx.msk [tilespmem:v30+s23+$0x0], $0xffff;
	[tilespmem:s26+$0x9C80] =	vst v34  }
0x1cf: {  	s25 =	sadd.s32 $0xFFFFFFF0, s3;
	s22 =	sor.u32 s31, s22;
	s7 =	sand.u32 $0x70, s7;
	[tilespmem:s29+$0x9C00] =	vst v37;
	v30 =	vld.idx.msk [tilespmem:v36+s5+$0x0], $0xffff  }
0x1d0: {  	s19 =	sor.u32 s7, s19;
	s7 =	sor.u32 s7, s11;
	s11 =	sand.u32 $0x70, s25;
	v34 =	vld [tilespmem:s22+$0xE80];
	[tilespmem:s30+$0x9900] =	vst v33  }
0x1d1: {  	p0 =	slt.u32 s8, $0x7B;
	s10 =	sor.u32 s11, s10;
	s11 =	sor.u32 s11, s17;
	v33 =	vor.u32 $0xE, v0;
	v32 =	vld.idx.msk [tilespmem:v32+s23+$0x0], $0xffff;
	[tilespmem:s28+$0x9C80] =	vst v38  }
0x1d2: {  	s25 =	smov.u32 s28;
	s28 =	smov.u32 s0;
	v36 =	vld [tilespmem:s19+$0xE80];
	[tilespmem:s0+$0x9900] =	vst v31;
	s0 =	smov.u32 s7  }
0x1d3: {  	v37 =	vor.u32 $0x7, v1;
	v31 =	vld [tilespmem:s10+$0xE80];
	[tilespmem:s24+$0x9E00] =	vst v35;
	s24 =	smov.u32 s29;
	s29 =	smov.u32 s1;
	s1 =	smov.u32 s11  }
0x1d4: {  	s7 =	smov.u32 s5;
	s5 =	smov.u32 s23;
	v27 =	vld.idx.msk [tilespmem:v27+s23+$0x0], $0xffff;
	[tilespmem:s29+$0x9900] =	vst v29  }
0x1d5: {  	v29 =	vshll.u32 v34, $0x4;
	v28 =	vld.idx.msk [tilespmem:v28+s5+$0x0], $0xffff;
	[tilespmem:s26+$0x9D00] =	vst v30  }
0x1d6: {  	v33 =	vld.idx.msk [tilespmem:v33+s7+$0x0], $0xffff  }
0x1d7: {  	v36 =	vshll.u32 v36, $0x4;
	[tilespmem:s30+$0x9980] =	vst v32;
	v32 =	vld.idx.msk [tilespmem:v10+s7+$0x0], $0xffff;
	v10 =	vmov v26  }
0x1d8: {  	v38 =	vor.u32 $0x1, v36;
	v39 =	vshll.u32 v31, $0x4;
	v26 =	vld.idx.msk [tilespmem:v37+s5+$0x0], $0xffff;
	v37 =	vor.u32 $0xF, v0;
	v0 =	vmovc v1;
	v1 =	vmovc v29  }
0x1d9: {  	v40 =	vor.u32 $0x2, v36;
	v41 =	vor.u32 $0x1, v39;
	v42 =	vor.u32 $0x2, v39;
	v43 =	vld.idx.msk [tilespmem:v6+s7+$0x0], $0xffff;
	v6 =	vmovc v25  }
0x1da: {  	v44 =	vor.u32 $0x3, v36;
	v45 =	vor.u32 $0x3, v39;
	v25 =	vld.idx.msk [tilespmem:v29+s23+$0x0], $0xffff;
	[tilespmem:s28+$0x9980] =	vst v27;
	v29 =	vor.u32 $0x8, v0  }
0x1db: {  	v35 =	vor.u32 $0x4, v36;
	v31 =	vor.u32 $0x5, v36;
	v34 =	vor.u32 $0x4, v39;
	v46 =	vld.idx.msk [tilespmem:v24+s5+$0x0], $0xffff;
	[tilespmem:s29+$0x9980] =	vst v28  }
0x1dc: {  	v30 =	vor.u32 $0x5, v39;
	v48 =	vor.u32 $0x1, v1;
	v27 =	vor.u32 $0x6, v36;
	v47 =	vld.idx.msk [tilespmem:v36+s23+$0x0], $0xffff;
	[tilespmem:s26+$0x9D80] =	vst v33  }
0x1dd: {  	s9 =	sshll.u32 s9, $0x8;
	v49 =	vor.u32 $0x7, v39;
	v24 =	vor.u32 $0x7, v36;
	v28 =	vor.u32 $0x6, v39;
	[tilespmem:s24+$0x9C80] =	vst v32;
	v37 =	vld.idx.msk [tilespmem:v37+s7+$0x0], $0xffff  }
0x1de: {  	s9 =	sand.u32 $0x3FFFF800, s9;
	v50 =	vor.u32 $0x8, v36;
	v51 =	vor.u32 $0x9, v36;
	v53 =	vor.u32 $0x8, v39;
	v52 =	vld.idx.msk [tilespmem:v39+s23+$0x0], $0xffff;
	[tilespmem:s30+$0x9A00] =	vst v26  }
0x1df: {  	s9 =	sor.u32 s31, s9;
	v54 =	vor.u32 $0xA, v36;
	v55 =	vor.u32 $0x9, v39;
	v56 =	vor.u32 $0xA, v39;
	v57 =	vld.idx.msk [tilespmem:v29+s5+$0x0], $0xffff;
	[tilespmem:s25+$0x9D00] =	vst v43  }
0x1e0: {  	v33 =	vor.u32 $0xB, v39;
	v32 =	vor.u32 $0xC, v36;
	v43 =	vor.u32 $0xB, v36;
	[tilespmem:s9+$0x9680] =	vst v25;
	v58 =	vld.idx.msk [tilespmem:v22+s5+$0x0], $0xffff;
	v22 =	vmovc v49  }
0x1e1: {  	v26 =	vor.u32 $0xC, v39;
	v25 =	vor.u32 $0xD, v36;
	v48 =	vld.idx.msk [tilespmem:v48+s23+$0x0], $0xffff;
	[tilespmem:s28+$0x9A00] =	vst v46;
	v46 =	vor.u32 $0x9, v0  }
0x1e2: {  	v59 =	vor.u32 $0xE, v39;
	v49 =	vor.u32 $0xD, v39;
	[tilespmem:s0+$0x9680] =	vst v47;
	v47 =	vor.u32 $0xE, v36;
	v60 =	vld.idx.msk [tilespmem:v21+s5+$0x0], $0xffff;
	v21 =	vmovc v50  }
0x1e3: {  	v29 =	vor.u32 $0xF, v39;
	v50 =	vor.u32 $0xF, v36;
	v36 =	vor.u32 $0x2, v1;
	v38 =	vld.idx.msk [tilespmem:v38+s23+$0x0], $0xffff;
	[tilespmem:s26+$0x9E00] =	vst v37;
	s26 =	smov.u32 s30;
	s30 =	smov.u32 s9  }
0x1e4: {  	[tilespmem:s1+$0x9680] =	vst v52;
	v37 =	vld.idx.msk [tilespmem:v8+s7+$0x0], $0xffff;
	v8 =	vmov v15;
	v15 =	vmov v49  }
0x1e5: {  	v39 =	vld.idx.msk [tilespmem:v41+s23+$0x0], $0xffff;
	[tilespmem:s26+$0x9A80] =	vst v57  }
0x1e6: {  	[tilespmem:s29+$0x9A00] =	vst v58;
	v41 =	vld.idx.msk [tilespmem:v46+s5+$0x0], $0xffff  }
0x1e7: {  	[tilespmem:s30+$0x9700] =	vst v48;
	v46 =	vld.idx.msk [tilespmem:v23+s5+$0x0], $0xffff;
	v23 =	vmov v53  }
0x1e8: {  	v48 =	vor.u32 $0xA, v0;
	v36 =	vld.idx.msk [tilespmem:v36+s23+$0x0], $0xffff;
	[tilespmem:s28+$0x9A80] =	vst v60  }
0x1e9: {  	[tilespmem:s0+$0x9700] =	vst v38;
	v38 =	vld.idx.msk [tilespmem:v18+s5+$0x0], $0xffff;
	v18 =	vmov v51  }
0x1ea: {  	v49 =	vor.u32 $0x3, v1;
	v40 =	vld.idx.msk [tilespmem:v40+s23+$0x0], $0xffff;
	[tilespmem:s24+$0x9D00] =	vst v37  }
0x1eb: {  	[tilespmem:s1+$0x9700] =	vst v39;
	v37 =	vld.idx.msk [tilespmem:v4+s7+$0x0], $0xffff;
	v4 =	vmov v13;
	v13 =	vmov v47  }
0x1ec: {  	v39 =	vld.idx.msk [tilespmem:v42+s23+$0x0], $0xffff;
	[tilespmem:s26+$0x9B00] =	vst v41  }
0x1ed: {  	[tilespmem:s29+$0x9A80] =	vst v46;
	v41 =	vld.idx.msk [tilespmem:v48+s5+$0x0], $0xffff  }
0x1ee: {  	[tilespmem:s30+$0x9780] =	vst v36;
	v36 =	vld.idx.msk [tilespmem:v20+s5+$0x0], $0xffff;
	v20 =	vmov v55  }
0x1ef: {  	v42 =	vld.idx.msk [tilespmem:v49+s23+$0x0], $0xffff;
	[tilespmem:s28+$0x9B00] =	vst v38;
	v38 =	vor.u32 $0xB, v0  }
0x1f0: {  	[tilespmem:s0+$0x9780] =	vst v40;
	v40 =	vld.idx.msk [tilespmem:v17+s5+$0x0], $0xffff;
	v17 =	vmov v54  }
0x1f1: {  	v46 =	vor.u32 $0x4, v1;
	v44 =	vld.idx.msk [tilespmem:v44+s23+$0x0], $0xffff;
	[tilespmem:s25+$0x9D80] =	vst v37  }
0x1f2: {  	[tilespmem:s1+$0x9780] =	vst v39;
	v39 =	vld.idx.msk [tilespmem:v5+s7+$0x0], $0xffff;
	v5 =	vmov v14;
	v14 =	vmov v59  }
0x1f3: {  	v45 =	vld.idx.msk [tilespmem:v45+s23+$0x0], $0xffff;
	[tilespmem:s26+$0x9B80] =	vst v41  }
0x1f4: {  	[tilespmem:s29+$0x9B00] =	vst v36;
	v41 =	vld.idx.msk [tilespmem:v38+s5+$0x0], $0xffff  }
0x1f5: {  	[tilespmem:s30+$0x9800] =	vst v42;
	v42 =	vld.idx.msk [tilespmem:v19+s5+$0x0], $0xffff;
	v19 =	vmov v56  }
0x1f6: {  	v37 =	vld.idx.msk [tilespmem:v46+s23+$0x0], $0xffff;
	[tilespmem:s28+$0x9B80] =	vst v40;
	v46 =	vor.u32 $0xC, v0  }
.Ltmp2:
0x1f7: {  	[tilespmem:s0+$0x9800] =	vst v44;
	v36 =	vld.idx.msk [tilespmem:v16+s5+$0x0], $0xffff;
	v16 =	vmov v43;
	(pc) =	sbr.rel @p0 .LBB2_6-.Ltmp2, $4  }
0x1f8: {  	v40 =	vor.u32 $0x5, v1;
	v38 =	vld.idx.msk [tilespmem:v35+s23+$0x0], $0xffff;
	[tilespmem:s24+$0x9D80] =	vst v39  }
0x1f9: {  	[tilespmem:s1+$0x9800] =	vst v45;
	v35 =	vld.idx.msk [tilespmem:v2+s7+$0x0], $0xffff;
	v2 =	vmov v11;
	v11 =	vmov v50  }
0x1fa: {  	v39 =	vld.idx.msk [tilespmem:v34+s23+$0x0], $0xffff;
	[tilespmem:s26+$0x9C00] =	vst v41  }
0x1fb: {  	[tilespmem:s29+$0x9B80] =	vst v42;
	v34 =	vld.idx.msk [tilespmem:v46+s5+$0x0], $0xffff  }
0x1fc: {  	_ =	sdelay $0x2  }
0x1fd: {  	[tilespmem:s30+$0x9880] =	vst v37  }
0x1fe: {  	v37 =	vld.idx.msk [tilespmem:v40+s23+$0x0], $0xffff;
	[tilespmem:s0+$0x9880] =	vst v38  }
0x1ff: {  	v63 =	vor.u32 $0x6, v1;
	v31 =	vld.idx.msk [tilespmem:v31+s23+$0x0], $0xffff;
	[tilespmem:s1+$0x9880] =	vst v39  }
0x200: {  	v30 =	vld.idx.msk [tilespmem:v30+s23+$0x0], $0xffff;
	_ =	sdelay $0x2  }
0x201: {  	[tilespmem:s30+$0x9900] =	vst v37  }
0x202: {  	v37 =	vld.idx.msk [tilespmem:v63+s23+$0x0], $0xffff;
	[tilespmem:s0+$0x9900] =	vst v31  }
0x203: {  	v39 =	vor.u32 $0x7, v1;
	v27 =	vld.idx.msk [tilespmem:v27+s23+$0x0], $0xffff;
	[tilespmem:s1+$0x9900] =	vst v30  }
0x204: {  	v28 =	vld.idx.msk [tilespmem:v28+s23+$0x0], $0xffff;
	_ =	sdelay $0x2  }
0x205: {  	[tilespmem:s30+$0x9980] =	vst v37  }
0x206: {  	v40 =	vld.idx.msk [tilespmem:v39+s23+$0x0], $0xffff;
	[tilespmem:s0+$0x9980] =	vst v27  }
0x207: {  	v41 =	vor.u32 $0x8, v1;
	v24 =	vld.idx.msk [tilespmem:v24+s23+$0x0], $0xffff;
	[tilespmem:s1+$0x9980] =	vst v28  }
0x208: {  	v22 =	vld.idx.msk [tilespmem:v22+s23+$0x0], $0xffff;
	_ =	sdelay $0x2  }
0x209: {  	[tilespmem:s30+$0x9A00] =	vst v40  }
0x20a: {  	v27 =	vld.idx.msk [tilespmem:v41+s23+$0x0], $0xffff;
	[tilespmem:s0+$0x9A00] =	vst v24  }
0x20b: {  	v42 =	vor.u32 $0x9, v1;
	v21 =	vld.idx.msk [tilespmem:v21+s23+$0x0], $0xffff;
	[tilespmem:s1+$0x9A00] =	vst v22  }
0x20c: {  	v22 =	vld.idx.msk [tilespmem:v23+s23+$0x0], $0xffff;
	_ =	sdelay $0x2  }
0x20d: {  	[tilespmem:s30+$0x9A80] =	vst v27  }
0x20e: {  	v43 =	vld.idx.msk [tilespmem:v42+s23+$0x0], $0xffff;
	[tilespmem:s0+$0x9A80] =	vst v21  }
0x20f: {  	v44 =	vor.u32 $0xA, v1;
	v18 =	vld.idx.msk [tilespmem:v18+s23+$0x0], $0xffff;
	[tilespmem:s1+$0x9A80] =	vst v22  }
0x210: {  	v20 =	vld.idx.msk [tilespmem:v20+s23+$0x0], $0xffff;
	_ =	sdelay $0x2  }
0x211: {  	[tilespmem:s30+$0x9B00] =	vst v43  }
0x212: {  	v21 =	vld.idx.msk [tilespmem:v44+s23+$0x0], $0xffff;
	[tilespmem:s0+$0x9B00] =	vst v18  }
0x213: {  	v45 =	vor.u32 $0xB, v1;
	v17 =	vld.idx.msk [tilespmem:v17+s23+$0x0], $0xffff;
	[tilespmem:s1+$0x9B00] =	vst v20  }
0x214: {  	v19 =	vld.idx.msk [tilespmem:v19+s23+$0x0], $0xffff;
	_ =	sdelay $0x1  }
0x215: {  	[tilespmem:s28+$0x9C00] =	vst v36  }
0x216: {  	v12 =	vld.idx.msk [tilespmem:v12+s5+$0x0], $0xffff;
	[tilespmem:s30+$0x9B80] =	vst v21  }
0x217: {  	v18 =	vld.idx.msk [tilespmem:v45+s23+$0x0], $0xffff;
	[tilespmem:s0+$0x9B80] =	vst v17  }
0x218: {  	v46 =	vor.u32 $0xC, v1;
	v16 =	vld.idx.msk [tilespmem:v16+s23+$0x0], $0xffff;
	[tilespmem:s1+$0x9B80] =	vst v19  }
0x219: {  	[tilespmem:s25+$0x9E00] =	vst v35;
	v19 =	vld.idx.msk [tilespmem:v33+s23+$0x0], $0xffff  }
0x21a: {  	v7 =	vld.idx.msk [tilespmem:v7+s7+$0x0], $0xffff;
	[tilespmem:s26+$0x9C80] =	vst v34  }
0x21b: {  	v47 =	vor.u32 $0xD, v0;
	v9 =	vld.idx.msk [tilespmem:v9+s5+$0x0], $0xffff;
	[tilespmem:s29+$0x9C00] =	vst v12  }
0x21c: {  	v10 =	vld.idx.msk [tilespmem:v10+s5+$0x0], $0xffff;
	[tilespmem:s30+$0x9C00] =	vst v18  }
0x21d: {  	v48 =	vld.idx.msk [tilespmem:v46+s23+$0x0], $0xffff;
	[tilespmem:s0+$0x9C00] =	vst v16  }
0x21e: {  	v49 =	vor.u32 $0xD, v1;
	v50 =	vld.idx.msk [tilespmem:v32+s23+$0x0], $0xffff;
	[tilespmem:s1+$0x9C00] =	vst v19  }
0x21f: {  	[tilespmem:s24+$0x9E00] =	vst v7;
	v51 =	vld.idx.msk [tilespmem:v26+s23+$0x0], $0xffff  }
0x220: {  	v52 =	vld.idx.msk [tilespmem:v47+s5+$0x0], $0xffff;
	[tilespmem:s28+$0x9C80] =	vst v9  }
0x221: {  	v53 =	vor.u32 $0xE, v0;
	v6 =	vld.idx.msk [tilespmem:v6+s5+$0x0], $0xffff;
	[tilespmem:s29+$0x9C80] =	vst v10  }
0x222: {  	v8 =	vld.idx.msk [tilespmem:v8+s5+$0x0], $0xffff;
	[tilespmem:s30+$0x9C80] =	vst v48  }
0x223: {  	v54 =	vld.idx.msk [tilespmem:v49+s23+$0x0], $0xffff;
	[tilespmem:s0+$0x9C80] =	vst v50  }
0x224: {  	v55 =	vor.u32 $0xE, v1;
	v56 =	vld.idx.msk [tilespmem:v25+s23+$0x0], $0xffff;
	[tilespmem:s1+$0x9C80] =	vst v51  }
0x225: {  	[tilespmem:s26+$0x9D00] =	vst v52;
	v9 =	vld.idx.msk [tilespmem:v15+s23+$0x0], $0xffff  }
0x226: {  	v7 =	vld.idx.msk [tilespmem:v53+s5+$0x0], $0xffff;
	[tilespmem:s28+$0x9D00] =	vst v6  }
0x227: {  	v57 =	vor.u32 $0xF, v0;
	v4 =	vld.idx.msk [tilespmem:v4+s5+$0x0], $0xffff;
	[tilespmem:s29+$0x9D00] =	vst v8  }
0x228: {  	v5 =	vld.idx.msk [tilespmem:v5+s5+$0x0], $0xffff;
	[tilespmem:s30+$0x9D00] =	vst v54  }
0x229: {  	v58 =	vld.idx.msk [tilespmem:v55+s23+$0x0], $0xffff;
	[tilespmem:s0+$0x9D00] =	vst v56  }
0x22a: {  	v59 =	vor.u32 $0xF, v1;
	v60 =	vld.idx.msk [tilespmem:v13+s23+$0x0], $0xffff;
	[tilespmem:s1+$0x9D00] =	vst v9  }
0x22b: {  	[tilespmem:s26+$0x9D80] =	vst v7;
	v61 =	vld.idx.msk [tilespmem:v14+s23+$0x0], $0xffff  }
0x22c: {  	v0 =	vld.idx.msk [tilespmem:v57+s5+$0x0], $0xffff;
	[tilespmem:s28+$0x9D80] =	vst v4  }
0x22d: {  	v2 =	vld.idx.msk [tilespmem:v2+s5+$0x0], $0xffff;
	[tilespmem:s29+$0x9D80] =	vst v5  }
0x22e: {  	v3 =	vld.idx.msk [tilespmem:v3+s5+$0x0], $0xffff;
	[tilespmem:s30+$0x9D80] =	vst v58  }
0x22f: {  	v1 =	vld.idx.msk [tilespmem:v59+s23+$0x0], $0xffff;
	[tilespmem:s0+$0x9D80] =	vst v60  }
0x230: {  	v62 =	vld.idx.msk [tilespmem:v11+s23+$0x0], $0xffff;
	[tilespmem:s1+$0x9D80] =	vst v61  }
0x231: {  	[tilespmem:s26+$0x9E00] =	vst v0;
	v63 =	vld.idx.msk [tilespmem:v29+s23+$0x0], $0xffff  }
0x232: {  	[tilespmem:s28+$0x9E00] =	vst v2  }
0x233: {  	[tilespmem:s29+$0x9E00] =	vst v3  }
0x234: {  	[tilespmem:s30+$0x9E00] =	vst v1  }
0x235: {  	[tilespmem:s0+$0x9E00] =	vst v62  }
0x236: {  	[tilespmem:s1+$0x9E00] =	vst v63  }
.LBB2_8:
0x237: {  	s0 =	sshra.s32 s23, $0x2  }
0x238: {  	v0 =	vld [tilespmem:s0+$0x1660];
	_ =	sdelay $0x4  }
0x239: {  	v0 =	vshll.u32 v0, $0x4;
	_ =	sdelay $0x4  }
0x23a: {  	v1 =	vld.idx.msk [tilespmem:v0+s2+$0x0], $0xffff  }
0x23b: {  	v2 =	vor.u32 $0x1, v0;
	_ =	sdelay $0x3  }
0x23c: {  	[tilespmem:s0+$0x10EE0] =	vst v1  }
0x23d: {  	v1 =	vld.idx.msk [tilespmem:v2+s2+$0x0], $0xffff  }
0x23e: {  	v51 =	vor.u32 $0x2, v0;
	_ =	sdelay $0x3  }
0x23f: {  	[tilespmem:s0+$0x10F60] =	vst v1  }
0x240: {  	v1 =	vld.idx.msk [tilespmem:v51+s2+$0x0], $0xffff  }
0x241: {  	v52 =	vor.u32 $0x3, v0;
	_ =	sdelay $0x3  }
0x242: {  	[tilespmem:s0+$0x10FE0] =	vst v1  }
0x243: {  	v1 =	vld.idx.msk [tilespmem:v52+s2+$0x0], $0xffff  }
0x244: {  	v53 =	vor.u32 $0x4, v0;
	_ =	sdelay $0x3  }
0x245: {  	[tilespmem:s0+$0x11060] =	vst v1  }
0x246: {  	v1 =	vld.idx.msk [tilespmem:v53+s2+$0x0], $0xffff  }
0x247: {  	v54 =	vor.u32 $0x5, v0;
	_ =	sdelay $0x3  }
0x248: {  	[tilespmem:s0+$0x110E0] =	vst v1  }
0x249: {  	v1 =	vld.idx.msk [tilespmem:v54+s2+$0x0], $0xffff  }
0x24a: {  	v55 =	vor.u32 $0x6, v0;
	_ =	sdelay $0x3  }
0x24b: {  	[tilespmem:s0+$0x11160] =	vst v1  }
0x24c: {  	v1 =	vld.idx.msk [tilespmem:v55+s2+$0x0], $0xffff  }
0x24d: {  	v56 =	vor.u32 $0x7, v0;
	_ =	sdelay $0x3  }
0x24e: {  	[tilespmem:s0+$0x111E0] =	vst v1  }
0x24f: {  	v1 =	vld.idx.msk [tilespmem:v56+s2+$0x0], $0xffff  }
0x250: {  	v57 =	vor.u32 $0x8, v0;
	_ =	sdelay $0x3  }
0x251: {  	[tilespmem:s0+$0x11260] =	vst v1  }
0x252: {  	v1 =	vld.idx.msk [tilespmem:v57+s2+$0x0], $0xffff  }
0x253: {  	v58 =	vor.u32 $0x9, v0;
	_ =	sdelay $0x3  }
0x254: {  	[tilespmem:s0+$0x112E0] =	vst v1  }
0x255: {  	v1 =	vld.idx.msk [tilespmem:v58+s2+$0x0], $0xffff  }
0x256: {  	v59 =	vor.u32 $0xA, v0;
	_ =	sdelay $0x3  }
0x257: {  	[tilespmem:s0+$0x11360] =	vst v1  }
0x258: {  	v1 =	vld.idx.msk [tilespmem:v59+s2+$0x0], $0xffff  }
0x259: {  	v60 =	vor.u32 $0xB, v0;
	_ =	sdelay $0x3  }
0x25a: {  	[tilespmem:s0+$0x113E0] =	vst v1  }
0x25b: {  	v1 =	vld.idx.msk [tilespmem:v60+s2+$0x0], $0xffff  }
0x25c: {  	v61 =	vor.u32 $0xC, v0;
	_ =	sdelay $0x3  }
0x25d: {  	[tilespmem:s0+$0x11460] =	vst v1  }
0x25e: {  	v1 =	vld.idx.msk [tilespmem:v61+s2+$0x0], $0xffff  }
0x25f: {  	v62 =	vor.u32 $0xD, v0;
	_ =	sdelay $0x3  }
0x260: {  	[tilespmem:s0+$0x114E0] =	vst v1  }
0x261: {  	v1 =	vld.idx.msk [tilespmem:v62+s2+$0x0], $0xffff  }
0x262: {  	v63 =	vor.u32 $0xE, v0;
	_ =	sdelay $0x3  }
0x263: {  	[tilespmem:s0+$0x11560] =	vst v1  }
0x264: {  	v1 =	vld.idx.msk [tilespmem:v63+s2+$0x0], $0xffff  }
0x265: {  	v0 =	vor.u32 $0xF, v0;
	_ =	sdelay $0x3  }
0x266: {  	[tilespmem:s0+$0x115E0] =	vst v1  }
0x267: {  	p0 =	sne.s32 s23, $0x40;
	v0 =	vld.idx.msk [tilespmem:v0+s2+$0x0], $0xffff  }
.Ltmp3:
0x268: {  	_ = 	snop;
	(pc) =	sbr.rel @p0 .LBB2_8-.Ltmp3, $2  }
0x269: {  	_ =	sdelay $0x2  }
0x26a: {  	s23 =	sadd.s32 $0x40, s23;
	[tilespmem:s0+$0x11660] =	vst v0  }
0x26b: {  	s0 =	rddreg [dreg:$0x7];
	s1 =	simm.s32 $0x9680  }
0x26c: {  	[hbm4b:s0+s12] =	stream.strided.scatter [tilespmem:s1], [sflag:$0x4], $0x8000, s13, s12, $0x38;
	[tilespmem:$0x11680] =	vst v63  }
0x26d: {  	s30 =	rddreg [dreg:$0x8];
	s31 =	simm.s32 $0xE80;
	s23 =	simm.s32 $0x1  }
0x26e: {  	[tilespmem:s31], [sflag:$0x2] =	stream.strided.gather [hbm4b:s30+s12], $0x800, s13, s12, $0x38;
	[tilespmem:$0x11680] =	vst v63  }
.LBB2_10:
0x26f: {  	_ =	swait.ge [sflag:s16], $0x800  }
0x270: {  	[sflag:s16] =	ssyncset.done $0x0  }
0x271: {  	s0 =	simm.s32 $0x20;
	s1 =	simm.s32 $0x20;
	[sflag:s16] =	ssyncadd.s32 $0xFFFFF800  }
0x272: {  	s3 =	simm.s32 $0x0;
	s5 =	simm.s32 $0x10;
	_ =	swait.ge [sflag:s20], $0x8000  }
0x273: {  	s0 =	sand.u32 $0x70, s0;
	s1 =	sand.u32 $0x3FFFFF80, s1;
	[sflag:s20] =	ssyncset.done $0x0  }
0x274: {  	s7 =	simm.s32 $0x0;
	s1 =	sor.u32 s0, s1;
	[sflag:s20] =	ssyncadd.s32 $0xFFFF8000  }
0x275: {  	s26 =	simm.s32 $0x10;
	s24 =	sand.u32 $0x3FFFFF80, s3;
	s25 =	sand.u32 $0x70, s7;
	v0 =	vld [tilespmem:s1+$0x680]  }
0x276: {  	s5 =	sand.u32 $0x3FFFFF80, s5;
	s7 =	sand.u32 $0x70, s26;
	s1 =	sor.u32 s25, s24  }
0x277: {  	s5 =	sor.u32 s7, s5;
	v1 =	vld [tilespmem:s1+$0x680]  }
0x278: {  	v3 =	vld [tilespmem:s5+$0x680];
	_ =	sdelay $0x1  }
0x279: {  	v4 =	vshll.u32 v0, $0x4;
	_ =	sdelay $0x1  }
0x27a: {  	v2 =	vshll.u32 v1, $0x4  }
0x27b: {  	v3 =	vshll.u32 v3, $0x4  }
0x27c: {  	s24 =	simm.s32 $0x0  }
0x27d: {  	v0 =	vld.idx.msk [tilespmem:v4+s24+$0x0], $0xffff  }
0x27e: {  	v1 =	vor.u32 $0x1, v4  }
0x27f: {  	s8 =	simm.s32 $0x200;
	v5 =	vld.idx.msk [tilespmem:v2+s24+$0x0], $0xffff  }
0x280: {  	s1 =	sand.u32 $0x3FFFF800, s8;
	v6 =	vor.u32 $0x1, v2;
	v7 =	vld.idx.msk [tilespmem:v3+s24+$0x0], $0xffff  }
0x281: {  	s9 =	simm.s32 $0x0;
	s5 =	sor.u32 s0, s1;
	v8 =	vor.u32 $0x1, v3  }
0x282: {  	s10 =	simm.s32 $0x100;
	s0 =	sand.u32 $0x3FFFF800, s9;
	[tilespmem:s5+$0x1680] =	vst v0  }
0x283: {  	s1 =	sand.u32 $0x3FFFF800, s10;
	s26 =	sor.u32 s25, s0;
	v0 =	vld.idx.msk [tilespmem:v1+s24+$0x0], $0xffff  }
0x284: {  	s25 =	sor.u32 s7, s1;
	v1 =	vor.u32 $0x2, v4;
	[tilespmem:s26+$0x1680] =	vst v5  }
0x285: {  	[tilespmem:s25+$0x1680] =	vst v7;
	v5 =	vld.idx.msk [tilespmem:v6+s24+$0x0], $0xffff  }
0x286: {  	v7 =	vld.idx.msk [tilespmem:v8+s24+$0x0], $0xffff;
	v6 =	vor.u32 $0x2, v2  }
0x287: {  	v8 =	vor.u32 $0x2, v3  }
0x288: {  	[tilespmem:s5+$0x1700] =	vst v0  }
0x289: {  	v0 =	vld.idx.msk [tilespmem:v1+s24+$0x0], $0xffff  }
0x28a: {  	v1 =	vor.u32 $0x3, v4;
	[tilespmem:s26+$0x1700] =	vst v5  }
0x28b: {  	[tilespmem:s25+$0x1700] =	vst v7;
	v5 =	vld.idx.msk [tilespmem:v6+s24+$0x0], $0xffff  }
0x28c: {  	v7 =	vld.idx.msk [tilespmem:v8+s24+$0x0], $0xffff;
	v6 =	vor.u32 $0x3, v2  }
0x28d: {  	v8 =	vor.u32 $0x3, v3  }
0x28e: {  	[tilespmem:s5+$0x1780] =	vst v0  }
0x28f: {  	v0 =	vld.idx.msk [tilespmem:v1+s24+$0x0], $0xffff  }
0x290: {  	v1 =	vor.u32 $0x4, v4;
	[tilespmem:s26+$0x1780] =	vst v5  }
0x291: {  	[tilespmem:s25+$0x1780] =	vst v7;
	v5 =	vld.idx.msk [tilespmem:v6+s24+$0x0], $0xffff  }
0x292: {  	v7 =	vld.idx.msk [tilespmem:v8+s24+$0x0], $0xffff;
	v6 =	vor.u32 $0x4, v2  }
0x293: {  	v8 =	vor.u32 $0x4, v3  }
0x294: {  	[tilespmem:s5+$0x1800] =	vst v0  }
0x295: {  	v0 =	vld.idx.msk [tilespmem:v1+s24+$0x0], $0xffff  }
0x296: {  	v1 =	vor.u32 $0x5, v4;
	[tilespmem:s26+$0x1800] =	vst v5  }
0x297: {  	[tilespmem:s25+$0x1800] =	vst v7;
	v5 =	vld.idx.msk [tilespmem:v6+s24+$0x0], $0xffff  }
0x298: {  	v7 =	vld.idx.msk [tilespmem:v8+s24+$0x0], $0xffff;
	v6 =	vor.u32 $0x5, v2  }
0x299: {  	v8 =	vor.u32 $0x5, v3  }
0x29a: {  	[tilespmem:s5+$0x1880] =	vst v0  }
0x29b: {  	v0 =	vld.idx.msk [tilespmem:v1+s24+$0x0], $0xffff  }
0x29c: {  	s11 =	simm.s32 $0x50;
	s14 =	simm.s32 $0x50;
	s15 =	simm.s32 $0x30;
	v1 =	vor.u32 $0x6, v4;
	[tilespmem:s26+$0x1880] =	vst v5  }
0x29d: {  	s8 =	simm.s32 $0x30;
	s1 =	sand.u32 $0x70, s14;
	s0 =	sand.u32 $0x3FFFFF80, s11;
	[tilespmem:s25+$0x1880] =	vst v7;
	v5 =	vld.idx.msk [tilespmem:v6+s24+$0x0], $0xffff  }
0x29e: {  	s3 =	sand.u32 $0x3FFFFF80, s15;
	s8 =	sand.u32 $0x70, s8;
	s0 =	sor.u32 s1, s0;
	v6 =	vld.idx.msk [tilespmem:v8+s24+$0x0], $0xffff  }
0x29f: {  	s17 =	simm.s32 $0x40;
	s9 =	simm.s32 $0x40;
	s3 =	sor.u32 s8, s3;
	v7 =	vor.u32 $0x6, v2;
	v8 =	vld [tilespmem:s0+$0x680]  }
0x2a0: {  	s19 =	sand.u32 $0x3FFFFF80, s17;
	s22 =	sand.u32 $0x70, s9;
	v9 =	vld [tilespmem:s3+$0x680];
	[tilespmem:s5+$0x1900] =	vst v0  }
0x2a1: {  	s0 =	sor.u32 s22, s19;
	v1 =	vld.idx.msk [tilespmem:v1+s24+$0x0], $0xffff  }
0x2a2: {  	v12 =	vor.u32 $0x7, v4;
	v10 =	vld [tilespmem:s0+$0x680]  }
0x2a3: {  	v14 =	vor.u32 $0x6, v3;
	[tilespmem:s26+$0x1900] =	vst v5  }
0x2a4: {  	v0 =	vshll.u32 v8, $0x4;
	v5 =	vld.idx.msk [tilespmem:v7+s24+$0x0], $0xffff  }
0x2a5: {  	v7 =	vor.u32 $0x7, v2  }
0x2a6: {  	v11 =	vshll.u32 v9, $0x4;
	[tilespmem:s5+$0x1980] =	vst v1  }
0x2a7: {  	[tilespmem:s25+$0x1900] =	vst v6;
	v13 =	vshll.u32 v10, $0x4;
	v1 =	vld.idx.msk [tilespmem:v12+s24+$0x0], $0xffff  }
0x2a8: {  	v8 =	vor.u32 $0x8, v4;
	v6 =	vld.idx.msk [tilespmem:v14+s24+$0x0], $0xffff  }
0x2a9: {  	v9 =	vor.u32 $0x7, v3;
	v10 =	vld.idx.msk [tilespmem:v0+s24+$0x0], $0xffff;
	[tilespmem:s26+$0x1980] =	vst v5  }
0x2aa: {  	v5 =	vld.idx.msk [tilespmem:v7+s24+$0x0], $0xffff;
	v7 =	vor.u32 $0x1, v0  }
0x2ab: {  	s9 =	simm.s32 $0x500;
	v14 =	vld.idx.msk [tilespmem:v11+s24+$0x0], $0xffff;
	v12 =	vor.u32 $0x8, v2  }
0x2ac: {  	v15 =	vor.u32 $0x1, v11;
	s0 =	sand.u32 $0x3FFFF800, s9;
	v16 =	vld.idx.msk [tilespmem:v13+s24+$0x0], $0xffff;
	[tilespmem:s5+$0x1A00] =	vst v1  }
0x2ad: {  	s10 =	simm.s32 $0x300;
	s28 =	sor.u32 s1, s0;
	[tilespmem:s25+$0x1980] =	vst v6;
	v1 =	vor.u32 $0x1, v13;
	v6 =	vld.idx.msk [tilespmem:v8+s24+$0x0], $0xffff  }
0x2ae: {  	s11 =	simm.s32 $0x400;
	s14 =	sand.u32 $0x3FFFF800, s10;
	[tilespmem:s28+$0x1680] =	vst v10;
	v8 =	vld.idx.msk [tilespmem:v9+s24+$0x0], $0xffff;
	v9 =	vor.u32 $0x9, v4  }
0x2af: {  	s29 =	sor.u32 s8, s14;
	s0 =	sand.u32 $0x3FFFF800, s11;
	v10 =	vor.u32 $0x8, v3;
	v7 =	vld.idx.msk [tilespmem:v7+s24+$0x0], $0xffff;
	[tilespmem:s26+$0x1A00] =	vst v5  }
0x2b0: {  	s30 =	sor.u32 s22, s0;
	[tilespmem:s29+$0x1680] =	vst v14;
	v5 =	vld.idx.msk [tilespmem:v12+s24+$0x0], $0xffff;
	v12 =	vor.u32 $0x2, v0  }
0x2b1: {  	v14 =	vor.u32 $0x9, v2;
	v15 =	vld.idx.msk [tilespmem:v15+s24+$0x0], $0xffff;
	[tilespmem:s30+$0x1680] =	vst v16  }
0x2b2: {  	v16 =	vor.u32 $0x2, v11;
	v1 =	vld.idx.msk [tilespmem:v1+s24+$0x0], $0xffff;
	[tilespmem:s5+$0x1A80] =	vst v6  }
0x2b3: {  	v6 =	vor.u32 $0x2, v13;
	[tilespmem:s25+$0x1A00] =	vst v8;
	v8 =	vld.idx.msk [tilespmem:v9+s24+$0x0], $0xffff  }
0x2b4: {  	[tilespmem:s28+$0x1700] =	vst v7;
	v7 =	vld.idx.msk [tilespmem:v10+s24+$0x0], $0xffff;
	v9 =	vor.u32 $0xA, v4  }
0x2b5: {  	v10 =	vor.u32 $0x9, v3;
	v12 =	vld.idx.msk [tilespmem:v12+s24+$0x0], $0xffff;
	[tilespmem:s26+$0x1A80] =	vst v5  }
0x2b6: {  	[tilespmem:s29+$0x1700] =	vst v15;
	v5 =	vld.idx.msk [tilespmem:v14+s24+$0x0], $0xffff;
	v14 =	vor.u32 $0x3, v0  }
0x2b7: {  	v15 =	vor.u32 $0xA, v2;
	v16 =	vld.idx.msk [tilespmem:v16+s24+$0x0], $0xffff;
	[tilespmem:s30+$0x1700] =	vst v1  }
0x2b8: {  	v1 =	vor.u32 $0x3, v11;
	v6 =	vld.idx.msk [tilespmem:v6+s24+$0x0], $0xffff;
	[tilespmem:s5+$0x1B00] =	vst v8  }
0x2b9: {  	v8 =	vor.u32 $0x3, v13;
	[tilespmem:s25+$0x1A80] =	vst v7;
	v7 =	vld.idx.msk [tilespmem:v9+s24+$0x0], $0xffff  }
0x2ba: {  	[tilespmem:s28+$0x1780] =	vst v12;
	v9 =	vld.idx.msk [tilespmem:v10+s24+$0x0], $0xffff;
	v10 =	vor.u32 $0xB, v4  }
0x2bb: {  	v12 =	vor.u32 $0xA, v3;
	v14 =	vld.idx.msk [tilespmem:v14+s24+$0x0], $0xffff;
	[tilespmem:s26+$0x1B00] =	vst v5  }
0x2bc: {  	[tilespmem:s29+$0x1780] =	vst v16;
	v5 =	vld.idx.msk [tilespmem:v15+s24+$0x0], $0xffff;
	v15 =	vor.u32 $0x4, v0  }
0x2bd: {  	v16 =	vor.u32 $0xB, v2;
	v1 =	vld.idx.msk [tilespmem:v1+s24+$0x0], $0xffff;
	[tilespmem:s30+$0x1780] =	vst v6  }
0x2be: {  	v6 =	vor.u32 $0x4, v11;
	v8 =	vld.idx.msk [tilespmem:v8+s24+$0x0], $0xffff;
	[tilespmem:s5+$0x1B80] =	vst v7  }
0x2bf: {  	v7 =	vor.u32 $0x4, v13;
	[tilespmem:s25+$0x1B00] =	vst v9;
	v9 =	vld.idx.msk [tilespmem:v10+s24+$0x0], $0xffff  }
0x2c0: {  	[tilespmem:s28+$0x1800] =	vst v14;
	v10 =	vld.idx.msk [tilespmem:v12+s24+$0x0], $0xffff;
	v12 =	vor.u32 $0xC, v4  }
0x2c1: {  	v14 =	vor.u32 $0xB, v3;
	v15 =	vld.idx.msk [tilespmem:v15+s24+$0x0], $0xffff;
	[tilespmem:s26+$0x1B80] =	vst v5  }
0x2c2: {  	v5 =	vor.u32 $0x5, v0;
	[tilespmem:s29+$0x1800] =	vst v1;
	v1 =	vld.idx.msk [tilespmem:v16+s24+$0x0], $0xffff  }
0x2c3: {  	v6 =	vld.idx.msk [tilespmem:v6+s24+$0x0], $0xffff;
	[tilespmem:s30+$0x1800] =	vst v8  }
0x2c4: {  	v7 =	vld.idx.msk [tilespmem:v7+s24+$0x0], $0xffff;
	[tilespmem:s5+$0x1C00] =	vst v9  }
0x2c5: {  	s15 =	simm.s32 $0x80;
	s17 =	simm.s32 $0x60;
	s10 =	simm.s32 $0x60;
	v8 =	vor.u32 $0x5, v11;
	[tilespmem:s25+$0x1B80] =	vst v10;
	v10 =	vld.idx.msk [tilespmem:v12+s24+$0x0], $0xffff  }
0x2c6: {  	s3 =	simm.s32 $0x80;
	s9 =	sand.u32 $0x70, s10;
	s1 =	sand.u32 $0x3FFFFF80, s17;
	v9 =	vor.u32 $0x5, v13;
	[tilespmem:s28+$0x1880] =	vst v15;
	v12 =	vld.idx.msk [tilespmem:v14+s24+$0x0], $0xffff  }
0x2c7: {  	s19 =	sand.u32 $0x70, s3;
	s0 =	sand.u32 $0x3FFFFF80, s15;
	s1 =	sor.u32 s9, s1;
	v14 =	vor.u32 $0xD, v4;
	v5 =	vld.idx.msk [tilespmem:v5+s24+$0x0], $0xffff  }
0x2c8: {  	s0 =	sor.u32 s19, s0;
	v18 =	vld [tilespmem:s1+$0x680];
	[tilespmem:s26+$0x1C00] =	vst v1;
	v1 =	vor.u32 $0x6, v0  }
0x2c9: {  	v16 =	vor.u32 $0xC, v2;
	v15 =	vld [tilespmem:s0+$0x680];
	[tilespmem:s29+$0x1880] =	vst v6  }
0x2ca: {  	v8 =	vld.idx.msk [tilespmem:v8+s24+$0x0], $0xffff;
	[tilespmem:s30+$0x1880] =	vst v7  }
0x2cb: {  	v7 =	vld.idx.msk [tilespmem:v9+s24+$0x0], $0xffff;
	v9 =	vor.u32 $0x6, v11;
	[tilespmem:s5+$0x1C80] =	vst v10  }
0x2cc: {  	s10 =	simm.s32 $0x70;
	s22 =	simm.s32 $0x70;
	[tilespmem:s28+$0x1900] =	vst v5;
	v10 =	vld.idx.msk [tilespmem:v14+s24+$0x0], $0xffff;
	v14 =	vor.u32 $0x6, v13  }
0x2cd: {  	v17 =	vor.u32 $0xC, v3;
	s14 =	sand.u32 $0x70, s10;
	s11 =	sand.u32 $0x3FFFFF80, s22;
	v5 =	vld.idx.msk [tilespmem:v1+s24+$0x0], $0xffff  }
0x2ce: {  	s0 =	sor.u32 s14, s11;
	v6 =	vld.idx.msk [tilespmem:v16+s24+$0x0], $0xffff;
	[tilespmem:s25+$0x1C00] =	vst v12;
	v1 =	vshll.u32 v15, $0x4  }
0x2cf: {  	v16 =	vor.u32 $0xE, v4;
	[tilespmem:s29+$0x1900] =	vst v8;
	v8 =	vld [tilespmem:s0+$0x680]  }
0x2d0: {  	v19 =	vor.u32 $0x7, v0;
	v9 =	vld.idx.msk [tilespmem:v9+s24+$0x0], $0xffff;
	[tilespmem:s30+$0x1900] =	vst v7  }
0x2d1: {  	v20 =	vor.u32 $0xD, v2;
	v7 =	vld.idx.msk [tilespmem:v14+s24+$0x0], $0xffff;
	[tilespmem:s5+$0x1D00] =	vst v10  }
0x2d2: {  	v10 =	vor.u32 $0x7, v11;
	[tilespmem:s28+$0x1980] =	vst v5;
	v5 =	vld.idx.msk [tilespmem:v17+s24+$0x0], $0xffff  }
0x2d3: {  	v29 =	vshll.u32 v18, $0x4;
	v14 =	vld.idx.msk [tilespmem:v1+s24+$0x0], $0xffff  }
0x2d4: {  	[tilespmem:s26+$0x1C80] =	vst v6;
	v12 =	vld.idx.msk [tilespmem:v16+s24+$0x0], $0xffff;
	v34 =	vshll.u32 v8, $0x4  }
0x2d5: {  	s15 =	simm.s32 $0x800;
	v15 =	vor.u32 $0x7, v13;
	v6 =	vld.idx.msk [tilespmem:v19+s24+$0x0], $0xffff;
	[tilespmem:s29+$0x1980] =	vst v9  }
0x2d6: {  	v4 =	vor.u32 $0xF, v4;
	s0 =	sand.u32 $0x3FFFF800, s15;
	v8 =	vld.idx.msk [tilespmem:v20+s24+$0x0], $0xffff;
	[tilespmem:s30+$0x1980] =	vst v7  }
0x2d7: {  	s31 =	sor.u32 s19, s0;
	v16 =	vor.u32 $0x1, v1;
	v10 =	vld.idx.msk [tilespmem:v10+s24+$0x0], $0xffff;
	[tilespmem:s25+$0x1C80] =	vst v5  }
0x2d8: {  	v9 =	vor.u32 $0x8, v0;
	v7 =	vld.idx.msk [tilespmem:v29+s24+$0x0], $0xffff;
	[tilespmem:s31+$0x1680] =	vst v14  }
0x2d9: {  	[tilespmem:s5+$0x1D80] =	vst v12;
	v12 =	vor.u32 $0x8, v11;
	v17 =	vld.idx.msk [tilespmem:v34+s24+$0x0], $0xffff  }
0x2da: {  	s17 =	simm.s32 $0x600;
	v5 =	vor.u32 $0x1, v29;
	[tilespmem:s28+$0x1A00] =	vst v6;
	v14 =	vld.idx.msk [tilespmem:v15+s24+$0x0], $0xffff  }
0x2db: {  	s22 =	simm.s32 $0x700;
	s19 =	sand.u32 $0x3FFFF800, s17;
	v6 =	vor.u32 $0xD, v3;
	[tilespmem:s26+$0x1D00] =	vst v8;
	v4 =	vld.idx.msk [tilespmem:v4+s24+$0x0], $0xffff  }
0x2dc: {  	s1 =	sand.u32 $0x3FFFF800, s22;
	s0 =	sor.u32 s9, s19;
	v8 =	vor.u32 $0x1, v34;
	v15 =	vld.idx.msk [tilespmem:v16+s24+$0x0], $0xffff;
	[tilespmem:s29+$0x1A00] =	vst v10  }
0x2dd: {  	s1 =	sor.u32 s14, s1;
	v16 =	vor.u32 $0x8, v13;
	v9 =	vld.idx.msk [tilespmem:v9+s24+$0x0], $0xffff;
	[tilespmem:s0+$0x1680] =	vst v7  }
0x2de: {  	v10 =	vor.u32 $0x9, v0;
	v7 =	vld.idx.msk [tilespmem:v12+s24+$0x0], $0xffff;
	[tilespmem:s1+$0x1680] =	vst v17  }
0x2df: {  	v5 =	vld.idx.msk [tilespmem:v5+s24+$0x0], $0xffff;
	v12 =	vor.u32 $0x2, v1;
	[tilespmem:s30+$0x1A00] =	vst v14  }
0x2e0: {  	v6 =	vld.idx.msk [tilespmem:v6+s24+$0x0], $0xffff;
	[tilespmem:s5+$0x1E00] =	vst v4;
	v4 =	vor.u32 $0x9, v11  }
0x2e1: {  	v17 =	vor.u32 $0x2, v29;
	[tilespmem:s31+$0x1700] =	vst v15;
	v8 =	vld.idx.msk [tilespmem:v8+s24+$0x0], $0xffff  }
0x2e2: {  	v15 =	vld.idx.msk [tilespmem:v16+s24+$0x0], $0xffff;
	[tilespmem:s28+$0x1A80] =	vst v9;
	v9 =	vor.u32 $0xE, v2  }
0x2e3: {  	v14 =	vor.u32 $0x2, v34;
	v10 =	vld.idx.msk [tilespmem:v10+s24+$0x0], $0xffff;
	[tilespmem:s29+$0x1A80] =	vst v7  }
0x2e4: {  	v12 =	vld.idx.msk [tilespmem:v12+s24+$0x0], $0xffff;
	v7 =	vor.u32 $0xA, v0;
	[tilespmem:s0+$0x1700] =	vst v5  }
0x2e5: {  	v16 =	vor.u32 $0x9, v13;
	[tilespmem:s25+$0x1D00] =	vst v6;
	v4 =	vld.idx.msk [tilespmem:v4+s24+$0x0], $0xffff  }
0x2e6: {  	v5 =	vld.idx.msk [tilespmem:v17+s24+$0x0], $0xffff;
	v17 =	vor.u32 $0x3, v1;
	[tilespmem:s1+$0x1700] =	vst v8  }
0x2e7: {  	v20 =	vor.u32 $0xE, v3;
	[tilespmem:s30+$0x1A80] =	vst v15;
	v8 =	vld.idx.msk [tilespmem:v9+s24+$0x0], $0xffff  }
0x2e8: {  	v18 =	vor.u32 $0xA, v11;
	v14 =	vld.idx.msk [tilespmem:v14+s24+$0x0], $0xffff;
	[tilespmem:s28+$0x1B00] =	vst v10  }
0x2e9: {  	v19 =	vor.u32 $0x3, v29;
	v15 =	vld.idx.msk [tilespmem:v7+s24+$0x0], $0xffff;
	[tilespmem:s31+$0x1780] =	vst v12  }
0x2ea: {  	v35 =	vor.u32 $0xF, v2;
	v25 =	vor.u32 $0xB, v11;
	v22 =	vor.u32 $0xB, v0;
	v16 =	vld.idx.msk [tilespmem:v16+s24+$0x0], $0xffff;
	[tilespmem:s29+$0x1B00] =	vst v4  }
0x2eb: {  	v23 =	vor.u32 $0xA, v13;
	v21 =	vor.u32 $0x3, v34;
	v2 =	vor.u32 $0xF, v11;
	v17 =	vld.idx.msk [tilespmem:v17+s24+$0x0], $0xffff;
	[tilespmem:s0+$0x1780] =	vst v5  }
0x2ec: {  	v6 =	vor.u32 $0xD, v11;
	v9 =	vor.u32 $0xC, v11;
	v4 =	vor.u32 $0xE, v11;
	v11 =	vld.idx.msk [tilespmem:v20+s24+$0x0], $0xffff;
	[tilespmem:s26+$0x1D80] =	vst v8  }
0x2ed: {  	v42 =	vor.u32 $0xC, v0;
	v31 =	vor.u32 $0x5, v29;
	v27 =	vor.u32 $0x6, v29;
	v26 =	vld.idx.msk [tilespmem:v18+s24+$0x0], $0xffff;
	[tilespmem:s1+$0x1780] =	vst v14  }
0x2ee: {  	v24 =	vor.u32 $0x7, v29;
	v32 =	vor.u32 $0x4, v1;
	v10 =	vor.u32 $0xC, v13;
	v19 =	vld.idx.msk [tilespmem:v19+s24+$0x0], $0xffff;
	[tilespmem:s28+$0x1B80] =	vst v15  }
0x2ef: {  	v7 =	vor.u32 $0xF, v3;
	v12 =	vor.u32 $0xB, v13;
	v3 =	vor.u32 $0xF, v13;
	[tilespmem:s30+$0x1B00] =	vst v16;
	v40 =	vld.idx.msk [tilespmem:v22+s24+$0x0], $0xffff  }
0x2f0: {  	v5 =	vor.u32 $0xE, v13;
	v8 =	vor.u32 $0xD, v13;
	v13 =	vor.u32 $0x4, v29;
	v14 =	vld.idx.msk [tilespmem:v21+s24+$0x0], $0xffff;
	[tilespmem:s31+$0x1800] =	vst v17  }
0x2f1: {  	v39 =	vor.u32 $0x4, v34;
	v30 =	vor.u32 $0x5, v34;
	v28 =	vor.u32 $0x6, v34;
	v41 =	vld.idx.msk [tilespmem:v23+s24+$0x0], $0xffff;
	[tilespmem:s25+$0x1D80] =	vst v11  }
0x2f2: {  	v33 =	vor.u32 $0xB, v34;
	v20 =	vor.u32 $0x9, v34;
	v18 =	vor.u32 $0x9, v29;
	v35 =	vld.idx.msk [tilespmem:v35+s24+$0x0], $0xffff;
	[tilespmem:s29+$0x1B80] =	vst v26  }
0x2f3: {  	v16 =	vor.u32 $0xB, v29;
	v21 =	vor.u32 $0x8, v29;
	v23 =	vor.u32 $0x8, v34;
	v37 =	vld.idx.msk [tilespmem:v32+s24+$0x0], $0xffff;
	[tilespmem:s0+$0x1800] =	vst v19  }
0x2f4: {  	v15 =	vor.u32 $0xD, v34;
	v22 =	vor.u32 $0x7, v34;
	v36 =	vld.idx.msk [tilespmem:v25+s24+$0x0], $0xffff;
	[tilespmem:s28+$0x1C00] =	vst v40;
	v40 =	vor.u32 $0x5, v1  }
0x2f5: {  	v17 =	vor.u32 $0xA, v29;
	v11 =	vor.u32 $0xF, v29;
	v19 =	vor.u32 $0xA, v34;
	v38 =	vld.idx.msk [tilespmem:v13+s24+$0x0], $0xffff;
	[tilespmem:s1+$0x1800] =	vst v14  }
0x2f6: {  	v32 =	vor.u32 $0xC, v29;
	v26 =	vor.u32 $0xC, v34;
	v25 =	vor.u32 $0xD, v29;
	v39 =	vld.idx.msk [tilespmem:v39+s24+$0x0], $0xffff  }
0x2f7: {  	s7 =	simm.s32 $0x0;
	s8 =	simm.s32 $0x6;
	s5 =	simm.s32 $0x0;
	v13 =	vor.u32 $0xE, v29;
	v14 =	vor.u32 $0xE, v34;
	v29 =	vor.u32 $0xF, v34;
	[tilespmem:s30+$0x1B80] =	vst v41;
	v34 =	vld.idx.msk [tilespmem:v42+s24+$0x0], $0xffff  }
.LBB2_11:
0x2f8: {  	s9 =	sadd.s32 $0x4, s8;
	[tilespmem:s31+$0x1880] =	vst v37;
	v37 =	vld.idx.msk [tilespmem:v12+s5+$0x0], $0xffff;
	v12 =	vmov v33;
	s10 =	smov.u32 s8;
	s8 =	sadd.s32 $0x3, s8  }
0x2f9: {  	s11 =	sshll.u32 s8, $0x8;
	s17 =	sshll.u32 s9, $0x8;
	v33 =	vld.idx.msk [tilespmem:v40+s24+$0x0], $0xffff;
	[tilespmem:s29+$0x1C00] =	vst v36;
	v36 =	vor.u32 $0xD, v0  }
0x2fa: {  	s19 =	sshll.u32 s8, $0x4;
	s22 =	sshll.u32 s9, $0x4;
	s11 =	sand.u32 $0x3FFFF800, s11;
	[tilespmem:s0+$0x1880] =	vst v38;
	v38 =	vld.idx.msk [tilespmem:v9+s5+$0x0], $0xffff;
	v9 =	vmov v32  }
0x2fb: {  	s9 =	sadd.s32 $0x5, s10;
	s19 =	sand.u32 $0x3FFFFF80, s19;
	s17 =	sand.u32 $0x3FFFF800, s17;
	v32 =	vor.u32 $0x6, v1;
	v31 =	vld.idx.msk [tilespmem:v31+s24+$0x0], $0xffff;
	[tilespmem:s26+$0x1E00] =	vst v35  }
0x2fc: {  	s3 =	sadd.s32 $0x30, s3;
	s22 =	sand.u32 $0x3FFFFF80, s22;
	s26 =	sshll.u32 s9, $0x4;
	[tilespmem:s1+$0x1880] =	vst v39;
	v35 =	vld.idx.msk [tilespmem:v7+s7+$0x0], $0xffff;
	v7 =	vmov v3;
	v3 =	vmov v29  }
0x2fd: {  	s10 =	sand.u32 $0x70, s3;
	s7 =	sadd.s32 $0xFFFFFFE0, s3;
	s26 =	sand.u32 $0x3FFFFF80, s26;
	v29 =	vld.idx.msk [tilespmem:v30+s24+$0x0], $0xffff;
	[tilespmem:s28+$0x1C80] =	vst v34  }
0x2fe: {  	s14 =	sadd.s32 $0xFFFFFFF0, s3;
	s7 =	sand.u32 $0x70, s7;
	s26 =	sor.u32 s10, s26;
	[tilespmem:s30+$0x1C00] =	vst v37;
	v30 =	vld.idx.msk [tilespmem:v36+s5+$0x0], $0xffff  }
0x2ff: {  	s19 =	sor.u32 s7, s19;
	s7 =	sor.u32 s7, s11;
	s11 =	sand.u32 $0x70, s14;
	v34 =	vld [tilespmem:s26+$0x680];
	[tilespmem:s31+$0x1900] =	vst v33  }
0x300: {  	p0 =	slt.u32 s8, $0x7B;
	s14 =	sor.u32 s11, s22;
	s11 =	sor.u32 s11, s17;
	v33 =	vor.u32 $0xE, v0;
	v32 =	vld.idx.msk [tilespmem:v32+s24+$0x0], $0xffff;
	[tilespmem:s29+$0x1C80] =	vst v38  }
0x301: {  	s26 =	smov.u32 s29;
	s29 =	smov.u32 s0;
	v36 =	vld [tilespmem:s19+$0x680];
	[tilespmem:s0+$0x1900] =	vst v31;
	s0 =	smov.u32 s7  }
0x302: {  	v37 =	vor.u32 $0x7, v1;
	v31 =	vld [tilespmem:s14+$0x680];
	[tilespmem:s25+$0x1E00] =	vst v35;
	s25 =	smov.u32 s30;
	s30 =	smov.u32 s1;
	s1 =	smov.u32 s11  }
0x303: {  	s7 =	smov.u32 s5;
	s5 =	smov.u32 s24;
	v27 =	vld.idx.msk [tilespmem:v27+s24+$0x0], $0xffff;
	[tilespmem:s30+$0x1900] =	vst v29  }
0x304: {  	v29 =	vshll.u32 v34, $0x4;
	v28 =	vld.idx.msk [tilespmem:v28+s5+$0x0], $0xffff;
	[tilespmem:s28+$0x1D00] =	vst v30  }
0x305: {  	v33 =	vld.idx.msk [tilespmem:v33+s7+$0x0], $0xffff  }
0x306: {  	v36 =	vshll.u32 v36, $0x4;
	[tilespmem:s31+$0x1980] =	vst v32;
	v32 =	vld.idx.msk [tilespmem:v10+s7+$0x0], $0xffff;
	v10 =	vmov v26  }
0x307: {  	v38 =	vor.u32 $0x1, v36;
	v39 =	vshll.u32 v31, $0x4;
	v26 =	vld.idx.msk [tilespmem:v37+s5+$0x0], $0xffff;
	v37 =	vor.u32 $0xF, v0;
	v0 =	vmovc v1;
	v1 =	vmovc v29  }
0x308: {  	v40 =	vor.u32 $0x2, v36;
	v41 =	vor.u32 $0x1, v39;
	v42 =	vor.u32 $0x2, v39;
	v43 =	vld.idx.msk [tilespmem:v6+s7+$0x0], $0xffff;
	v6 =	vmovc v25  }
0x309: {  	v44 =	vor.u32 $0x3, v36;
	v45 =	vor.u32 $0x3, v39;
	v25 =	vld.idx.msk [tilespmem:v29+s24+$0x0], $0xffff;
	[tilespmem:s29+$0x1980] =	vst v27;
	v29 =	vor.u32 $0x8, v0  }
0x30a: {  	v35 =	vor.u32 $0x4, v36;
	v31 =	vor.u32 $0x5, v36;
	v34 =	vor.u32 $0x4, v39;
	v46 =	vld.idx.msk [tilespmem:v24+s5+$0x0], $0xffff;
	[tilespmem:s30+$0x1980] =	vst v28  }
0x30b: {  	v30 =	vor.u32 $0x5, v39;
	v48 =	vor.u32 $0x1, v1;
	v27 =	vor.u32 $0x6, v36;
	v47 =	vld.idx.msk [tilespmem:v36+s24+$0x0], $0xffff;
	[tilespmem:s28+$0x1D80] =	vst v33  }
0x30c: {  	s9 =	sshll.u32 s9, $0x8;
	v49 =	vor.u32 $0x7, v39;
	v24 =	vor.u32 $0x7, v36;
	v28 =	vor.u32 $0x6, v39;
	[tilespmem:s25+$0x1C80] =	vst v32;
	v37 =	vld.idx.msk [tilespmem:v37+s7+$0x0], $0xffff  }
0x30d: {  	s9 =	sand.u32 $0x3FFFF800, s9;
	v50 =	vor.u32 $0x8, v36;
	v51 =	vor.u32 $0x9, v36;
	v53 =	vor.u32 $0x8, v39;
	v52 =	vld.idx.msk [tilespmem:v39+s24+$0x0], $0xffff;
	[tilespmem:s31+$0x1A00] =	vst v26  }
0x30e: {  	s9 =	sor.u32 s10, s9;
	v54 =	vor.u32 $0xA, v36;
	v55 =	vor.u32 $0x9, v39;
	v56 =	vor.u32 $0xA, v39;
	v57 =	vld.idx.msk [tilespmem:v29+s5+$0x0], $0xffff;
	[tilespmem:s26+$0x1D00] =	vst v43  }
0x30f: {  	v33 =	vor.u32 $0xB, v39;
	v32 =	vor.u32 $0xC, v36;
	v43 =	vor.u32 $0xB, v36;
	[tilespmem:s9+$0x1680] =	vst v25;
	v58 =	vld.idx.msk [tilespmem:v22+s5+$0x0], $0xffff;
	v22 =	vmovc v49  }
0x310: {  	v26 =	vor.u32 $0xC, v39;
	v25 =	vor.u32 $0xD, v36;
	v48 =	vld.idx.msk [tilespmem:v48+s24+$0x0], $0xffff;
	[tilespmem:s29+$0x1A00] =	vst v46;
	v46 =	vor.u32 $0x9, v0  }
0x311: {  	v59 =	vor.u32 $0xE, v39;
	v49 =	vor.u32 $0xD, v39;
	[tilespmem:s0+$0x1680] =	vst v47;
	v47 =	vor.u32 $0xE, v36;
	v60 =	vld.idx.msk [tilespmem:v21+s5+$0x0], $0xffff;
	v21 =	vmovc v50  }
0x312: {  	v29 =	vor.u32 $0xF, v39;
	v50 =	vor.u32 $0xF, v36;
	v36 =	vor.u32 $0x2, v1;
	v38 =	vld.idx.msk [tilespmem:v38+s24+$0x0], $0xffff;
	[tilespmem:s28+$0x1E00] =	vst v37;
	s28 =	smov.u32 s31;
	s31 =	smov.u32 s9  }
0x313: {  	[tilespmem:s1+$0x1680] =	vst v52;
	v37 =	vld.idx.msk [tilespmem:v8+s7+$0x0], $0xffff;
	v8 =	vmov v15;
	v15 =	vmov v49  }
0x314: {  	v39 =	vld.idx.msk [tilespmem:v41+s24+$0x0], $0xffff;
	[tilespmem:s28+$0x1A80] =	vst v57  }
0x315: {  	[tilespmem:s30+$0x1A00] =	vst v58;
	v41 =	vld.idx.msk [tilespmem:v46+s5+$0x0], $0xffff  }
0x316: {  	[tilespmem:s31+$0x1700] =	vst v48;
	v46 =	vld.idx.msk [tilespmem:v23+s5+$0x0], $0xffff;
	v23 =	vmov v53  }
0x317: {  	v48 =	vor.u32 $0xA, v0;
	v36 =	vld.idx.msk [tilespmem:v36+s24+$0x0], $0xffff;
	[tilespmem:s29+$0x1A80] =	vst v60  }
0x318: {  	[tilespmem:s0+$0x1700] =	vst v38;
	v38 =	vld.idx.msk [tilespmem:v18+s5+$0x0], $0xffff;
	v18 =	vmov v51  }
0x319: {  	v49 =	vor.u32 $0x3, v1;
	v40 =	vld.idx.msk [tilespmem:v40+s24+$0x0], $0xffff;
	[tilespmem:s25+$0x1D00] =	vst v37  }
0x31a: {  	[tilespmem:s1+$0x1700] =	vst v39;
	v37 =	vld.idx.msk [tilespmem:v4+s7+$0x0], $0xffff;
	v4 =	vmov v13;
	v13 =	vmov v47  }
0x31b: {  	v39 =	vld.idx.msk [tilespmem:v42+s24+$0x0], $0xffff;
	[tilespmem:s28+$0x1B00] =	vst v41  }
0x31c: {  	[tilespmem:s30+$0x1A80] =	vst v46;
	v41 =	vld.idx.msk [tilespmem:v48+s5+$0x0], $0xffff  }
0x31d: {  	[tilespmem:s31+$0x1780] =	vst v36;
	v36 =	vld.idx.msk [tilespmem:v20+s5+$0x0], $0xffff;
	v20 =	vmov v55  }
0x31e: {  	v42 =	vld.idx.msk [tilespmem:v49+s24+$0x0], $0xffff;
	[tilespmem:s29+$0x1B00] =	vst v38;
	v38 =	vor.u32 $0xB, v0  }
0x31f: {  	[tilespmem:s0+$0x1780] =	vst v40;
	v40 =	vld.idx.msk [tilespmem:v17+s5+$0x0], $0xffff;
	v17 =	vmov v54  }
0x320: {  	v46 =	vor.u32 $0x4, v1;
	v44 =	vld.idx.msk [tilespmem:v44+s24+$0x0], $0xffff;
	[tilespmem:s26+$0x1D80] =	vst v37  }
0x321: {  	[tilespmem:s1+$0x1780] =	vst v39;
	v39 =	vld.idx.msk [tilespmem:v5+s7+$0x0], $0xffff;
	v5 =	vmov v14;
	v14 =	vmov v59  }
0x322: {  	v45 =	vld.idx.msk [tilespmem:v45+s24+$0x0], $0xffff;
	[tilespmem:s28+$0x1B80] =	vst v41  }
0x323: {  	[tilespmem:s30+$0x1B00] =	vst v36;
	v41 =	vld.idx.msk [tilespmem:v38+s5+$0x0], $0xffff  }
0x324: {  	[tilespmem:s31+$0x1800] =	vst v42;
	v42 =	vld.idx.msk [tilespmem:v19+s5+$0x0], $0xffff;
	v19 =	vmov v56  }
0x325: {  	v37 =	vld.idx.msk [tilespmem:v46+s24+$0x0], $0xffff;
	[tilespmem:s29+$0x1B80] =	vst v40;
	v46 =	vor.u32 $0xC, v0  }
.Ltmp4:
0x326: {  	[tilespmem:s0+$0x1800] =	vst v44;
	v36 =	vld.idx.msk [tilespmem:v16+s5+$0x0], $0xffff;
	v16 =	vmov v43;
	(pc) =	sbr.rel @p0 .LBB2_11-.Ltmp4, $4  }
0x327: {  	v40 =	vor.u32 $0x5, v1;
	v38 =	vld.idx.msk [tilespmem:v35+s24+$0x0], $0xffff;
	[tilespmem:s25+$0x1D80] =	vst v39  }
0x328: {  	[tilespmem:s1+$0x1800] =	vst v45;
	v35 =	vld.idx.msk [tilespmem:v2+s7+$0x0], $0xffff;
	v2 =	vmov v11;
	v11 =	vmov v50  }
0x329: {  	v39 =	vld.idx.msk [tilespmem:v34+s24+$0x0], $0xffff;
	[tilespmem:s28+$0x1C00] =	vst v41  }
0x32a: {  	[tilespmem:s30+$0x1B80] =	vst v42;
	v34 =	vld.idx.msk [tilespmem:v46+s5+$0x0], $0xffff  }
0x32b: {  	_ =	sdelay $0x2  }
0x32c: {  	[tilespmem:s31+$0x1880] =	vst v37  }
0x32d: {  	v37 =	vld.idx.msk [tilespmem:v40+s24+$0x0], $0xffff;
	[tilespmem:s0+$0x1880] =	vst v38  }
0x32e: {  	v63 =	vor.u32 $0x6, v1;
	v31 =	vld.idx.msk [tilespmem:v31+s24+$0x0], $0xffff;
	[tilespmem:s1+$0x1880] =	vst v39  }
0x32f: {  	v30 =	vld.idx.msk [tilespmem:v30+s24+$0x0], $0xffff;
	_ =	sdelay $0x2  }
0x330: {  	[tilespmem:s31+$0x1900] =	vst v37  }
0x331: {  	v37 =	vld.idx.msk [tilespmem:v63+s24+$0x0], $0xffff;
	[tilespmem:s0+$0x1900] =	vst v31  }
0x332: {  	v39 =	vor.u32 $0x7, v1;
	v27 =	vld.idx.msk [tilespmem:v27+s24+$0x0], $0xffff;
	[tilespmem:s1+$0x1900] =	vst v30  }
0x333: {  	v28 =	vld.idx.msk [tilespmem:v28+s24+$0x0], $0xffff;
	_ =	sdelay $0x2  }
0x334: {  	[tilespmem:s31+$0x1980] =	vst v37  }
0x335: {  	v40 =	vld.idx.msk [tilespmem:v39+s24+$0x0], $0xffff;
	[tilespmem:s0+$0x1980] =	vst v27  }
0x336: {  	v41 =	vor.u32 $0x8, v1;
	v24 =	vld.idx.msk [tilespmem:v24+s24+$0x0], $0xffff;
	[tilespmem:s1+$0x1980] =	vst v28  }
0x337: {  	v22 =	vld.idx.msk [tilespmem:v22+s24+$0x0], $0xffff;
	_ =	sdelay $0x2  }
0x338: {  	[tilespmem:s31+$0x1A00] =	vst v40  }
0x339: {  	v27 =	vld.idx.msk [tilespmem:v41+s24+$0x0], $0xffff;
	[tilespmem:s0+$0x1A00] =	vst v24  }
0x33a: {  	v42 =	vor.u32 $0x9, v1;
	v21 =	vld.idx.msk [tilespmem:v21+s24+$0x0], $0xffff;
	[tilespmem:s1+$0x1A00] =	vst v22  }
0x33b: {  	v22 =	vld.idx.msk [tilespmem:v23+s24+$0x0], $0xffff;
	_ =	sdelay $0x2  }
0x33c: {  	[tilespmem:s31+$0x1A80] =	vst v27  }
0x33d: {  	v43 =	vld.idx.msk [tilespmem:v42+s24+$0x0], $0xffff;
	[tilespmem:s0+$0x1A80] =	vst v21  }
0x33e: {  	v44 =	vor.u32 $0xA, v1;
	v18 =	vld.idx.msk [tilespmem:v18+s24+$0x0], $0xffff;
	[tilespmem:s1+$0x1A80] =	vst v22  }
0x33f: {  	v20 =	vld.idx.msk [tilespmem:v20+s24+$0x0], $0xffff;
	_ =	sdelay $0x2  }
0x340: {  	[tilespmem:s31+$0x1B00] =	vst v43  }
0x341: {  	v21 =	vld.idx.msk [tilespmem:v44+s24+$0x0], $0xffff;
	[tilespmem:s0+$0x1B00] =	vst v18  }
0x342: {  	v45 =	vor.u32 $0xB, v1;
	v17 =	vld.idx.msk [tilespmem:v17+s24+$0x0], $0xffff;
	[tilespmem:s1+$0x1B00] =	vst v20  }
0x343: {  	v19 =	vld.idx.msk [tilespmem:v19+s24+$0x0], $0xffff;
	_ =	sdelay $0x1  }
0x344: {  	[tilespmem:s29+$0x1C00] =	vst v36  }
0x345: {  	v12 =	vld.idx.msk [tilespmem:v12+s5+$0x0], $0xffff;
	[tilespmem:s31+$0x1B80] =	vst v21  }
0x346: {  	v18 =	vld.idx.msk [tilespmem:v45+s24+$0x0], $0xffff;
	[tilespmem:s0+$0x1B80] =	vst v17  }
0x347: {  	v46 =	vor.u32 $0xC, v1;
	v16 =	vld.idx.msk [tilespmem:v16+s24+$0x0], $0xffff;
	[tilespmem:s1+$0x1B80] =	vst v19  }
0x348: {  	[tilespmem:s26+$0x1E00] =	vst v35;
	v19 =	vld.idx.msk [tilespmem:v33+s24+$0x0], $0xffff  }
0x349: {  	v7 =	vld.idx.msk [tilespmem:v7+s7+$0x0], $0xffff;
	[tilespmem:s28+$0x1C80] =	vst v34  }
0x34a: {  	v47 =	vor.u32 $0xD, v0;
	v9 =	vld.idx.msk [tilespmem:v9+s5+$0x0], $0xffff;
	[tilespmem:s30+$0x1C00] =	vst v12  }
0x34b: {  	v10 =	vld.idx.msk [tilespmem:v10+s5+$0x0], $0xffff;
	[tilespmem:s31+$0x1C00] =	vst v18  }
0x34c: {  	v48 =	vld.idx.msk [tilespmem:v46+s24+$0x0], $0xffff;
	[tilespmem:s0+$0x1C00] =	vst v16  }
0x34d: {  	v49 =	vor.u32 $0xD, v1;
	v50 =	vld.idx.msk [tilespmem:v32+s24+$0x0], $0xffff;
	[tilespmem:s1+$0x1C00] =	vst v19  }
0x34e: {  	[tilespmem:s25+$0x1E00] =	vst v7;
	v51 =	vld.idx.msk [tilespmem:v26+s24+$0x0], $0xffff  }
0x34f: {  	v52 =	vld.idx.msk [tilespmem:v47+s5+$0x0], $0xffff;
	[tilespmem:s29+$0x1C80] =	vst v9  }
0x350: {  	v53 =	vor.u32 $0xE, v0;
	v6 =	vld.idx.msk [tilespmem:v6+s5+$0x0], $0xffff;
	[tilespmem:s30+$0x1C80] =	vst v10  }
0x351: {  	v8 =	vld.idx.msk [tilespmem:v8+s5+$0x0], $0xffff;
	[tilespmem:s31+$0x1C80] =	vst v48  }
0x352: {  	v54 =	vld.idx.msk [tilespmem:v49+s24+$0x0], $0xffff;
	[tilespmem:s0+$0x1C80] =	vst v50  }
0x353: {  	v55 =	vor.u32 $0xE, v1;
	v56 =	vld.idx.msk [tilespmem:v25+s24+$0x0], $0xffff;
	[tilespmem:s1+$0x1C80] =	vst v51  }
0x354: {  	[tilespmem:s28+$0x1D00] =	vst v52;
	v9 =	vld.idx.msk [tilespmem:v15+s24+$0x0], $0xffff  }
0x355: {  	v7 =	vld.idx.msk [tilespmem:v53+s5+$0x0], $0xffff;
	[tilespmem:s29+$0x1D00] =	vst v6  }
0x356: {  	v57 =	vor.u32 $0xF, v0;
	v4 =	vld.idx.msk [tilespmem:v4+s5+$0x0], $0xffff;
	[tilespmem:s30+$0x1D00] =	vst v8  }
0x357: {  	v5 =	vld.idx.msk [tilespmem:v5+s5+$0x0], $0xffff;
	[tilespmem:s31+$0x1D00] =	vst v54  }
0x358: {  	v58 =	vld.idx.msk [tilespmem:v55+s24+$0x0], $0xffff;
	[tilespmem:s0+$0x1D00] =	vst v56  }
0x359: {  	v59 =	vor.u32 $0xF, v1;
	v60 =	vld.idx.msk [tilespmem:v13+s24+$0x0], $0xffff;
	[tilespmem:s1+$0x1D00] =	vst v9  }
0x35a: {  	[tilespmem:s28+$0x1D80] =	vst v7;
	v61 =	vld.idx.msk [tilespmem:v14+s24+$0x0], $0xffff  }
0x35b: {  	v0 =	vld.idx.msk [tilespmem:v57+s5+$0x0], $0xffff;
	[tilespmem:s29+$0x1D80] =	vst v4  }
0x35c: {  	v2 =	vld.idx.msk [tilespmem:v2+s5+$0x0], $0xffff;
	[tilespmem:s30+$0x1D80] =	vst v5  }
0x35d: {  	v3 =	vld.idx.msk [tilespmem:v3+s5+$0x0], $0xffff;
	[tilespmem:s31+$0x1D80] =	vst v58  }
0x35e: {  	v1 =	vld.idx.msk [tilespmem:v59+s24+$0x0], $0xffff;
	[tilespmem:s0+$0x1D80] =	vst v60  }
0x35f: {  	v62 =	vld.idx.msk [tilespmem:v11+s24+$0x0], $0xffff;
	[tilespmem:s1+$0x1D80] =	vst v61  }
0x360: {  	[tilespmem:s28+$0x1E00] =	vst v0;
	v63 =	vld.idx.msk [tilespmem:v29+s24+$0x0], $0xffff  }
0x361: {  	[tilespmem:s29+$0x1E00] =	vst v2  }
0x362: {  	[tilespmem:s30+$0x1E00] =	vst v3  }
0x363: {  	[tilespmem:s31+$0x1E00] =	vst v1  }
0x364: {  	[tilespmem:s0+$0x1E00] =	vst v62  }
0x365: {  	[tilespmem:s1+$0x1E00] =	vst v63  }
.LBB2_13:
0x366: {  	s0 =	sshra.s32 s24, $0x2  }
0x367: {  	v0 =	vld [tilespmem:s0+$0xE60];
	_ =	sdelay $0x4  }
0x368: {  	v0 =	vshll.u32 v0, $0x4;
	_ =	sdelay $0x4  }
0x369: {  	v1 =	vld.idx.msk [tilespmem:v0+s2+$0x0], $0xffff  }
0x36a: {  	v2 =	vor.u32 $0x1, v0;
	_ =	sdelay $0x3  }
0x36b: {  	[tilespmem:s0+$0x8EE0] =	vst v1  }
0x36c: {  	v1 =	vld.idx.msk [tilespmem:v2+s2+$0x0], $0xffff  }
0x36d: {  	v51 =	vor.u32 $0x2, v0;
	_ =	sdelay $0x3  }
0x36e: {  	[tilespmem:s0+$0x8F60] =	vst v1  }
0x36f: {  	v1 =	vld.idx.msk [tilespmem:v51+s2+$0x0], $0xffff  }
0x370: {  	v52 =	vor.u32 $0x3, v0;
	_ =	sdelay $0x3  }
0x371: {  	[tilespmem:s0+$0x8FE0] =	vst v1  }
0x372: {  	v1 =	vld.idx.msk [tilespmem:v52+s2+$0x0], $0xffff  }
0x373: {  	v53 =	vor.u32 $0x4, v0;
	_ =	sdelay $0x3  }
0x374: {  	[tilespmem:s0+$0x9060] =	vst v1  }
0x375: {  	v1 =	vld.idx.msk [tilespmem:v53+s2+$0x0], $0xffff  }
0x376: {  	v54 =	vor.u32 $0x5, v0;
	_ =	sdelay $0x3  }
0x377: {  	[tilespmem:s0+$0x90E0] =	vst v1  }
0x378: {  	v1 =	vld.idx.msk [tilespmem:v54+s2+$0x0], $0xffff  }
0x379: {  	v55 =	vor.u32 $0x6, v0;
	_ =	sdelay $0x3  }
0x37a: {  	[tilespmem:s0+$0x9160] =	vst v1  }
0x37b: {  	v1 =	vld.idx.msk [tilespmem:v55+s2+$0x0], $0xffff  }
0x37c: {  	v56 =	vor.u32 $0x7, v0;
	_ =	sdelay $0x3  }
0x37d: {  	[tilespmem:s0+$0x91E0] =	vst v1  }
0x37e: {  	v1 =	vld.idx.msk [tilespmem:v56+s2+$0x0], $0xffff  }
0x37f: {  	v57 =	vor.u32 $0x8, v0;
	_ =	sdelay $0x3  }
0x380: {  	[tilespmem:s0+$0x9260] =	vst v1  }
0x381: {  	v1 =	vld.idx.msk [tilespmem:v57+s2+$0x0], $0xffff  }
0x382: {  	v58 =	vor.u32 $0x9, v0;
	_ =	sdelay $0x3  }
0x383: {  	[tilespmem:s0+$0x92E0] =	vst v1  }
0x384: {  	v1 =	vld.idx.msk [tilespmem:v58+s2+$0x0], $0xffff  }
0x385: {  	v59 =	vor.u32 $0xA, v0;
	_ =	sdelay $0x3  }
0x386: {  	[tilespmem:s0+$0x9360] =	vst v1  }
0x387: {  	v1 =	vld.idx.msk [tilespmem:v59+s2+$0x0], $0xffff  }
0x388: {  	v60 =	vor.u32 $0xB, v0;
	_ =	sdelay $0x3  }
0x389: {  	[tilespmem:s0+$0x93E0] =	vst v1  }
0x38a: {  	v1 =	vld.idx.msk [tilespmem:v60+s2+$0x0], $0xffff  }
0x38b: {  	v61 =	vor.u32 $0xC, v0;
	_ =	sdelay $0x3  }
0x38c: {  	[tilespmem:s0+$0x9460] =	vst v1  }
0x38d: {  	v1 =	vld.idx.msk [tilespmem:v61+s2+$0x0], $0xffff  }
0x38e: {  	v62 =	vor.u32 $0xD, v0;
	_ =	sdelay $0x3  }
0x38f: {  	[tilespmem:s0+$0x94E0] =	vst v1  }
0x390: {  	v1 =	vld.idx.msk [tilespmem:v62+s2+$0x0], $0xffff  }
0x391: {  	v63 =	vor.u32 $0xE, v0;
	_ =	sdelay $0x3  }
0x392: {  	[tilespmem:s0+$0x9560] =	vst v1  }
0x393: {  	v1 =	vld.idx.msk [tilespmem:v63+s2+$0x0], $0xffff  }
0x394: {  	v0 =	vor.u32 $0xF, v0;
	_ =	sdelay $0x3  }
0x395: {  	[tilespmem:s0+$0x95E0] =	vst v1  }
0x396: {  	p0 =	sne.s32 s24, $0x40;
	v0 =	vld.idx.msk [tilespmem:v0+s2+$0x0], $0xffff  }
.Ltmp5:
0x397: {  	_ = 	snop;
	(pc) =	sbr.rel @p0 .LBB2_13-.Ltmp5, $2  }
0x398: {  	_ =	sdelay $0x2  }
0x399: {  	s24 =	sadd.s32 $0x40, s24;
	[tilespmem:s0+$0x9660] =	vst v0  }
0x39a: {  	s0 =	smul.u32 $0x9E, s23;
	_ =	sdelay $0x1  }
0x39b: {  	s1 =	sshrl.u32 s0, $0xA  }
0x39c: {  	s1 =	smul.u32 $0xD, s1  }
0x39d: {  	s24 =	sshll.u32 s23, $0x1  }
0x39e: {  	s1 =	ssub.s32 s24, s1  }
0x39f: {  	s3 =	smin.u32 s24, $0x31;
	s1 =	sshll.u32 s1, $0x4  }
0x3a0: {  	s0 =	sshrl.u32 s0, $0x3;
	s3 =	sadd.s32 $0x2, s3;
	s1 =	sand.u32 $0xF0, s1  }
0x3a1: {  	s0 =	sand.u32 $0x1F80, s0;
	s5 =	smulhi.u32 $0x13B13B14, s3;
	s1 =	smin.u32 s1, $0xB8  }
0x3a2: {  	s0 =	sadd.s32 s0, s6;
	s1 =	sshll.u32 s1, $0xF  }
0x3a3: {  	s7 =	simm.s32 $0x1680;
	s26 =	smul.u32 $0xD, s5;
	s0 =	sadd.s32 s1, s0  }
0x3a4: {  	[hbm4b:s0+s12] =	stream.strided.scatter [tilespmem:s7], [sflag:$0x3], $0x8000, s13, s12, $0x38;
	[tilespmem:$0x11680] =	vst v63  }
0x3a5: {  	s7 =	ssub.s32 s3, s26  }
0x3a6: {  	s0 =	sshll.u32 s7, $0x4  }
0x3a7: {  	s8 =	sshll.u32 s5, $0x7;
	s0 =	smin.u32 s0, $0xB8  }
0x3a8: {  	s1 =	sadd.s32 s8, s4;
	s0 =	sshll.u32 s0, $0xB  }
0x3a9: {  	s9 =	simm.s32 $0x680;
	s0 =	sadd.s32 s0, s1  }
0x3aa: {  	[tilespmem:s9], [sflag:$0x1] =	stream.strided.gather [hbm4b:s0+s12], $0x800, s13, s12, $0x38;
	[tilespmem:$0x11680] =	vst v63  }
0x3ab: {  	_ =	swait.ge [sflag:s18], $0x800  }
0x3ac: {  	[sflag:s18] =	ssyncset.done $0x0  }
0x3ad: {  	s10 =	simm.s32 $0x20;
	s11 =	simm.s32 $0x20;
	[sflag:s18] =	ssyncadd.s32 $0xFFFFF800  }
0x3ae: {  	s14 =	simm.s32 $0x0;
	s15 =	simm.s32 $0x10;
	_ =	swait.ge [sflag:s21], $0x8000  }
0x3af: {  	s1 =	sand.u32 $0x3FFFFF80, s11;
	s0 =	sand.u32 $0x70, s10;
	[sflag:s21] =	ssyncset.done $0x0  }
0x3b0: {  	s17 =	simm.s32 $0x0;
	s1 =	sor.u32 s0, s1;
	[sflag:s21] =	ssyncadd.s32 $0xFFFF8000  }
0x3b1: {  	s25 =	simm.s32 $0x10;
	s19 =	sand.u32 $0x3FFFFF80, s14;
	s22 =	sand.u32 $0x70, s17;
	v0 =	vld [tilespmem:s1+$0xE80]  }
0x3b2: {  	s5 =	sand.u32 $0x3FFFFF80, s15;
	s8 =	sand.u32 $0x70, s25;
	s1 =	sor.u32 s22, s19  }
0x3b3: {  	s5 =	sor.u32 s8, s5;
	v1 =	vld [tilespmem:s1+$0xE80]  }
0x3b4: {  	v3 =	vld [tilespmem:s5+$0xE80];
	_ =	sdelay $0x1  }
0x3b5: {  	v4 =	vshll.u32 v0, $0x4;
	_ =	sdelay $0x1  }
0x3b6: {  	v2 =	vshll.u32 v1, $0x4  }
0x3b7: {  	v3 =	vshll.u32 v3, $0x4  }
0x3b8: {  	s25 =	simm.s32 $0x0  }
0x3b9: {  	v0 =	vld.idx.msk [tilespmem:v4+s25+$0x0], $0xffff  }
0x3ba: {  	v1 =	vor.u32 $0x1, v4  }
0x3bb: {  	s26 =	simm.s32 $0x200;
	v5 =	vld.idx.msk [tilespmem:v2+s25+$0x0], $0xffff  }
0x3bc: {  	s1 =	sand.u32 $0x3FFFF800, s26;
	v6 =	vor.u32 $0x1, v2;
	v7 =	vld.idx.msk [tilespmem:v3+s25+$0x0], $0xffff  }
0x3bd: {  	s5 =	simm.s32 $0x0;
	s7 =	sor.u32 s0, s1;
	v8 =	vor.u32 $0x1, v3  }
0x3be: {  	s9 =	simm.s32 $0x100;
	s0 =	sand.u32 $0x3FFFF800, s5;
	[tilespmem:s7+$0x9680] =	vst v0  }
0x3bf: {  	s1 =	sand.u32 $0x3FFFF800, s9;
	s28 =	sor.u32 s22, s0;
	v0 =	vld.idx.msk [tilespmem:v1+s25+$0x0], $0xffff  }
0x3c0: {  	s26 =	sor.u32 s8, s1;
	v1 =	vor.u32 $0x2, v4;
	[tilespmem:s28+$0x9680] =	vst v5  }
0x3c1: {  	[tilespmem:s26+$0x9680] =	vst v7;
	v5 =	vld.idx.msk [tilespmem:v6+s25+$0x0], $0xffff  }
0x3c2: {  	v7 =	vld.idx.msk [tilespmem:v8+s25+$0x0], $0xffff;
	v6 =	vor.u32 $0x2, v2  }
0x3c3: {  	v8 =	vor.u32 $0x2, v3  }
0x3c4: {  	[tilespmem:s7+$0x9700] =	vst v0  }
0x3c5: {  	v0 =	vld.idx.msk [tilespmem:v1+s25+$0x0], $0xffff  }
0x3c6: {  	v1 =	vor.u32 $0x3, v4;
	[tilespmem:s28+$0x9700] =	vst v5  }
0x3c7: {  	[tilespmem:s26+$0x9700] =	vst v7;
	v5 =	vld.idx.msk [tilespmem:v6+s25+$0x0], $0xffff  }
0x3c8: {  	v7 =	vld.idx.msk [tilespmem:v8+s25+$0x0], $0xffff;
	v6 =	vor.u32 $0x3, v2  }
0x3c9: {  	v8 =	vor.u32 $0x3, v3  }
0x3ca: {  	[tilespmem:s7+$0x9780] =	vst v0  }
0x3cb: {  	v0 =	vld.idx.msk [tilespmem:v1+s25+$0x0], $0xffff  }
0x3cc: {  	v1 =	vor.u32 $0x4, v4;
	[tilespmem:s28+$0x9780] =	vst v5  }
0x3cd: {  	[tilespmem:s26+$0x9780] =	vst v7;
	v5 =	vld.idx.msk [tilespmem:v6+s25+$0x0], $0xffff  }
0x3ce: {  	v7 =	vld.idx.msk [tilespmem:v8+s25+$0x0], $0xffff;
	v6 =	vor.u32 $0x4, v2  }
0x3cf: {  	v8 =	vor.u32 $0x4, v3  }
0x3d0: {  	[tilespmem:s7+$0x9800] =	vst v0  }
0x3d1: {  	v0 =	vld.idx.msk [tilespmem:v1+s25+$0x0], $0xffff  }
0x3d2: {  	v1 =	vor.u32 $0x5, v4;
	[tilespmem:s28+$0x9800] =	vst v5  }
0x3d3: {  	[tilespmem:s26+$0x9800] =	vst v7;
	v5 =	vld.idx.msk [tilespmem:v6+s25+$0x0], $0xffff  }
0x3d4: {  	v7 =	vld.idx.msk [tilespmem:v8+s25+$0x0], $0xffff;
	v6 =	vor.u32 $0x5, v2  }
0x3d5: {  	v8 =	vor.u32 $0x5, v3  }
0x3d6: {  	[tilespmem:s7+$0x9880] =	vst v0  }
0x3d7: {  	v0 =	vld.idx.msk [tilespmem:v1+s25+$0x0], $0xffff  }
0x3d8: {  	s14 =	simm.s32 $0x30;
	s11 =	simm.s32 $0x50;
	s10 =	simm.s32 $0x50;
	v1 =	vor.u32 $0x6, v4;
	[tilespmem:s28+$0x9880] =	vst v5  }
0x3d9: {  	s17 =	simm.s32 $0x30;
	s1 =	sand.u32 $0x70, s11;
	s0 =	sand.u32 $0x3FFFFF80, s10;
	[tilespmem:s26+$0x9880] =	vst v7;
	v5 =	vld.idx.msk [tilespmem:v6+s25+$0x0], $0xffff  }
0x3da: {  	s3 =	sand.u32 $0x3FFFFF80, s14;
	s8 =	sand.u32 $0x70, s17;
	s0 =	sor.u32 s1, s0;
	v6 =	vld.idx.msk [tilespmem:v8+s25+$0x0], $0xffff  }
0x3db: {  	s15 =	simm.s32 $0x40;
	s9 =	simm.s32 $0x40;
	s3 =	sor.u32 s8, s3;
	v7 =	vor.u32 $0x6, v2;
	v8 =	vld [tilespmem:s0+$0xE80]  }
0x3dc: {  	s19 =	sand.u32 $0x3FFFFF80, s15;
	s22 =	sand.u32 $0x70, s9;
	v9 =	vld [tilespmem:s3+$0xE80];
	[tilespmem:s7+$0x9900] =	vst v0  }
0x3dd: {  	s0 =	sor.u32 s22, s19;
	v1 =	vld.idx.msk [tilespmem:v1+s25+$0x0], $0xffff  }
0x3de: {  	v12 =	vor.u32 $0x7, v4;
	v10 =	vld [tilespmem:s0+$0xE80]  }
0x3df: {  	v14 =	vor.u32 $0x6, v3;
	[tilespmem:s28+$0x9900] =	vst v5  }
0x3e0: {  	v0 =	vshll.u32 v8, $0x4;
	v5 =	vld.idx.msk [tilespmem:v7+s25+$0x0], $0xffff  }
0x3e1: {  	v7 =	vor.u32 $0x7, v2  }
0x3e2: {  	v11 =	vshll.u32 v9, $0x4;
	[tilespmem:s7+$0x9980] =	vst v1  }
0x3e3: {  	[tilespmem:s26+$0x9900] =	vst v6;
	v13 =	vshll.u32 v10, $0x4;
	v1 =	vld.idx.msk [tilespmem:v12+s25+$0x0], $0xffff  }
0x3e4: {  	v8 =	vor.u32 $0x8, v4;
	v6 =	vld.idx.msk [tilespmem:v14+s25+$0x0], $0xffff  }
0x3e5: {  	v9 =	vor.u32 $0x7, v3;
	v10 =	vld.idx.msk [tilespmem:v0+s25+$0x0], $0xffff;
	[tilespmem:s28+$0x9980] =	vst v5  }
0x3e6: {  	v5 =	vld.idx.msk [tilespmem:v7+s25+$0x0], $0xffff;
	v7 =	vor.u32 $0x1, v0  }
0x3e7: {  	s9 =	simm.s32 $0x500;
	v14 =	vld.idx.msk [tilespmem:v11+s25+$0x0], $0xffff;
	v12 =	vor.u32 $0x8, v2  }
0x3e8: {  	v15 =	vor.u32 $0x1, v11;
	s0 =	sand.u32 $0x3FFFF800, s9;
	v16 =	vld.idx.msk [tilespmem:v13+s25+$0x0], $0xffff;
	[tilespmem:s7+$0x9A00] =	vst v1  }
0x3e9: {  	s10 =	simm.s32 $0x300;
	s29 =	sor.u32 s1, s0;
	[tilespmem:s26+$0x9980] =	vst v6;
	v1 =	vor.u32 $0x1, v13;
	v6 =	vld.idx.msk [tilespmem:v8+s25+$0x0], $0xffff  }
0x3ea: {  	s11 =	simm.s32 $0x400;
	s14 =	sand.u32 $0x3FFFF800, s10;
	[tilespmem:s29+$0x9680] =	vst v10;
	v8 =	vld.idx.msk [tilespmem:v9+s25+$0x0], $0xffff;
	v9 =	vor.u32 $0x9, v4  }
0x3eb: {  	s30 =	sor.u32 s8, s14;
	s0 =	sand.u32 $0x3FFFF800, s11;
	v10 =	vor.u32 $0x8, v3;
	v7 =	vld.idx.msk [tilespmem:v7+s25+$0x0], $0xffff;
	[tilespmem:s28+$0x9A00] =	vst v5  }
0x3ec: {  	s31 =	sor.u32 s22, s0;
	[tilespmem:s30+$0x9680] =	vst v14;
	v5 =	vld.idx.msk [tilespmem:v12+s25+$0x0], $0xffff;
	v12 =	vor.u32 $0x2, v0  }
0x3ed: {  	v14 =	vor.u32 $0x9, v2;
	v15 =	vld.idx.msk [tilespmem:v15+s25+$0x0], $0xffff;
	[tilespmem:s31+$0x9680] =	vst v16  }
0x3ee: {  	v16 =	vor.u32 $0x2, v11;
	v1 =	vld.idx.msk [tilespmem:v1+s25+$0x0], $0xffff;
	[tilespmem:s7+$0x9A80] =	vst v6  }
0x3ef: {  	v6 =	vor.u32 $0x2, v13;
	[tilespmem:s26+$0x9A00] =	vst v8;
	v8 =	vld.idx.msk [tilespmem:v9+s25+$0x0], $0xffff  }
0x3f0: {  	[tilespmem:s29+$0x9700] =	vst v7;
	v7 =	vld.idx.msk [tilespmem:v10+s25+$0x0], $0xffff;
	v9 =	vor.u32 $0xA, v4  }
0x3f1: {  	v10 =	vor.u32 $0x9, v3;
	v12 =	vld.idx.msk [tilespmem:v12+s25+$0x0], $0xffff;
	[tilespmem:s28+$0x9A80] =	vst v5  }
0x3f2: {  	[tilespmem:s30+$0x9700] =	vst v15;
	v5 =	vld.idx.msk [tilespmem:v14+s25+$0x0], $0xffff;
	v14 =	vor.u32 $0x3, v0  }
0x3f3: {  	v15 =	vor.u32 $0xA, v2;
	v16 =	vld.idx.msk [tilespmem:v16+s25+$0x0], $0xffff;
	[tilespmem:s31+$0x9700] =	vst v1  }
0x3f4: {  	v1 =	vor.u32 $0x3, v11;
	v6 =	vld.idx.msk [tilespmem:v6+s25+$0x0], $0xffff;
	[tilespmem:s7+$0x9B00] =	vst v8  }
0x3f5: {  	v8 =	vor.u32 $0x3, v13;
	[tilespmem:s26+$0x9A80] =	vst v7;
	v7 =	vld.idx.msk [tilespmem:v9+s25+$0x0], $0xffff  }
0x3f6: {  	[tilespmem:s29+$0x9780] =	vst v12;
	v9 =	vld.idx.msk [tilespmem:v10+s25+$0x0], $0xffff;
	v10 =	vor.u32 $0xB, v4  }
0x3f7: {  	v12 =	vor.u32 $0xA, v3;
	v14 =	vld.idx.msk [tilespmem:v14+s25+$0x0], $0xffff;
	[tilespmem:s28+$0x9B00] =	vst v5  }
0x3f8: {  	[tilespmem:s30+$0x9780] =	vst v16;
	v5 =	vld.idx.msk [tilespmem:v15+s25+$0x0], $0xffff;
	v15 =	vor.u32 $0x4, v0  }
0x3f9: {  	v16 =	vor.u32 $0xB, v2;
	v1 =	vld.idx.msk [tilespmem:v1+s25+$0x0], $0xffff;
	[tilespmem:s31+$0x9780] =	vst v6  }
0x3fa: {  	v6 =	vor.u32 $0x4, v11;
	v8 =	vld.idx.msk [tilespmem:v8+s25+$0x0], $0xffff;
	[tilespmem:s7+$0x9B80] =	vst v7  }
0x3fb: {  	v7 =	vor.u32 $0x4, v13;
	[tilespmem:s26+$0x9B00] =	vst v9;
	v9 =	vld.idx.msk [tilespmem:v10+s25+$0x0], $0xffff  }
0x3fc: {  	[tilespmem:s29+$0x9800] =	vst v14;
	v10 =	vld.idx.msk [tilespmem:v12+s25+$0x0], $0xffff;
	v12 =	vor.u32 $0xC, v4  }
0x3fd: {  	v14 =	vor.u32 $0xB, v3;
	v15 =	vld.idx.msk [tilespmem:v15+s25+$0x0], $0xffff;
	[tilespmem:s28+$0x9B80] =	vst v5  }
0x3fe: {  	v5 =	vor.u32 $0x5, v0;
	[tilespmem:s30+$0x9800] =	vst v1;
	v1 =	vld.idx.msk [tilespmem:v16+s25+$0x0], $0xffff  }
0x3ff: {  	v16 =	vor.u32 $0xC, v2;
	v6 =	vld.idx.msk [tilespmem:v6+s25+$0x0], $0xffff;
	[tilespmem:s31+$0x9800] =	vst v8  }
0x400: {  	v8 =	vor.u32 $0x5, v11;
	v7 =	vld.idx.msk [tilespmem:v7+s25+$0x0], $0xffff;
	[tilespmem:s7+$0x9C00] =	vst v9  }
0x401: {  	v9 =	vor.u32 $0x5, v13;
	[tilespmem:s26+$0x9B80] =	vst v10;
	v10 =	vld.idx.msk [tilespmem:v12+s25+$0x0], $0xffff  }
0x402: {  	[tilespmem:s29+$0x9880] =	vst v15;
	v12 =	vld.idx.msk [tilespmem:v14+s25+$0x0], $0xffff  }
0x403: {  	v5 =	vld.idx.msk [tilespmem:v5+s25+$0x0], $0xffff;
	[tilespmem:s28+$0x9C00] =	vst v1;
	v1 =	vor.u32 $0xD, v4  }
0x404: {  	s15 =	simm.s32 $0x80;
	s5 =	simm.s32 $0x80;
	v14 =	vor.u32 $0x6, v0;
	[tilespmem:s30+$0x9880] =	vst v6;
	v6 =	vld.idx.msk [tilespmem:v16+s25+$0x0], $0xffff  }
0x405: {  	s1 =	sand.u32 $0x3FFFFF80, s15;
	s0 =	sand.u32 $0x70, s5;
	v8 =	vld.idx.msk [tilespmem:v8+s25+$0x0], $0xffff;
	[tilespmem:s31+$0x9880] =	vst v7  }
0x406: {  	s17 =	simm.s32 $0x60;
	s1 =	sor.u32 s0, s1;
	v7 =	vld.idx.msk [tilespmem:v9+s25+$0x0], $0xffff  }
0x407: {  	s3 =	sand.u32 $0x3FFFFF80, s17;
	s22 =	simm.s32 $0x60;
	v9 =	vor.u32 $0x6, v11;
	[tilespmem:s7+$0x9C80] =	vst v10;
	v10 =	vld [tilespmem:s1+$0xE80]  }
0x408: {  	s19 =	simm.s32 $0x70;
	s11 =	simm.s32 $0x70;
	s10 =	sand.u32 $0x70, s22;
	v15 =	vor.u32 $0x6, v13;
	[tilespmem:s29+$0x9900] =	vst v5;
	v16 =	vld.idx.msk [tilespmem:v1+s25+$0x0], $0xffff  }
0x409: {  	v17 =	vor.u32 $0xC, v3;
	s8 =	sand.u32 $0x3FFFFF80, s19;
	s9 =	sand.u32 $0x70, s11;
	s1 =	sor.u32 s10, s3;
	v5 =	vld.idx.msk [tilespmem:v14+s25+$0x0], $0xffff  }
0x40a: {  	s8 =	sor.u32 s9, s8;
	[tilespmem:s26+$0x9C00] =	vst v12;
	v14 =	vor.u32 $0xE, v4;
	v18 =	vld [tilespmem:s1+$0xE80]  }
0x40b: {  	v19 =	vor.u32 $0x7, v0;
	[tilespmem:s30+$0x9900] =	vst v8;
	v8 =	vld [tilespmem:s8+$0xE80]  }
0x40c: {  	v20 =	vor.u32 $0xD, v2;
	v9 =	vld.idx.msk [tilespmem:v9+s25+$0x0], $0xffff;
	[tilespmem:s31+$0x9900] =	vst v7  }
0x40d: {  	v1 =	vshll.u32 v10, $0x4;
	v7 =	vld.idx.msk [tilespmem:v15+s25+$0x0], $0xffff;
	[tilespmem:s7+$0x9D00] =	vst v16  }
0x40e: {  	v10 =	vor.u32 $0x7, v11;
	[tilespmem:s29+$0x9980] =	vst v5;
	v5 =	vld.idx.msk [tilespmem:v17+s25+$0x0], $0xffff  }
0x40f: {  	v29 =	vshll.u32 v18, $0x4;
	v12 =	vld.idx.msk [tilespmem:v14+s25+$0x0], $0xffff  }
0x410: {  	[tilespmem:s28+$0x9C80] =	vst v6;
	v6 =	vld.idx.msk [tilespmem:v19+s25+$0x0], $0xffff;
	v34 =	vshll.u32 v8, $0x4  }
0x411: {  	v4 =	vor.u32 $0xF, v4;
	v8 =	vld.idx.msk [tilespmem:v20+s25+$0x0], $0xffff;
	[tilespmem:s30+$0x9980] =	vst v9  }
0x412: {  	v9 =	vor.u32 $0x8, v0;
	v14 =	vld.idx.msk [tilespmem:v1+s25+$0x0], $0xffff;
	[tilespmem:s31+$0x9980] =	vst v7  }
0x413: {  	v15 =	vor.u32 $0x7, v13;
	v10 =	vld.idx.msk [tilespmem:v10+s25+$0x0], $0xffff;
	[tilespmem:s26+$0x9C80] =	vst v5  }
0x414: {  	s14 =	simm.s32 $0x800;
	v16 =	vor.u32 $0x1, v1;
	v7 =	vld.idx.msk [tilespmem:v29+s25+$0x0], $0xffff;
	[tilespmem:s7+$0x9D80] =	vst v12  }
0x415: {  	s1 =	sand.u32 $0x3FFFF800, s14;
	v12 =	vor.u32 $0x8, v11;
	v17 =	vld.idx.msk [tilespmem:v34+s25+$0x0], $0xffff;
	[tilespmem:s29+$0x9A00] =	vst v6  }
0x416: {  	s15 =	simm.s32 $0x600;
	s0 =	sor.u32 s0, s1;
	v5 =	vor.u32 $0x1, v29;
	[tilespmem:s28+$0x9D00] =	vst v8;
	v4 =	vld.idx.msk [tilespmem:v4+s25+$0x0], $0xffff  }
0x417: {  	s19 =	simm.s32 $0x700;
	s17 =	sand.u32 $0x3FFFF800, s15;
	v6 =	vor.u32 $0xD, v3;
	v9 =	vld.idx.msk [tilespmem:v9+s25+$0x0], $0xffff;
	[tilespmem:s0+$0x9680] =	vst v14  }
0x418: {  	s22 =	sand.u32 $0x3FFFF800, s19;
	s1 =	sor.u32 s10, s17;
	v8 =	vor.u32 $0x1, v34;
	v14 =	vld.idx.msk [tilespmem:v15+s25+$0x0], $0xffff;
	[tilespmem:s30+$0x9A00] =	vst v10  }
0x419: {  	s3 =	sor.u32 s9, s22;
	v10 =	vor.u32 $0x9, v0;
	v15 =	vld.idx.msk [tilespmem:v16+s25+$0x0], $0xffff;
	[tilespmem:s1+$0x9680] =	vst v7  }
0x41a: {  	v16 =	vor.u32 $0x8, v13;
	v7 =	vld.idx.msk [tilespmem:v12+s25+$0x0], $0xffff;
	[tilespmem:s3+$0x9680] =	vst v17  }
0x41b: {  	v5 =	vld.idx.msk [tilespmem:v5+s25+$0x0], $0xffff;
	v12 =	vor.u32 $0x2, v1;
	[tilespmem:s7+$0x9E00] =	vst v4  }
0x41c: {  	v6 =	vld.idx.msk [tilespmem:v6+s25+$0x0], $0xffff;
	v4 =	vor.u32 $0x9, v11;
	[tilespmem:s29+$0x9A80] =	vst v9  }
0x41d: {  	v17 =	vor.u32 $0x2, v29;
	v8 =	vld.idx.msk [tilespmem:v8+s25+$0x0], $0xffff;
	[tilespmem:s31+$0x9A00] =	vst v14  }
0x41e: {  	v9 =	vor.u32 $0xE, v2;
	v10 =	vld.idx.msk [tilespmem:v10+s25+$0x0], $0xffff;
	[tilespmem:s0+$0x9700] =	vst v15  }
0x41f: {  	v14 =	vor.u32 $0x2, v34;
	v15 =	vld.idx.msk [tilespmem:v16+s25+$0x0], $0xffff;
	[tilespmem:s30+$0x9A80] =	vst v7  }
0x420: {  	v12 =	vld.idx.msk [tilespmem:v12+s25+$0x0], $0xffff;
	v7 =	vor.u32 $0xA, v0;
	[tilespmem:s1+$0x9700] =	vst v5  }
0x421: {  	v16 =	vor.u32 $0x9, v13;
	[tilespmem:s26+$0x9D00] =	vst v6;
	v4 =	vld.idx.msk [tilespmem:v4+s25+$0x0], $0xffff  }
0x422: {  	v5 =	vld.idx.msk [tilespmem:v17+s25+$0x0], $0xffff;
	v17 =	vor.u32 $0x3, v1;
	[tilespmem:s3+$0x9700] =	vst v8  }
0x423: {  	v20 =	vor.u32 $0xE, v3;
	v8 =	vld.idx.msk [tilespmem:v9+s25+$0x0], $0xffff;
	[tilespmem:s29+$0x9B00] =	vst v10  }
0x424: {  	v18 =	vor.u32 $0xA, v11;
	v14 =	vld.idx.msk [tilespmem:v14+s25+$0x0], $0xffff;
	[tilespmem:s31+$0x9A80] =	vst v15  }
0x425: {  	v19 =	vor.u32 $0x3, v29;
	v15 =	vld.idx.msk [tilespmem:v7+s25+$0x0], $0xffff;
	[tilespmem:s0+$0x9780] =	vst v12  }
0x426: {  	v35 =	vor.u32 $0xF, v2;
	v25 =	vor.u32 $0xB, v11;
	v22 =	vor.u32 $0xB, v0;
	v16 =	vld.idx.msk [tilespmem:v16+s25+$0x0], $0xffff;
	[tilespmem:s30+$0x9B00] =	vst v4  }
0x427: {  	v42 =	vor.u32 $0xC, v0;
	v21 =	vor.u32 $0x3, v34;
	v2 =	vor.u32 $0xF, v11;
	v17 =	vld.idx.msk [tilespmem:v17+s25+$0x0], $0xffff;
	[tilespmem:s1+$0x9780] =	vst v5  }
0x428: {  	v6 =	vor.u32 $0xD, v11;
	v9 =	vor.u32 $0xC, v11;
	v4 =	vor.u32 $0xE, v11;
	v11 =	vld.idx.msk [tilespmem:v20+s25+$0x0], $0xffff;
	[tilespmem:s28+$0x9D80] =	vst v8  }
0x429: {  	v23 =	vor.u32 $0xA, v13;
	v32 =	vor.u32 $0x4, v1;
	v31 =	vor.u32 $0x5, v29;
	v26 =	vld.idx.msk [tilespmem:v18+s25+$0x0], $0xffff;
	[tilespmem:s3+$0x9780] =	vst v14  }
0x42a: {  	v27 =	vor.u32 $0x6, v29;
	v24 =	vor.u32 $0x7, v29;
	v10 =	vor.u32 $0xC, v13;
	v19 =	vld.idx.msk [tilespmem:v19+s25+$0x0], $0xffff;
	[tilespmem:s29+$0x9B80] =	vst v15  }
0x42b: {  	v7 =	vor.u32 $0xF, v3;
	v12 =	vor.u32 $0xB, v13;
	v3 =	vor.u32 $0xF, v13;
	[tilespmem:s31+$0x9B00] =	vst v16;
	v40 =	vld.idx.msk [tilespmem:v22+s25+$0x0], $0xffff  }
0x42c: {  	v5 =	vor.u32 $0xE, v13;
	v8 =	vor.u32 $0xD, v13;
	v13 =	vor.u32 $0x4, v29;
	v14 =	vld.idx.msk [tilespmem:v21+s25+$0x0], $0xffff;
	[tilespmem:s0+$0x9800] =	vst v17  }
0x42d: {  	v39 =	vor.u32 $0x4, v34;
	v30 =	vor.u32 $0x5, v34;
	v28 =	vor.u32 $0x6, v34;
	v35 =	vld.idx.msk [tilespmem:v35+s25+$0x0], $0xffff;
	[tilespmem:s26+$0x9D80] =	vst v11  }
0x42e: {  	v33 =	vor.u32 $0xB, v34;
	v20 =	vor.u32 $0x9, v34;
	v18 =	vor.u32 $0x9, v29;
	v41 =	vld.idx.msk [tilespmem:v23+s25+$0x0], $0xffff;
	[tilespmem:s30+$0x9B80] =	vst v26  }
0x42f: {  	v21 =	vor.u32 $0x8, v29;
	v16 =	vor.u32 $0xB, v29;
	v15 =	vor.u32 $0xD, v34;
	v37 =	vld.idx.msk [tilespmem:v32+s25+$0x0], $0xffff;
	[tilespmem:s1+$0x9800] =	vst v19  }
0x430: {  	v22 =	vor.u32 $0x7, v34;
	v23 =	vor.u32 $0x8, v34;
	v36 =	vld.idx.msk [tilespmem:v25+s25+$0x0], $0xffff;
	[tilespmem:s29+$0x9C00] =	vst v40;
	v40 =	vor.u32 $0x5, v1  }
0x431: {  	v17 =	vor.u32 $0xA, v29;
	v11 =	vor.u32 $0xF, v29;
	v19 =	vor.u32 $0xA, v34;
	v38 =	vld.idx.msk [tilespmem:v13+s25+$0x0], $0xffff;
	[tilespmem:s3+$0x9800] =	vst v14  }
0x432: {  	v32 =	vor.u32 $0xC, v29;
	v26 =	vor.u32 $0xC, v34;
	v25 =	vor.u32 $0xD, v29;
	v39 =	vld.idx.msk [tilespmem:v39+s25+$0x0], $0xffff  }
0x433: {  	s9 =	simm.s32 $0x6;
	s8 =	simm.s32 $0x0;
	s7 =	simm.s32 $0x0;
	v13 =	vor.u32 $0xE, v29;
	v29 =	vor.u32 $0xF, v34;
	v14 =	vor.u32 $0xE, v34;
	[tilespmem:s31+$0x9B80] =	vst v41;
	v34 =	vld.idx.msk [tilespmem:v42+s25+$0x0], $0xffff  }
.LBB2_15:
0x434: {  	s10 =	sadd.s32 $0x4, s9;
	[tilespmem:s0+$0x9880] =	vst v37;
	v37 =	vld.idx.msk [tilespmem:v12+s7+$0x0], $0xffff;
	v12 =	vmov v33;
	s11 =	smov.u32 s9;
	s9 =	sadd.s32 $0x3, s9  }
0x435: {  	s14 =	sshll.u32 s9, $0x8;
	s17 =	sshll.u32 s10, $0x8;
	v33 =	vld.idx.msk [tilespmem:v40+s25+$0x0], $0xffff;
	[tilespmem:s30+$0x9C00] =	vst v36;
	v36 =	vor.u32 $0xD, v0  }
0x436: {  	s19 =	sshll.u32 s9, $0x4;
	s22 =	sshll.u32 s10, $0x4;
	s14 =	sand.u32 $0x3FFFF800, s14;
	[tilespmem:s1+$0x9880] =	vst v38;
	v38 =	vld.idx.msk [tilespmem:v9+s7+$0x0], $0xffff;
	v9 =	vmov v32  }
0x437: {  	s10 =	sadd.s32 $0x5, s11;
	s19 =	sand.u32 $0x3FFFFF80, s19;
	s17 =	sand.u32 $0x3FFFF800, s17;
	v32 =	vor.u32 $0x6, v1;
	v31 =	vld.idx.msk [tilespmem:v31+s25+$0x0], $0xffff;
	[tilespmem:s28+$0x9E00] =	vst v35  }
0x438: {  	s5 =	sadd.s32 $0x30, s5;
	s22 =	sand.u32 $0x3FFFFF80, s22;
	s28 =	sshll.u32 s10, $0x4;
	[tilespmem:s3+$0x9880] =	vst v39;
	v35 =	vld.idx.msk [tilespmem:v7+s8+$0x0], $0xffff;
	v7 =	vmov v3;
	v3 =	vmov v29  }
0x439: {  	s11 =	sand.u32 $0x70, s5;
	s8 =	sadd.s32 $0xFFFFFFE0, s5;
	s28 =	sand.u32 $0x3FFFFF80, s28;
	v29 =	vld.idx.msk [tilespmem:v30+s25+$0x0], $0xffff;
	[tilespmem:s29+$0x9C80] =	vst v34  }
0x43a: {  	s15 =	sadd.s32 $0xFFFFFFF0, s5;
	s8 =	sand.u32 $0x70, s8;
	s28 =	sor.u32 s11, s28;
	[tilespmem:s31+$0x9C00] =	vst v37;
	v30 =	vld.idx.msk [tilespmem:v36+s7+$0x0], $0xffff  }
0x43b: {  	s19 =	sor.u32 s8, s19;
	s8 =	sor.u32 s8, s14;
	s14 =	sand.u32 $0x70, s15;
	v34 =	vld [tilespmem:s28+$0xE80];
	[tilespmem:s0+$0x9900] =	vst v33  }
0x43c: {  	p0 =	slt.u32 s9, $0x7B;
	s15 =	sor.u32 s14, s22;
	s14 =	sor.u32 s14, s17;
	v33 =	vor.u32 $0xE, v0;
	v32 =	vld.idx.msk [tilespmem:v32+s25+$0x0], $0xffff;
	[tilespmem:s30+$0x9C80] =	vst v38  }
0x43d: {  	s28 =	smov.u32 s30;
	s30 =	smov.u32 s1;
	v36 =	vld [tilespmem:s19+$0xE80];
	[tilespmem:s1+$0x9900] =	vst v31;
	s1 =	smov.u32 s8  }
0x43e: {  	v37 =	vor.u32 $0x7, v1;
	v31 =	vld [tilespmem:s15+$0xE80];
	[tilespmem:s26+$0x9E00] =	vst v35;
	s26 =	smov.u32 s31;
	s31 =	smov.u32 s3;
	s3 =	smov.u32 s14  }
0x43f: {  	s8 =	smov.u32 s7;
	s7 =	smov.u32 s25;
	v27 =	vld.idx.msk [tilespmem:v27+s25+$0x0], $0xffff;
	[tilespmem:s31+$0x9900] =	vst v29  }
0x440: {  	v29 =	vshll.u32 v34, $0x4;
	v28 =	vld.idx.msk [tilespmem:v28+s7+$0x0], $0xffff;
	[tilespmem:s29+$0x9D00] =	vst v30  }
0x441: {  	v33 =	vld.idx.msk [tilespmem:v33+s8+$0x0], $0xffff  }
0x442: {  	v36 =	vshll.u32 v36, $0x4;
	[tilespmem:s0+$0x9980] =	vst v32;
	v32 =	vld.idx.msk [tilespmem:v10+s8+$0x0], $0xffff;
	v10 =	vmov v26  }
0x443: {  	v38 =	vor.u32 $0x1, v36;
	v39 =	vshll.u32 v31, $0x4;
	v26 =	vld.idx.msk [tilespmem:v37+s7+$0x0], $0xffff;
	v37 =	vor.u32 $0xF, v0;
	v0 =	vmovc v1;
	v1 =	vmovc v29  }
0x444: {  	v40 =	vor.u32 $0x2, v36;
	v41 =	vor.u32 $0x1, v39;
	v42 =	vor.u32 $0x2, v39;
	v43 =	vld.idx.msk [tilespmem:v6+s8+$0x0], $0xffff;
	v6 =	vmovc v25  }
0x445: {  	v44 =	vor.u32 $0x3, v36;
	v45 =	vor.u32 $0x3, v39;
	v25 =	vld.idx.msk [tilespmem:v29+s25+$0x0], $0xffff;
	[tilespmem:s30+$0x9980] =	vst v27;
	v29 =	vor.u32 $0x8, v0  }
0x446: {  	v35 =	vor.u32 $0x4, v36;
	v31 =	vor.u32 $0x5, v36;
	v34 =	vor.u32 $0x4, v39;
	v46 =	vld.idx.msk [tilespmem:v24+s7+$0x0], $0xffff;
	[tilespmem:s31+$0x9980] =	vst v28  }
0x447: {  	v30 =	vor.u32 $0x5, v39;
	v48 =	vor.u32 $0x1, v1;
	v27 =	vor.u32 $0x6, v36;
	v47 =	vld.idx.msk [tilespmem:v36+s25+$0x0], $0xffff;
	[tilespmem:s29+$0x9D80] =	vst v33  }
0x448: {  	s10 =	sshll.u32 s10, $0x8;
	v49 =	vor.u32 $0x7, v39;
	v24 =	vor.u32 $0x7, v36;
	v28 =	vor.u32 $0x6, v39;
	[tilespmem:s26+$0x9C80] =	vst v32;
	v37 =	vld.idx.msk [tilespmem:v37+s8+$0x0], $0xffff  }
0x449: {  	s10 =	sand.u32 $0x3FFFF800, s10;
	v50 =	vor.u32 $0x8, v36;
	v51 =	vor.u32 $0x9, v36;
	v53 =	vor.u32 $0x8, v39;
	v52 =	vld.idx.msk [tilespmem:v39+s25+$0x0], $0xffff;
	[tilespmem:s0+$0x9A00] =	vst v26  }
0x44a: {  	s10 =	sor.u32 s11, s10;
	v54 =	vor.u32 $0xA, v36;
	v55 =	vor.u32 $0x9, v39;
	v56 =	vor.u32 $0xA, v39;
	v57 =	vld.idx.msk [tilespmem:v29+s7+$0x0], $0xffff;
	[tilespmem:s28+$0x9D00] =	vst v43  }
0x44b: {  	v33 =	vor.u32 $0xB, v39;
	v32 =	vor.u32 $0xC, v36;
	v43 =	vor.u32 $0xB, v36;
	[tilespmem:s10+$0x9680] =	vst v25;
	v58 =	vld.idx.msk [tilespmem:v22+s7+$0x0], $0xffff;
	v22 =	vmovc v49  }
0x44c: {  	v26 =	vor.u32 $0xC, v39;
	v25 =	vor.u32 $0xD, v36;
	v48 =	vld.idx.msk [tilespmem:v48+s25+$0x0], $0xffff;
	[tilespmem:s30+$0x9A00] =	vst v46;
	v46 =	vor.u32 $0x9, v0  }
0x44d: {  	v59 =	vor.u32 $0xE, v39;
	v49 =	vor.u32 $0xD, v39;
	[tilespmem:s1+$0x9680] =	vst v47;
	v47 =	vor.u32 $0xE, v36;
	v60 =	vld.idx.msk [tilespmem:v21+s7+$0x0], $0xffff;
	v21 =	vmovc v50  }
0x44e: {  	v29 =	vor.u32 $0xF, v39;
	v50 =	vor.u32 $0xF, v36;
	v36 =	vor.u32 $0x2, v1;
	v38 =	vld.idx.msk [tilespmem:v38+s25+$0x0], $0xffff;
	[tilespmem:s29+$0x9E00] =	vst v37;
	s29 =	smov.u32 s0;
	s0 =	smov.u32 s10  }
0x44f: {  	[tilespmem:s3+$0x9680] =	vst v52;
	v37 =	vld.idx.msk [tilespmem:v8+s8+$0x0], $0xffff;
	v8 =	vmov v15;
	v15 =	vmov v49  }
0x450: {  	v39 =	vld.idx.msk [tilespmem:v41+s25+$0x0], $0xffff;
	[tilespmem:s29+$0x9A80] =	vst v57  }
0x451: {  	[tilespmem:s31+$0x9A00] =	vst v58;
	v41 =	vld.idx.msk [tilespmem:v46+s7+$0x0], $0xffff  }
0x452: {  	[tilespmem:s0+$0x9700] =	vst v48;
	v46 =	vld.idx.msk [tilespmem:v23+s7+$0x0], $0xffff;
	v23 =	vmov v53  }
0x453: {  	v48 =	vor.u32 $0xA, v0;
	v36 =	vld.idx.msk [tilespmem:v36+s25+$0x0], $0xffff;
	[tilespmem:s30+$0x9A80] =	vst v60  }
0x454: {  	[tilespmem:s1+$0x9700] =	vst v38;
	v38 =	vld.idx.msk [tilespmem:v18+s7+$0x0], $0xffff;
	v18 =	vmov v51  }
0x455: {  	v49 =	vor.u32 $0x3, v1;
	v40 =	vld.idx.msk [tilespmem:v40+s25+$0x0], $0xffff;
	[tilespmem:s26+$0x9D00] =	vst v37  }
0x456: {  	[tilespmem:s3+$0x9700] =	vst v39;
	v37 =	vld.idx.msk [tilespmem:v4+s8+$0x0], $0xffff;
	v4 =	vmov v13;
	v13 =	vmov v47  }
0x457: {  	v39 =	vld.idx.msk [tilespmem:v42+s25+$0x0], $0xffff;
	[tilespmem:s29+$0x9B00] =	vst v41  }
0x458: {  	[tilespmem:s31+$0x9A80] =	vst v46;
	v41 =	vld.idx.msk [tilespmem:v48+s7+$0x0], $0xffff  }
0x459: {  	[tilespmem:s0+$0x9780] =	vst v36;
	v36 =	vld.idx.msk [tilespmem:v20+s7+$0x0], $0xffff;
	v20 =	vmov v55  }
0x45a: {  	v42 =	vld.idx.msk [tilespmem:v49+s25+$0x0], $0xffff;
	[tilespmem:s30+$0x9B00] =	vst v38;
	v38 =	vor.u32 $0xB, v0  }
0x45b: {  	[tilespmem:s1+$0x9780] =	vst v40;
	v40 =	vld.idx.msk [tilespmem:v17+s7+$0x0], $0xffff;
	v17 =	vmov v54  }
0x45c: {  	v46 =	vor.u32 $0x4, v1;
	v44 =	vld.idx.msk [tilespmem:v44+s25+$0x0], $0xffff;
	[tilespmem:s28+$0x9D80] =	vst v37  }
0x45d: {  	[tilespmem:s3+$0x9780] =	vst v39;
	v39 =	vld.idx.msk [tilespmem:v5+s8+$0x0], $0xffff;
	v5 =	vmov v14;
	v14 =	vmov v59  }
0x45e: {  	v45 =	vld.idx.msk [tilespmem:v45+s25+$0x0], $0xffff;
	[tilespmem:s29+$0x9B80] =	vst v41  }
0x45f: {  	[tilespmem:s31+$0x9B00] =	vst v36;
	v41 =	vld.idx.msk [tilespmem:v38+s7+$0x0], $0xffff  }
0x460: {  	[tilespmem:s0+$0x9800] =	vst v42;
	v42 =	vld.idx.msk [tilespmem:v19+s7+$0x0], $0xffff;
	v19 =	vmov v56  }
0x461: {  	v37 =	vld.idx.msk [tilespmem:v46+s25+$0x0], $0xffff;
	[tilespmem:s30+$0x9B80] =	vst v40;
	v46 =	vor.u32 $0xC, v0  }
.Ltmp6:
0x462: {  	[tilespmem:s1+$0x9800] =	vst v44;
	v36 =	vld.idx.msk [tilespmem:v16+s7+$0x0], $0xffff;
	v16 =	vmov v43;
	(pc) =	sbr.rel @p0 .LBB2_15-.Ltmp6, $4  }
0x463: {  	v40 =	vor.u32 $0x5, v1;
	v38 =	vld.idx.msk [tilespmem:v35+s25+$0x0], $0xffff;
	[tilespmem:s26+$0x9D80] =	vst v39  }
0x464: {  	[tilespmem:s3+$0x9800] =	vst v45;
	v35 =	vld.idx.msk [tilespmem:v2+s8+$0x0], $0xffff;
	v2 =	vmov v11;
	v11 =	vmov v50  }
0x465: {  	v39 =	vld.idx.msk [tilespmem:v34+s25+$0x0], $0xffff;
	[tilespmem:s29+$0x9C00] =	vst v41  }
0x466: {  	[tilespmem:s31+$0x9B80] =	vst v42;
	v34 =	vld.idx.msk [tilespmem:v46+s7+$0x0], $0xffff  }
0x467: {  	_ =	sdelay $0x2  }
0x468: {  	[tilespmem:s0+$0x9880] =	vst v37  }
0x469: {  	v37 =	vld.idx.msk [tilespmem:v40+s25+$0x0], $0xffff;
	[tilespmem:s1+$0x9880] =	vst v38  }
0x46a: {  	v63 =	vor.u32 $0x6, v1;
	v31 =	vld.idx.msk [tilespmem:v31+s25+$0x0], $0xffff;
	[tilespmem:s3+$0x9880] =	vst v39  }
0x46b: {  	v30 =	vld.idx.msk [tilespmem:v30+s25+$0x0], $0xffff;
	_ =	sdelay $0x2  }
0x46c: {  	[tilespmem:s0+$0x9900] =	vst v37  }
0x46d: {  	v37 =	vld.idx.msk [tilespmem:v63+s25+$0x0], $0xffff;
	[tilespmem:s1+$0x9900] =	vst v31  }
0x46e: {  	v39 =	vor.u32 $0x7, v1;
	v27 =	vld.idx.msk [tilespmem:v27+s25+$0x0], $0xffff;
	[tilespmem:s3+$0x9900] =	vst v30  }
0x46f: {  	v28 =	vld.idx.msk [tilespmem:v28+s25+$0x0], $0xffff;
	_ =	sdelay $0x2  }
0x470: {  	[tilespmem:s0+$0x9980] =	vst v37  }
0x471: {  	v40 =	vld.idx.msk [tilespmem:v39+s25+$0x0], $0xffff;
	[tilespmem:s1+$0x9980] =	vst v27  }
0x472: {  	v41 =	vor.u32 $0x8, v1;
	v24 =	vld.idx.msk [tilespmem:v24+s25+$0x0], $0xffff;
	[tilespmem:s3+$0x9980] =	vst v28  }
0x473: {  	v22 =	vld.idx.msk [tilespmem:v22+s25+$0x0], $0xffff;
	_ =	sdelay $0x2  }
0x474: {  	[tilespmem:s0+$0x9A00] =	vst v40  }
0x475: {  	v27 =	vld.idx.msk [tilespmem:v41+s25+$0x0], $0xffff;
	[tilespmem:s1+$0x9A00] =	vst v24  }
0x476: {  	v42 =	vor.u32 $0x9, v1;
	v21 =	vld.idx.msk [tilespmem:v21+s25+$0x0], $0xffff;
	[tilespmem:s3+$0x9A00] =	vst v22  }
0x477: {  	v22 =	vld.idx.msk [tilespmem:v23+s25+$0x0], $0xffff;
	_ =	sdelay $0x2  }
0x478: {  	[tilespmem:s0+$0x9A80] =	vst v27  }
0x479: {  	v43 =	vld.idx.msk [tilespmem:v42+s25+$0x0], $0xffff;
	[tilespmem:s1+$0x9A80] =	vst v21  }
0x47a: {  	v44 =	vor.u32 $0xA, v1;
	v18 =	vld.idx.msk [tilespmem:v18+s25+$0x0], $0xffff;
	[tilespmem:s3+$0x9A80] =	vst v22  }
0x47b: {  	v20 =	vld.idx.msk [tilespmem:v20+s25+$0x0], $0xffff;
	_ =	sdelay $0x2  }
0x47c: {  	[tilespmem:s0+$0x9B00] =	vst v43  }
0x47d: {  	v21 =	vld.idx.msk [tilespmem:v44+s25+$0x0], $0xffff;
	[tilespmem:s1+$0x9B00] =	vst v18  }
0x47e: {  	v45 =	vor.u32 $0xB, v1;
	v17 =	vld.idx.msk [tilespmem:v17+s25+$0x0], $0xffff;
	[tilespmem:s3+$0x9B00] =	vst v20  }
0x47f: {  	v19 =	vld.idx.msk [tilespmem:v19+s25+$0x0], $0xffff;
	_ =	sdelay $0x1  }
0x480: {  	[tilespmem:s30+$0x9C00] =	vst v36  }
0x481: {  	v12 =	vld.idx.msk [tilespmem:v12+s7+$0x0], $0xffff;
	[tilespmem:s0+$0x9B80] =	vst v21  }
0x482: {  	v18 =	vld.idx.msk [tilespmem:v45+s25+$0x0], $0xffff;
	[tilespmem:s1+$0x9B80] =	vst v17  }
0x483: {  	v46 =	vor.u32 $0xC, v1;
	v16 =	vld.idx.msk [tilespmem:v16+s25+$0x0], $0xffff;
	[tilespmem:s3+$0x9B80] =	vst v19  }
0x484: {  	[tilespmem:s28+$0x9E00] =	vst v35;
	v19 =	vld.idx.msk [tilespmem:v33+s25+$0x0], $0xffff  }
0x485: {  	v7 =	vld.idx.msk [tilespmem:v7+s8+$0x0], $0xffff;
	[tilespmem:s29+$0x9C80] =	vst v34  }
0x486: {  	v47 =	vor.u32 $0xD, v0;
	v9 =	vld.idx.msk [tilespmem:v9+s7+$0x0], $0xffff;
	[tilespmem:s31+$0x9C00] =	vst v12  }
0x487: {  	v10 =	vld.idx.msk [tilespmem:v10+s7+$0x0], $0xffff;
	[tilespmem:s0+$0x9C00] =	vst v18  }
0x488: {  	v48 =	vld.idx.msk [tilespmem:v46+s25+$0x0], $0xffff;
	[tilespmem:s1+$0x9C00] =	vst v16  }
0x489: {  	v49 =	vor.u32 $0xD, v1;
	v50 =	vld.idx.msk [tilespmem:v32+s25+$0x0], $0xffff;
	[tilespmem:s3+$0x9C00] =	vst v19  }
0x48a: {  	[tilespmem:s26+$0x9E00] =	vst v7;
	v51 =	vld.idx.msk [tilespmem:v26+s25+$0x0], $0xffff  }
0x48b: {  	v52 =	vld.idx.msk [tilespmem:v47+s7+$0x0], $0xffff;
	[tilespmem:s30+$0x9C80] =	vst v9  }
0x48c: {  	v53 =	vor.u32 $0xE, v0;
	v6 =	vld.idx.msk [tilespmem:v6+s7+$0x0], $0xffff;
	[tilespmem:s31+$0x9C80] =	vst v10  }
0x48d: {  	v8 =	vld.idx.msk [tilespmem:v8+s7+$0x0], $0xffff;
	[tilespmem:s0+$0x9C80] =	vst v48  }
0x48e: {  	v54 =	vld.idx.msk [tilespmem:v49+s25+$0x0], $0xffff;
	[tilespmem:s1+$0x9C80] =	vst v50  }
0x48f: {  	v55 =	vor.u32 $0xE, v1;
	v56 =	vld.idx.msk [tilespmem:v25+s25+$0x0], $0xffff;
	[tilespmem:s3+$0x9C80] =	vst v51  }
0x490: {  	[tilespmem:s29+$0x9D00] =	vst v52;
	v9 =	vld.idx.msk [tilespmem:v15+s25+$0x0], $0xffff  }
0x491: {  	v7 =	vld.idx.msk [tilespmem:v53+s7+$0x0], $0xffff;
	[tilespmem:s30+$0x9D00] =	vst v6  }
0x492: {  	v57 =	vor.u32 $0xF, v0;
	v4 =	vld.idx.msk [tilespmem:v4+s7+$0x0], $0xffff;
	[tilespmem:s31+$0x9D00] =	vst v8  }
0x493: {  	v5 =	vld.idx.msk [tilespmem:v5+s7+$0x0], $0xffff;
	[tilespmem:s0+$0x9D00] =	vst v54  }
0x494: {  	v58 =	vld.idx.msk [tilespmem:v55+s25+$0x0], $0xffff;
	[tilespmem:s1+$0x9D00] =	vst v56  }
0x495: {  	v59 =	vor.u32 $0xF, v1;
	v60 =	vld.idx.msk [tilespmem:v13+s25+$0x0], $0xffff;
	[tilespmem:s3+$0x9D00] =	vst v9  }
0x496: {  	[tilespmem:s29+$0x9D80] =	vst v7;
	v61 =	vld.idx.msk [tilespmem:v14+s25+$0x0], $0xffff  }
0x497: {  	v0 =	vld.idx.msk [tilespmem:v57+s7+$0x0], $0xffff;
	[tilespmem:s30+$0x9D80] =	vst v4  }
0x498: {  	v2 =	vld.idx.msk [tilespmem:v2+s7+$0x0], $0xffff;
	[tilespmem:s31+$0x9D80] =	vst v5  }
0x499: {  	v3 =	vld.idx.msk [tilespmem:v3+s7+$0x0], $0xffff;
	[tilespmem:s0+$0x9D80] =	vst v58  }
0x49a: {  	v1 =	vld.idx.msk [tilespmem:v59+s25+$0x0], $0xffff;
	[tilespmem:s1+$0x9D80] =	vst v60  }
0x49b: {  	v62 =	vld.idx.msk [tilespmem:v11+s25+$0x0], $0xffff;
	[tilespmem:s3+$0x9D80] =	vst v61  }
0x49c: {  	[tilespmem:s29+$0x9E00] =	vst v0;
	v63 =	vld.idx.msk [tilespmem:v29+s25+$0x0], $0xffff  }
0x49d: {  	[tilespmem:s30+$0x9E00] =	vst v2  }
0x49e: {  	[tilespmem:s31+$0x9E00] =	vst v3  }
0x49f: {  	[tilespmem:s0+$0x9E00] =	vst v1  }
0x4a0: {  	[tilespmem:s1+$0x9E00] =	vst v62  }
0x4a1: {  	[tilespmem:s3+$0x9E00] =	vst v63  }
.LBB2_17:
0x4a2: {  	s0 =	sshra.s32 s25, $0x2  }
0x4a3: {  	v0 =	vld [tilespmem:s0+$0x1660];
	_ =	sdelay $0x4  }
0x4a4: {  	v0 =	vshll.u32 v0, $0x4;
	_ =	sdelay $0x4  }
0x4a5: {  	v1 =	vld.idx.msk [tilespmem:v0+s2+$0x0], $0xffff  }
0x4a6: {  	v2 =	vor.u32 $0x1, v0;
	_ =	sdelay $0x3  }
0x4a7: {  	[tilespmem:s0+$0x10EE0] =	vst v1  }
0x4a8: {  	v1 =	vld.idx.msk [tilespmem:v2+s2+$0x0], $0xffff  }
0x4a9: {  	v51 =	vor.u32 $0x2, v0;
	_ =	sdelay $0x3  }
0x4aa: {  	[tilespmem:s0+$0x10F60] =	vst v1  }
0x4ab: {  	v1 =	vld.idx.msk [tilespmem:v51+s2+$0x0], $0xffff  }
0x4ac: {  	v52 =	vor.u32 $0x3, v0;
	_ =	sdelay $0x3  }
0x4ad: {  	[tilespmem:s0+$0x10FE0] =	vst v1  }
0x4ae: {  	v1 =	vld.idx.msk [tilespmem:v52+s2+$0x0], $0xffff  }
0x4af: {  	v53 =	vor.u32 $0x4, v0;
	_ =	sdelay $0x3  }
0x4b0: {  	[tilespmem:s0+$0x11060] =	vst v1  }
0x4b1: {  	v1 =	vld.idx.msk [tilespmem:v53+s2+$0x0], $0xffff  }
0x4b2: {  	v54 =	vor.u32 $0x5, v0;
	_ =	sdelay $0x3  }
0x4b3: {  	[tilespmem:s0+$0x110E0] =	vst v1  }
0x4b4: {  	v1 =	vld.idx.msk [tilespmem:v54+s2+$0x0], $0xffff  }
0x4b5: {  	v55 =	vor.u32 $0x6, v0;
	_ =	sdelay $0x3  }
0x4b6: {  	[tilespmem:s0+$0x11160] =	vst v1  }
0x4b7: {  	v1 =	vld.idx.msk [tilespmem:v55+s2+$0x0], $0xffff  }
0x4b8: {  	v56 =	vor.u32 $0x7, v0;
	_ =	sdelay $0x3  }
0x4b9: {  	[tilespmem:s0+$0x111E0] =	vst v1  }
0x4ba: {  	v1 =	vld.idx.msk [tilespmem:v56+s2+$0x0], $0xffff  }
0x4bb: {  	v57 =	vor.u32 $0x8, v0;
	_ =	sdelay $0x3  }
0x4bc: {  	[tilespmem:s0+$0x11260] =	vst v1  }
0x4bd: {  	v1 =	vld.idx.msk [tilespmem:v57+s2+$0x0], $0xffff  }
0x4be: {  	v58 =	vor.u32 $0x9, v0;
	_ =	sdelay $0x3  }
0x4bf: {  	[tilespmem:s0+$0x112E0] =	vst v1  }
0x4c0: {  	v1 =	vld.idx.msk [tilespmem:v58+s2+$0x0], $0xffff  }
0x4c1: {  	v59 =	vor.u32 $0xA, v0;
	_ =	sdelay $0x3  }
0x4c2: {  	[tilespmem:s0+$0x11360] =	vst v1  }
0x4c3: {  	v1 =	vld.idx.msk [tilespmem:v59+s2+$0x0], $0xffff  }
0x4c4: {  	v60 =	vor.u32 $0xB, v0;
	_ =	sdelay $0x3  }
0x4c5: {  	[tilespmem:s0+$0x113E0] =	vst v1  }
0x4c6: {  	v1 =	vld.idx.msk [tilespmem:v60+s2+$0x0], $0xffff  }
0x4c7: {  	v61 =	vor.u32 $0xC, v0;
	_ =	sdelay $0x3  }
0x4c8: {  	[tilespmem:s0+$0x11460] =	vst v1  }
0x4c9: {  	v1 =	vld.idx.msk [tilespmem:v61+s2+$0x0], $0xffff  }
0x4ca: {  	v62 =	vor.u32 $0xD, v0;
	_ =	sdelay $0x3  }
0x4cb: {  	[tilespmem:s0+$0x114E0] =	vst v1  }
0x4cc: {  	v1 =	vld.idx.msk [tilespmem:v62+s2+$0x0], $0xffff  }
0x4cd: {  	v63 =	vor.u32 $0xE, v0;
	_ =	sdelay $0x3  }
0x4ce: {  	[tilespmem:s0+$0x11560] =	vst v1  }
0x4cf: {  	v1 =	vld.idx.msk [tilespmem:v63+s2+$0x0], $0xffff  }
0x4d0: {  	v0 =	vor.u32 $0xF, v0;
	_ =	sdelay $0x3  }
0x4d1: {  	[tilespmem:s0+$0x115E0] =	vst v1  }
0x4d2: {  	p0 =	sne.s32 s25, $0x40;
	v0 =	vld.idx.msk [tilespmem:v0+s2+$0x0], $0xffff  }
.Ltmp7:
0x4d3: {  	_ = 	snop;
	(pc) =	sbr.rel @p0 .LBB2_17-.Ltmp7, $2  }
0x4d4: {  	_ =	sdelay $0x2  }
0x4d5: {  	s25 =	sadd.s32 $0x40, s25;
	[tilespmem:s0+$0x11660] =	vst v0  }
0x4d6: {  	s0 =	sor.u32 $0x1, s24  }
0x4d7: {  	s1 =	smulhi.u32 $0x4EC4EC4F, s0;
	_ =	sdelay $0x1  }
0x4d8: {  	s1 =	sshrl.u32 s1, $0x2  }
0x4d9: {  	s3 =	smul.u32 $0xD, s1;
	_ =	sdelay $0x1  }
0x4da: {  	s26 =	smin.u32 s24, $0x30;
	s0 =	ssub.s32 s0, s3  }
0x4db: {  	s3 =	sadd.s32 $0x3, s26;
	s0 =	sshll.u32 s0, $0x4  }
0x4dc: {  	s1 =	sshll.u32 s1, $0x7;
	s5 =	smulhi.u32 $0x13B13B14, s3;
	s0 =	smin.u32 s0, $0xB8  }
0x4dd: {  	s7 =	simm.s32 $0x9680;
	s1 =	sadd.s32 s1, s6;
	s0 =	sshll.u32 s0, $0xF  }
0x4de: {  	s23 =	sadd.s32 $0x1, s23;
	s28 =	smul.u32 $0xD, s5;
	s0 =	sadd.s32 s0, s1  }
0x4df: {  	[hbm4b:s0+s12] =	stream.strided.scatter [tilespmem:s7], [sflag:$0x4], $0x8000, s13, s12, $0x38;
	[tilespmem:$0x11680] =	vst v63  }
0x4e0: {  	p0 =	sne.s32 s23, $0x1A;
	s29 =	ssub.s32 s3, s28  }
.Ltmp8:
0x4e1: {  	s0 =	sshll.u32 s29, $0x4;
	(pc) =	sbr.rel @p0 .LBB2_10-.Ltmp8, $4  }
0x4e2: {  	s30 =	sshll.u32 s5, $0x7;
	s0 =	smin.u32 s0, $0xB8  }
0x4e3: {  	s1 =	sadd.s32 s30, s4;
	s0 =	sshll.u32 s0, $0xB  }
0x4e4: {  	s31 =	simm.s32 $0xE80;
	s0 =	sadd.s32 s0, s1  }
0x4e5: {  	[tilespmem:s31], [sflag:$0x2] =	stream.strided.gather [hbm4b:s0+s12], $0x800, s13, s12, $0x38;
	[tilespmem:$0x11680] =	vst v63  }
0x4e6: {  	_ =	swait.ge [sflag:s16], $0x800  }
0x4e7: {  	[sflag:s16] =	ssyncset.done $0x0  }
0x4e8: {  	[sflag:s16] =	ssyncadd.s32 $0xFFFFF800  }
0x4e9: {  	_ =	swait.ge [sflag:s20], $0x8000  }
0x4ea: {  	[sflag:s20] =	ssyncset.done $0x0  }
0x4eb: {  	[sflag:s20] =	ssyncadd.s32 $0xFFFF8000  }
0x4ec: {  	_ =	swait.ge [sflag:s18], $0x800  }
0x4ed: {  	[sflag:s18] =	ssyncset.done $0x0  }
0x4ee: {  	[sflag:s18] =	ssyncadd.s32 $0xFFFFF800  }
0x4ef: {  	_ =	swait.ge [sflag:s21], $0x8000  }
0x4f0: {  	s1 =	rddreg [dreg:$0xa]  }
0x4f1: {  	s0 =	rddreg [dreg:$0x9];
	s1 =	sadd.s32 $0x1, s1  }
0x4f2: {  	p0 =	sne.s32 s1, s0  }
.Ltmp9:
0x4f3: {  	_ = 	snop;
	(pc) =	sbr.rel @p0 .LBB2_1-.Ltmp9, $3  }
0x4f4: {  	_ =	sdelay $0x1  }
0x4f5: {  	[sflag:s21] =	ssyncset.done $0x0  }
0x4f6: {  	[sflag:s21] =	ssyncadd.s32 $0xFFFF8000  }
0x4f7: {  	_ =	sfence.sel $0x180000  }
0x4f8: {  	[bflag:$0x0] =	sbarrier.arrive $0xFFFF  }
0x4f9: {  	_ =	strace $0x90000047  }
0x4fa: {  	s0 =	stileid.u32;
	[bflag:$0x2] =	sbarrier.arrive $0xFFFF  }
0x4fb: {  	p0 =	sne.s32 s0, $0x0;
	s0 =	rddreg [dreg:$0x3]  }
0x4fc: {  	s0 =	sadd.s32 @!p0 $0x100000, s0  }
0x4fd: {  	[sflag:s0] =	ssyncadd.tile.s32 @!p0 $0x1;
	_ =	shalt  }
.Lfunc_end2:
_tile_overlayer_lowered:
.L_overlay_start_2:
0x4fe: {  	(tag) =	ssettag $0x2  }
0x4ff: {  	s0 =	rddreg [dreg:$0x0];
	s2 =	stileid.u32  }
0x500: {  	s1 =	rddreg [dreg:$0x1];
	p0 =	sne.s32 s2, $0x0  }
0x501: {  	s3 =	rddreg [dreg:$0x2];
	[bflag:$0x3] =	sbarrier.arrive $0xFFFF;
	s2 =	simm.s32 @!p0 $0x1C05  }
0x502: {  	[timem:s3], [sflag:s2] =	dma.local @!p0 [hbm:s0], s1  }
0x503: {  	s0 =	simm.s32 @!p0 $0x5  }
0x504: {  	_ =	swait.ge @!p0 [sflag:s0], s1  }
0x505: {  	s1 =	ssub.s32 @!p0 $0x0, s1;
	[sflag:s0] =	ssyncset.done @!p0 $0x0  }
0x506: {  	[sflag:s0] =	ssyncadd.s32 @!p0 s1  }
0x507: {  	[bflag:$0x3] =	sbarrier.arrive $0xFFFF  }
0x508: {  	_ =	shalt  }

</sc_bundles>
